<compile_context>
chip_gen: v7x
topology: tpu7x:2x2x1
jax: 0.10.2.dev20260603
libtpu: 0.0.44.dev20260713+nightly
codegen_flags: <defaults>
</compile_context>

<pallas_src>
import functools

import jax
import jax.numpy as jnp
from jax import lax
from jax.experimental import pallas as pl
from jax.experimental.pallas import tpu as pltpu
from jax.experimental.pallas import tpu_sc as plsc

NC = 2
NS = 16
NW = NC * NS
CH = 128


def _mesh():
    return plsc.VectorSubcoreMesh(core_axis_name="c", subcore_axis_name="s")


def _sc_sortdeg(srcp, dstp, posp, pbc, n, acc_n, half_n, sort_rd, cpt):

    @functools.partial(
        pl.kernel,
        out_type=(
            jax.ShapeDtypeStruct((NC, acc_n), jnp.float32),
            jax.ShapeDtypeStruct((NC, sort_rd), jnp.int32),
            jax.ShapeDtypeStruct((NC, sort_rd), jnp.int32),
        ),
        mesh=_mesh(),
        scratch_types=[
            pltpu.VMEM((cpt, CH), jnp.int32),
            pltpu.VMEM((cpt, CH), jnp.int32),
            pltpu.VMEM((cpt, CH), jnp.int32),
            pltpu.VMEM((CH,), jnp.float32),
            pltpu.VMEM((2048,), jnp.int32),
            pltpu.VMEM((acc_n // NS,), jnp.float32),
            pltpu.VMEM((8, CH), jnp.int32),
            pltpu.VMEM_SHARED((acc_n,), jnp.float32),
            pltpu.VMEM_SHARED((sort_rd,), jnp.int32),
            pltpu.VMEM_SHARED((sort_rd,), jnp.int32),
        ],
    )
    def k(src_hbm, dst_hbm, pos_hbm, pbc_hbm, deg_hbm, outS_hbm, outD_hbm,
          si_v, di_v, po_v, ones_v, z_v, zf_v, pb_v, deg_sh, srcS_sh, dstS_sh):
        c = lax.axis_index("c")
        s = lax.axis_index("s")
        w = s * NC + c
        zpt = sort_rd // NS
        dslice = acc_n // NS

        def fo(i, _):
            ones_v[pl.ds(i * 16, 16)] = jnp.ones((16,), jnp.float32)
            return 0

        lax.fori_loop(0, CH // 16, fo, 0)

        def zf(i, _):
            z_v[pl.ds(i * 16, 16)] = jnp.zeros((16,), jnp.int32)
            return 0

        lax.fori_loop(0, 2048 // 16, zf, 0)

        def zff(i, _):
            zf_v[pl.ds(i * 16, 16)] = jnp.zeros((16,), jnp.float32)
            return 0

        lax.fori_loop(0, dslice // 16, zff, 0)

        def zs(i, _):
            pltpu.sync_copy(z_v, srcS_sh.at[pl.ds(s * zpt + i * 2048, 2048)])
            pltpu.sync_copy(z_v, dstS_sh.at[pl.ds(s * zpt + i * 2048, 2048)])
            return 0

        lax.fori_loop(0, zpt // 2048, zs, 0)
        pltpu.sync_copy(zf_v, deg_sh.at[pl.ds(s * dslice, dslice)])
        pltpu.sync_copy(src_hbm.at[w], si_v)
        pltpu.sync_copy(dst_hbm.at[w], di_v)
        pltpu.sync_copy(pos_hbm.at[w], po_v)
        pltpu.sync_copy(pbc_hbm, pb_v)
        base1 = pb_v[1, pl.ds(0, 16)][0]
        cnt1 = pb_v[3, pl.ds(0, 16)][0]

        def fix(g, _):
            j = g // (CH // 16)
            kk = lax.rem(g, CH // 16)
            vd = di_v[j, pl.ds(kk * 16, 16)]
            vp = po_v[j, pl.ds(kk * 16, 16)]
            add = (jnp.where(vd >= half_n, base1, 0)
                   + jnp.where(vd >= n, cnt1, 0))
            po_v[j, pl.ds(kk * 16, 16)] = vp + add
            return 0

        lax.fori_loop(0, cpt * (CH // 16), fix, 0)
        plsc.subcore_barrier()

        def body(j, _):
            pltpu.sync_copy(ones_v, deg_sh.at[di_v.at[j]], add=True)
            pltpu.sync_copy(si_v.at[j], srcS_sh.at[po_v.at[j]], add=True)
            pltpu.sync_copy(di_v.at[j], dstS_sh.at[po_v.at[j]], add=True)
            return 0

        lax.fori_loop(0, cpt, body, 0)
        plsc.subcore_barrier()
        pltpu.sync_copy(deg_sh.at[pl.ds(s * dslice, dslice)],
                        deg_hbm.at[c, pl.ds(s * dslice, dslice)])
        pltpu.sync_copy(srcS_sh.at[pl.ds(s * zpt, zpt)],
                        outS_hbm.at[c, pl.ds(s * zpt, zpt)])
        pltpu.sync_copy(dstS_sh.at[pl.ds(s * zpt, zpt)],
                        outD_hbm.at[c, pl.ds(s * zpt, zpt)])

    return k(srcp, dstp, posp, pbc)


def _tc_positions(dst2, half_n, e):
    rows, lanes = dst2.shape
    blkr = rows // 10
    steps = rows // blkr

    def body(dst_ref, pos_ref, pbc_ref, run_ref):
        i = pl.program_id(0)

        @pl.when(i == 0)
        def _():
            run_ref[...] = jnp.zeros((1, 1), jnp.float32)

        x = jnp.where(dst_ref[...] >= half_n, 1.0, 0.0)
        ku = jax.lax.broadcasted_iota(jnp.int32, (lanes, lanes), 0)
        lu = jax.lax.broadcasted_iota(jnp.int32, (lanes, lanes), 1)
        upper = jnp.where(ku <= lu, 1.0, 0.0)
        lcum = jnp.dot(x, upper, preferred_element_type=jnp.float32)
        t = lcum[:, lanes - 1:lanes]
        ri = jax.lax.broadcasted_iota(jnp.int32, (blkr, blkr), 0)
        ci = jax.lax.broadcasted_iota(jnp.int32, (blkr, blkr), 1)
        tril = jnp.where(ci < ri, 1.0, 0.0)
        off = jnp.dot(tril, t, preferred_element_type=jnp.float32)
        run = run_ref[...]
        incl = lcum + off + run
        excl = incl - x
        rio = jax.lax.broadcasted_iota(jnp.int32, (blkr, lanes), 0)
        lio = jax.lax.broadcasted_iota(jnp.int32, (blkr, lanes), 1)
        gi = ((i * blkr + rio) * lanes + lio).astype(jnp.float32)
        posl = jnp.where(x > 0.0, excl, gi - excl)
        pos_ref[...] = posl.astype(jnp.int32)
        total = jnp.sum(t, axis=0, keepdims=True)
        run_ref[...] = run + total

        @pl.when(i == steps - 1)
        def _():
            cnt1 = run + total
            cnt0 = e - cnt1
            base1 = jnp.floor((cnt0 + 127.0) * (1.0 / 128.0)) * 128.0
            z18 = jnp.zeros((1, 128), jnp.float32)
            pbc_ref[0:1, :] = z18.astype(jnp.int32)
            pbc_ref[1:2, :] = jnp.broadcast_to(base1, (1, 128)).astype(jnp.int32)
            pbc_ref[2:3, :] = jnp.broadcast_to(cnt0, (1, 128)).astype(jnp.int32)
            pbc_ref[3:4, :] = jnp.broadcast_to(cnt1, (1, 128)).astype(jnp.int32)
            pbc_ref[4:8, :] = jnp.zeros((4, 128), jnp.int32)

    pos2, pbc = pl.pallas_call(
        body,
        grid=(steps,),
        in_specs=[pl.BlockSpec((blkr, lanes), lambda i: (i, 0))],
        out_specs=[pl.BlockSpec((blkr, lanes), lambda i: (i, 0)),
                   pl.BlockSpec((8, 128), lambda i: (0, 0))],
        out_shape=[
            jax.ShapeDtypeStruct((rows, lanes), jnp.int32),
            jax.ShapeDtypeStruct((8, 128), jnp.int32),
        ],
        scratch_shapes=[pltpu.VMEM((1, 1), jnp.float32)],
    )(dst2)
    return pos2, pbc


def _tc_merge(pS, pD, pbc, half_n, dumpn, blkr):
    nc, rows, lanes = pS.shape
    steps = rows // blkr

    def body(s_ref, d_ref, pbc_ref, os_ref, od_ref):
        ib = pl.program_id(0)
        base1 = pbc_ref[1, 0]
        cnt0 = pbc_ref[2, 0]
        cnt1 = pbc_ref[3, 0]
        sm = jnp.maximum(s_ref[0], s_ref[1])
        dm = jnp.maximum(d_ref[0], d_ref[1])
        ri = jax.lax.broadcasted_iota(jnp.int32, (blkr, lanes), 0)
        li = jax.lax.broadcasted_iota(jnp.int32, (blkr, lanes), 1)
        gi = (ib * blkr + ri) * lanes + li
        reg1 = gi >= base1
        local = gi - jnp.where(reg1, base1, 0)
        dead = local >= jnp.where(reg1, cnt1, cnt0)
        dmr = dm - jnp.where(reg1, half_n, 0)
        od_ref[...] = jnp.where(dead, half_n + jnp.remainder(gi, dumpn), dmr)
        os_ref[...] = jnp.where(dead, 0, sm)

    del nc
    return pl.pallas_call(
        body,
        grid=(steps,),
        in_specs=[
            pl.BlockSpec((2, blkr, lanes), lambda i: (0, i, 0)),
            pl.BlockSpec((2, blkr, lanes), lambda i: (0, i, 0)),
            pl.BlockSpec((8, 128), lambda i: (0, 0)),
        ],
        out_specs=[pl.BlockSpec((blkr, lanes), lambda i: (i, 0)),
                   pl.BlockSpec((blkr, lanes), lambda i: (i, 0))],
        out_shape=[
            jax.ShapeDtypeStruct((rows, lanes), jnp.int32),
            jax.ShapeDtypeStruct((rows, lanes), jnp.int32),
        ],
    )(pS, pD, pbc)


def _sc_aggregate(ts, srcS, dstS, pbc, acc_n, half_n, half_acc):
    d = ts.shape[1]

    @functools.partial(
        pl.kernel,
        out_type=jax.ShapeDtypeStruct((acc_n, d), jnp.float32),
        mesh=_mesh(),
        scratch_types=[
            pltpu.VMEM((2, CH, d), jnp.float32),
            pltpu.VMEM((CH, d), jnp.float32),
            pltpu.VMEM((2, CH), jnp.int32),
            pltpu.VMEM((2, CH), jnp.int32),
            pltpu.VMEM((8, CH), jnp.int32),
            pltpu.VMEM_SHARED((half_acc, d), jnp.float32),
            pltpu.SemaphoreType.DMA((2,)),
        ],
    )
    def k(ts_hbm, srcS_hbm, dstS_hbm, pbc_hbm, out_hbm,
          rows_v, z_v, si_v, di_v, pb_v, acc_sh, gsem):
        c = lax.axis_index("c")
        s = lax.axis_index("s")
        zrows = half_acc // NS
        orows = half_n // NS

        def zrow(r, _):
            def zcol(kk, _):
                z_v[r, pl.ds(kk * 16, 16)] = jnp.zeros((16,), jnp.float32)
                return 0

            lax.fori_loop(0, d // 16, zcol, 0)
            return 0

        lax.fori_loop(0, CH, zrow, 0)

        def zblk(i, _):
            pltpu.sync_copy(z_v, acc_sh.at[pl.ds(s * zrows + i * CH, CH)])
            return 0

        lax.fori_loop(0, zrows // CH, zblk, 0)

        pltpu.sync_copy(pbc_hbm, pb_v)
        base1 = pb_v[1, pl.ds(0, 16)][0]
        cnt0 = pb_v[2, pl.ds(0, 16)][0]
        cnt1 = pb_v[3, pl.ds(0, 16)][0]
        base_c = jnp.where(c == 0, 0, base1)
        cnt_c = jnp.where(c == 0, cnt0, cnt1)
        nch = (cnt_c + CH - 1) // CH
        q = nch // NS
        rem = nch - q * NS
        myn = q + jnp.where(s < rem, 1, 0)
        g0q = base_c // CH + s * q + jnp.minimum(s, rem)
        plsc.subcore_barrier()

        @pl.when(myn > 0)
        def _():
            pltpu.sync_copy(srcS_hbm.at[pl.ds(g0q * CH, CH)], si_v.at[0])
            pltpu.sync_copy(dstS_hbm.at[pl.ds(g0q * CH, CH)], di_v.at[0])
            pltpu.make_async_copy(
                ts_hbm.at[si_v.at[0]], rows_v.at[0], gsem.at[0]
            ).start()

            def body(i, _):
                p = lax.rem(i, 2)

                @pl.when(i + 1 < myn)
                def _():
                    pn = lax.rem(i + 1, 2)
                    g1 = (g0q + i + 1) * CH
                    pltpu.sync_copy(srcS_hbm.at[pl.ds(g1, CH)], si_v.at[pn])
                    pltpu.sync_copy(dstS_hbm.at[pl.ds(g1, CH)], di_v.at[pn])
                    pltpu.make_async_copy(
                        ts_hbm.at[si_v.at[pn]], rows_v.at[pn], gsem.at[pn]
                    ).start()

                pltpu.make_async_copy(
                    ts_hbm.at[si_v.at[p]], rows_v.at[p], gsem.at[p]
                ).wait()
                pltpu.sync_copy(rows_v.at[p], acc_sh.at[di_v.at[p]], add=True)
                return 0

            lax.fori_loop(0, myn, body, 0)

        plsc.subcore_barrier()
        pltpu.sync_copy(
            acc_sh.at[pl.ds(s * orows, orows)],
            out_hbm.at[pl.ds((c * (half_n // 8) + s * (orows // 8)) * 8,
                             orows)],
        )

    return k(ts, srcS, dstS, pbc)


def _tc_prep(deg2):
    acc_n = deg2.shape[1]

    def body(deg_ref, dinv_ref):
        dinv_ref[...] = lax.rsqrt(deg_ref[0:1, :] + deg_ref[1:2, :] + 1.0)

    return pl.pallas_call(
        body, out_shape=jax.ShapeDtypeStruct((1, acc_n), jnp.float32)
    )(deg2)


def _tc_first(x, W1, dinv, blk):
    n, d = x.shape

    def body(x_ref, w_ref, dv_ref, out_ref):
        out_ref[...] = (
            jnp.dot(x_ref[...], w_ref[...], preferred_element_type=jnp.float32)
            * dv_ref[...]
        )

    return pl.pallas_call(
        body,
        grid=(n // blk,),
        in_specs=[
            pl.BlockSpec((blk, d), lambda i: (i, 0)),
            pl.BlockSpec((d, d), lambda i: (0, 0)),
            pl.BlockSpec((blk, 1), lambda i: (i, 0)),
        ],
        out_specs=pl.BlockSpec((blk, d), lambda i: (i, 0)),
        out_shape=jax.ShapeDtypeStruct((n, d), jnp.float32),
    )(x, W1, dinv)


def _tc_layer(p, ts, dinv, b, W, blk):
    n, d = ts.shape

    def body(p_ref, ts_ref, dv_ref, b_ref, w_ref, out_ref):
        h = (p_ref[...] + ts_ref[...]) * dv_ref[...] + b_ref[...]
        h = jnp.maximum(h, 0.0)
        out_ref[...] = (
            jnp.dot(h, w_ref[...], preferred_element_type=jnp.float32) * dv_ref[...]
        )

    return pl.pallas_call(
        body,
        grid=(n // blk,),
        in_specs=[
            pl.BlockSpec((blk, d), lambda i: (i, 0)),
            pl.BlockSpec((blk, d), lambda i: (i, 0)),
            pl.BlockSpec((blk, 1), lambda i: (i, 0)),
            pl.BlockSpec((1, d), lambda i: (0, 0)),
            pl.BlockSpec((d, d), lambda i: (0, 0)),
        ],
        out_specs=pl.BlockSpec((blk, d), lambda i: (i, 0)),
        out_shape=jax.ShapeDtypeStruct((n, d), jnp.float32),
    )(p, ts, dinv, b, W)


def _tc_head(p, ts, dinv, b3, L1w, L1b, L2w, L2b, blk, n_real):
    n, d = ts.shape
    g_steps = n // blk

    def body(p_ref, ts_ref, dv_ref, b_ref, l1w_ref, l1b_ref, l2w_ref, l2b_ref,
             out_ref, acc_ref):
        i = pl.program_id(0)
        h = (p_ref[...] + ts_ref[...]) * dv_ref[...] + b_ref[...]
        h = jnp.maximum(h, 0.0)
        bsum = jnp.sum(h, axis=0, keepdims=True)

        @pl.when(i == 0)
        def _():
            acc_ref[...] = bsum

        @pl.when(i > 0)
        def _():
            acc_ref[...] = acc_ref[...] + bsum

        @pl.when(i == g_steps - 1)
        def _():
            g = acc_ref[...] * (1.0 / n_real)
            z = jnp.dot(g, l1w_ref[...], preferred_element_type=jnp.float32)
            z = jnp.maximum(z + l1b_ref[...], 0.0)
            o = jnp.dot(z, l2w_ref[...], preferred_element_type=jnp.float32)
            out_ref[...] = jax.nn.sigmoid(o + l2b_ref[...])

    return pl.pallas_call(
        body,
        grid=(g_steps,),
        in_specs=[
            pl.BlockSpec((blk, d), lambda i: (i, 0)),
            pl.BlockSpec((blk, d), lambda i: (i, 0)),
            pl.BlockSpec((blk, 1), lambda i: (i, 0)),
            pl.BlockSpec((1, d), lambda i: (0, 0)),
            pl.BlockSpec((d, d), lambda i: (0, 0)),
            pl.BlockSpec((1, d), lambda i: (0, 0)),
            pl.BlockSpec((d, 1), lambda i: (0, 0)),
            pl.BlockSpec((1, 1), lambda i: (0, 0)),
        ],
        out_specs=pl.BlockSpec((1, 1), lambda i: (0, 0)),
        out_shape=jax.ShapeDtypeStruct((1, 1), jnp.float32),
        scratch_shapes=[pltpu.VMEM((1, d), jnp.float32)],
    )(p, ts, dinv, b3, L1w, L1b, L2w, L2b)


def kernel(x, edge_index, W1, b1, W2, b2, W3, b3, L1w, L1b, L2w, L2b):
    n, d = x.shape
    e = edge_index.shape[1]
    blk = 2000

    ept = ((e + NW * CH - 1) // (NW * CH)) * CH
    cpt = ept // CH
    epad = NW * ept
    acc_n = ((n + NS * CH) // (NS * CH)) * NS * CH
    half_n = acc_n // 2
    dumpn = 1024
    half_acc = half_n + dumpn
    nbk = 2
    cs = 256
    nblk = e // cs
    sort_sz = e + NW * CH
    sort_rd = ((sort_sz + 256 + NS * 2048 - 1) // (NS * 2048)) * (NS * 2048)

    src = edge_index[0]
    dst = edge_index[1]
    pad = epad - e

    prows = ((e // 128 + 79) // 80) * 80
    dst2 = jnp.concatenate(
        [dst, jnp.zeros((prows * 128 - e,), jnp.int32)]).reshape(prows, 128)
    pos2, pbc = _tc_positions(dst2, half_n, e)
    posf = pos2.reshape(prows * 128)[:e]
    padpos = jnp.arange(pad, dtype=jnp.int32)
    srcp = jnp.concatenate([src, jnp.zeros((pad,), jnp.int32)]).reshape(
        NW, cpt, CH)
    dstp = jnp.concatenate([dst, jnp.full((pad,), n, jnp.int32)]).reshape(
        NW, cpt, CH)
    posp = jnp.concatenate([posf, padpos]).reshape(NW, cpt, CH)
    deg2, pS, pD = _sc_sortdeg(srcp, dstp, posp, pbc, n, acc_n, half_n,
                               sort_rd, cpt)
    dinv = _tc_prep(deg2).reshape(acc_n, 1)
    srcS2, dstS2 = _tc_merge(pS.reshape(NC, sort_rd // 128, 128),
                             pD.reshape(NC, sort_rd // 128, 128),
                             pbc, half_n, dumpn, 256)
    srcS = srcS2.reshape(sort_rd)
    dstS = dstS2.reshape(sort_rd)

    ts = _tc_first(x, W1, dinv, blk)
    p = _sc_aggregate(ts, srcS, dstS, pbc, acc_n, half_n, half_acc)
    ts = _tc_layer(p, ts, dinv, b1.reshape(1, d), W2, blk)
    p = _sc_aggregate(ts, srcS, dstS, pbc, acc_n, half_n, half_acc)
    ts = _tc_layer(p, ts, dinv, b2.reshape(1, d), W3, blk)
    p = _sc_aggregate(ts, srcS, dstS, pbc, acc_n, half_n, half_acc)
    out = _tc_head(p, ts, dinv, b3.reshape(1, d), L1w, L1b.reshape(1, d),
                   L2w, L2b.reshape(1, 1), blk, n)
    return out.reshape(1)

# --- scband reference (transcript-rebuilt; emitter-appended) ---
"""Pipeline reference for scband-simple-toxicity-gnn-5179730559201 (READ-ONLY COPY).

The authoritative reference and input builder live on the scoring server;
editing this copy changes nothing except your own understanding.
"""

import jax, jax.numpy as jnp
import numpy as np

N = 10000
E = 320000
D = 128
H = 128

def setup_inputs(seed: int = 0) -> dict:
    key = jax.random.key(seed)
    ks = jax.random.split(key, 12)
    x = jax.random.normal(ks[0], (N, D), dtype=jnp.float32)
    edge_index = jax.random.randint(ks[1], (2, E), 0, N, dtype=jnp.int32)
    s = 0.05
    W1 = jax.random.normal(ks[2], (D, H), dtype=jnp.float32) * s
    b1 = jnp.zeros((H,), dtype=jnp.float32)
    W2 = jax.random.normal(ks[3], (H, H), dtype=jnp.float32) * s
    b2 = jnp.zeros((H,), dtype=jnp.float32)
    W3 = jax.random.normal(ks[4], (H, H), dtype=jnp.float32) * s
    b3 = jnp.zeros((H,), dtype=jnp.float32)
    L1w = jax.random.normal(ks[5], (H, H), dtype=jnp.float32) * s
    L1b = jnp.zeros((H,), dtype=jnp.float32)
    L2w = jax.random.normal(ks[6], (H, 1), dtype=jnp.float32) * s
    L2b = jnp.zeros((1,), dtype=jnp.float32)
    return {"x": x, "edge_index": edge_index, "W1": W1, "b1": b1, "W2": W2, "b2": b2, "W3": W3, "b3": b3, "L1w": L1w, "L1b": L1b, "L2w": L2w, "L2b": L2b}


def reference(x, edge_index, W1, b1, W2, b2, W3, b3, L1w, L1b, L2w, L2b):
    n = x.shape[0]
    src = edge_index[0]
    dst = edge_index[1]
    # GCN adds self-loops
    loop = jnp.arange(n, dtype=src.dtype)
    src = jnp.concatenate([src, loop])
    dst = jnp.concatenate([dst, loop])
    # symmetric normalization D^{-1/2} A D^{-1/2}
    deg = jax.ops.segment_sum(jnp.ones_like(dst, dtype=x.dtype), dst, num_segments=n)
    dinv = jnp.where(deg > 0, deg ** -0.5, 0.0)
    norm = dinv[src] * dinv[dst]

    def gcn_conv(h, W, b):
        h = h @ W
        msg = jnp.take(h, src, axis=0) * norm[:, None]
        out = jax.ops.segment_sum(msg, dst, num_segments=n)
        return out + b

    h = jax.nn.relu(gcn_conv(x, W1, b1))
    h = jax.nn.relu(gcn_conv(h, W2, b2))
    h = jax.nn.relu(gcn_conv(h, W3, b3))
    g = jnp.mean(h, axis=0)
    g = jax.nn.relu(g @ L1w + L1b)
    out = g @ L2w + L2b
    return jax.nn.sigmoid(out)

if __name__ == "__main__":
    import jax
    _d = setup_inputs()
    print(jax.jit(kernel)(*tuple(_d.values())))

</pallas_src>

<mosaic_0001>
#map = affine_map<(d0, d1) -> (0, 0)>
#map1 = affine_map<(d0, d1) -> (0)>
module attributes {stable_mosaic.version = 14 : i64} {
  func.func @k(%arg0: i32, %arg1: i32, %arg2: memref<10000x128xf32, #tpu.memory_space<hbm>>, %arg3: memref<327680xi32, #tpu.memory_space<hbm>>, %arg4: memref<327680xi32, #tpu.memory_space<hbm>>, %arg5: memref<8x128xi32, #tpu.memory_space<hbm>>, %arg6: memref<10240x128xf32, #tpu.memory_space<hbm>>, %arg7: memref<2x128x128xf32, #tpu.memory_space<vmem>>, %arg8: memref<128x128xf32, #tpu.memory_space<vmem>>, %arg9: memref<2x128xi32, #tpu.memory_space<vmem>>, %arg10: memref<2x128xi32, #tpu.memory_space<vmem>>, %arg11: memref<8x128xi32, #tpu.memory_space<vmem>>, %arg12: memref<6144x128xf32, #tpu.memory_space<vmem_shared>>, %arg13: memref<2x!tpu.dma_semaphore, #tpu.memory_space<semaphore_mem>>) attributes {dimension_semantics = [#tpu.dimension_semantics<core_parallel>, #tpu.dimension_semantics<subcore_parallel>], iteration_bounds = array<i64: 2, 16>, scalar_prefetch = 0 : i64, scratch_operands = 7 : i64, tpu.core_type = #tpu.core_type<sc_vector_subcore>, window_params = [{transform_indices = #map}, {transform_indices = #map1}, {transform_indices = #map1}, {transform_indices = #map}, {transform_indices = #map}]} {
    %scan3A = arith.constant 0 : i32
    %scan3A_0 = arith.constant 0 : i32
    %scan3A_1 = arith.constant 128 : i32
    %scan3A_2 = arith.addi %scan3A_0, %scan3A_1 : i32
    %scan3A_3 = arith.constant 1 : i32
    %scan3A_4 = scf.for %scan3A_125 = %scan3A_0 to %scan3A_2 step %scan3A_3 iter_args(%scan3A_126 = %scan3A) -> (i32)  : i32 {
      %scan3A_127 = arith.constant 0 : i32
      %scan3A_128 = arith.constant 0 : i32
      %scan3A_129 = arith.constant 8 : i32
      %scan3A_130 = arith.addi %scan3A_128, %scan3A_129 : i32
      %scan3A_131 = arith.constant 1 : i32
      %scan3A_132 = scf.for %scan3A_135 = %scan3A_128 to %scan3A_130 step %scan3A_131 iter_args(%scan3A_136 = %scan3A_127) -> (i32)  : i32 {
        %broadcast_in_dim3A = arith.constant 0.000000e+00 : f32
        %broadcast_in_dim3A_137 = vector.broadcast %broadcast_in_dim3A : f32 to vector<16xf32>
        %mul3A_138 = arith.constant 16 : i32
        %mul3A_139 = arith.muli %scan3A_135, %mul3A_138 : i32
        %swap3A = arith.index_cast %scan3A_125 : i32 to index
        %swap3A_140 = arith.index_cast %mul3A_139 : i32 to index
        %swap3A_141 = tpu.vector_load %arg8[%swap3A, %swap3A_140] {strides = array<i32>} : memref<128x128xf32, #tpu.memory_space<vmem>>, vector<1x16xf32>,
        %swap3A_142 = vector.shape_cast %swap3A_141 : vector<1x16xf32> to vector<16xf32>
        %swap3A_143 = vector.shape_cast %broadcast_in_dim3A_137 : vector<16xf32> to vector<1x16xf32>
        tpu.vector_store %arg8[%swap3A, %swap3A_140], %swap3A_143 {strides = array<i32>} : memref<128x128xf32, #tpu.memory_space<vmem>>, vector<1x16xf32>,
        %scan3A_144 = arith.constant 0 : i32
        scf.yield %scan3A_144 : i32
      }
      %scan3A_133 = arith.constant 8 : i32
      %scan3A_134 = arith.constant 0 : i32
      scf.yield %scan3A_134 : i32
    }
    %scan3A_5 = arith.constant 128 : i32
    %scan3A_6 = arith.constant 0 : i32
    %scan3A_7 = arith.constant 0 : i32
    %scan3A_8 = arith.constant 3 : i32
    %scan3A_9 = arith.addi %scan3A_7, %scan3A_8 : i32
    %scan3A_10 = arith.constant 1 : i32
    %scan3A_11 = scf.for %scan3A_125 = %scan3A_7 to %scan3A_9 step %scan3A_10 iter_args(%scan3A_126 = %scan3A_6) -> (i32)  : i32 {
      %mul3A_127 = arith.constant 384 : i32
      %mul3A_128 = arith.muli %arg1, %mul3A_127 : i32
      %mul3A_129 = arith.constant 128 : i32
      %mul3A_130 = arith.muli %scan3A_125, %mul3A_129 : i32
      %add3A_131 = arith.addi %mul3A_128, %mul3A_130 : i32
      "tpu.region"() ({
        %run_scoped3A = tpu.sem_alloc : memref<!tpu.dma_semaphore, #tpu.memory_space<semaphore_mem>>
        %dma_start3A = arith.constant 0 : i32
        %dma_start3A_133 = tpu.memref_slice %arg12[%add3A_131, %dma_start3A] : memref<6144x128xf32, #tpu.memory_space<vmem_shared>> -> memref<128x128xf32, #tpu.memory_space<vmem_shared>>
        %dma_start3A_134 = arith.constant 0 : i32
        %dma_start3A_135 = tpu.memref_slice %arg12[%add3A_131, %dma_start3A_134] : memref<6144x128xf32, #tpu.memory_space<vmem_shared>> -> memref<128x128xf32, #tpu.memory_space<vmem_shared>>
        tpu.enqueue_dma source(%arg8 : memref<128x128xf32, #tpu.memory_space<vmem>>) target(%dma_start3A_135 : memref<128x128xf32, #tpu.memory_space<vmem_shared>>) target_semaphore(%run_scoped3A : memref<!tpu.dma_semaphore, #tpu.memory_space<semaphore_mem>>)
        %dma_wait3A = arith.constant 0 : i32
        %dma_wait3A_136 = tpu.memref_slice %arg12[%add3A_131, %dma_wait3A] : memref<6144x128xf32, #tpu.memory_space<vmem_shared>> -> memref<128x128xf32, #tpu.memory_space<vmem_shared>>
        %dma_wait3A_137 = arith.constant 0 : i32
        %dma_wait3A_138 = tpu.memref_slice %arg12[%add3A_131, %dma_wait3A_137] : memref<6144x128xf32, #tpu.memory_space<vmem_shared>> -> memref<128x128xf32, #tpu.memory_space<vmem_shared>>
        tpu.wait_dma2 semaphore(%run_scoped3A : memref<!tpu.dma_semaphore, #tpu.memory_space<semaphore_mem>>) src(%arg8 : memref<128x128xf32, #tpu.memory_space<vmem>>) dst(%dma_wait3A_138 : memref<128x128xf32, #tpu.memory_space<vmem_shared>>)
        tpu.yield
      }) : () -> ()
      %scan3A_132 = arith.constant 0 : i32
      scf.yield %scan3A_132 : i32
    }
    %scan3A_12 = arith.constant 3 : i32
    "tpu.region"() ({
      %run_scoped3A = tpu.sem_alloc : memref<!tpu.dma_semaphore, #tpu.memory_space<semaphore_mem>>
      tpu.enqueue_dma source(%arg5 : memref<8x128xi32, #tpu.memory_space<hbm>>) target(%arg11 : memref<8x128xi32, #tpu.memory_space<vmem>>) target_semaphore(%run_scoped3A : memref<!tpu.dma_semaphore, #tpu.memory_space<semaphore_mem>>)
      tpu.wait_dma2 semaphore(%run_scoped3A : memref<!tpu.dma_semaphore, #tpu.memory_space<semaphore_mem>>) src(%arg5 : memref<8x128xi32, #tpu.memory_space<hbm>>) dst(%arg11 : memref<8x128xi32, #tpu.memory_space<vmem>>)
      tpu.yield
    }) : () -> ()
    %get3A = arith.constant 1 : i32
    %get3A_13 = arith.index_cast %get3A : i32 to index
    %get3A_14 = arith.constant 0 : index
    %get3A_15 = tpu.vector_load %arg11[%get3A_13, %get3A_14] {strides = array<i32>} : memref<8x128xi32, #tpu.memory_space<vmem>>, vector<1x16xi32>,
    %get3A_16 = vector.shape_cast %get3A_15 : vector<1x16xi32> to vector<16xi32>
    %slice3A = vector.extract_strided_slice %get3A_16 {offsets = [0], sizes = [1], strides = [1]} : vector<16xi32> to vector<1xi32>
    %squeeze3A = vector.extract %slice3A[0] : i32 from vector<1xi32>
    %get3A_17 = arith.constant 2 : i32
    %get3A_18 = arith.index_cast %get3A_17 : i32 to index
    %get3A_19 = arith.constant 0 : index
    %get3A_20 = tpu.vector_load %arg11[%get3A_18, %get3A_19] {strides = array<i32>} : memref<8x128xi32, #tpu.memory_space<vmem>>, vector<1x16xi32>,
    %get3A_21 = vector.shape_cast %get3A_20 : vector<1x16xi32> to vector<16xi32>
    %slice3A_22 = vector.extract_strided_slice %get3A_21 {offsets = [0], sizes = [1], strides = [1]} : vector<16xi32> to vector<1xi32>
    %squeeze3A_23 = vector.extract %slice3A_22[0] : i32 from vector<1xi32>
    %get3A_24 = arith.constant 3 : i32
    %get3A_25 = arith.index_cast %get3A_24 : i32 to index
    %get3A_26 = arith.constant 0 : index
    %get3A_27 = tpu.vector_load %arg11[%get3A_25, %get3A_26] {strides = array<i32>} : memref<8x128xi32, #tpu.memory_space<vmem>>, vector<1x16xi32>,
    %get3A_28 = vector.shape_cast %get3A_27 : vector<1x16xi32> to vector<16xi32>
    %slice3A_29 = vector.extract_strided_slice %get3A_28 {offsets = [0], sizes = [1], strides = [1]} : vector<16xi32> to vector<1xi32>
    %squeeze3A_30 = vector.extract %slice3A_29[0] : i32 from vector<1xi32>
    %eq3A = arith.constant 0 : i32
    %eq3A_31 = arith.cmpi eq, %arg0, %eq3A : i32
    %jit3A = arith.constant 0 : i32
    %select_n3A = arith.select %eq3A_31, %jit3A, %squeeze3A : i32
    %eq3A_32 = arith.constant 0 : i32
    %eq3A_33 = arith.cmpi eq, %arg0, %eq3A_32 : i32
    %select_n3A_34 = arith.select %eq3A_33, %squeeze3A_23, %squeeze3A_30 : i32
    %add3A = arith.constant 128 : i32
    %add3A_35 = arith.addi %select_n3A_34, %add3A : i32
    %sub3A = arith.constant 1 : i32
    %sub3A_36 = arith.subi %add3A_35, %sub3A : i32
    %jit3A_37 = arith.constant 128 : i32
    %div3A = arith.divsi %sub3A_36, %jit3A_37 : i32
    %sign3A = arith.constant 0 : i32
    %sign3A_38 = arith.cmpi sgt, %sub3A_36, %sign3A : i32
    %sign3A_39 = arith.extui %sign3A_38 : i1 to i32
    %sign3A_40 = arith.constant 0 : i32
    %sign3A_41 = arith.cmpi slt, %sub3A_36, %sign3A_40 : i32
    %sign3A_42 = arith.extui %sign3A_41 : i1 to i32
    %sign3A_43 = arith.subi %sign3A_39, %sign3A_42 : i32
    %sign3A_44 = arith.constant 0 : i32
    %sign3A_45 = arith.cmpi sgt, %jit3A_37, %sign3A_44 : i32
    %sign3A_46 = arith.extui %sign3A_45 : i1 to i32
    %sign3A_47 = arith.constant 0 : i32
    %sign3A_48 = arith.cmpi slt, %jit3A_37, %sign3A_47 : i32
    %sign3A_49 = arith.extui %sign3A_48 : i1 to i32
    %sign3A_50 = arith.subi %sign3A_46, %sign3A_49 : i32
    %ne3A = arith.cmpi ne, %sign3A_43, %sign3A_50 : i32
    %rem3A = arith.remsi %sub3A_36, %jit3A_37 : i32
    %ne3A_51 = arith.constant 0 : i32
    %ne3A_52 = arith.cmpi ne, %rem3A, %ne3A_51 : i32
    %and3A = arith.andi %ne3A, %ne3A_52 : i1
    %sub3A_53 = arith.constant 1 : i32
    %sub3A_54 = arith.subi %div3A, %sub3A_53 : i32
    %select_n3A_55 = arith.select %and3A, %sub3A_54, %div3A : i32
    %jit3A_56 = arith.constant 16 : i32
    %div3A_57 = arith.divsi %select_n3A_55, %jit3A_56 : i32
    %sign3A_58 = arith.constant 0 : i32
    %sign3A_59 = arith.cmpi sgt, %select_n3A_55, %sign3A_58 : i32
    %sign3A_60 = arith.extui %sign3A_59 : i1 to i32
    %sign3A_61 = arith.constant 0 : i32
    %sign3A_62 = arith.cmpi slt, %select_n3A_55, %sign3A_61 : i32
    %sign3A_63 = arith.extui %sign3A_62 : i1 to i32
    %sign3A_64 = arith.subi %sign3A_60, %sign3A_63 : i32
    %sign3A_65 = arith.constant 0 : i32
    %sign3A_66 = arith.cmpi sgt, %jit3A_56, %sign3A_65 : i32
    %sign3A_67 = arith.extui %sign3A_66 : i1 to i32
    %sign3A_68 = arith.constant 0 : i32
    %sign3A_69 = arith.cmpi slt, %jit3A_56, %sign3A_68 : i32
    %sign3A_70 = arith.extui %sign3A_69 : i1 to i32
    %sign3A_71 = arith.subi %sign3A_67, %sign3A_70 : i32
    %ne3A_72 = arith.cmpi ne, %sign3A_64, %sign3A_71 : i32
    %rem3A_73 = arith.remsi %select_n3A_55, %jit3A_56 : i32
    %ne3A_74 = arith.constant 0 : i32
    %ne3A_75 = arith.cmpi ne, %rem3A_73, %ne3A_74 : i32
    %and3A_76 = arith.andi %ne3A_72, %ne3A_75 : i1
    %sub3A_77 = arith.constant 1 : i32
    %sub3A_78 = arith.subi %div3A_57, %sub3A_77 : i32
    %select_n3A_79 = arith.select %and3A_76, %sub3A_78, %div3A_57 : i32
    %mul3A = arith.constant 16 : i32
    %mul3A_80 = arith.muli %select_n3A_79, %mul3A : i32
    %sub3A_81 = arith.subi %select_n3A_55, %mul3A_80 : i32
    %lt3A = arith.cmpi slt, %arg1, %sub3A_81 : i32
    %jit3A_82 = arith.constant 1 : i32
    %jit3A_83 = arith.constant 0 : i32
    %select_n3A_84 = arith.select %lt3A, %jit3A_82, %jit3A_83 : i32
    %add3A_85 = arith.addi %select_n3A_79, %select_n3A_84 : i32
    %jit3A_86 = arith.constant 128 : i32
    %div3A_87 = arith.divsi %select_n3A, %jit3A_86 : i32
    %sign3A_88 = arith.constant 0 : i32
    %sign3A_89 = arith.cmpi sgt, %select_n3A, %sign3A_88 : i32
    %sign3A_90 = arith.extui %sign3A_89 : i1 to i32
    %sign3A_91 = arith.constant 0 : i32
    %sign3A_92 = arith.cmpi slt, %select_n3A, %sign3A_91 : i32
    %sign3A_93 = arith.extui %sign3A_92 : i1 to i32
    %sign3A_94 = arith.subi %sign3A_90, %sign3A_93 : i32
    %sign3A_95 = arith.constant 0 : i32
    %sign3A_96 = arith.cmpi sgt, %jit3A_86, %sign3A_95 : i32
    %sign3A_97 = arith.extui %sign3A_96 : i1 to i32
    %sign3A_98 = arith.constant 0 : i32
    %sign3A_99 = arith.cmpi slt, %jit3A_86, %sign3A_98 : i32
    %sign3A_100 = arith.extui %sign3A_99 : i1 to i32
    %sign3A_101 = arith.subi %sign3A_97, %sign3A_100 : i32
    %ne3A_102 = arith.cmpi ne, %sign3A_94, %sign3A_101 : i32
    %rem3A_103 = arith.remsi %select_n3A, %jit3A_86 : i32
    %ne3A_104 = arith.constant 0 : i32
    %ne3A_105 = arith.cmpi ne, %rem3A_103, %ne3A_104 : i32
    %and3A_106 = arith.andi %ne3A_102, %ne3A_105 : i1
    %sub3A_107 = arith.constant 1 : i32
    %sub3A_108 = arith.subi %div3A_87, %sub3A_107 : i32
    %select_n3A_109 = arith.select %and3A_106, %sub3A_108, %div3A_87 : i32
    %mul3A_110 = arith.muli %arg1, %select_n3A_79 : i32
    %add3A_111 = arith.addi %select_n3A_109, %mul3A_110 : i32
    %min3A = arith.minsi %arg1, %sub3A_81 : i32
    %add3A_112 = arith.addi %add3A_111, %min3A : i32
    %barrier3A = arith.constant 0 : index
    tpu.barrier barrier_id(%barrier3A)
    %gt3A = arith.constant 0 : i32
    %gt3A_113 = arith.cmpi sgt, %add3A_85, %gt3A : i32
    %convert_element_type3A = arith.extui %gt3A_113 : i1 to i32
    %cond3A = arith.constant 0 : i32
    %cond3A_114 = arith.cmpi ne, %convert_element_type3A, %cond3A : i32
    scf.if %cond3A_114 {
      %mul3A_125 = arith.constant 128 : i32
      %mul3A_126 = arith.muli %add3A_112, %mul3A_125 : i32
      %run_scoped3A = arith.constant 0 : i32
      "tpu.region"() ({
        %run_scoped3A_155 = tpu.sem_alloc : memref<!tpu.dma_semaphore, #tpu.memory_space<semaphore_mem>>
        %dma_start3A_156 = arith.constant 0 : i32
        %dma_start3A_157 = tpu.memref_slice %arg9[%run_scoped3A, %dma_start3A_156] : memref<2x128xi32, #tpu.memory_space<vmem>> -> memref<1x128xi32, #tpu.memory_space<vmem>>
        %dma_start3A_158 = tpu.memref_squeeze %dma_start3A_157 : memref<1x128xi32, #tpu.memory_space<vmem>> -> memref<128xi32, #tpu.memory_space<vmem>>
        %dma_start3A_159 = tpu.memref_slice %arg3[%mul3A_126] : memref<327680xi32, #tpu.memory_space<hbm>> -> memref<128xi32, #tpu.memory_space<hbm>>
        %dma_start3A_160 = arith.constant 0 : i32
        %dma_start3A_161 = tpu.memref_slice %arg9[%run_scoped3A, %dma_start3A_160] : memref<2x128xi32, #tpu.memory_space<vmem>> -> memref<1x128xi32, #tpu.memory_space<vmem>>
        %dma_start3A_162 = tpu.memref_squeeze %dma_start3A_161 : memref<1x128xi32, #tpu.memory_space<vmem>> -> memref<128xi32, #tpu.memory_space<vmem>>
        %dma_start3A_163 = tpu.memref_slice %arg3[%mul3A_126] : memref<327680xi32, #tpu.memory_space<hbm>> -> memref<128xi32, #tpu.memory_space<hbm>>
        tpu.enqueue_dma source(%dma_start3A_163 : memref<128xi32, #tpu.memory_space<hbm>>) target(%dma_start3A_162 : memref<128xi32, #tpu.memory_space<vmem>>) target_semaphore(%run_scoped3A_155 : memref<!tpu.dma_semaphore, #tpu.memory_space<semaphore_mem>>)
        %dma_wait3A = arith.constant 0 : i32
        %dma_wait3A_164 = tpu.memref_slice %arg9[%run_scoped3A, %dma_wait3A] : memref<2x128xi32, #tpu.memory_space<vmem>> -> memref<1x128xi32, #tpu.memory_space<vmem>>
        %dma_wait3A_165 = tpu.memref_squeeze %dma_wait3A_164 : memref<1x128xi32, #tpu.memory_space<vmem>> -> memref<128xi32, #tpu.memory_space<vmem>>
        %dma_wait3A_166 = tpu.memref_slice %arg3[%mul3A_126] : memref<327680xi32, #tpu.memory_space<hbm>> -> memref<128xi32, #tpu.memory_space<hbm>>
        %dma_wait3A_167 = arith.constant 0 : i32
        %dma_wait3A_168 = tpu.memref_slice %arg9[%run_scoped3A, %dma_wait3A_167] : memref<2x128xi32, #tpu.memory_space<vmem>> -> memref<1x128xi32, #tpu.memory_space<vmem>>
        %dma_wait3A_169 = tpu.memref_squeeze %dma_wait3A_168 : memref<1x128xi32, #tpu.memory_space<vmem>> -> memref<128xi32, #tpu.memory_space<vmem>>
        %dma_wait3A_170 = tpu.memref_slice %arg3[%mul3A_126] : memref<327680xi32, #tpu.memory_space<hbm>> -> memref<128xi32, #tpu.memory_space<hbm>>
        tpu.wait_dma2 semaphore(%run_scoped3A_155 : memref<!tpu.dma_semaphore, #tpu.memory_space<semaphore_mem>>) src(%dma_wait3A_170 : memref<128xi32, #tpu.memory_space<hbm>>) dst(%dma_wait3A_169 : memref<128xi32, #tpu.memory_space<vmem>>)
        tpu.yield
      }) : () -> ()
      %mul3A_127 = arith.constant 128 : i32
      %mul3A_128 = arith.muli %add3A_112, %mul3A_127 : i32
      %run_scoped3A_129 = arith.constant 0 : i32
      "tpu.region"() ({
        %run_scoped3A_155 = tpu.sem_alloc : memref<!tpu.dma_semaphore, #tpu.memory_space<semaphore_mem>>
        %dma_start3A_156 = arith.constant 0 : i32
        %dma_start3A_157 = tpu.memref_slice %arg10[%run_scoped3A_129, %dma_start3A_156] : memref<2x128xi32, #tpu.memory_space<vmem>> -> memref<1x128xi32, #tpu.memory_space<vmem>>
        %dma_start3A_158 = tpu.memref_squeeze %dma_start3A_157 : memref<1x128xi32, #tpu.memory_space<vmem>> -> memref<128xi32, #tpu.memory_space<vmem>>
        %dma_start3A_159 = tpu.memref_slice %arg4[%mul3A_128] : memref<327680xi32, #tpu.memory_space<hbm>> -> memref<128xi32, #tpu.memory_space<hbm>>
        %dma_start3A_160 = arith.constant 0 : i32
        %dma_start3A_161 = tpu.memref_slice %arg10[%run_scoped3A_129, %dma_start3A_160] : memref<2x128xi32, #tpu.memory_space<vmem>> -> memref<1x128xi32, #tpu.memory_space<vmem>>
        %dma_start3A_162 = tpu.memref_squeeze %dma_start3A_161 : memref<1x128xi32, #tpu.memory_space<vmem>> -> memref<128xi32, #tpu.memory_space<vmem>>
        %dma_start3A_163 = tpu.memref_slice %arg4[%mul3A_128] : memref<327680xi32, #tpu.memory_space<hbm>> -> memref<128xi32, #tpu.memory_space<hbm>>
        tpu.enqueue_dma source(%dma_start3A_163 : memref<128xi32, #tpu.memory_space<hbm>>) target(%dma_start3A_162 : memref<128xi32, #tpu.memory_space<vmem>>) target_semaphore(%run_scoped3A_155 : memref<!tpu.dma_semaphore, #tpu.memory_space<semaphore_mem>>)
        %dma_wait3A = arith.constant 0 : i32
        %dma_wait3A_164 = tpu.memref_slice %arg10[%run_scoped3A_129, %dma_wait3A] : memref<2x128xi32, #tpu.memory_space<vmem>> -> memref<1x128xi32, #tpu.memory_space<vmem>>
        %dma_wait3A_165 = tpu.memref_squeeze %dma_wait3A_164 : memref<1x128xi32, #tpu.memory_space<vmem>> -> memref<128xi32, #tpu.memory_space<vmem>>
        %dma_wait3A_166 = tpu.memref_slice %arg4[%mul3A_128] : memref<327680xi32, #tpu.memory_space<hbm>> -> memref<128xi32, #tpu.memory_space<hbm>>
        %dma_wait3A_167 = arith.constant 0 : i32
        %dma_wait3A_168 = tpu.memref_slice %arg10[%run_scoped3A_129, %dma_wait3A_167] : memref<2x128xi32, #tpu.memory_space<vmem>> -> memref<1x128xi32, #tpu.memory_space<vmem>>
        %dma_wait3A_169 = tpu.memref_squeeze %dma_wait3A_168 : memref<1x128xi32, #tpu.memory_space<vmem>> -> memref<128xi32, #tpu.memory_space<vmem>>
        %dma_wait3A_170 = tpu.memref_slice %arg4[%mul3A_128] : memref<327680xi32, #tpu.memory_space<hbm>> -> memref<128xi32, #tpu.memory_space<hbm>>
        tpu.wait_dma2 semaphore(%run_scoped3A_155 : memref<!tpu.dma_semaphore, #tpu.memory_space<semaphore_mem>>) src(%dma_wait3A_170 : memref<128xi32, #tpu.memory_space<hbm>>) dst(%dma_wait3A_169 : memref<128xi32, #tpu.memory_space<vmem>>)
        tpu.yield
      }) : () -> ()
      %dma_start3A = arith.constant 0 : i32
      %dma_start3A_130 = arith.constant 0 : i32
      %dma_start3A_131 = arith.constant 0 : i32
      %dma_start3A_132 = arith.constant 0 : i32
      %dma_start3A_133 = arith.constant 0 : i32
      %dma_start3A_134 = tpu.memref_slice %arg7[%dma_start3A_130, %dma_start3A_132, %dma_start3A_133] : memref<2x128x128xf32, #tpu.memory_space<vmem>> -> memref<1x128x128xf32, #tpu.memory_space<vmem>>
      %dma_start3A_135 = tpu.memref_squeeze %dma_start3A_134 : memref<1x128x128xf32, #tpu.memory_space<vmem>> -> memref<128x128xf32, #tpu.memory_space<vmem>>
      %dma_start3A_136 = arith.constant 0 : i32
      %dma_start3A_137 = tpu.memref_slice %arg9[%dma_start3A, %dma_start3A_136] : memref<2x128xi32, #tpu.memory_space<vmem>> -> memref<1x128xi32, #tpu.memory_space<vmem>>
      %dma_start3A_138 = tpu.memref_squeeze %dma_start3A_137 : memref<1x128xi32, #tpu.memory_space<vmem>> -> memref<128xi32, #tpu.memory_space<vmem>>
      %dma_start3A_139 = arith.constant 0 : i32
      %dma_start3A_140 = arith.constant 0 : i32
      %dma_start3A_141 = tpu.memref_slice %arg2[%dma_start3A_139, %dma_start3A_140] : memref<10000x128xf32, #tpu.memory_space<hbm>> -> memref<10000x128xf32, #tpu.memory_space<hbm>>
      %dma_start3A_142 = tpu.memref_slice %arg13[%dma_start3A_131] : memref<2x!tpu.dma_semaphore, #tpu.memory_space<semaphore_mem>> -> memref<1x!tpu.dma_semaphore, #tpu.memory_space<semaphore_mem>>
      %dma_start3A_143 = tpu.memref_squeeze %dma_start3A_142 : memref<1x!tpu.dma_semaphore, #tpu.memory_space<semaphore_mem>> -> memref<!tpu.dma_semaphore, #tpu.memory_space<semaphore_mem>>
      tpu.enqueue_indirect_dma source(%dma_start3A_141 : memref<10000x128xf32, #tpu.memory_space<hbm>>) target(%dma_start3A_135 : memref<128x128xf32, #tpu.memory_space<vmem>>) offsets(%dma_start3A_138 : memref<128xi32, #tpu.memory_space<vmem>>) semaphore(%dma_start3A_143 : memref<!tpu.dma_semaphore, #tpu.memory_space<semaphore_mem>>)
      %while3A = arith.constant 0 : i32
      %while3A_144 = arith.constant 0 : i32
      %while3A_145 = arith.subi %add3A_85, %while3A : i32
      %while3A_146 = arith.addi %while3A, %while3A_145 : i32
      %while3A_147 = arith.constant 1 : i32
      %while3A_148 = arith.divsi %while3A_145, %while3A_147 : i32
      %while3A_149 = arith.muli %while3A_148, %while3A_147 : i32
      %while3A_150 = arith.addi %while3A, %while3A_149 : i32
      %while3A_151 = arith.constant 1 : i32
      %while3A_152 = scf.for %while3A_155 = %while3A to %while3A_150 step %while3A_151 iter_args(%while3A_156 = %while3A_144) -> (i32)  : i32 {
        %rem3A_157 = arith.constant 2 : i32
        %rem3A_158 = arith.remsi %while3A_155, %rem3A_157 : i32
        %add3A_159 = arith.constant 1 : i32
        %add3A_160 = arith.addi %while3A_155, %add3A_159 : i32
        %lt3A_161 = arith.cmpi slt, %add3A_160, %add3A_85 : i32
        %convert_element_type3A_162 = arith.extui %lt3A_161 : i1 to i32
        %cond3A_163 = arith.constant 0 : i32
        %cond3A_164 = arith.cmpi ne, %convert_element_type3A_162, %cond3A_163 : i32
        scf.if %cond3A_164 {
          %add3A_177 = arith.constant 1 : i32
          %add3A_178 = arith.addi %while3A_155, %add3A_177 : i32
          %rem3A_179 = arith.constant 2 : i32
          %rem3A_180 = arith.remsi %add3A_178, %rem3A_179 : i32
          %add3A_181 = arith.addi %add3A_112, %while3A_155 : i32
          %add3A_182 = arith.constant 1 : i32
          %add3A_183 = arith.addi %add3A_181, %add3A_182 : i32
          %mul3A_184 = arith.constant 128 : i32
          %mul3A_185 = arith.muli %add3A_183, %mul3A_184 : i32
          "tpu.region"() ({
            %run_scoped3A_198 = tpu.sem_alloc : memref<!tpu.dma_semaphore, #tpu.memory_space<semaphore_mem>>
            %dma_start3A_199 = arith.constant 0 : i32
            %dma_start3A_200 = tpu.memref_slice %arg9[%rem3A_180, %dma_start3A_199] : memref<2x128xi32, #tpu.memory_space<vmem>> -> memref<1x128xi32, #tpu.memory_space<vmem>>
            %dma_start3A_201 = tpu.memref_squeeze %dma_start3A_200 : memref<1x128xi32, #tpu.memory_space<vmem>> -> memref<128xi32, #tpu.memory_space<vmem>>
            %dma_start3A_202 = tpu.memref_slice %arg3[%mul3A_185] : memref<327680xi32, #tpu.memory_space<hbm>> -> memref<128xi32, #tpu.memory_space<hbm>>
            %dma_start3A_203 = arith.constant 0 : i32
            %dma_start3A_204 = tpu.memref_slice %arg9[%rem3A_180, %dma_start3A_203] : memref<2x128xi32, #tpu.memory_space<vmem>> -> memref<1x128xi32, #tpu.memory_space<vmem>>
            %dma_start3A_205 = tpu.memref_squeeze %dma_start3A_204 : memref<1x128xi32, #tpu.memory_space<vmem>> -> memref<128xi32, #tpu.memory_space<vmem>>
            %dma_start3A_206 = tpu.memref_slice %arg3[%mul3A_185] : memref<327680xi32, #tpu.memory_space<hbm>> -> memref<128xi32, #tpu.memory_space<hbm>>
            tpu.enqueue_dma source(%dma_start3A_206 : memref<128xi32, #tpu.memory_space<hbm>>) target(%dma_start3A_205 : memref<128xi32, #tpu.memory_space<vmem>>) target_semaphore(%run_scoped3A_198 : memref<!tpu.dma_semaphore, #tpu.memory_space<semaphore_mem>>)
            %dma_wait3A_207 = arith.constant 0 : i32
            %dma_wait3A_208 = tpu.memref_slice %arg9[%rem3A_180, %dma_wait3A_207] : memref<2x128xi32, #tpu.memory_space<vmem>> -> memref<1x128xi32, #tpu.memory_space<vmem>>
            %dma_wait3A_209 = tpu.memref_squeeze %dma_wait3A_208 : memref<1x128xi32, #tpu.memory_space<vmem>> -> memref<128xi32, #tpu.memory_space<vmem>>
            %dma_wait3A_210 = tpu.memref_slice %arg3[%mul3A_185] : memref<327680xi32, #tpu.memory_space<hbm>> -> memref<128xi32, #tpu.memory_space<hbm>>
            %dma_wait3A_211 = arith.constant 0 : i32
            %dma_wait3A_212 = tpu.memref_slice %arg9[%rem3A_180, %dma_wait3A_211] : memref<2x128xi32, #tpu.memory_space<vmem>> -> memref<1x128xi32, #tpu.memory_space<vmem>>
            %dma_wait3A_213 = tpu.memref_squeeze %dma_wait3A_212 : memref<1x128xi32, #tpu.memory_space<vmem>> -> memref<128xi32, #tpu.memory_space<vmem>>
            %dma_wait3A_214 = tpu.memref_slice %arg3[%mul3A_185] : memref<327680xi32, #tpu.memory_space<hbm>> -> memref<128xi32, #tpu.memory_space<hbm>>
            tpu.wait_dma2 semaphore(%run_scoped3A_198 : memref<!tpu.dma_semaphore, #tpu.memory_space<semaphore_mem>>) src(%dma_wait3A_214 : memref<128xi32, #tpu.memory_space<hbm>>) dst(%dma_wait3A_213 : memref<128xi32, #tpu.memory_space<vmem>>)
            tpu.yield
          }) : () -> ()
          "tpu.region"() ({
            %run_scoped3A_198 = tpu.sem_alloc : memref<!tpu.dma_semaphore, #tpu.memory_space<semaphore_mem>>
            %dma_start3A_199 = arith.constant 0 : i32
            %dma_start3A_200 = tpu.memref_slice %arg10[%rem3A_180, %dma_start3A_199] : memref<2x128xi32, #tpu.memory_space<vmem>> -> memref<1x128xi32, #tpu.memory_space<vmem>>
            %dma_start3A_201 = tpu.memref_squeeze %dma_start3A_200 : memref<1x128xi32, #tpu.memory_space<vmem>> -> memref<128xi32, #tpu.memory_space<vmem>>
            %dma_start3A_202 = tpu.memref_slice %arg4[%mul3A_185] : memref<327680xi32, #tpu.memory_space<hbm>> -> memref<128xi32, #tpu.memory_space<hbm>>
            %dma_start3A_203 = arith.constant 0 : i32
            %dma_start3A_204 = tpu.memref_slice %arg10[%rem3A_180, %dma_start3A_203] : memref<2x128xi32, #tpu.memory_space<vmem>> -> memref<1x128xi32, #tpu.memory_space<vmem>>
            %dma_start3A_205 = tpu.memref_squeeze %dma_start3A_204 : memref<1x128xi32, #tpu.memory_space<vmem>> -> memref<128xi32, #tpu.memory_space<vmem>>
            %dma_start3A_206 = tpu.memref_slice %arg4[%mul3A_185] : memref<327680xi32, #tpu.memory_space<hbm>> -> memref<128xi32, #tpu.memory_space<hbm>>
            tpu.enqueue_dma source(%dma_start3A_206 : memref<128xi32, #tpu.memory_space<hbm>>) target(%dma_start3A_205 : memref<128xi32, #tpu.memory_space<vmem>>) target_semaphore(%run_scoped3A_198 : memref<!tpu.dma_semaphore, #tpu.memory_space<semaphore_mem>>)
            %dma_wait3A_207 = arith.constant 0 : i32
            %dma_wait3A_208 = tpu.memref_slice %arg10[%rem3A_180, %dma_wait3A_207] : memref<2x128xi32, #tpu.memory_space<vmem>> -> memref<1x128xi32, #tpu.memory_space<vmem>>
            %dma_wait3A_209 = tpu.memref_squeeze %dma_wait3A_208 : memref<1x128xi32, #tpu.memory_space<vmem>> -> memref<128xi32, #tpu.memory_space<vmem>>
            %dma_wait3A_210 = tpu.memref_slice %arg4[%mul3A_185] : memref<327680xi32, #tpu.memory_space<hbm>> -> memref<128xi32, #tpu.memory_space<hbm>>
            %dma_wait3A_211 = arith.constant 0 : i32
            %dma_wait3A_212 = tpu.memref_slice %arg10[%rem3A_180, %dma_wait3A_211] : memref<2x128xi32, #tpu.memory_space<vmem>> -> memref<1x128xi32, #tpu.memory_space<vmem>>
            %dma_wait3A_213 = tpu.memref_squeeze %dma_wait3A_212 : memref<1x128xi32, #tpu.memory_space<vmem>> -> memref<128xi32, #tpu.memory_space<vmem>>
            %dma_wait3A_214 = tpu.memref_slice %arg4[%mul3A_185] : memref<327680xi32, #tpu.memory_space<hbm>> -> memref<128xi32, #tpu.memory_space<hbm>>
            tpu.wait_dma2 semaphore(%run_scoped3A_198 : memref<!tpu.dma_semaphore, #tpu.memory_space<semaphore_mem>>) src(%dma_wait3A_214 : memref<128xi32, #tpu.memory_space<hbm>>) dst(%dma_wait3A_213 : memref<128xi32, #tpu.memory_space<vmem>>)
            tpu.yield
          }) : () -> ()
          %dma_start3A_186 = arith.constant 0 : i32
          %dma_start3A_187 = arith.constant 0 : i32
          %dma_start3A_188 = tpu.memref_slice %arg7[%rem3A_180, %dma_start3A_186, %dma_start3A_187] : memref<2x128x128xf32, #tpu.memory_space<vmem>> -> memref<1x128x128xf32, #tpu.memory_space<vmem>>
          %dma_start3A_189 = tpu.memref_squeeze %dma_start3A_188 : memref<1x128x128xf32, #tpu.memory_space<vmem>> -> memref<128x128xf32, #tpu.memory_space<vmem>>
          %dma_start3A_190 = arith.constant 0 : i32
          %dma_start3A_191 = tpu.memref_slice %arg9[%rem3A_180, %dma_start3A_190] : memref<2x128xi32, #tpu.memory_space<vmem>> -> memref<1x128xi32, #tpu.memory_space<vmem>>
          %dma_start3A_192 = tpu.memref_squeeze %dma_start3A_191 : memref<1x128xi32, #tpu.memory_space<vmem>> -> memref<128xi32, #tpu.memory_space<vmem>>
          %dma_start3A_193 = arith.constant 0 : i32
          %dma_start3A_194 = arith.constant 0 : i32
          %dma_start3A_195 = tpu.memref_slice %arg2[%dma_start3A_193, %dma_start3A_194] : memref<10000x128xf32, #tpu.memory_space<hbm>> -> memref<10000x128xf32, #tpu.memory_space<hbm>>
          %dma_start3A_196 = tpu.memref_slice %arg13[%rem3A_180] : memref<2x!tpu.dma_semaphore, #tpu.memory_space<semaphore_mem>> -> memref<1x!tpu.dma_semaphore, #tpu.memory_space<semaphore_mem>>
          %dma_start3A_197 = tpu.memref_squeeze %dma_start3A_196 : memref<1x!tpu.dma_semaphore, #tpu.memory_space<semaphore_mem>> -> memref<!tpu.dma_semaphore, #tpu.memory_space<semaphore_mem>>
          tpu.enqueue_indirect_dma source(%dma_start3A_195 : memref<10000x128xf32, #tpu.memory_space<hbm>>) target(%dma_start3A_189 : memref<128x128xf32, #tpu.memory_space<vmem>>) offsets(%dma_start3A_192 : memref<128xi32, #tpu.memory_space<vmem>>) semaphore(%dma_start3A_197 : memref<!tpu.dma_semaphore, #tpu.memory_space<semaphore_mem>>)
        } else {
        }
        %dma_wait3A = arith.constant 0 : i32
        %dma_wait3A_165 = arith.constant 0 : i32
        %dma_wait3A_166 = tpu.memref_slice %arg7[%rem3A_158, %dma_wait3A, %dma_wait3A_165] : memref<2x128x128xf32, #tpu.memory_space<vmem>> -> memref<1x128x128xf32, #tpu.memory_space<vmem>>
        %dma_wait3A_167 = tpu.memref_squeeze %dma_wait3A_166 : memref<1x128x128xf32, #tpu.memory_space<vmem>> -> memref<128x128xf32, #tpu.memory_space<vmem>>
        %dma_wait3A_168 = arith.constant 0 : i32
        %dma_wait3A_169 = tpu.memref_slice %arg9[%rem3A_158, %dma_wait3A_168] : memref<2x128xi32, #tpu.memory_space<vmem>> -> memref<1x128xi32, #tpu.memory_space<vmem>>
        %dma_wait3A_170 = tpu.memref_squeeze %dma_wait3A_169 : memref<1x128xi32, #tpu.memory_space<vmem>> -> memref<128xi32, #tpu.memory_space<vmem>>
        %dma_wait3A_171 = arith.constant 0 : i32
        %dma_wait3A_172 = arith.constant 0 : i32
        %dma_wait3A_173 = tpu.memref_slice %arg2[%dma_wait3A_171, %dma_wait3A_172] : memref<10000x128xf32, #tpu.memory_space<hbm>> -> memref<10000x128xf32, #tpu.memory_space<hbm>>
        %dma_wait3A_174 = tpu.memref_slice %arg13[%rem3A_158] : memref<2x!tpu.dma_semaphore, #tpu.memory_space<semaphore_mem>> -> memref<1x!tpu.dma_semaphore, #tpu.memory_space<semaphore_mem>>
        %dma_wait3A_175 = tpu.memref_squeeze %dma_wait3A_174 : memref<1x!tpu.dma_semaphore, #tpu.memory_space<semaphore_mem>> -> memref<!tpu.dma_semaphore, #tpu.memory_space<semaphore_mem>>
        tpu.wait_indirect_dma semaphore(%dma_wait3A_175 : memref<!tpu.dma_semaphore, #tpu.memory_space<semaphore_mem>>) src(%dma_wait3A_173 : memref<10000x128xf32, #tpu.memory_space<hbm>>) dst(%dma_wait3A_167 : memref<128x128xf32, #tpu.memory_space<vmem>>)
        "tpu.region"() ({
          %run_scoped3A_177 = tpu.sem_alloc : memref<!tpu.dma_semaphore, #tpu.memory_space<semaphore_mem>>
          %dma_start3A_178 = arith.constant 0 : i32
          %dma_start3A_179 = arith.constant 0 : i32
          %dma_start3A_180 = tpu.memref_slice %arg7[%rem3A_158, %dma_start3A_178, %dma_start3A_179] : memref<2x128x128xf32, #tpu.memory_space<vmem>> -> memref<1x128x128xf32, #tpu.memory_space<vmem>>
          %dma_start3A_181 = tpu.memref_squeeze %dma_start3A_180 : memref<1x128x128xf32, #tpu.memory_space<vmem>> -> memref<128x128xf32, #tpu.memory_space<vmem>>
          %dma_start3A_182 = arith.constant 0 : i32
          %dma_start3A_183 = tpu.memref_slice %arg10[%rem3A_158, %dma_start3A_182] : memref<2x128xi32, #tpu.memory_space<vmem>> -> memref<1x128xi32, #tpu.memory_space<vmem>>
          %dma_start3A_184 = tpu.memref_squeeze %dma_start3A_183 : memref<1x128xi32, #tpu.memory_space<vmem>> -> memref<128xi32, #tpu.memory_space<vmem>>
          %dma_start3A_185 = arith.constant 0 : i32
          %dma_start3A_186 = arith.constant 0 : i32
          %dma_start3A_187 = tpu.memref_slice %arg12[%dma_start3A_185, %dma_start3A_186] : memref<6144x128xf32, #tpu.memory_space<vmem_shared>> -> memref<6144x128xf32, #tpu.memory_space<vmem_shared>>
          tpu.enqueue_indirect_dma source(%dma_start3A_181 : memref<128x128xf32, #tpu.memory_space<vmem>>) target(%dma_start3A_187 : memref<6144x128xf32, #tpu.memory_space<vmem_shared>>) offsets(%dma_start3A_184 : memref<128xi32, #tpu.memory_space<vmem>>) semaphore(%run_scoped3A_177 : memref<!tpu.dma_semaphore, #tpu.memory_space<semaphore_mem>>) {add = true}
          %dma_wait3A_188 = arith.constant 0 : i32
          %dma_wait3A_189 = arith.constant 0 : i32
          %dma_wait3A_190 = tpu.memref_slice %arg7[%rem3A_158, %dma_wait3A_188, %dma_wait3A_189] : memref<2x128x128xf32, #tpu.memory_space<vmem>> -> memref<1x128x128xf32, #tpu.memory_space<vmem>>
          %dma_wait3A_191 = tpu.memref_squeeze %dma_wait3A_190 : memref<1x128x128xf32, #tpu.memory_space<vmem>> -> memref<128x128xf32, #tpu.memory_space<vmem>>
          %dma_wait3A_192 = arith.constant 0 : i32
          %dma_wait3A_193 = tpu.memref_slice %arg10[%rem3A_158, %dma_wait3A_192] : memref<2x128xi32, #tpu.memory_space<vmem>> -> memref<1x128xi32, #tpu.memory_space<vmem>>
          %dma_wait3A_194 = tpu.memref_squeeze %dma_wait3A_193 : memref<1x128xi32, #tpu.memory_space<vmem>> -> memref<128xi32, #tpu.memory_space<vmem>>
          %dma_wait3A_195 = arith.constant 0 : i32
          %dma_wait3A_196 = arith.constant 0 : i32
          %dma_wait3A_197 = tpu.memref_slice %arg12[%dma_wait3A_195, %dma_wait3A_196] : memref<6144x128xf32, #tpu.memory_space<vmem_shared>> -> memref<6144x128xf32, #tpu.memory_space<vmem_shared>>
          tpu.wait_indirect_dma semaphore(%run_scoped3A_177 : memref<!tpu.dma_semaphore, #tpu.memory_space<semaphore_mem>>) src(%dma_wait3A_191 : memref<128x128xf32, #tpu.memory_space<vmem>>) dst(%dma_wait3A_197 : memref<6144x128xf32, #tpu.memory_space<vmem_shared>>)
          tpu.yield
        }) : () -> ()
        %while3A_176 = arith.constant 0 : i32
        scf.yield %while3A_176 : i32
      }
      %while3A_153 = arith.constant 1 : i32
      %while3A_154 = scf.for %while3A_155 = %while3A_150 to %while3A_146 step %while3A_153 iter_args(%while3A_156 = %while3A_152) -> (i32)  : i32 {
        %rem3A_157 = arith.constant 2 : i32
        %rem3A_158 = arith.remsi %while3A_155, %rem3A_157 : i32
        %add3A_159 = arith.constant 1 : i32
        %add3A_160 = arith.addi %while3A_155, %add3A_159 : i32
        %lt3A_161 = arith.cmpi slt, %add3A_160, %add3A_85 : i32
        %convert_element_type3A_162 = arith.extui %lt3A_161 : i1 to i32
        %cond3A_163 = arith.constant 0 : i32
        %cond3A_164 = arith.cmpi ne, %convert_element_type3A_162, %cond3A_163 : i32
        scf.if %cond3A_164 {
          %add3A_177 = arith.constant 1 : i32
          %add3A_178 = arith.addi %while3A_155, %add3A_177 : i32
          %rem3A_179 = arith.constant 2 : i32
          %rem3A_180 = arith.remsi %add3A_178, %rem3A_179 : i32
          %add3A_181 = arith.addi %add3A_112, %while3A_155 : i32
          %add3A_182 = arith.constant 1 : i32
          %add3A_183 = arith.addi %add3A_181, %add3A_182 : i32
          %mul3A_184 = arith.constant 128 : i32
          %mul3A_185 = arith.muli %add3A_183, %mul3A_184 : i32
          "tpu.region"() ({
            %run_scoped3A_198 = tpu.sem_alloc : memref<!tpu.dma_semaphore, #tpu.memory_space<semaphore_mem>>
            %dma_start3A_199 = arith.constant 0 : i32
            %dma_start3A_200 = tpu.memref_slice %arg9[%rem3A_180, %dma_start3A_199] : memref<2x128xi32, #tpu.memory_space<vmem>> -> memref<1x128xi32, #tpu.memory_space<vmem>>
            %dma_start3A_201 = tpu.memref_squeeze %dma_start3A_200 : memref<1x128xi32, #tpu.memory_space<vmem>> -> memref<128xi32, #tpu.memory_space<vmem>>
            %dma_start3A_202 = tpu.memref_slice %arg3[%mul3A_185] : memref<327680xi32, #tpu.memory_space<hbm>> -> memref<128xi32, #tpu.memory_space<hbm>>
            %dma_start3A_203 = arith.constant 0 : i32
            %dma_start3A_204 = tpu.memref_slice %arg9[%rem3A_180, %dma_start3A_203] : memref<2x128xi32, #tpu.memory_space<vmem>> -> memref<1x128xi32, #tpu.memory_space<vmem>>
            %dma_start3A_205 = tpu.memref_squeeze %dma_start3A_204 : memref<1x128xi32, #tpu.memory_space<vmem>> -> memref<128xi32, #tpu.memory_space<vmem>>
            %dma_start3A_206 = tpu.memref_slice %arg3[%mul3A_185] : memref<327680xi32, #tpu.memory_space<hbm>> -> memref<128xi32, #tpu.memory_space<hbm>>
            tpu.enqueue_dma source(%dma_start3A_206 : memref<128xi32, #tpu.memory_space<hbm>>) target(%dma_start3A_205 : memref<128xi32, #tpu.memory_space<vmem>>) target_semaphore(%run_scoped3A_198 : memref<!tpu.dma_semaphore, #tpu.memory_space<semaphore_mem>>)
            %dma_wait3A_207 = arith.constant 0 : i32
            %dma_wait3A_208 = tpu.memref_slice %arg9[%rem3A_180, %dma_wait3A_207] : memref<2x128xi32, #tpu.memory_space<vmem>> -> memref<1x128xi32, #tpu.memory_space<vmem>>
            %dma_wait3A_209 = tpu.memref_squeeze %dma_wait3A_208 : memref<1x128xi32, #tpu.memory_space<vmem>> -> memref<128xi32, #tpu.memory_space<vmem>>
            %dma_wait3A_210 = tpu.memref_slice %arg3[%mul3A_185] : memref<327680xi32, #tpu.memory_space<hbm>> -> memref<128xi32, #tpu.memory_space<hbm>>
            %dma_wait3A_211 = arith.constant 0 : i32
            %dma_wait3A_212 = tpu.memref_slice %arg9[%rem3A_180, %dma_wait3A_211] : memref<2x128xi32, #tpu.memory_space<vmem>> -> memref<1x128xi32, #tpu.memory_space<vmem>>
            %dma_wait3A_213 = tpu.memref_squeeze %dma_wait3A_212 : memref<1x128xi32, #tpu.memory_space<vmem>> -> memref<128xi32, #tpu.memory_space<vmem>>
            %dma_wait3A_214 = tpu.memref_slice %arg3[%mul3A_185] : memref<327680xi32, #tpu.memory_space<hbm>> -> memref<128xi32, #tpu.memory_space<hbm>>
            tpu.wait_dma2 semaphore(%run_scoped3A_198 : memref<!tpu.dma_semaphore, #tpu.memory_space<semaphore_mem>>) src(%dma_wait3A_214 : memref<128xi32, #tpu.memory_space<hbm>>) dst(%dma_wait3A_213 : memref<128xi32, #tpu.memory_space<vmem>>)
            tpu.yield
          }) : () -> ()
          "tpu.region"() ({
            %run_scoped3A_198 = tpu.sem_alloc : memref<!tpu.dma_semaphore, #tpu.memory_space<semaphore_mem>>
            %dma_start3A_199 = arith.constant 0 : i32
            %dma_start3A_200 = tpu.memref_slice %arg10[%rem3A_180, %dma_start3A_199] : memref<2x128xi32, #tpu.memory_space<vmem>> -> memref<1x128xi32, #tpu.memory_space<vmem>>
            %dma_start3A_201 = tpu.memref_squeeze %dma_start3A_200 : memref<1x128xi32, #tpu.memory_space<vmem>> -> memref<128xi32, #tpu.memory_space<vmem>>
            %dma_start3A_202 = tpu.memref_slice %arg4[%mul3A_185] : memref<327680xi32, #tpu.memory_space<hbm>> -> memref<128xi32, #tpu.memory_space<hbm>>
            %dma_start3A_203 = arith.constant 0 : i32
            %dma_start3A_204 = tpu.memref_slice %arg10[%rem3A_180, %dma_start3A_203] : memref<2x128xi32, #tpu.memory_space<vmem>> -> memref<1x128xi32, #tpu.memory_space<vmem>>
            %dma_start3A_205 = tpu.memref_squeeze %dma_start3A_204 : memref<1x128xi32, #tpu.memory_space<vmem>> -> memref<128xi32, #tpu.memory_space<vmem>>
            %dma_start3A_206 = tpu.memref_slice %arg4[%mul3A_185] : memref<327680xi32, #tpu.memory_space<hbm>> -> memref<128xi32, #tpu.memory_space<hbm>>
            tpu.enqueue_dma source(%dma_start3A_206 : memref<128xi32, #tpu.memory_space<hbm>>) target(%dma_start3A_205 : memref<128xi32, #tpu.memory_space<vmem>>) target_semaphore(%run_scoped3A_198 : memref<!tpu.dma_semaphore, #tpu.memory_space<semaphore_mem>>)
            %dma_wait3A_207 = arith.constant 0 : i32
            %dma_wait3A_208 = tpu.memref_slice %arg10[%rem3A_180, %dma_wait3A_207] : memref<2x128xi32, #tpu.memory_space<vmem>> -> memref<1x128xi32, #tpu.memory_space<vmem>>
            %dma_wait3A_209 = tpu.memref_squeeze %dma_wait3A_208 : memref<1x128xi32, #tpu.memory_space<vmem>> -> memref<128xi32, #tpu.memory_space<vmem>>
            %dma_wait3A_210 = tpu.memref_slice %arg4[%mul3A_185] : memref<327680xi32, #tpu.memory_space<hbm>> -> memref<128xi32, #tpu.memory_space<hbm>>
            %dma_wait3A_211 = arith.constant 0 : i32
            %dma_wait3A_212 = tpu.memref_slice %arg10[%rem3A_180, %dma_wait3A_211] : memref<2x128xi32, #tpu.memory_space<vmem>> -> memref<1x128xi32, #tpu.memory_space<vmem>>
            %dma_wait3A_213 = tpu.memref_squeeze %dma_wait3A_212 : memref<1x128xi32, #tpu.memory_space<vmem>> -> memref<128xi32, #tpu.memory_space<vmem>>
            %dma_wait3A_214 = tpu.memref_slice %arg4[%mul3A_185] : memref<327680xi32, #tpu.memory_space<hbm>> -> memref<128xi32, #tpu.memory_space<hbm>>
            tpu.wait_dma2 semaphore(%run_scoped3A_198 : memref<!tpu.dma_semaphore, #tpu.memory_space<semaphore_mem>>) src(%dma_wait3A_214 : memref<128xi32, #tpu.memory_space<hbm>>) dst(%dma_wait3A_213 : memref<128xi32, #tpu.memory_space<vmem>>)
            tpu.yield
          }) : () -> ()
          %dma_start3A_186 = arith.constant 0 : i32
          %dma_start3A_187 = arith.constant 0 : i32
          %dma_start3A_188 = tpu.memref_slice %arg7[%rem3A_180, %dma_start3A_186, %dma_start3A_187] : memref<2x128x128xf32, #tpu.memory_space<vmem>> -> memref<1x128x128xf32, #tpu.memory_space<vmem>>
          %dma_start3A_189 = tpu.memref_squeeze %dma_start3A_188 : memref<1x128x128xf32, #tpu.memory_space<vmem>> -> memref<128x128xf32, #tpu.memory_space<vmem>>
          %dma_start3A_190 = arith.constant 0 : i32
          %dma_start3A_191 = tpu.memref_slice %arg9[%rem3A_180, %dma_start3A_190] : memref<2x128xi32, #tpu.memory_space<vmem>> -> memref<1x128xi32, #tpu.memory_space<vmem>>
          %dma_start3A_192 = tpu.memref_squeeze %dma_start3A_191 : memref<1x128xi32, #tpu.memory_space<vmem>> -> memref<128xi32, #tpu.memory_space<vmem>>
          %dma_start3A_193 = arith.constant 0 : i32
          %dma_start3A_194 = arith.constant 0 : i32
          %dma_start3A_195 = tpu.memref_slice %arg2[%dma_start3A_193, %dma_start3A_194] : memref<10000x128xf32, #tpu.memory_space<hbm>> -> memref<10000x128xf32, #tpu.memory_space<hbm>>
          %dma_start3A_196 = tpu.memref_slice %arg13[%rem3A_180] : memref<2x!tpu.dma_semaphore, #tpu.memory_space<semaphore_mem>> -> memref<1x!tpu.dma_semaphore, #tpu.memory_space<semaphore_mem>>
          %dma_start3A_197 = tpu.memref_squeeze %dma_start3A_196 : memref<1x!tpu.dma_semaphore, #tpu.memory_space<semaphore_mem>> -> memref<!tpu.dma_semaphore, #tpu.memory_space<semaphore_mem>>
          tpu.enqueue_indirect_dma source(%dma_start3A_195 : memref<10000x128xf32, #tpu.memory_space<hbm>>) target(%dma_start3A_189 : memref<128x128xf32, #tpu.memory_space<vmem>>) offsets(%dma_start3A_192 : memref<128xi32, #tpu.memory_space<vmem>>) semaphore(%dma_start3A_197 : memref<!tpu.dma_semaphore, #tpu.memory_space<semaphore_mem>>)
        } else {
        }
        %dma_wait3A = arith.constant 0 : i32
        %dma_wait3A_165 = arith.constant 0 : i32
        %dma_wait3A_166 = tpu.memref_slice %arg7[%rem3A_158, %dma_wait3A, %dma_wait3A_165] : memref<2x128x128xf32, #tpu.memory_space<vmem>> -> memref<1x128x128xf32, #tpu.memory_space<vmem>>
        %dma_wait3A_167 = tpu.memref_squeeze %dma_wait3A_166 : memref<1x128x128xf32, #tpu.memory_space<vmem>> -> memref<128x128xf32, #tpu.memory_space<vmem>>
        %dma_wait3A_168 = arith.constant 0 : i32
        %dma_wait3A_169 = tpu.memref_slice %arg9[%rem3A_158, %dma_wait3A_168] : memref<2x128xi32, #tpu.memory_space<vmem>> -> memref<1x128xi32, #tpu.memory_space<vmem>>
        %dma_wait3A_170 = tpu.memref_squeeze %dma_wait3A_169 : memref<1x128xi32, #tpu.memory_space<vmem>> -> memref<128xi32, #tpu.memory_space<vmem>>
        %dma_wait3A_171 = arith.constant 0 : i32
        %dma_wait3A_172 = arith.constant 0 : i32
        %dma_wait3A_173 = tpu.memref_slice %arg2[%dma_wait3A_171, %dma_wait3A_172] : memref<10000x128xf32, #tpu.memory_space<hbm>> -> memref<10000x128xf32, #tpu.memory_space<hbm>>
        %dma_wait3A_174 = tpu.memref_slice %arg13[%rem3A_158] : memref<2x!tpu.dma_semaphore, #tpu.memory_space<semaphore_mem>> -> memref<1x!tpu.dma_semaphore, #tpu.memory_space<semaphore_mem>>
        %dma_wait3A_175 = tpu.memref_squeeze %dma_wait3A_174 : memref<1x!tpu.dma_semaphore, #tpu.memory_space<semaphore_mem>> -> memref<!tpu.dma_semaphore, #tpu.memory_space<semaphore_mem>>
        tpu.wait_indirect_dma semaphore(%dma_wait3A_175 : memref<!tpu.dma_semaphore, #tpu.memory_space<semaphore_mem>>) src(%dma_wait3A_173 : memref<10000x128xf32, #tpu.memory_space<hbm>>) dst(%dma_wait3A_167 : memref<128x128xf32, #tpu.memory_space<vmem>>)
        "tpu.region"() ({
          %run_scoped3A_177 = tpu.sem_alloc : memref<!tpu.dma_semaphore, #tpu.memory_space<semaphore_mem>>
          %dma_start3A_178 = arith.constant 0 : i32
          %dma_start3A_179 = arith.constant 0 : i32
          %dma_start3A_180 = tpu.memref_slice %arg7[%rem3A_158, %dma_start3A_178, %dma_start3A_179] : memref<2x128x128xf32, #tpu.memory_space<vmem>> -> memref<1x128x128xf32, #tpu.memory_space<vmem>>
          %dma_start3A_181 = tpu.memref_squeeze %dma_start3A_180 : memref<1x128x128xf32, #tpu.memory_space<vmem>> -> memref<128x128xf32, #tpu.memory_space<vmem>>
          %dma_start3A_182 = arith.constant 0 : i32
          %dma_start3A_183 = tpu.memref_slice %arg10[%rem3A_158, %dma_start3A_182] : memref<2x128xi32, #tpu.memory_space<vmem>> -> memref<1x128xi32, #tpu.memory_space<vmem>>
          %dma_start3A_184 = tpu.memref_squeeze %dma_start3A_183 : memref<1x128xi32, #tpu.memory_space<vmem>> -> memref<128xi32, #tpu.memory_space<vmem>>
          %dma_start3A_185 = arith.constant 0 : i32
          %dma_start3A_186 = arith.constant 0 : i32
          %dma_start3A_187 = tpu.memref_slice %arg12[%dma_start3A_185, %dma_start3A_186] : memref<6144x128xf32, #tpu.memory_space<vmem_shared>> -> memref<6144x128xf32, #tpu.memory_space<vmem_shared>>
          tpu.enqueue_indirect_dma source(%dma_start3A_181 : memref<128x128xf32, #tpu.memory_space<vmem>>) target(%dma_start3A_187 : memref<6144x128xf32, #tpu.memory_space<vmem_shared>>) offsets(%dma_start3A_184 : memref<128xi32, #tpu.memory_space<vmem>>) semaphore(%run_scoped3A_177 : memref<!tpu.dma_semaphore, #tpu.memory_space<semaphore_mem>>) {add = true}
          %dma_wait3A_188 = arith.constant 0 : i32
          %dma_wait3A_189 = arith.constant 0 : i32
          %dma_wait3A_190 = tpu.memref_slice %arg7[%rem3A_158, %dma_wait3A_188, %dma_wait3A_189] : memref<2x128x128xf32, #tpu.memory_space<vmem>> -> memref<1x128x128xf32, #tpu.memory_space<vmem>>
          %dma_wait3A_191 = tpu.memref_squeeze %dma_wait3A_190 : memref<1x128x128xf32, #tpu.memory_space<vmem>> -> memref<128x128xf32, #tpu.memory_space<vmem>>
          %dma_wait3A_192 = arith.constant 0 : i32
          %dma_wait3A_193 = tpu.memref_slice %arg10[%rem3A_158, %dma_wait3A_192] : memref<2x128xi32, #tpu.memory_space<vmem>> -> memref<1x128xi32, #tpu.memory_space<vmem>>
          %dma_wait3A_194 = tpu.memref_squeeze %dma_wait3A_193 : memref<1x128xi32, #tpu.memory_space<vmem>> -> memref<128xi32, #tpu.memory_space<vmem>>
          %dma_wait3A_195 = arith.constant 0 : i32
          %dma_wait3A_196 = arith.constant 0 : i32
          %dma_wait3A_197 = tpu.memref_slice %arg12[%dma_wait3A_195, %dma_wait3A_196] : memref<6144x128xf32, #tpu.memory_space<vmem_shared>> -> memref<6144x128xf32, #tpu.memory_space<vmem_shared>>
          tpu.wait_indirect_dma semaphore(%run_scoped3A_177 : memref<!tpu.dma_semaphore, #tpu.memory_space<semaphore_mem>>) src(%dma_wait3A_191 : memref<128x128xf32, #tpu.memory_space<vmem>>) dst(%dma_wait3A_197 : memref<6144x128xf32, #tpu.memory_space<vmem_shared>>)
          tpu.yield
        }) : () -> ()
        %while3A_176 = arith.constant 0 : i32
        scf.yield %while3A_176 : i32
      }
    } else {
    }
    %barrier3A_115 = arith.constant 0 : index
    tpu.barrier barrier_id(%barrier3A_115)
    %mul3A_116 = arith.constant 320 : i32
    %mul3A_117 = arith.muli %arg1, %mul3A_116 : i32
    %mul3A_118 = arith.constant 640 : i32
    %mul3A_119 = arith.muli %arg0, %mul3A_118 : i32
    %mul3A_120 = arith.constant 40 : i32
    %mul3A_121 = arith.muli %arg1, %mul3A_120 : i32
    %add3A_122 = arith.addi %mul3A_119, %mul3A_121 : i32
    %mul3A_123 = arith.constant 8 : i32
    %mul3A_124 = arith.muli %add3A_122, %mul3A_123 : i32
    "tpu.region"() ({
      %run_scoped3A = tpu.sem_alloc : memref<!tpu.dma_semaphore, #tpu.memory_space<semaphore_mem>>
      %dma_start3A = arith.constant 0 : i32
      %dma_start3A_125 = tpu.memref_slice %arg6[%mul3A_124, %dma_start3A] : memref<10240x128xf32, #tpu.memory_space<hbm>> -> memref<320x128xf32, #tpu.memory_space<hbm>>
      %dma_start3A_126 = arith.constant 0 : i32
      %dma_start3A_127 = tpu.memref_slice %arg12[%mul3A_117, %dma_start3A_126] : memref<6144x128xf32, #tpu.memory_space<vmem_shared>> -> memref<320x128xf32, #tpu.memory_space<vmem_shared>>
      tpu.enqueue_dma source(%dma_start3A_127 : memref<320x128xf32, #tpu.memory_space<vmem_shared>>) target(%dma_start3A_125 : memref<320x128xf32, #tpu.memory_space<hbm>>) target_semaphore(%run_scoped3A : memref<!tpu.dma_semaphore, #tpu.memory_space<semaphore_mem>>)
      %dma_wait3A = arith.constant 0 : i32
      %dma_wait3A_128 = tpu.memref_slice %arg6[%mul3A_124, %dma_wait3A] : memref<10240x128xf32, #tpu.memory_space<hbm>> -> memref<320x128xf32, #tpu.memory_space<hbm>>
      %dma_wait3A_129 = arith.constant 0 : i32
      %dma_wait3A_130 = tpu.memref_slice %arg12[%mul3A_117, %dma_wait3A_129] : memref<6144x128xf32, #tpu.memory_space<vmem_shared>> -> memref<320x128xf32, #tpu.memory_space<vmem_shared>>
      tpu.wait_dma2 semaphore(%run_scoped3A : memref<!tpu.dma_semaphore, #tpu.memory_space<semaphore_mem>>) src(%dma_wait3A_130 : memref<320x128xf32, #tpu.memory_space<vmem_shared>>) dst(%dma_wait3A_128 : memref<320x128xf32, #tpu.memory_space<hbm>>)
      tpu.yield
    }) : () -> ()
    return
  }
}

#map = affine_map<(d0, d1) -> (0, 0)>
#map1 = affine_map<(d0, d1) -> (0)>
module attributes {stable_mosaic.version = 14 : i64} {
  func.func @k(%arg0: i32, %arg1: i32, %arg2: memref<10000x128xf32, #tpu.memory_space<hbm>>, %arg3: memref<327680xi32, #tpu.memory_space<hbm>>, %arg4: memref<327680xi32, #tpu.memory_space<hbm>>, %arg5: memref<8x128xi32, #tpu.memory_space<hbm>>, %arg6: memref<10240x128xf32, #tpu.memory_space<hbm>>, %arg7: memref<2x128x128xf32, #tpu.memory_space<vmem>>, %arg8: memref<128x128xf32, #tpu.memory_space<vmem>>, %arg9: memref<2x128xi32, #tpu.memory_space<vmem>>, %arg10: memref<2x128xi32, #tpu.memory_space<vmem>>, %arg11: memref<8x128xi32, #tpu.memory_space<vmem>>, %arg12: memref<6144x128xf32, #tpu.memory_space<vmem_shared>>, %arg13: memref<2x!tpu.dma_semaphore, #tpu.memory_space<semaphore_mem>>) attributes {dimension_semantics = [#tpu.dimension_semantics<core_parallel>, #tpu.dimension_semantics<subcore_parallel>], iteration_bounds = array<i64: 2, 16>, scalar_prefetch = 0 : i64, scratch_operands = 7 : i64, tpu.core_type = #tpu.core_type<sc_vector_subcore>, window_params = [{transform_indices = #map}, {transform_indices = #map1}, {transform_indices = #map1}, {transform_indices = #map}, {transform_indices = #map}]} {
    %scan3A = arith.constant 0 : i32
    %scan3A_0 = arith.constant 0 : i32
    %scan3A_1 = arith.constant 128 : i32
    %scan3A_2 = arith.addi %scan3A_0, %scan3A_1 : i32
    %scan3A_3 = arith.constant 1 : i32
    %scan3A_4 = scf.for %scan3A_125 = %scan3A_0 to %scan3A_2 step %scan3A_3 iter_args(%scan3A_126 = %scan3A) -> (i32)  : i32 {
      %scan3A_127 = arith.constant 0 : i32
      %scan3A_128 = arith.constant 0 : i32
      %scan3A_129 = arith.constant 8 : i32
      %scan3A_130 = arith.addi %scan3A_128, %scan3A_129 : i32
      %scan3A_131 = arith.constant 1 : i32
      %scan3A_132 = scf.for %scan3A_135 = %scan3A_128 to %scan3A_130 step %scan3A_131 iter_args(%scan3A_136 = %scan3A_127) -> (i32)  : i32 {
        %broadcast_in_dim3A = arith.constant 0.000000e+00 : f32
        %broadcast_in_dim3A_137 = vector.broadcast %broadcast_in_dim3A : f32 to vector<16xf32>
        %mul3A_138 = arith.constant 16 : i32
        %mul3A_139 = arith.muli %scan3A_135, %mul3A_138 : i32
        %swap3A = arith.index_cast %scan3A_125 : i32 to index
        %swap3A_140 = arith.index_cast %mul3A_139 : i32 to index
        %swap3A_141 = tpu.vector_load %arg8[%swap3A, %swap3A_140] {strides = array<i32>} : memref<128x128xf32, #tpu.memory_space<vmem>>, vector<1x16xf32>,
        %swap3A_142 = vector.shape_cast %swap3A_141 : vector<1x16xf32> to vector<16xf32>
        %swap3A_143 = vector.shape_cast %broadcast_in_dim3A_137 : vector<16xf32> to vector<1x16xf32>
        tpu.vector_store %arg8[%swap3A, %swap3A_140], %swap3A_143 {strides = array<i32>} : memref<128x128xf32, #tpu.memory_space<vmem>>, vector<1x16xf32>,
        %scan3A_144 = arith.constant 0 : i32
        scf.yield %scan3A_144 : i32
      }
      %scan3A_133 = arith.constant 8 : i32
      %scan3A_134 = arith.constant 0 : i32
      scf.yield %scan3A_134 : i32
    }
    %scan3A_5 = arith.constant 128 : i32
    %scan3A_6 = arith.constant 0 : i32
    %scan3A_7 = arith.constant 0 : i32
    %scan3A_8 = arith.constant 3 : i32
    %scan3A_9 = arith.addi %scan3A_7, %scan3A_8 : i32
    %scan3A_10 = arith.constant 1 : i32
    %scan3A_11 = scf.for %scan3A_125 = %scan3A_7 to %scan3A_9 step %scan3A_10 iter_args(%scan3A_126 = %scan3A_6) -> (i32)  : i32 {
      %mul3A_127 = arith.constant 384 : i32
      %mul3A_128 = arith.muli %arg1, %mul3A_127 : i32
      %mul3A_129 = arith.constant 128 : i32
      %mul3A_130 = arith.muli %scan3A_125, %mul3A_129 : i32
      %add3A_131 = arith.addi %mul3A_128, %mul3A_130 : i32
      "tpu.region"() ({
        %run_scoped3A = tpu.sem_alloc : memref<!tpu.dma_semaphore, #tpu.memory_space<semaphore_mem>>
        %dma_start3A = arith.constant 0 : i32
        %dma_start3A_133 = tpu.memref_slice %arg12[%add3A_131, %dma_start3A] : memref<6144x128xf32, #tpu.memory_space<vmem_shared>> -> memref<128x128xf32, #tpu.memory_space<vmem_shared>>
        %dma_start3A_134 = arith.constant 0 : i32
        %dma_start3A_135 = tpu.memref_slice %arg12[%add3A_131, %dma_start3A_134] : memref<6144x128xf32, #tpu.memory_space<vmem_shared>> -> memref<128x128xf32, #tpu.memory_space<vmem_shared>>
        tpu.enqueue_dma source(%arg8 : memref<128x128xf32, #tpu.memory_space<vmem>>) target(%dma_start3A_135 : memref<128x128xf32, #tpu.memory_space<vmem_shared>>) target_semaphore(%run_scoped3A : memref<!tpu.dma_semaphore, #tpu.memory_space<semaphore_mem>>)
        %dma_wait3A = arith.constant 0 : i32
        %dma_wait3A_136 = tpu.memref_slice %arg12[%add3A_131, %dma_wait3A] : memref<6144x128xf32, #tpu.memory_space<vmem_shared>> -> memref<128x128xf32, #tpu.memory_space<vmem_shared>>
        %dma_wait3A_137 = arith.constant 0 : i32
        %dma_wait3A_138 = tpu.memref_slice %arg12[%add3A_131, %dma_wait3A_137] : memref<6144x128xf32, #tpu.memory_space<vmem_shared>> -> memref<128x128xf32, #tpu.memory_space<vmem_shared>>
        tpu.wait_dma2 semaphore(%run_scoped3A : memref<!tpu.dma_semaphore, #tpu.memory_space<semaphore_mem>>) src(%arg8 : memref<128x128xf32, #tpu.memory_space<vmem>>) dst(%dma_wait3A_138 : memref<128x128xf32, #tpu.memory_space<vmem_shared>>)
        tpu.yield
      }) : () -> ()
      %scan3A_132 = arith.constant 0 : i32
      scf.yield %scan3A_132 : i32
    }
    %scan3A_12 = arith.constant 3 : i32
    "tpu.region"() ({
      %run_scoped3A = tpu.sem_alloc : memref<!tpu.dma_semaphore, #tpu.memory_space<semaphore_mem>>
      tpu.enqueue_dma source(%arg5 : memref<8x128xi32, #tpu.memory_space<hbm>>) target(%arg11 : memref<8x128xi32, #tpu.memory_space<vmem>>) target_semaphore(%run_scoped3A : memref<!tpu.dma_semaphore, #tpu.memory_space<semaphore_mem>>)
      tpu.wait_dma2 semaphore(%run_scoped3A : memref<!tpu.dma_semaphore, #tpu.memory_space<semaphore_mem>>) src(%arg5 : memref<8x128xi32, #tpu.memory_space<hbm>>) dst(%arg11 : memref<8x128xi32, #tpu.memory_space<vmem>>)
      tpu.yield
    }) : () -> ()
    %get3A = arith.constant 1 : i32
    %get3A_13 = arith.index_cast %get3A : i32 to index
    %get3A_14 = arith.constant 0 : index
    %get3A_15 = tpu.vector_load %arg11[%get3A_13, %get3A_14] {strides = array<i32>} : memref<8x128xi32, #tpu.memory_space<vmem>>, vector<1x16xi32>,
    %get3A_16 = vector.shape_cast %get3A_15 : vector<1x16xi32> to vector<16xi32>
    %slice3A = vector.extract_strided_slice %get3A_16 {offsets = [0], sizes = [1], strides = [1]} : vector<16xi32> to vector<1xi32>
    %squeeze3A = vector.extract %slice3A[0] : i32 from vector<1xi32>
    %get3A_17 = arith.constant 2 : i32
    %get3A_18 = arith.index_cast %get3A_17 : i32 to index
    %get3A_19 = arith.constant 0 : index
    %get3A_20 = tpu.vector_load %arg11[%get3A_18, %get3A_19] {strides = array<i32>} : memref<8x128xi32, #tpu.memory_space<vmem>>, vector<1x16xi32>,
    %get3A_21 = vector.shape_cast %get3A_20 : vector<1x16xi32> to vector<16xi32>
    %slice3A_22 = vector.extract_strided_slice %get3A_21 {offsets = [0], sizes = [1], strides = [1]} : vector<16xi32> to vector<1xi32>
    %squeeze3A_23 = vector.extract %slice3A_22[0] : i32 from vector<1xi32>
    %get3A_24 = arith.constant 3 : i32
    %get3A_25 = arith.index_cast %get3A_24 : i32 to index
    %get3A_26 = arith.constant 0 : index
    %get3A_27 = tpu.vector_load %arg11[%get3A_25, %get3A_26] {strides = array<i32>} : memref<8x128xi32, #tpu.memory_space<vmem>>, vector<1x16xi32>,
    %get3A_28 = vector.shape_cast %get3A_27 : vector<1x16xi32> to vector<16xi32>
    %slice3A_29 = vector.extract_strided_slice %get3A_28 {offsets = [0], sizes = [1], strides = [1]} : vector<16xi32> to vector<1xi32>
    %squeeze3A_30 = vector.extract %slice3A_29[0] : i32 from vector<1xi32>
    %eq3A = arith.constant 0 : i32
    %eq3A_31 = arith.cmpi eq, %arg0, %eq3A : i32
    %jit3A = arith.constant 0 : i32
    %select_n3A = arith.select %eq3A_31, %jit3A, %squeeze3A : i32
    %eq3A_32 = arith.constant 0 : i32
    %eq3A_33 = arith.cmpi eq, %arg0, %eq3A_32 : i32
    %select_n3A_34 = arith.select %eq3A_33, %squeeze3A_23, %squeeze3A_30 : i32
    %add3A = arith.constant 128 : i32
    %add3A_35 = arith.addi %select_n3A_34, %add3A : i32
    %sub3A = arith.constant 1 : i32
    %sub3A_36 = arith.subi %add3A_35, %sub3A : i32
    %jit3A_37 = arith.constant 128 : i32
    %div3A = arith.divsi %sub3A_36, %jit3A_37 : i32
    %sign3A = arith.constant 0 : i32
    %sign3A_38 = arith.cmpi sgt, %sub3A_36, %sign3A : i32
    %sign3A_39 = arith.extui %sign3A_38 : i1 to i32
    %sign3A_40 = arith.constant 0 : i32
    %sign3A_41 = arith.cmpi slt, %sub3A_36, %sign3A_40 : i32
    %sign3A_42 = arith.extui %sign3A_41 : i1 to i32
    %sign3A_43 = arith.subi %sign3A_39, %sign3A_42 : i32
    %sign3A_44 = arith.constant 0 : i32
    %sign3A_45 = arith.cmpi sgt, %jit3A_37, %sign3A_44 : i32
    %sign3A_46 = arith.extui %sign3A_45 : i1 to i32
    %sign3A_47 = arith.constant 0 : i32
    %sign3A_48 = arith.cmpi slt, %jit3A_37, %sign3A_47 : i32
    %sign3A_49 = arith.extui %sign3A_48 : i1 to i32
    %sign3A_50 = arith.subi %sign3A_46, %sign3A_49 : i32
    %ne3A = arith.cmpi ne, %sign3A_43, %sign3A_50 : i32
    %rem3A = arith.remsi %sub3A_36, %jit3A_37 : i32
    %ne3A_51 = arith.constant 0 : i32
    %ne3A_52 = arith.cmpi ne, %rem3A, %ne3A_51 : i32
    %and3A = arith.andi %ne3A, %ne3A_52 : i1
    %sub3A_53 = arith.constant 1 : i32
    %sub3A_54 = arith.subi %div3A, %sub3A_53 : i32
    %select_n3A_55 = arith.select %and3A, %sub3A_54, %div3A : i32
    %jit3A_56 = arith.constant 16 : i32
    %div3A_57 = arith.divsi %select_n3A_55, %jit3A_56 : i32
    %sign3A_58 = arith.constant 0 : i32
    %sign3A_59 = arith.cmpi sgt, %select_n3A_55, %sign3A_58 : i32
    %sign3A_60 = arith.extui %sign3A_59 : i1 to i32
    %sign3A_61 = arith.constant 0 : i32
    %sign3A_62 = arith.cmpi slt, %select_n3A_55, %sign3A_61 : i32
    %sign3A_63 = arith.extui %sign3A_62 : i1 to i32
    %sign3A_64 = arith.subi %sign3A_60, %sign3A_63 : i32
    %sign3A_65 = arith.constant 0 : i32
    %sign3A_66 = arith.cmpi sgt, %jit3A_56, %sign3A_65 : i32
    %sign3A_67 = arith.extui %sign3A_66 : i1 to i32
    %sign3A_68 = arith.constant 0 : i32
    %sign3A_69 = arith.cmpi slt, %jit3A_56, %sign3A_68 : i32
    %sign3A_70 = arith.extui %sign3A_69 : i1 to i32
    %sign3A_71 = arith.subi %sign3A_67, %sign3A_70 : i32
    %ne3A_72 = arith.cmpi ne, %sign3A_64, %sign3A_71 : i32
    %rem3A_73 = arith.remsi %select_n3A_55, %jit3A_56 : i32
    %ne3A_74 = arith.constant 0 : i32
    %ne3A_75 = arith.cmpi ne, %rem3A_73, %ne3A_74 : i32
    %and3A_76 = arith.andi %ne3A_72, %ne3A_75 : i1
    %sub3A_77 = arith.constant 1 : i32
    %sub3A_78 = arith.subi %div3A_57, %sub3A_77 : i32
    %select_n3A_79 = arith.select %and3A_76, %sub3A_78, %div3A_57 : i32
    %mul3A = arith.constant 16 : i32
    %mul3A_80 = arith.muli %select_n3A_79, %mul3A : i32
    %sub3A_81 = arith.subi %select_n3A_55, %mul3A_80 : i32
    %lt3A = arith.cmpi slt, %arg1, %sub3A_81 : i32
    %jit3A_82 = arith.constant 1 : i32
    %jit3A_83 = arith.constant 0 : i32
    %select_n3A_84 = arith.select %lt3A, %jit3A_82, %jit3A_83 : i32
    %add3A_85 = arith.addi %select_n3A_79, %select_n3A_84 : i32
    %jit3A_86 = arith.constant 128 : i32
    %div3A_87 = arith.divsi %select_n3A, %jit3A_86 : i32
    %sign3A_88 = arith.constant 0 : i32
    %sign3A_89 = arith.cmpi sgt, %select_n3A, %sign3A_88 : i32
    %sign3A_90 = arith.extui %sign3A_89 : i1 to i32
    %sign3A_91 = arith.constant 0 : i32
    %sign3A_92 = arith.cmpi slt, %select_n3A, %sign3A_91 : i32
    %sign3A_93 = arith.extui %sign3A_92 : i1 to i32
    %sign3A_94 = arith.subi %sign3A_90, %sign3A_93 : i32
    %sign3A_95 = arith.constant 0 : i32
    %sign3A_96 = arith.cmpi sgt, %jit3A_86, %sign3A_95 : i32
    %sign3A_97 = arith.extui %sign3A_96 : i1 to i32
    %sign3A_98 = arith.constant 0 : i32
    %sign3A_99 = arith.cmpi slt, %jit3A_86, %sign3A_98 : i32
    %sign3A_100 = arith.extui %sign3A_99 : i1 to i32
    %sign3A_101 = arith.subi %sign3A_97, %sign3A_100 : i32
    %ne3A_102 = arith.cmpi ne, %sign3A_94, %sign3A_101 : i32
    %rem3A_103 = arith.remsi %select_n3A, %jit3A_86 : i32
    %ne3A_104 = arith.constant 0 : i32
    %ne3A_105 = arith.cmpi ne, %rem3A_103, %ne3A_104 : i32
    %and3A_106 = arith.andi %ne3A_102, %ne3A_105 : i1
    %sub3A_107 = arith.constant 1 : i32
    %sub3A_108 = arith.subi %div3A_87, %sub3A_107 : i32
    %select_n3A_109 = arith.select %and3A_106, %sub3A_108, %div3A_87 : i32
    %mul3A_110 = arith.muli %arg1, %select_n3A_79 : i32
    %add3A_111 = arith.addi %select_n3A_109, %mul3A_110 : i32
    %min3A = arith.minsi %arg1, %sub3A_81 : i32
    %add3A_112 = arith.addi %add3A_111, %min3A : i32
    %barrier3A = arith.constant 0 : index
    tpu.barrier barrier_id(%barrier3A)
    %gt3A = arith.constant 0 : i32
    %gt3A_113 = arith.cmpi sgt, %add3A_85, %gt3A : i32
    %convert_element_type3A = arith.extui %gt3A_113 : i1 to i32
    %cond3A = arith.constant 0 : i32
    %cond3A_114 = arith.cmpi ne, %convert_element_type3A, %cond3A : i32
    scf.if %cond3A_114 {
      %mul3A_125 = arith.constant 128 : i32
      %mul3A_126 = arith.muli %add3A_112, %mul3A_125 : i32
      %run_scoped3A = arith.constant 0 : i32
      "tpu.region"() ({
        %run_scoped3A_155 = tpu.sem_alloc : memref<!tpu.dma_semaphore, #tpu.memory_space<semaphore_mem>>
        %dma_start3A_156 = arith.constant 0 : i32
        %dma_start3A_157 = tpu.memref_slice %arg9[%run_scoped3A, %dma_start3A_156] : memref<2x128xi32, #tpu.memory_space<vmem>> -> memref<1x128xi32, #tpu.memory_space<vmem>>
        %dma_start3A_158 = tpu.memref_squeeze %dma_start3A_157 : memref<1x128xi32, #tpu.memory_space<vmem>> -> memref<128xi32, #tpu.memory_space<vmem>>
        %dma_start3A_159 = tpu.memref_slice %arg3[%mul3A_126] : memref<327680xi32, #tpu.memory_space<hbm>> -> memref<128xi32, #tpu.memory_space<hbm>>
        %dma_start3A_160 = arith.constant 0 : i32
        %dma_start3A_161 = tpu.memref_slice %arg9[%run_scoped3A, %dma_start3A_160] : memref<2x128xi32, #tpu.memory_space<vmem>> -> memref<1x128xi32, #tpu.memory_space<vmem>>
        %dma_start3A_162 = tpu.memref_squeeze %dma_start3A_161 : memref<1x128xi32, #tpu.memory_space<vmem>> -> memref<128xi32, #tpu.memory_space<vmem>>
        %dma_start3A_163 = tpu.memref_slice %arg3[%mul3A_126] : memref<327680xi32, #tpu.memory_space<hbm>> -> memref<128xi32, #tpu.memory_space<hbm>>
        tpu.enqueue_dma source(%dma_start3A_163 : memref<128xi32, #tpu.memory_space<hbm>>) target(%dma_start3A_162 : memref<128xi32, #tpu.memory_space<vmem>>) target_semaphore(%run_scoped3A_155 : memref<!tpu.dma_semaphore, #tpu.memory_space<semaphore_mem>>)
        %dma_wait3A = arith.constant 0 : i32
        %dma_wait3A_164 = tpu.memref_slice %arg9[%run_scoped3A, %dma_wait3A] : memref<2x128xi32, #tpu.memory_space<vmem>> -> memref<1x128xi32, #tpu.memory_space<vmem>>
        %dma_wait3A_165 = tpu.memref_squeeze %dma_wait3A_164 : memref<1x128xi32, #tpu.memory_space<vmem>> -> memref<128xi32, #tpu.memory_space<vmem>>
        %dma_wait3A_166 = tpu.memref_slice %arg3[%mul3A_126] : memref<327680xi32, #tpu.memory_space<hbm>> -> memref<128xi32, #tpu.memory_space<hbm>>
        %dma_wait3A_167 = arith.constant 0 : i32
        %dma_wait3A_168 = tpu.memref_slice %arg9[%run_scoped3A, %dma_wait3A_167] : memref<2x128xi32, #tpu.memory_space<vmem>> -> memref<1x128xi32, #tpu.memory_space<vmem>>
        %dma_wait3A_169 = tpu.memref_squeeze %dma_wait3A_168 : memref<1x128xi32, #tpu.memory_space<vmem>> -> memref<128xi32, #tpu.memory_space<vmem>>
        %dma_wait3A_170 = tpu.memref_slice %arg3[%mul3A_126] : memref<327680xi32, #tpu.memory_space<hbm>> -> memref<128xi32, #tpu.memory_space<hbm>>
        tpu.wait_dma2 semaphore(%run_scoped3A_155 : memref<!tpu.dma_semaphore, #tpu.memory_space<semaphore_mem>>) src(%dma_wait3A_170 : memref<128xi32, #tpu.memory_space<hbm>>) dst(%dma_wait3A_169 : memref<128xi32, #tpu.memory_space<vmem>>)
        tpu.yield
      }) : () -> ()
      %mul3A_127 = arith.constant 128 : i32
      %mul3A_128 = arith.muli %add3A_112, %mul3A_127 : i32
      %run_scoped3A_129 = arith.constant 0 : i32
      "tpu.region"() ({
        %run_scoped3A_155 = tpu.sem_alloc : memref<!tpu.dma_semaphore, #tpu.memory_space<semaphore_mem>>
        %dma_start3A_156 = arith.constant 0 : i32
        %dma_start3A_157 = tpu.memref_slice %arg10[%run_scoped3A_129, %dma_start3A_156] : memref<2x128xi32, #tpu.memory_space<vmem>> -> memref<1x128xi32, #tpu.memory_space<vmem>>
        %dma_start3A_158 = tpu.memref_squeeze %dma_start3A_157 : memref<1x128xi32, #tpu.memory_space<vmem>> -> memref<128xi32, #tpu.memory_space<vmem>>
        %dma_start3A_159 = tpu.memref_slice %arg4[%mul3A_128] : memref<327680xi32, #tpu.memory_space<hbm>> -> memref<128xi32, #tpu.memory_space<hbm>>
        %dma_start3A_160 = arith.constant 0 : i32
        %dma_start3A_161 = tpu.memref_slice %arg10[%run_scoped3A_129, %dma_start3A_160] : memref<2x128xi32, #tpu.memory_space<vmem>> -> memref<1x128xi32, #tpu.memory_space<vmem>>
        %dma_start3A_162 = tpu.memref_squeeze %dma_start3A_161 : memref<1x128xi32, #tpu.memory_space<vmem>> -> memref<128xi32, #tpu.memory_space<vmem>>
        %dma_start3A_163 = tpu.memref_slice %arg4[%mul3A_128] : memref<327680xi32, #tpu.memory_space<hbm>> -> memref<128xi32, #tpu.memory_space<hbm>>
        tpu.enqueue_dma source(%dma_start3A_163 : memref<128xi32, #tpu.memory_space<hbm>>) target(%dma_start3A_162 : memref<128xi32, #tpu.memory_space<vmem>>) target_semaphore(%run_scoped3A_155 : memref<!tpu.dma_semaphore, #tpu.memory_space<semaphore_mem>>)
        %dma_wait3A = arith.constant 0 : i32
        %dma_wait3A_164 = tpu.memref_slice %arg10[%run_scoped3A_129, %dma_wait3A] : memref<2x128xi32, #tpu.memory_space<vmem>> -> memref<1x128xi32, #tpu.memory_space<vmem>>
        %dma_wait3A_165 = tpu.memref_squeeze %dma_wait3A_164 : memref<1x128xi32, #tpu.memory_space<vmem>> -> memref<128xi32, #tpu.memory_space<vmem>>
        %dma_wait3A_166 = tpu.memref_slice %arg4[%mul3A_128] : memref<327680xi32, #tpu.memory_space<hbm>> -> memref<128xi32, #tpu.memory_space<hbm>>
        %dma_wait3A_167 = arith.constant 0 : i32
        %dma_wait3A_168 = tpu.memref_slice %arg10[%run_scoped3A_129, %dma_wait3A_167] : memref<2x128xi32, #tpu.memory_space<vmem>> -> memref<1x128xi32, #tpu.memory_space<vmem>>
        %dma_wait3A_169 = tpu.memref_squeeze %dma_wait3A_168 : memref<1x128xi32, #tpu.memory_space<vmem>> -> memref<128xi32, #tpu.memory_space<vmem>>
        %dma_wait3A_170 = tpu.memref_slice %arg4[%mul3A_128] : memref<327680xi32, #tpu.memory_space<hbm>> -> memref<128xi32, #tpu.memory_space<hbm>>
        tpu.wait_dma2 semaphore(%run_scoped3A_155 : memref<!tpu.dma_semaphore, #tpu.memory_space<semaphore_mem>>) src(%dma_wait3A_170 : memref<128xi32, #tpu.memory_space<hbm>>) dst(%dma_wait3A_169 : memref<128xi32, #tpu.memory_space<vmem>>)
        tpu.yield
      }) : () -> ()
      %dma_start3A = arith.constant 0 : i32
      %dma_start3A_130 = arith.constant 0 : i32
      %dma_start3A_131 = arith.constant 0 : i32
      %dma_start3A_132 = arith.constant 0 : i32
      %dma_start3A_133 = arith.constant 0 : i32
      %dma_start3A_134 = tpu.memref_slice %arg7[%dma_start3A_130, %dma_start3A_132, %dma_start3A_133] : memref<2x128x128xf32, #tpu.memory_space<vmem>> -> memref<1x128x128xf32, #tpu.memory_space<vmem>>
      %dma_start3A_135 = tpu.memref_squeeze %dma_start3A_134 : memref<1x128x128xf32, #tpu.memory_space<vmem>> -> memref<128x128xf32, #tpu.memory_space<vmem>>
      %dma_start3A_136 = arith.constant 0 : i32
      %dma_start3A_137 = tpu.memref_slice %arg9[%dma_start3A, %dma_start3A_136] : memref<2x128xi32, #tpu.memory_space<vmem>> -> memref<1x128xi32, #tpu.memory_space<vmem>>
      %dma_start3A_138 = tpu.memref_squeeze %dma_start3A_137 : memref<1x128xi32, #tpu.memory_space<vmem>> -> memref<128xi32, #tpu.memory_space<vmem>>
      %dma_start3A_139 = arith.constant 0 : i32
      %dma_start3A_140 = arith.constant 0 : i32
      %dma_start3A_141 = tpu.memref_slice %arg2[%dma_start3A_139, %dma_start3A_140] : memref<10000x128xf32, #tpu.memory_space<hbm>> -> memref<10000x128xf32, #tpu.memory_space<hbm>>
      %dma_start3A_142 = tpu.memref_slice %arg13[%dma_start3A_131] : memref<2x!tpu.dma_semaphore, #tpu.memory_space<semaphore_mem>> -> memref<1x!tpu.dma_semaphore, #tpu.memory_space<semaphore_mem>>
      %dma_start3A_143 = tpu.memref_squeeze %dma_start3A_142 : memref<1x!tpu.dma_semaphore, #tpu.memory_space<semaphore_mem>> -> memref<!tpu.dma_semaphore, #tpu.memory_space<semaphore_mem>>
      tpu.enqueue_indirect_dma source(%dma_start3A_141 : memref<10000x128xf32, #tpu.memory_space<hbm>>) target(%dma_start3A_135 : memref<128x128xf32, #tpu.memory_space<vmem>>) offsets(%dma_start3A_138 : memref<128xi32, #tpu.memory_space<vmem>>) semaphore(%dma_start3A_143 : memref<!tpu.dma_semaphore, #tpu.memory_space<semaphore_mem>>)
      %while3A = arith.constant 0 : i32
      %while3A_144 = arith.constant 0 : i32
      %while3A_145 = arith.subi %add3A_85, %while3A : i32
      %while3A_146 = arith.addi %while3A, %while3A_145 : i32
      %while3A_147 = arith.constant 1 : i32
      %while3A_148 = arith.divsi %while3A_145, %while3A_147 : i32
      %while3A_149 = arith.muli %while3A_148, %while3A_147 : i32
      %while3A_150 = arith.addi %while3A, %while3A_149 : i32
      %while3A_151 = arith.constant 1 : i32
      %while3A_152 = scf.for %while3A_155 = %while3A to %while3A_150 step %while3A_151 iter_args(%while3A_156 = %while3A_144) -> (i32)  : i32 {
        %rem3A_157 = arith.constant 2 : i32
        %rem3A_158 = arith.remsi %while3A_155, %rem3A_157 : i32
        %add3A_159 = arith.constant 1 : i32
        %add3A_160 = arith.addi %while3A_155, %add3A_159 : i32
        %lt3A_161 = arith.cmpi slt, %add3A_160, %add3A_85 : i32
        %convert_element_type3A_162 = arith.extui %lt3A_161 : i1 to i32
        %cond3A_163 = arith.constant 0 : i32
        %cond3A_164 = arith.cmpi ne, %convert_element_type3A_162, %cond3A_163 : i32
        scf.if %cond3A_164 {
          %add3A_177 = arith.constant 1 : i32
          %add3A_178 = arith.addi %while3A_155, %add3A_177 : i32
          %rem3A_179 = arith.constant 2 : i32
          %rem3A_180 = arith.remsi %add3A_178, %rem3A_179 : i32
          %add3A_181 = arith.addi %add3A_112, %while3A_155 : i32
          %add3A_182 = arith.constant 1 : i32
          %add3A_183 = arith.addi %add3A_181, %add3A_182 : i32
          %mul3A_184 = arith.constant 128 : i32
          %mul3A_185 = arith.muli %add3A_183, %mul3A_184 : i32
          "tpu.region"() ({
            %run_scoped3A_198 = tpu.sem_alloc : memref<!tpu.dma_semaphore, #tpu.memory_space<semaphore_mem>>
            %dma_start3A_199 = arith.constant 0 : i32
            %dma_start3A_200 = tpu.memref_slice %arg9[%rem3A_180, %dma_start3A_199] : memref<2x128xi32, #tpu.memory_space<vmem>> -> memref<1x128xi32, #tpu.memory_space<vmem>>
            %dma_start3A_201 = tpu.memref_squeeze %dma_start3A_200 : memref<1x128xi32, #tpu.memory_space<vmem>> -> memref<128xi32, #tpu.memory_space<vmem>>
            %dma_start3A_202 = tpu.memref_slice %arg3[%mul3A_185] : memref<327680xi32, #tpu.memory_space<hbm>> -> memref<128xi32, #tpu.memory_space<hbm>>
            %dma_start3A_203 = arith.constant 0 : i32
            %dma_start3A_204 = tpu.memref_slice %arg9[%rem3A_180, %dma_start3A_203] : memref<2x128xi32, #tpu.memory_space<vmem>> -> memref<1x128xi32, #tpu.memory_space<vmem>>
            %dma_start3A_205 = tpu.memref_squeeze %dma_start3A_204 : memref<1x128xi32, #tpu.memory_space<vmem>> -> memref<128xi32, #tpu.memory_space<vmem>>
            %dma_start3A_206 = tpu.memref_slice %arg3[%mul3A_185] : memref<327680xi32, #tpu.memory_space<hbm>> -> memref<128xi32, #tpu.memory_space<hbm>>
            tpu.enqueue_dma source(%dma_start3A_206 : memref<128xi32, #tpu.memory_space<hbm>>) target(%dma_start3A_205 : memref<128xi32, #tpu.memory_space<vmem>>) target_semaphore(%run_scoped3A_198 : memref<!tpu.dma_semaphore, #tpu.memory_space<semaphore_mem>>)
            %dma_wait3A_207 = arith.constant 0 : i32
            %dma_wait3A_208 = tpu.memref_slice %arg9[%rem3A_180, %dma_wait3A_207] : memref<2x128xi32, #tpu.memory_space<vmem>> -> memref<1x128xi32, #tpu.memory_space<vmem>>
            %dma_wait3A_209 = tpu.memref_squeeze %dma_wait3A_208 : memref<1x128xi32, #tpu.memory_space<vmem>> -> memref<128xi32, #tpu.memory_space<vmem>>
            %dma_wait3A_210 = tpu.memref_slice %arg3[%mul3A_185] : memref<327680xi32, #tpu.memory_space<hbm>> -> memref<128xi32, #tpu.memory_space<hbm>>
            %dma_wait3A_211 = arith.constant 0 : i32
            %dma_wait3A_212 = tpu.memref_slice %arg9[%rem3A_180, %dma_wait3A_211] : memref<2x128xi32, #tpu.memory_space<vmem>> -> memref<1x128xi32, #tpu.memory_space<vmem>>
            %dma_wait3A_213 = tpu.memref_squeeze %dma_wait3A_212 : memref<1x128xi32, #tpu.memory_space<vmem>> -> memref<128xi32, #tpu.memory_space<vmem>>
            %dma_wait3A_214 = tpu.memref_slice %arg3[%mul3A_185] : memref<327680xi32, #tpu.memory_space<hbm>> -> memref<128xi32, #tpu.memory_space<hbm>>
            tpu.wait_dma2 semaphore(%run_scoped3A_198 : memref<!tpu.dma_semaphore, #tpu.memory_space<semaphore_mem>>) src(%dma_wait3A_214 : memref<128xi32, #tpu.memory_space<hbm>>) dst(%dma_wait3A_213 : memref<128xi32, #tpu.memory_space<vmem>>)
            tpu.yield
          }) : () -> ()
          "tpu.region"() ({
            %run_scoped3A_198 = tpu.sem_alloc : memref<!tpu.dma_semaphore, #tpu.memory_space<semaphore_mem>>
            %dma_start3A_199 = arith.constant 0 : i32
            %dma_start3A_200 = tpu.memref_slice %arg10[%rem3A_180, %dma_start3A_199] : memref<2x128xi32, #tpu.memory_space<vmem>> -> memref<1x128xi32, #tpu.memory_space<vmem>>
            %dma_start3A_201 = tpu.memref_squeeze %dma_start3A_200 : memref<1x128xi32, #tpu.memory_space<vmem>> -> memref<128xi32, #tpu.memory_space<vmem>>
            %dma_start3A_202 = tpu.memref_slice %arg4[%mul3A_185] : memref<327680xi32, #tpu.memory_space<hbm>> -> memref<128xi32, #tpu.memory_space<hbm>>
            %dma_start3A_203 = arith.constant 0 : i32
            %dma_start3A_204 = tpu.memref_slice %arg10[%rem3A_180, %dma_start3A_203] : memref<2x128xi32, #tpu.memory_space<vmem>> -> memref<1x128xi32, #tpu.memory_space<vmem>>
            %dma_start3A_205 = tpu.memref_squeeze %dma_start3A_204 : memref<1x128xi32, #tpu.memory_space<vmem>> -> memref<128xi32, #tpu.memory_space<vmem>>
            %dma_start3A_206 = tpu.memref_slice %arg4[%mul3A_185] : memref<327680xi32, #tpu.memory_space<hbm>> -> memref<128xi32, #tpu.memory_space<hbm>>
            tpu.enqueue_dma source(%dma_start3A_206 : memref<128xi32, #tpu.memory_space<hbm>>) target(%dma_start3A_205 : memref<128xi32, #tpu.memory_space<vmem>>) target_semaphore(%run_scoped3A_198 : memref<!tpu.dma_semaphore, #tpu.memory_space<semaphore_mem>>)
            %dma_wait3A_207 = arith.constant 0 : i32
            %dma_wait3A_208 = tpu.memref_slice %arg10[%rem3A_180, %dma_wait3A_207] : memref<2x128xi32, #tpu.memory_space<vmem>> -> memref<1x128xi32, #tpu.memory_space<vmem>>
            %dma_wait3A_209 = tpu.memref_squeeze %dma_wait3A_208 : memref<1x128xi32, #tpu.memory_space<vmem>> -> memref<128xi32, #tpu.memory_space<vmem>>
            %dma_wait3A_210 = tpu.memref_slice %arg4[%mul3A_185] : memref<327680xi32, #tpu.memory_space<hbm>> -> memref<128xi32, #tpu.memory_space<hbm>>
            %dma_wait3A_211 = arith.constant 0 : i32
            %dma_wait3A_212 = tpu.memref_slice %arg10[%rem3A_180, %dma_wait3A_211] : memref<2x128xi32, #tpu.memory_space<vmem>> -> memref<1x128xi32, #tpu.memory_space<vmem>>
            %dma_wait3A_213 = tpu.memref_squeeze %dma_wait3A_212 : memref<1x128xi32, #tpu.memory_space<vmem>> -> memref<128xi32, #tpu.memory_space<vmem>>
            %dma_wait3A_214 = tpu.memref_slice %arg4[%mul3A_185] : memref<327680xi32, #tpu.memory_space<hbm>> -> memref<128xi32, #tpu.memory_space<hbm>>
            tpu.wait_dma2 semaphore(%run_scoped3A_198 : memref<!tpu.dma_semaphore, #tpu.memory_space<semaphore_mem>>) src(%dma_wait3A_214 : memref<128xi32, #tpu.memory_space<hbm>>) dst(%dma_wait3A_213 : memref<128xi32, #tpu.memory_space<vmem>>)
            tpu.yield
          }) : () -> ()
          %dma_start3A_186 = arith.constant 0 : i32
          %dma_start3A_187 = arith.constant 0 : i32
          %dma_start3A_188 = tpu.memref_slice %arg7[%rem3A_180, %dma_start3A_186, %dma_start3A_187] : memref<2x128x128xf32, #tpu.memory_space<vmem>> -> memref<1x128x128xf32, #tpu.memory_space<vmem>>
          %dma_start3A_189 = tpu.memref_squeeze %dma_start3A_188 : memref<1x128x128xf32, #tpu.memory_space<vmem>> -> memref<128x128xf32, #tpu.memory_space<vmem>>
          %dma_start3A_190 = arith.constant 0 : i32
          %dma_start3A_191 = tpu.memref_slice %arg9[%rem3A_180, %dma_start3A_190] : memref<2x128xi32, #tpu.memory_space<vmem>> -> memref<1x128xi32, #tpu.memory_space<vmem>>
          %dma_start3A_192 = tpu.memref_squeeze %dma_start3A_191 : memref<1x128xi32, #tpu.memory_space<vmem>> -> memref<128xi32, #tpu.memory_space<vmem>>
          %dma_start3A_193 = arith.constant 0 : i32
          %dma_start3A_194 = arith.constant 0 : i32
          %dma_start3A_195 = tpu.memref_slice %arg2[%dma_start3A_193, %dma_start3A_194] : memref<10000x128xf32, #tpu.memory_space<hbm>> -> memref<10000x128xf32, #tpu.memory_space<hbm>>
          %dma_start3A_196 = tpu.memref_slice %arg13[%rem3A_180] : memref<2x!tpu.dma_semaphore, #tpu.memory_space<semaphore_mem>> -> memref<1x!tpu.dma_semaphore, #tpu.memory_space<semaphore_mem>>
          %dma_start3A_197 = tpu.memref_squeeze %dma_start3A_196 : memref<1x!tpu.dma_semaphore, #tpu.memory_space<semaphore_mem>> -> memref<!tpu.dma_semaphore, #tpu.memory_space<semaphore_mem>>
          tpu.enqueue_indirect_dma source(%dma_start3A_195 : memref<10000x128xf32, #tpu.memory_space<hbm>>) target(%dma_start3A_189 : memref<128x128xf32, #tpu.memory_space<vmem>>) offsets(%dma_start3A_192 : memref<128xi32, #tpu.memory_space<vmem>>) semaphore(%dma_start3A_197 : memref<!tpu.dma_semaphore, #tpu.memory_space<semaphore_mem>>)
        } else {
        }
        %dma_wait3A = arith.constant 0 : i32
        %dma_wait3A_165 = arith.constant 0 : i32
        %dma_wait3A_166 = tpu.memref_slice %arg7[%rem3A_158, %dma_wait3A, %dma_wait3A_165] : memref<2x128x128xf32, #tpu.memory_space<vmem>> -> memref<1x128x128xf32, #tpu.memory_space<vmem>>
        %dma_wait3A_167 = tpu.memref_squeeze %dma_wait3A_166 : memref<1x128x128xf32, #tpu.memory_space<vmem>> -> memref<128x128xf32, #tpu.memory_space<vmem>>
        %dma_wait3A_168 = arith.constant 0 : i32
        %dma_wait3A_169 = tpu.memref_slice %arg9[%rem3A_158, %dma_wait3A_168] : memref<2x128xi32, #tpu.memory_space<vmem>> -> memref<1x128xi32, #tpu.memory_space<vmem>>
        %dma_wait3A_170 = tpu.memref_squeeze %dma_wait3A_169 : memref<1x128xi32, #tpu.memory_space<vmem>> -> memref<128xi32, #tpu.memory_space<vmem>>
        %dma_wait3A_171 = arith.constant 0 : i32
        %dma_wait3A_172 = arith.constant 0 : i32
        %dma_wait3A_173 = tpu.memref_slice %arg2[%dma_wait3A_171, %dma_wait3A_172] : memref<10000x128xf32, #tpu.memory_space<hbm>> -> memref<10000x128xf32, #tpu.memory_space<hbm>>
        %dma_wait3A_174 = tpu.memref_slice %arg13[%rem3A_158] : memref<2x!tpu.dma_semaphore, #tpu.memory_space<semaphore_mem>> -> memref<1x!tpu.dma_semaphore, #tpu.memory_space<semaphore_mem>>
        %dma_wait3A_175 = tpu.memref_squeeze %dma_wait3A_174 : memref<1x!tpu.dma_semaphore, #tpu.memory_space<semaphore_mem>> -> memref<!tpu.dma_semaphore, #tpu.memory_space<semaphore_mem>>
        tpu.wait_indirect_dma semaphore(%dma_wait3A_175 : memref<!tpu.dma_semaphore, #tpu.memory_space<semaphore_mem>>) src(%dma_wait3A_173 : memref<10000x128xf32, #tpu.memory_space<hbm>>) dst(%dma_wait3A_167 : memref<128x128xf32, #tpu.memory_space<vmem>>)
        "tpu.region"() ({
          %run_scoped3A_177 = tpu.sem_alloc : memref<!tpu.dma_semaphore, #tpu.memory_space<semaphore_mem>>
          %dma_start3A_178 = arith.constant 0 : i32
          %dma_start3A_179 = arith.constant 0 : i32
          %dma_start3A_180 = tpu.memref_slice %arg7[%rem3A_158, %dma_start3A_178, %dma_start3A_179] : memref<2x128x128xf32, #tpu.memory_space<vmem>> -> memref<1x128x128xf32, #tpu.memory_space<vmem>>
          %dma_start3A_181 = tpu.memref_squeeze %dma_start3A_180 : memref<1x128x128xf32, #tpu.memory_space<vmem>> -> memref<128x128xf32, #tpu.memory_space<vmem>>
          %dma_start3A_182 = arith.constant 0 : i32
          %dma_start3A_183 = tpu.memref_slice %arg10[%rem3A_158, %dma_start3A_182] : memref<2x128xi32, #tpu.memory_space<vmem>> -> memref<1x128xi32, #tpu.memory_space<vmem>>
          %dma_start3A_184 = tpu.memref_squeeze %dma_start3A_183 : memref<1x128xi32, #tpu.memory_space<vmem>> -> memref<128xi32, #tpu.memory_space<vmem>>
          %dma_start3A_185 = arith.constant 0 : i32
          %dma_start3A_186 = arith.constant 0 : i32
          %dma_start3A_187 = tpu.memref_slice %arg12[%dma_start3A_185, %dma_start3A_186] : memref<6144x128xf32, #tpu.memory_space<vmem_shared>> -> memref<6144x128xf32, #tpu.memory_space<vmem_shared>>
          tpu.enqueue_indirect_dma source(%dma_start3A_181 : memref<128x128xf32, #tpu.memory_space<vmem>>) target(%dma_start3A_187 : memref<6144x128xf32, #tpu.memory_space<vmem_shared>>) offsets(%dma_start3A_184 : memref<128xi32, #tpu.memory_space<vmem>>) semaphore(%run_scoped3A_177 : memref<!tpu.dma_semaphore, #tpu.memory_space<semaphore_mem>>) {add = true}
          %dma_wait3A_188 = arith.constant 0 : i32
          %dma_wait3A_189 = arith.constant 0 : i32
          %dma_wait3A_190 = tpu.memref_slice %arg7[%rem3A_158, %dma_wait3A_188, %dma_wait3A_189] : memref<2x128x128xf32, #tpu.memory_space<vmem>> -> memref<1x128x128xf32, #tpu.memory_space<vmem>>
          %dma_wait3A_191 = tpu.memref_squeeze %dma_wait3A_190 : memref<1x128x128xf32, #tpu.memory_space<vmem>> -> memref<128x128xf32, #tpu.memory_space<vmem>>
          %dma_wait3A_192 = arith.constant 0 : i32
          %dma_wait3A_193 = tpu.memref_slice %arg10[%rem3A_158, %dma_wait3A_192] : memref<2x128xi32, #tpu.memory_space<vmem>> -> memref<1x128xi32, #tpu.memory_space<vmem>>
          %dma_wait3A_194 = tpu.memref_squeeze %dma_wait3A_193 : memref<1x128xi32, #tpu.memory_space<vmem>> -> memref<128xi32, #tpu.memory_space<vmem>>
          %dma_wait3A_195 = arith.constant 0 : i32
          %dma_wait3A_196 = arith.constant 0 : i32
          %dma_wait3A_197 = tpu.memref_slice %arg12[%dma_wait3A_195, %dma_wait3A_196] : memref<6144x128xf32, #tpu.memory_space<vmem_shared>> -> memref<6144x128xf32, #tpu.memory_space<vmem_shared>>
          tpu.wait_indirect_dma semaphore(%run_scoped3A_177 : memref<!tpu.dma_semaphore, #tpu.memory_space<semaphore_mem>>) src(%dma_wait3A_191 : memref<128x128xf32, #tpu.memory_space<vmem>>) dst(%dma_wait3A_197 : memref<6144x128xf32, #tpu.memory_space<vmem_shared>>)
          tpu.yield
        }) : () -> ()
        %while3A_176 = arith.constant 0 : i32
        scf.yield %while3A_176 : i32
      }
      %while3A_153 = arith.constant 1 : i32
      %while3A_154 = scf.for %while3A_155 = %while3A_150 to %while3A_146 step %while3A_153 iter_args(%while3A_156 = %while3A_152) -> (i32)  : i32 {
        %rem3A_157 = arith.constant 2 : i32
        %rem3A_158 = arith.remsi %while3A_155, %rem3A_157 : i32
        %add3A_159 = arith.constant 1 : i32
        %add3A_160 = arith.addi %while3A_155, %add3A_159 : i32
        %lt3A_161 = arith.cmpi slt, %add3A_160, %add3A_85 : i32
        %convert_element_type3A_162 = arith.extui %lt3A_161 : i1 to i32
        %cond3A_163 = arith.constant 0 : i32
        %cond3A_164 = arith.cmpi ne, %convert_element_type3A_162, %cond3A_163 : i32
        scf.if %cond3A_164 {
          %add3A_177 = arith.constant 1 : i32
          %add3A_178 = arith.addi %while3A_155, %add3A_177 : i32
          %rem3A_179 = arith.constant 2 : i32
          %rem3A_180 = arith.remsi %add3A_178, %rem3A_179 : i32
          %add3A_181 = arith.addi %add3A_112, %while3A_155 : i32
          %add3A_182 = arith.constant 1 : i32
          %add3A_183 = arith.addi %add3A_181, %add3A_182 : i32
          %mul3A_184 = arith.constant 128 : i32
          %mul3A_185 = arith.muli %add3A_183, %mul3A_184 : i32
          "tpu.region"() ({
            %run_scoped3A_198 = tpu.sem_alloc : memref<!tpu.dma_semaphore, #tpu.memory_space<semaphore_mem>>
            %dma_start3A_199 = arith.constant 0 : i32
            %dma_start3A_200 = tpu.memref_slice %arg9[%rem3A_180, %dma_start3A_199] : memref<2x128xi32, #tpu.memory_space<vmem>> -> memref<1x128xi32, #tpu.memory_space<vmem>>
            %dma_start3A_201 = tpu.memref_squeeze %dma_start3A_200 : memref<1x128xi32, #tpu.memory_space<vmem>> -> memref<128xi32, #tpu.memory_space<vmem>>
            %dma_start3A_202 = tpu.memref_slice %arg3[%mul3A_185] : memref<327680xi32, #tpu.memory_space<hbm>> -> memref<128xi32, #tpu.memory_space<hbm>>
            %dma_start3A_203 = arith.constant 0 : i32
            %dma_start3A_204 = tpu.memref_slice %arg9[%rem3A_180, %dma_start3A_203] : memref<2x128xi32, #tpu.memory_space<vmem>> -> memref<1x128xi32, #tpu.memory_space<vmem>>
            %dma_start3A_205 = tpu.memref_squeeze %dma_start3A_204 : memref<1x128xi32, #tpu.memory_space<vmem>> -> memref<128xi32, #tpu.memory_space<vmem>>
            %dma_start3A_206 = tpu.memref_slice %arg3[%mul3A_185] : memref<327680xi32, #tpu.memory_space<hbm>> -> memref<128xi32, #tpu.memory_space<hbm>>
            tpu.enqueue_dma source(%dma_start3A_206 : memref<128xi32, #tpu.memory_space<hbm>>) target(%dma_start3A_205 : memref<128xi32, #tpu.memory_space<vmem>>) target_semaphore(%run_scoped3A_198 : memref<!tpu.dma_semaphore, #tpu.memory_space<semaphore_mem>>)
            %dma_wait3A_207 = arith.constant 0 : i32
            %dma_wait3A_208 = tpu.memref_slice %arg9[%rem3A_180, %dma_wait3A_207] : memref<2x128xi32, #tpu.memory_space<vmem>> -> memref<1x128xi32, #tpu.memory_space<vmem>>
            %dma_wait3A_209 = tpu.memref_squeeze %dma_wait3A_208 : memref<1x128xi32, #tpu.memory_space<vmem>> -> memref<128xi32, #tpu.memory_space<vmem>>
            %dma_wait3A_210 = tpu.memref_slice %arg3[%mul3A_185] : memref<327680xi32, #tpu.memory_space<hbm>> -> memref<128xi32, #tpu.memory_space<hbm>>
            %dma_wait3A_211 = arith.constant 0 : i32
            %dma_wait3A_212 = tpu.memref_slice %arg9[%rem3A_180, %dma_wait3A_211] : memref<2x128xi32, #tpu.memory_space<vmem>> -> memref<1x128xi32, #tpu.memory_space<vmem>>
            %dma_wait3A_213 = tpu.memref_squeeze %dma_wait3A_212 : memref<1x128xi32, #tpu.memory_space<vmem>> -> memref<128xi32, #tpu.memory_space<vmem>>
            %dma_wait3A_214 = tpu.memref_slice %arg3[%mul3A_185] : memref<327680xi32, #tpu.memory_space<hbm>> -> memref<128xi32, #tpu.memory_space<hbm>>
            tpu.wait_dma2 semaphore(%run_scoped3A_198 : memref<!tpu.dma_semaphore, #tpu.memory_space<semaphore_mem>>) src(%dma_wait3A_214 : memref<128xi32, #tpu.memory_space<hbm>>) dst(%dma_wait3A_213 : memref<128xi32, #tpu.memory_space<vmem>>)
            tpu.yield
          }) : () -> ()
          "tpu.region"() ({
            %run_scoped3A_198 = tpu.sem_alloc : memref<!tpu.dma_semaphore, #tpu.memory_space<semaphore_mem>>
            %dma_start3A_199 = arith.constant 0 : i32
            %dma_start3A_200 = tpu.memref_slice %arg10[%rem3A_180, %dma_start3A_199] : memref<2x128xi32, #tpu.memory_space<vmem>> -> memref<1x128xi32, #tpu.memory_space<vmem>>
            %dma_start3A_201 = tpu.memref_squeeze %dma_start3A_200 : memref<1x128xi32, #tpu.memory_space<vmem>> -> memref<128xi32, #tpu.memory_space<vmem>>
            %dma_start3A_202 = tpu.memref_slice %arg4[%mul3A_185] : memref<327680xi32, #tpu.memory_space<hbm>> -> memref<128xi32, #tpu.memory_space<hbm>>
            %dma_start3A_203 = arith.constant 0 : i32
            %dma_start3A_204 = tpu.memref_slice %arg10[%rem3A_180, %dma_start3A_203] : memref<2x128xi32, #tpu.memory_space<vmem>> -> memref<1x128xi32, #tpu.memory_space<vmem>>
            %dma_start3A_205 = tpu.memref_squeeze %dma_start3A_204 : memref<1x128xi32, #tpu.memory_space<vmem>> -> memref<128xi32, #tpu.memory_space<vmem>>
            %dma_start3A_206 = tpu.memref_slice %arg4[%mul3A_185] : memref<327680xi32, #tpu.memory_space<hbm>> -> memref<128xi32, #tpu.memory_space<hbm>>
            tpu.enqueue_dma source(%dma_start3A_206 : memref<128xi32, #tpu.memory_space<hbm>>) target(%dma_start3A_205 : memref<128xi32, #tpu.memory_space<vmem>>) target_semaphore(%run_scoped3A_198 : memref<!tpu.dma_semaphore, #tpu.memory_space<semaphore_mem>>)
            %dma_wait3A_207 = arith.constant 0 : i32
            %dma_wait3A_208 = tpu.memref_slice %arg10[%rem3A_180, %dma_wait3A_207] : memref<2x128xi32, #tpu.memory_space<vmem>> -> memref<1x128xi32, #tpu.memory_space<vmem>>
            %dma_wait3A_209 = tpu.memref_squeeze %dma_wait3A_208 : memref<1x128xi32, #tpu.memory_space<vmem>> -> memref<128xi32, #tpu.memory_space<vmem>>
            %dma_wait3A_210 = tpu.memref_slice %arg4[%mul3A_185] : memref<327680xi32, #tpu.memory_space<hbm>> -> memref<128xi32, #tpu.memory_space<hbm>>
            %dma_wait3A_211 = arith.constant 0 : i32
            %dma_wait3A_212 = tpu.memref_slice %arg10[%rem3A_180, %dma_wait3A_211] : memref<2x128xi32, #tpu.memory_space<vmem>> -> memref<1x128xi32, #tpu.memory_space<vmem>>
            %dma_wait3A_213 = tpu.memref_squeeze %dma_wait3A_212 : memref<1x128xi32, #tpu.memory_space<vmem>> -> memref<128xi32, #tpu.memory_space<vmem>>
            %dma_wait3A_214 = tpu.memref_slice %arg4[%mul3A_185] : memref<327680xi32, #tpu.memory_space<hbm>> -> memref<128xi32, #tpu.memory_space<hbm>>
            tpu.wait_dma2 semaphore(%run_scoped3A_198 : memref<!tpu.dma_semaphore, #tpu.memory_space<semaphore_mem>>) src(%dma_wait3A_214 : memref<128xi32, #tpu.memory_space<hbm>>) dst(%dma_wait3A_213 : memref<128xi32, #tpu.memory_space<vmem>>)
            tpu.yield
          }) : () -> ()
          %dma_start3A_186 = arith.constant 0 : i32
          %dma_start3A_187 = arith.constant 0 : i32
          %dma_start3A_188 = tpu.memref_slice %arg7[%rem3A_180, %dma_start3A_186, %dma_start3A_187] : memref<2x128x128xf32, #tpu.memory_space<vmem>> -> memref<1x128x128xf32, #tpu.memory_space<vmem>>
          %dma_start3A_189 = tpu.memref_squeeze %dma_start3A_188 : memref<1x128x128xf32, #tpu.memory_space<vmem>> -> memref<128x128xf32, #tpu.memory_space<vmem>>
          %dma_start3A_190 = arith.constant 0 : i32
          %dma_start3A_191 = tpu.memref_slice %arg9[%rem3A_180, %dma_start3A_190] : memref<2x128xi32, #tpu.memory_space<vmem>> -> memref<1x128xi32, #tpu.memory_space<vmem>>
          %dma_start3A_192 = tpu.memref_squeeze %dma_start3A_191 : memref<1x128xi32, #tpu.memory_space<vmem>> -> memref<128xi32, #tpu.memory_space<vmem>>
          %dma_start3A_193 = arith.constant 0 : i32
          %dma_start3A_194 = arith.constant 0 : i32
          %dma_start3A_195 = tpu.memref_slice %arg2[%dma_start3A_193, %dma_start3A_194] : memref<10000x128xf32, #tpu.memory_space<hbm>> -> memref<10000x128xf32, #tpu.memory_space<hbm>>
          %dma_start3A_196 = tpu.memref_slice %arg13[%rem3A_180] : memref<2x!tpu.dma_semaphore, #tpu.memory_space<semaphore_mem>> -> memref<1x!tpu.dma_semaphore, #tpu.memory_space<semaphore_mem>>
          %dma_start3A_197 = tpu.memref_squeeze %dma_start3A_196 : memref<1x!tpu.dma_semaphore, #tpu.memory_space<semaphore_mem>> -> memref<!tpu.dma_semaphore, #tpu.memory_space<semaphore_mem>>
          tpu.enqueue_indirect_dma source(%dma_start3A_195 : memref<10000x128xf32, #tpu.memory_space<hbm>>) target(%dma_start3A_189 : memref<128x128xf32, #tpu.memory_space<vmem>>) offsets(%dma_start3A_192 : memref<128xi32, #tpu.memory_space<vmem>>) semaphore(%dma_start3A_197 : memref<!tpu.dma_semaphore, #tpu.memory_space<semaphore_mem>>)
        } else {
        }
        %dma_wait3A = arith.constant 0 : i32
        %dma_wait3A_165 = arith.constant 0 : i32
        %dma_wait3A_166 = tpu.memref_slice %arg7[%rem3A_158, %dma_wait3A, %dma_wait3A_165] : memref<2x128x128xf32, #tpu.memory_space<vmem>> -> memref<1x128x128xf32, #tpu.memory_space<vmem>>
        %dma_wait3A_167 = tpu.memref_squeeze %dma_wait3A_166 : memref<1x128x128xf32, #tpu.memory_space<vmem>> -> memref<128x128xf32, #tpu.memory_space<vmem>>
        %dma_wait3A_168 = arith.constant 0 : i32
        %dma_wait3A_169 = tpu.memref_slice %arg9[%rem3A_158, %dma_wait3A_168] : memref<2x128xi32, #tpu.memory_space<vmem>> -> memref<1x128xi32, #tpu.memory_space<vmem>>
        %dma_wait3A_170 = tpu.memref_squeeze %dma_wait3A_169 : memref<1x128xi32, #tpu.memory_space<vmem>> -> memref<128xi32, #tpu.memory_space<vmem>>
        %dma_wait3A_171 = arith.constant 0 : i32
        %dma_wait3A_172 = arith.constant 0 : i32
        %dma_wait3A_173 = tpu.memref_slice %arg2[%dma_wait3A_171, %dma_wait3A_172] : memref<10000x128xf32, #tpu.memory_space<hbm>> -> memref<10000x128xf32, #tpu.memory_space<hbm>>
        %dma_wait3A_174 = tpu.memref_slice %arg13[%rem3A_158] : memref<2x!tpu.dma_semaphore, #tpu.memory_space<semaphore_mem>> -> memref<1x!tpu.dma_semaphore, #tpu.memory_space<semaphore_mem>>
        %dma_wait3A_175 = tpu.memref_squeeze %dma_wait3A_174 : memref<1x!tpu.dma_semaphore, #tpu.memory_space<semaphore_mem>> -> memref<!tpu.dma_semaphore, #tpu.memory_space<semaphore_mem>>
        tpu.wait_indirect_dma semaphore(%dma_wait3A_175 : memref<!tpu.dma_semaphore, #tpu.memory_space<semaphore_mem>>) src(%dma_wait3A_173 : memref<10000x128xf32, #tpu.memory_space<hbm>>) dst(%dma_wait3A_167 : memref<128x128xf32, #tpu.memory_space<vmem>>)
        "tpu.region"() ({
          %run_scoped3A_177 = tpu.sem_alloc : memref<!tpu.dma_semaphore, #tpu.memory_space<semaphore_mem>>
          %dma_start3A_178 = arith.constant 0 : i32
          %dma_start3A_179 = arith.constant 0 : i32
          %dma_start3A_180 = tpu.memref_slice %arg7[%rem3A_158, %dma_start3A_178, %dma_start3A_179] : memref<2x128x128xf32, #tpu.memory_space<vmem>> -> memref<1x128x128xf32, #tpu.memory_space<vmem>>
          %dma_start3A_181 = tpu.memref_squeeze %dma_start3A_180 : memref<1x128x128xf32, #tpu.memory_space<vmem>> -> memref<128x128xf32, #tpu.memory_space<vmem>>
          %dma_start3A_182 = arith.constant 0 : i32
          %dma_start3A_183 = tpu.memref_slice %arg10[%rem3A_158, %dma_start3A_182] : memref<2x128xi32, #tpu.memory_space<vmem>> -> memref<1x128xi32, #tpu.memory_space<vmem>>
          %dma_start3A_184 = tpu.memref_squeeze %dma_start3A_183 : memref<1x128xi32, #tpu.memory_space<vmem>> -> memref<128xi32, #tpu.memory_space<vmem>>
          %dma_start3A_185 = arith.constant 0 : i32
          %dma_start3A_186 = arith.constant 0 : i32
          %dma_start3A_187 = tpu.memref_slice %arg12[%dma_start3A_185, %dma_start3A_186] : memref<6144x128xf32, #tpu.memory_space<vmem_shared>> -> memref<6144x128xf32, #tpu.memory_space<vmem_shared>>
          tpu.enqueue_indirect_dma source(%dma_start3A_181 : memref<128x128xf32, #tpu.memory_space<vmem>>) target(%dma_start3A_187 : memref<6144x128xf32, #tpu.memory_space<vmem_shared>>) offsets(%dma_start3A_184 : memref<128xi32, #tpu.memory_space<vmem>>) semaphore(%run_scoped3A_177 : memref<!tpu.dma_semaphore, #tpu.memory_space<semaphore_mem>>) {add = true}
          %dma_wait3A_188 = arith.constant 0 : i32
          %dma_wait3A_189 = arith.constant 0 : i32
          %dma_wait3A_190 = tpu.memref_slice %arg7[%rem3A_158, %dma_wait3A_188, %dma_wait3A_189] : memref<2x128x128xf32, #tpu.memory_space<vmem>> -> memref<1x128x128xf32, #tpu.memory_space<vmem>>
          %dma_wait3A_191 = tpu.memref_squeeze %dma_wait3A_190 : memref<1x128x128xf32, #tpu.memory_space<vmem>> -> memref<128x128xf32, #tpu.memory_space<vmem>>
          %dma_wait3A_192 = arith.constant 0 : i32
          %dma_wait3A_193 = tpu.memref_slice %arg10[%rem3A_158, %dma_wait3A_192] : memref<2x128xi32, #tpu.memory_space<vmem>> -> memref<1x128xi32, #tpu.memory_space<vmem>>
          %dma_wait3A_194 = tpu.memref_squeeze %dma_wait3A_193 : memref<1x128xi32, #tpu.memory_space<vmem>> -> memref<128xi32, #tpu.memory_space<vmem>>
          %dma_wait3A_195 = arith.constant 0 : i32
          %dma_wait3A_196 = arith.constant 0 : i32
          %dma_wait3A_197 = tpu.memref_slice %arg12[%dma_wait3A_195, %dma_wait3A_196] : memref<6144x128xf32, #tpu.memory_space<vmem_shared>> -> memref<6144x128xf32, #tpu.memory_space<vmem_shared>>
          tpu.wait_indirect_dma semaphore(%run_scoped3A_177 : memref<!tpu.dma_semaphore, #tpu.memory_space<semaphore_mem>>) src(%dma_wait3A_191 : memref<128x128xf32, #tpu.memory_space<vmem>>) dst(%dma_wait3A_197 : memref<6144x128xf32, #tpu.memory_space<vmem_shared>>)
          tpu.yield
        }) : () -> ()
        %while3A_176 = arith.constant 0 : i32
        scf.yield %while3A_176 : i32
      }
    } else {
    }
    %barrier3A_115 = arith.constant 0 : index
    tpu.barrier barrier_id(%barrier3A_115)
    %mul3A_116 = arith.constant 320 : i32
    %mul3A_117 = arith.muli %arg1, %mul3A_116 : i32
    %mul3A_118 = arith.constant 640 : i32
    %mul3A_119 = arith.muli %arg0, %mul3A_118 : i32
    %mul3A_120 = arith.constant 40 : i32
    %mul3A_121 = arith.muli %arg1, %mul3A_120 : i32
    %add3A_122 = arith.addi %mul3A_119, %mul3A_121 : i32
    %mul3A_123 = arith.constant 8 : i32
    %mul3A_124 = arith.muli %add3A_122, %mul3A_123 : i32
    "tpu.region"() ({
      %run_scoped3A = tpu.sem_alloc : memref<!tpu.dma_semaphore, #tpu.memory_space<semaphore_mem>>
      %dma_start3A = arith.constant 0 : i32
      %dma_start3A_125 = tpu.memref_slice %arg6[%mul3A_124, %dma_start3A] : memref<10240x128xf32, #tpu.memory_space<hbm>> -> memref<320x128xf32, #tpu.memory_space<hbm>>
      %dma_start3A_126 = arith.constant 0 : i32
      %dma_start3A_127 = tpu.memref_slice %arg12[%mul3A_117, %dma_start3A_126] : memref<6144x128xf32, #tpu.memory_space<vmem_shared>> -> memref<320x128xf32, #tpu.memory_space<vmem_shared>>
      tpu.enqueue_dma source(%dma_start3A_127 : memref<320x128xf32, #tpu.memory_space<vmem_shared>>) target(%dma_start3A_125 : memref<320x128xf32, #tpu.memory_space<hbm>>) target_semaphore(%run_scoped3A : memref<!tpu.dma_semaphore, #tpu.memory_space<semaphore_mem>>)
      %dma_wait3A = arith.constant 0 : i32
      %dma_wait3A_128 = tpu.memref_slice %arg6[%mul3A_124, %dma_wait3A] : memref<10240x128xf32, #tpu.memory_space<hbm>> -> memref<320x128xf32, #tpu.memory_space<hbm>>
      %dma_wait3A_129 = arith.constant 0 : i32
      %dma_wait3A_130 = tpu.memref_slice %arg12[%mul3A_117, %dma_wait3A_129] : memref<6144x128xf32, #tpu.memory_space<vmem_shared>> -> memref<320x128xf32, #tpu.memory_space<vmem_shared>>
      tpu.wait_dma2 semaphore(%run_scoped3A : memref<!tpu.dma_semaphore, #tpu.memory_space<semaphore_mem>>) src(%dma_wait3A_130 : memref<320x128xf32, #tpu.memory_space<vmem_shared>>) dst(%dma_wait3A_128 : memref<320x128xf32, #tpu.memory_space<hbm>>)
      tpu.yield
    }) : () -> ()
    return
  }
}

#map = affine_map<(d0, d1) -> (0, 0, 0)>
#map1 = affine_map<(d0, d1) -> (0, 0)>
module attributes {stable_mosaic.version = 14 : i64} {
  func.func @k(%arg0: i32, %arg1: i32, %arg2: memref<32x79x128xi32, #tpu.memory_space<hbm>>, %arg3: memref<32x79x128xi32, #tpu.memory_space<hbm>>, %arg4: memref<32x79x128xi32, #tpu.memory_space<hbm>>, %arg5: memref<8x128xi32, #tpu.memory_space<hbm>>, %arg6: memref<2x10240xf32, #tpu.memory_space<hbm>>, %arg7: memref<2x327680xi32, #tpu.memory_space<hbm>>, %arg8: memref<2x327680xi32, #tpu.memory_space<hbm>>, %arg9: memref<79x128xi32, #tpu.memory_space<vmem>>, %arg10: memref<79x128xi32, #tpu.memory_space<vmem>>, %arg11: memref<79x128xi32, #tpu.memory_space<vmem>>, %arg12: memref<128xf32, #tpu.memory_space<vmem>>, %arg13: memref<2048xi32, #tpu.memory_space<vmem>>, %arg14: memref<640xf32, #tpu.memory_space<vmem>>, %arg15: memref<8x128xi32, #tpu.memory_space<vmem>>, %arg16: memref<10240xf32, #tpu.memory_space<vmem_shared>>, %arg17: memref<327680xi32, #tpu.memory_space<vmem_shared>>, %arg18: memref<327680xi32, #tpu.memory_space<vmem_shared>>) attributes {dimension_semantics = [#tpu.dimension_semantics<core_parallel>, #tpu.dimension_semantics<subcore_parallel>], iteration_bounds = array<i64: 2, 16>, scalar_prefetch = 0 : i64, scratch_operands = 10 : i64, tpu.core_type = #tpu.core_type<sc_vector_subcore>, window_params = [{transform_indices = #map}, {transform_indices = #map}, {transform_indices = #map}, {transform_indices = #map1}, {transform_indices = #map1}, {transform_indices = #map1}, {transform_indices = #map1}]} {
    %mul3A = arith.constant 2 : i32
    %mul3A_0 = arith.muli %arg1, %mul3A : i32
    %add3A = arith.addi %mul3A_0, %arg0 : i32
    %scan3A = arith.constant 0 : i32
    %scan3A_1 = arith.constant 0 : i32
    %scan3A_2 = arith.constant 8 : i32
    %scan3A_3 = arith.addi %scan3A_1, %scan3A_2 : i32
    %scan3A_4 = arith.constant 1 : i32
    %scan3A_5 = scf.for %scan3A_68 = %scan3A_1 to %scan3A_3 step %scan3A_4 iter_args(%scan3A_69 = %scan3A) -> (i32)  : i32 {
      %broadcast_in_dim3A = arith.constant 1.000000e+00 : f32
      %broadcast_in_dim3A_70 = vector.broadcast %broadcast_in_dim3A : f32 to vector<16xf32>
      %mul3A_71 = arith.constant 16 : i32
      %mul3A_72 = arith.muli %scan3A_68, %mul3A_71 : i32
      %swap3A = arith.index_cast %mul3A_72 : i32 to index
      %swap3A_73 = tpu.vector_load %arg12[%swap3A] {strides = array<i32>} : memref<128xf32, #tpu.memory_space<vmem>>, vector<16xf32>,
      %swap3A_74 = vector.shape_cast %swap3A_73 : vector<16xf32> to vector<16xf32>
      %swap3A_75 = vector.shape_cast %broadcast_in_dim3A_70 : vector<16xf32> to vector<16xf32>
      tpu.vector_store %arg12[%swap3A], %swap3A_75 {strides = array<i32>} : memref<128xf32, #tpu.memory_space<vmem>>, vector<16xf32>,
      %scan3A_76 = arith.constant 0 : i32
      scf.yield %scan3A_76 : i32
    }
    %scan3A_6 = arith.constant 8 : i32
    %scan3A_7 = arith.constant 0 : i32
    %scan3A_8 = arith.constant 0 : i32
    %scan3A_9 = arith.constant 128 : i32
    %scan3A_10 = arith.addi %scan3A_8, %scan3A_9 : i32
    %scan3A_11 = arith.constant 1 : i32
    %scan3A_12 = scf.for %scan3A_68 = %scan3A_8 to %scan3A_10 step %scan3A_11 iter_args(%scan3A_69 = %scan3A_7) -> (i32)  : i32 {
      %broadcast_in_dim3A = arith.constant 0 : i32
      %broadcast_in_dim3A_70 = vector.broadcast %broadcast_in_dim3A : i32 to vector<16xi32>
      %mul3A_71 = arith.constant 16 : i32
      %mul3A_72 = arith.muli %scan3A_68, %mul3A_71 : i32
      %swap3A = arith.index_cast %mul3A_72 : i32 to index
      %swap3A_73 = tpu.vector_load %arg13[%swap3A] {strides = array<i32>} : memref<2048xi32, #tpu.memory_space<vmem>>, vector<16xi32>,
      %swap3A_74 = vector.shape_cast %swap3A_73 : vector<16xi32> to vector<16xi32>
      %swap3A_75 = vector.shape_cast %broadcast_in_dim3A_70 : vector<16xi32> to vector<16xi32>
      tpu.vector_store %arg13[%swap3A], %swap3A_75 {strides = array<i32>} : memref<2048xi32, #tpu.memory_space<vmem>>, vector<16xi32>,
      %scan3A_76 = arith.constant 0 : i32
      scf.yield %scan3A_76 : i32
    }
    %scan3A_13 = arith.constant 128 : i32
    %scan3A_14 = arith.constant 0 : i32
    %scan3A_15 = arith.constant 0 : i32
    %scan3A_16 = arith.constant 40 : i32
    %scan3A_17 = arith.addi %scan3A_15, %scan3A_16 : i32
    %scan3A_18 = arith.constant 1 : i32
    %scan3A_19 = scf.for %scan3A_68 = %scan3A_15 to %scan3A_17 step %scan3A_18 iter_args(%scan3A_69 = %scan3A_14) -> (i32)  : i32 {
      %broadcast_in_dim3A = arith.constant 0.000000e+00 : f32
      %broadcast_in_dim3A_70 = vector.broadcast %broadcast_in_dim3A : f32 to vector<16xf32>
      %mul3A_71 = arith.constant 16 : i32
      %mul3A_72 = arith.muli %scan3A_68, %mul3A_71 : i32
      %swap3A = arith.index_cast %mul3A_72 : i32 to index
      %swap3A_73 = tpu.vector_load %arg14[%swap3A] {strides = array<i32>} : memref<640xf32, #tpu.memory_space<vmem>>, vector<16xf32>,
      %swap3A_74 = vector.shape_cast %swap3A_73 : vector<16xf32> to vector<16xf32>
      %swap3A_75 = vector.shape_cast %broadcast_in_dim3A_70 : vector<16xf32> to vector<16xf32>
      tpu.vector_store %arg14[%swap3A], %swap3A_75 {strides = array<i32>} : memref<640xf32, #tpu.memory_space<vmem>>, vector<16xf32>,
      %scan3A_76 = arith.constant 0 : i32
      scf.yield %scan3A_76 : i32
    }
    %scan3A_20 = arith.constant 40 : i32
    %scan3A_21 = arith.constant 0 : i32
    %scan3A_22 = arith.constant 0 : i32
    %scan3A_23 = arith.constant 10 : i32
    %scan3A_24 = arith.addi %scan3A_22, %scan3A_23 : i32
    %scan3A_25 = arith.constant 1 : i32
    %scan3A_26 = scf.for %scan3A_68 = %scan3A_22 to %scan3A_24 step %scan3A_25 iter_args(%scan3A_69 = %scan3A_21) -> (i32)  : i32 {
      %mul3A_70 = arith.constant 20480 : i32
      %mul3A_71 = arith.muli %arg1, %mul3A_70 : i32
      %mul3A_72 = arith.constant 2048 : i32
      %mul3A_73 = arith.muli %scan3A_68, %mul3A_72 : i32
      %add3A_74 = arith.addi %mul3A_71, %mul3A_73 : i32
      "tpu.region"() ({
        %run_scoped3A = tpu.sem_alloc : memref<!tpu.dma_semaphore, #tpu.memory_space<semaphore_mem>>
        %dma_start3A = tpu.memref_slice %arg17[%add3A_74] : memref<327680xi32, #tpu.memory_space<vmem_shared>> -> memref<2048xi32, #tpu.memory_space<vmem_shared>>
        %dma_start3A_81 = tpu.memref_slice %arg17[%add3A_74] : memref<327680xi32, #tpu.memory_space<vmem_shared>> -> memref<2048xi32, #tpu.memory_space<vmem_shared>>
        tpu.enqueue_dma source(%arg13 : memref<2048xi32, #tpu.memory_space<vmem>>) target(%dma_start3A_81 : memref<2048xi32, #tpu.memory_space<vmem_shared>>) target_semaphore(%run_scoped3A : memref<!tpu.dma_semaphore, #tpu.memory_space<semaphore_mem>>)
        %dma_wait3A = tpu.memref_slice %arg17[%add3A_74] : memref<327680xi32, #tpu.memory_space<vmem_shared>> -> memref<2048xi32, #tpu.memory_space<vmem_shared>>
        %dma_wait3A_82 = tpu.memref_slice %arg17[%add3A_74] : memref<327680xi32, #tpu.memory_space<vmem_shared>> -> memref<2048xi32, #tpu.memory_space<vmem_shared>>
        tpu.wait_dma2 semaphore(%run_scoped3A : memref<!tpu.dma_semaphore, #tpu.memory_space<semaphore_mem>>) src(%arg13 : memref<2048xi32, #tpu.memory_space<vmem>>) dst(%dma_wait3A_82 : memref<2048xi32, #tpu.memory_space<vmem_shared>>)
        tpu.yield
      }) : () -> ()
      %mul3A_75 = arith.constant 20480 : i32
      %mul3A_76 = arith.muli %arg1, %mul3A_75 : i32
      %mul3A_77 = arith.constant 2048 : i32
      %mul3A_78 = arith.muli %scan3A_68, %mul3A_77 : i32
      %add3A_79 = arith.addi %mul3A_76, %mul3A_78 : i32
      "tpu.region"() ({
        %run_scoped3A = tpu.sem_alloc : memref<!tpu.dma_semaphore, #tpu.memory_space<semaphore_mem>>
        %dma_start3A = tpu.memref_slice %arg18[%add3A_79] : memref<327680xi32, #tpu.memory_space<vmem_shared>> -> memref<2048xi32, #tpu.memory_space<vmem_shared>>
        %dma_start3A_81 = tpu.memref_slice %arg18[%add3A_79] : memref<327680xi32, #tpu.memory_space<vmem_shared>> -> memref<2048xi32, #tpu.memory_space<vmem_shared>>
        tpu.enqueue_dma source(%arg13 : memref<2048xi32, #tpu.memory_space<vmem>>) target(%dma_start3A_81 : memref<2048xi32, #tpu.memory_space<vmem_shared>>) target_semaphore(%run_scoped3A : memref<!tpu.dma_semaphore, #tpu.memory_space<semaphore_mem>>)
        %dma_wait3A = tpu.memref_slice %arg18[%add3A_79] : memref<327680xi32, #tpu.memory_space<vmem_shared>> -> memref<2048xi32, #tpu.memory_space<vmem_shared>>
        %dma_wait3A_82 = tpu.memref_slice %arg18[%add3A_79] : memref<327680xi32, #tpu.memory_space<vmem_shared>> -> memref<2048xi32, #tpu.memory_space<vmem_shared>>
        tpu.wait_dma2 semaphore(%run_scoped3A : memref<!tpu.dma_semaphore, #tpu.memory_space<semaphore_mem>>) src(%arg13 : memref<2048xi32, #tpu.memory_space<vmem>>) dst(%dma_wait3A_82 : memref<2048xi32, #tpu.memory_space<vmem_shared>>)
        tpu.yield
      }) : () -> ()
      %scan3A_80 = arith.constant 0 : i32
      scf.yield %scan3A_80 : i32
    }
    %scan3A_27 = arith.constant 10 : i32
    %mul3A_28 = arith.constant 640 : i32
    %mul3A_29 = arith.muli %arg1, %mul3A_28 : i32
    "tpu.region"() ({
      %run_scoped3A = tpu.sem_alloc : memref<!tpu.dma_semaphore, #tpu.memory_space<semaphore_mem>>
      %dma_start3A = tpu.memref_slice %arg16[%mul3A_29] : memref<10240xf32, #tpu.memory_space<vmem_shared>> -> memref<640xf32, #tpu.memory_space<vmem_shared>>
      %dma_start3A_68 = tpu.memref_slice %arg16[%mul3A_29] : memref<10240xf32, #tpu.memory_space<vmem_shared>> -> memref<640xf32, #tpu.memory_space<vmem_shared>>
      tpu.enqueue_dma source(%arg14 : memref<640xf32, #tpu.memory_space<vmem>>) target(%dma_start3A_68 : memref<640xf32, #tpu.memory_space<vmem_shared>>) target_semaphore(%run_scoped3A : memref<!tpu.dma_semaphore, #tpu.memory_space<semaphore_mem>>)
      %dma_wait3A = tpu.memref_slice %arg16[%mul3A_29] : memref<10240xf32, #tpu.memory_space<vmem_shared>> -> memref<640xf32, #tpu.memory_space<vmem_shared>>
      %dma_wait3A_69 = tpu.memref_slice %arg16[%mul3A_29] : memref<10240xf32, #tpu.memory_space<vmem_shared>> -> memref<640xf32, #tpu.memory_space<vmem_shared>>
      tpu.wait_dma2 semaphore(%run_scoped3A : memref<!tpu.dma_semaphore, #tpu.memory_space<semaphore_mem>>) src(%arg14 : memref<640xf32, #tpu.memory_space<vmem>>) dst(%dma_wait3A_69 : memref<640xf32, #tpu.memory_space<vmem_shared>>)
      tpu.yield
    }) : () -> ()
    "tpu.region"() ({
      %run_scoped3A = tpu.sem_alloc : memref<!tpu.dma_semaphore, #tpu.memory_space<semaphore_mem>>
      %dma_start3A = arith.constant 0 : i32
      %dma_start3A_68 = arith.constant 0 : i32
      %dma_start3A_69 = tpu.memref_slice %arg2[%add3A, %dma_start3A, %dma_start3A_68] : memref<32x79x128xi32, #tpu.memory_space<hbm>> -> memref<1x79x128xi32, #tpu.memory_space<hbm>>
      %dma_start3A_70 = tpu.memref_squeeze %dma_start3A_69 : memref<1x79x128xi32, #tpu.memory_space<hbm>> -> memref<79x128xi32, #tpu.memory_space<hbm>>
      %dma_start3A_71 = arith.constant 0 : i32
      %dma_start3A_72 = arith.constant 0 : i32
      %dma_start3A_73 = tpu.memref_slice %arg2[%add3A, %dma_start3A_71, %dma_start3A_72] : memref<32x79x128xi32, #tpu.memory_space<hbm>> -> memref<1x79x128xi32, #tpu.memory_space<hbm>>
      %dma_start3A_74 = tpu.memref_squeeze %dma_start3A_73 : memref<1x79x128xi32, #tpu.memory_space<hbm>> -> memref<79x128xi32, #tpu.memory_space<hbm>>
      tpu.enqueue_dma source(%dma_start3A_74 : memref<79x128xi32, #tpu.memory_space<hbm>>) target(%arg9 : memref<79x128xi32, #tpu.memory_space<vmem>>) target_semaphore(%run_scoped3A : memref<!tpu.dma_semaphore, #tpu.memory_space<semaphore_mem>>)
      %dma_wait3A = arith.constant 0 : i32
      %dma_wait3A_75 = arith.constant 0 : i32
      %dma_wait3A_76 = tpu.memref_slice %arg2[%add3A, %dma_wait3A, %dma_wait3A_75] : memref<32x79x128xi32, #tpu.memory_space<hbm>> -> memref<1x79x128xi32, #tpu.memory_space<hbm>>
      %dma_wait3A_77 = tpu.memref_squeeze %dma_wait3A_76 : memref<1x79x128xi32, #tpu.memory_space<hbm>> -> memref<79x128xi32, #tpu.memory_space<hbm>>
      %dma_wait3A_78 = arith.constant 0 : i32
      %dma_wait3A_79 = arith.constant 0 : i32
      %dma_wait3A_80 = tpu.memref_slice %arg2[%add3A, %dma_wait3A_78, %dma_wait3A_79] : memref<32x79x128xi32, #tpu.memory_space<hbm>> -> memref<1x79x128xi32, #tpu.memory_space<hbm>>
      %dma_wait3A_81 = tpu.memref_squeeze %dma_wait3A_80 : memref<1x79x128xi32, #tpu.memory_space<hbm>> -> memref<79x128xi32, #tpu.memory_space<hbm>>
      tpu.wait_dma2 semaphore(%run_scoped3A : memref<!tpu.dma_semaphore, #tpu.memory_space<semaphore_mem>>) src(%dma_wait3A_81 : memref<79x128xi32, #tpu.memory_space<hbm>>) dst(%arg9 : memref<79x128xi32, #tpu.memory_space<vmem>>)
      tpu.yield
    }) : () -> ()
    "tpu.region"() ({
      %run_scoped3A = tpu.sem_alloc : memref<!tpu.dma_semaphore, #tpu.memory_space<semaphore_mem>>
      %dma_start3A = arith.constant 0 : i32
      %dma_start3A_68 = arith.constant 0 : i32
      %dma_start3A_69 = tpu.memref_slice %arg3[%add3A, %dma_start3A, %dma_start3A_68] : memref<32x79x128xi32, #tpu.memory_space<hbm>> -> memref<1x79x128xi32, #tpu.memory_space<hbm>>
      %dma_start3A_70 = tpu.memref_squeeze %dma_start3A_69 : memref<1x79x128xi32, #tpu.memory_space<hbm>> -> memref<79x128xi32, #tpu.memory_space<hbm>>
      %dma_start3A_71 = arith.constant 0 : i32
      %dma_start3A_72 = arith.constant 0 : i32
      %dma_start3A_73 = tpu.memref_slice %arg3[%add3A, %dma_start3A_71, %dma_start3A_72] : memref<32x79x128xi32, #tpu.memory_space<hbm>> -> memref<1x79x128xi32, #tpu.memory_space<hbm>>
      %dma_start3A_74 = tpu.memref_squeeze %dma_start3A_73 : memref<1x79x128xi32, #tpu.memory_space<hbm>> -> memref<79x128xi32, #tpu.memory_space<hbm>>
      tpu.enqueue_dma source(%dma_start3A_74 : memref<79x128xi32, #tpu.memory_space<hbm>>) target(%arg10 : memref<79x128xi32, #tpu.memory_space<vmem>>) target_semaphore(%run_scoped3A : memref<!tpu.dma_semaphore, #tpu.memory_space<semaphore_mem>>)
      %dma_wait3A = arith.constant 0 : i32
      %dma_wait3A_75 = arith.constant 0 : i32
      %dma_wait3A_76 = tpu.memref_slice %arg3[%add3A, %dma_wait3A, %dma_wait3A_75] : memref<32x79x128xi32, #tpu.memory_space<hbm>> -> memref<1x79x128xi32, #tpu.memory_space<hbm>>
      %dma_wait3A_77 = tpu.memref_squeeze %dma_wait3A_76 : memref<1x79x128xi32, #tpu.memory_space<hbm>> -> memref<79x128xi32, #tpu.memory_space<hbm>>
      %dma_wait3A_78 = arith.constant 0 : i32
      %dma_wait3A_79 = arith.constant 0 : i32
      %dma_wait3A_80 = tpu.memref_slice %arg3[%add3A, %dma_wait3A_78, %dma_wait3A_79] : memref<32x79x128xi32, #tpu.memory_space<hbm>> -> memref<1x79x128xi32, #tpu.memory_space<hbm>>
      %dma_wait3A_81 = tpu.memref_squeeze %dma_wait3A_80 : memref<1x79x128xi32, #tpu.memory_space<hbm>> -> memref<79x128xi32, #tpu.memory_space<hbm>>
      tpu.wait_dma2 semaphore(%run_scoped3A : memref<!tpu.dma_semaphore, #tpu.memory_space<semaphore_mem>>) src(%dma_wait3A_81 : memref<79x128xi32, #tpu.memory_space<hbm>>) dst(%arg10 : memref<79x128xi32, #tpu.memory_space<vmem>>)
      tpu.yield
    }) : () -> ()
    "tpu.region"() ({
      %run_scoped3A = tpu.sem_alloc : memref<!tpu.dma_semaphore, #tpu.memory_space<semaphore_mem>>
      %dma_start3A = arith.constant 0 : i32
      %dma_start3A_68 = arith.constant 0 : i32
      %dma_start3A_69 = tpu.memref_slice %arg4[%add3A, %dma_start3A, %dma_start3A_68] : memref<32x79x128xi32, #tpu.memory_space<hbm>> -> memref<1x79x128xi32, #tpu.memory_space<hbm>>
      %dma_start3A_70 = tpu.memref_squeeze %dma_start3A_69 : memref<1x79x128xi32, #tpu.memory_space<hbm>> -> memref<79x128xi32, #tpu.memory_space<hbm>>
      %dma_start3A_71 = arith.constant 0 : i32
      %dma_start3A_72 = arith.constant 0 : i32
      %dma_start3A_73 = tpu.memref_slice %arg4[%add3A, %dma_start3A_71, %dma_start3A_72] : memref<32x79x128xi32, #tpu.memory_space<hbm>> -> memref<1x79x128xi32, #tpu.memory_space<hbm>>
      %dma_start3A_74 = tpu.memref_squeeze %dma_start3A_73 : memref<1x79x128xi32, #tpu.memory_space<hbm>> -> memref<79x128xi32, #tpu.memory_space<hbm>>
      tpu.enqueue_dma source(%dma_start3A_74 : memref<79x128xi32, #tpu.memory_space<hbm>>) target(%arg11 : memref<79x128xi32, #tpu.memory_space<vmem>>) target_semaphore(%run_scoped3A : memref<!tpu.dma_semaphore, #tpu.memory_space<semaphore_mem>>)
      %dma_wait3A = arith.constant 0 : i32
      %dma_wait3A_75 = arith.constant 0 : i32
      %dma_wait3A_76 = tpu.memref_slice %arg4[%add3A, %dma_wait3A, %dma_wait3A_75] : memref<32x79x128xi32, #tpu.memory_space<hbm>> -> memref<1x79x128xi32, #tpu.memory_space<hbm>>
      %dma_wait3A_77 = tpu.memref_squeeze %dma_wait3A_76 : memref<1x79x128xi32, #tpu.memory_space<hbm>> -> memref<79x128xi32, #tpu.memory_space<hbm>>
      %dma_wait3A_78 = arith.constant 0 : i32
      %dma_wait3A_79 = arith.constant 0 : i32
      %dma_wait3A_80 = tpu.memref_slice %arg4[%add3A, %dma_wait3A_78, %dma_wait3A_79] : memref<32x79x128xi32, #tpu.memory_space<hbm>> -> memref<1x79x128xi32, #tpu.memory_space<hbm>>
      %dma_wait3A_81 = tpu.memref_squeeze %dma_wait3A_80 : memref<1x79x128xi32, #tpu.memory_space<hbm>> -> memref<79x128xi32, #tpu.memory_space<hbm>>
      tpu.wait_dma2 semaphore(%run_scoped3A : memref<!tpu.dma_semaphore, #tpu.memory_space<semaphore_mem>>) src(%dma_wait3A_81 : memref<79x128xi32, #tpu.memory_space<hbm>>) dst(%arg11 : memref<79x128xi32, #tpu.memory_space<vmem>>)
      tpu.yield
    }) : () -> ()
    "tpu.region"() ({
      %run_scoped3A = tpu.sem_alloc : memref<!tpu.dma_semaphore, #tpu.memory_space<semaphore_mem>>
      tpu.enqueue_dma source(%arg5 : memref<8x128xi32, #tpu.memory_space<hbm>>) target(%arg15 : memref<8x128xi32, #tpu.memory_space<vmem>>) target_semaphore(%run_scoped3A : memref<!tpu.dma_semaphore, #tpu.memory_space<semaphore_mem>>)
      tpu.wait_dma2 semaphore(%run_scoped3A : memref<!tpu.dma_semaphore, #tpu.memory_space<semaphore_mem>>) src(%arg5 : memref<8x128xi32, #tpu.memory_space<hbm>>) dst(%arg15 : memref<8x128xi32, #tpu.memory_space<vmem>>)
      tpu.yield
    }) : () -> ()
    %get3A = arith.constant 1 : i32
    %get3A_30 = arith.index_cast %get3A : i32 to index
    %get3A_31 = arith.constant 0 : index
    %get3A_32 = tpu.vector_load %arg15[%get3A_30, %get3A_31] {strides = array<i32>} : memref<8x128xi32, #tpu.memory_space<vmem>>, vector<1x16xi32>,
    %get3A_33 = vector.shape_cast %get3A_32 : vector<1x16xi32> to vector<16xi32>
    %slice3A = vector.extract_strided_slice %get3A_33 {offsets = [0], sizes = [1], strides = [1]} : vector<16xi32> to vector<1xi32>
    %squeeze3A = vector.extract %slice3A[0] : i32 from vector<1xi32>
    %get3A_34 = arith.constant 3 : i32
    %get3A_35 = arith.index_cast %get3A_34 : i32 to index
    %get3A_36 = arith.constant 0 : index
    %get3A_37 = tpu.vector_load %arg15[%get3A_35, %get3A_36] {strides = array<i32>} : memref<8x128xi32, #tpu.memory_space<vmem>>, vector<1x16xi32>,
    %get3A_38 = vector.shape_cast %get3A_37 : vector<1x16xi32> to vector<16xi32>
    %slice3A_39 = vector.extract_strided_slice %get3A_38 {offsets = [0], sizes = [1], strides = [1]} : vector<16xi32> to vector<1xi32>
    %squeeze3A_40 = vector.extract %slice3A_39[0] : i32 from vector<1xi32>
    %scan3A_41 = arith.constant 0 : i32
    %scan3A_42 = arith.constant 0 : i32
    %scan3A_43 = arith.constant 632 : i32
    %scan3A_44 = arith.addi %scan3A_42, %scan3A_43 : i32
    %scan3A_45 = arith.constant 1 : i32
    %scan3A_46 = scf.for %scan3A_68 = %scan3A_42 to %scan3A_44 step %scan3A_45 iter_args(%scan3A_69 = %scan3A_41) -> (i32)  : i32 {
      %jit3A = arith.constant 8 : i32
      %div3A = arith.divsi %scan3A_68, %jit3A : i32
      %sign3A = arith.constant 0 : i32
      %sign3A_70 = arith.cmpi sgt, %scan3A_68, %sign3A : i32
      %sign3A_71 = arith.extui %sign3A_70 : i1 to i32
      %sign3A_72 = arith.constant 0 : i32
      %sign3A_73 = arith.cmpi slt, %scan3A_68, %sign3A_72 : i32
      %sign3A_74 = arith.extui %sign3A_73 : i1 to i32
      %sign3A_75 = arith.subi %sign3A_71, %sign3A_74 : i32
      %sign3A_76 = arith.constant 0 : i32
      %sign3A_77 = arith.cmpi sgt, %jit3A, %sign3A_76 : i32
      %sign3A_78 = arith.extui %sign3A_77 : i1 to i32
      %sign3A_79 = arith.constant 0 : i32
      %sign3A_80 = arith.cmpi slt, %jit3A, %sign3A_79 : i32
      %sign3A_81 = arith.extui %sign3A_80 : i1 to i32
      %sign3A_82 = arith.subi %sign3A_78, %sign3A_81 : i32
      %ne3A = arith.cmpi ne, %sign3A_75, %sign3A_82 : i32
      %rem3A = arith.remsi %scan3A_68, %jit3A : i32
      %ne3A_83 = arith.constant 0 : i32
      %ne3A_84 = arith.cmpi ne, %rem3A, %ne3A_83 : i32
      %and3A = arith.andi %ne3A, %ne3A_84 : i1
      %sub3A = arith.constant 1 : i32
      %sub3A_85 = arith.subi %div3A, %sub3A : i32
      %select_n3A = arith.select %and3A, %sub3A_85, %div3A : i32
      %rem3A_86 = arith.constant 8 : i32
      %rem3A_87 = arith.remsi %scan3A_68, %rem3A_86 : i32
      %mul3A_88 = arith.constant 16 : i32
      %mul3A_89 = arith.muli %rem3A_87, %mul3A_88 : i32
      %get3A_90 = arith.index_cast %select_n3A : i32 to index
      %get3A_91 = arith.index_cast %mul3A_89 : i32 to index
      %get3A_92 = tpu.vector_load %arg10[%get3A_90, %get3A_91] {strides = array<i32>} : memref<79x128xi32, #tpu.memory_space<vmem>>, vector<1x16xi32>,
      %get3A_93 = vector.shape_cast %get3A_92 : vector<1x16xi32> to vector<16xi32>
      %mul3A_94 = arith.constant 16 : i32
      %mul3A_95 = arith.muli %rem3A_87, %mul3A_94 : i32
      %get3A_96 = arith.index_cast %select_n3A : i32 to index
      %get3A_97 = arith.index_cast %mul3A_95 : i32 to index
      %get3A_98 = tpu.vector_load %arg11[%get3A_96, %get3A_97] {strides = array<i32>} : memref<79x128xi32, #tpu.memory_space<vmem>>, vector<1x16xi32>,
      %get3A_99 = vector.shape_cast %get3A_98 : vector<1x16xi32> to vector<16xi32>
      %ge3A = arith.constant 5120 : i32
      %ge3A_100 = vector.broadcast %ge3A : i32 to vector<16xi32>
      %ge3A_101 = arith.cmpi sge, %get3A_93, %ge3A_100 : vector<16xi32>
      %jit3A_102 = arith.constant 0 : i32
      %broadcast_in_dim3A = vector.broadcast %squeeze3A : i32 to vector<16xi32>
      %broadcast_in_dim3A_103 = vector.broadcast %jit3A_102 : i32 to vector<16xi32>
      %select_n3A_104 = arith.select %ge3A_101, %broadcast_in_dim3A, %broadcast_in_dim3A_103 : vector<16xi1>, vector<16xi32>
      %ge3A_105 = arith.constant 10000 : i32
      %ge3A_106 = vector.broadcast %ge3A_105 : i32 to vector<16xi32>
      %ge3A_107 = arith.cmpi sge, %get3A_93, %ge3A_106 : vector<16xi32>
      %jit3A_108 = arith.constant 0 : i32
      %broadcast_in_dim3A_109 = vector.broadcast %squeeze3A_40 : i32 to vector<16xi32>
      %broadcast_in_dim3A_110 = vector.broadcast %jit3A_108 : i32 to vector<16xi32>
      %select_n3A_111 = arith.select %ge3A_107, %broadcast_in_dim3A_109, %broadcast_in_dim3A_110 : vector<16xi1>, vector<16xi32>
      %add3A_112 = arith.addi %select_n3A_104, %select_n3A_111 : vector<16xi32>
      %add3A_113 = arith.addi %get3A_99, %add3A_112 : vector<16xi32>
      %mul3A_114 = arith.constant 16 : i32
      %mul3A_115 = arith.muli %rem3A_87, %mul3A_114 : i32
      %swap3A = arith.index_cast %select_n3A : i32 to index
      %swap3A_116 = arith.index_cast %mul3A_115 : i32 to index
      %swap3A_117 = tpu.vector_load %arg11[%swap3A, %swap3A_116] {strides = array<i32>} : memref<79x128xi32, #tpu.memory_space<vmem>>, vector<1x16xi32>,
      %swap3A_118 = vector.shape_cast %swap3A_117 : vector<1x16xi32> to vector<16xi32>
      %swap3A_119 = vector.shape_cast %add3A_113 : vector<16xi32> to vector<1x16xi32>
      tpu.vector_store %arg11[%swap3A, %swap3A_116], %swap3A_119 {strides = array<i32>} : memref<79x128xi32, #tpu.memory_space<vmem>>, vector<1x16xi32>,
      %scan3A_120 = arith.constant 0 : i32
      scf.yield %scan3A_120 : i32
    }
    %scan3A_47 = arith.constant 632 : i32
    %barrier3A = arith.constant 0 : index
    tpu.barrier barrier_id(%barrier3A)
    %scan3A_48 = arith.constant 0 : i32
    %scan3A_49 = arith.constant 0 : i32
    %scan3A_50 = arith.constant 79 : i32
    %scan3A_51 = arith.addi %scan3A_49, %scan3A_50 : i32
    %scan3A_52 = arith.constant 1 : i32
    %scan3A_53 = scf.for %scan3A_68 = %scan3A_49 to %scan3A_51 step %scan3A_52 iter_args(%scan3A_69 = %scan3A_48) -> (i32)  : i32 {
      "tpu.region"() ({
        %run_scoped3A = tpu.sem_alloc : memref<!tpu.dma_semaphore, #tpu.memory_space<semaphore_mem>>
        %dma_start3A = arith.constant 0 : i32
        %dma_start3A_71 = tpu.memref_slice %arg10[%scan3A_68, %dma_start3A] : memref<79x128xi32, #tpu.memory_space<vmem>> -> memref<1x128xi32, #tpu.memory_space<vmem>>
        %dma_start3A_72 = tpu.memref_squeeze %dma_start3A_71 : memref<1x128xi32, #tpu.memory_space<vmem>> -> memref<128xi32, #tpu.memory_space<vmem>>
        %dma_start3A_73 = arith.constant 0 : i32
        %dma_start3A_74 = tpu.memref_slice %arg16[%dma_start3A_73] : memref<10240xf32, #tpu.memory_space<vmem_shared>> -> memref<10240xf32, #tpu.memory_space<vmem_shared>>
        tpu.enqueue_indirect_dma source(%arg12 : memref<128xf32, #tpu.memory_space<vmem>>) target(%dma_start3A_74 : memref<10240xf32, #tpu.memory_space<vmem_shared>>) offsets(%dma_start3A_72 : memref<128xi32, #tpu.memory_space<vmem>>) semaphore(%run_scoped3A : memref<!tpu.dma_semaphore, #tpu.memory_space<semaphore_mem>>) {add = true}
        %dma_wait3A = arith.constant 0 : i32
        %dma_wait3A_75 = tpu.memref_slice %arg10[%scan3A_68, %dma_wait3A] : memref<79x128xi32, #tpu.memory_space<vmem>> -> memref<1x128xi32, #tpu.memory_space<vmem>>
        %dma_wait3A_76 = tpu.memref_squeeze %dma_wait3A_75 : memref<1x128xi32, #tpu.memory_space<vmem>> -> memref<128xi32, #tpu.memory_space<vmem>>
        %dma_wait3A_77 = arith.constant 0 : i32
        %dma_wait3A_78 = tpu.memref_slice %arg16[%dma_wait3A_77] : memref<10240xf32, #tpu.memory_space<vmem_shared>> -> memref<10240xf32, #tpu.memory_space<vmem_shared>>
        tpu.wait_indirect_dma semaphore(%run_scoped3A : memref<!tpu.dma_semaphore, #tpu.memory_space<semaphore_mem>>) src(%arg12 : memref<128xf32, #tpu.memory_space<vmem>>) dst(%dma_wait3A_78 : memref<10240xf32, #tpu.memory_space<vmem_shared>>)
        tpu.yield
      }) : () -> ()
      "tpu.region"() ({
        %run_scoped3A = tpu.sem_alloc : memref<!tpu.dma_semaphore, #tpu.memory_space<semaphore_mem>>
        %dma_start3A = arith.constant 0 : i32
        %dma_start3A_71 = tpu.memref_slice %arg9[%scan3A_68, %dma_start3A] : memref<79x128xi32, #tpu.memory_space<vmem>> -> memref<1x128xi32, #tpu.memory_space<vmem>>
        %dma_start3A_72 = tpu.memref_squeeze %dma_start3A_71 : memref<1x128xi32, #tpu.memory_space<vmem>> -> memref<128xi32, #tpu.memory_space<vmem>>
        %dma_start3A_73 = arith.constant 0 : i32
        %dma_start3A_74 = tpu.memref_slice %arg11[%scan3A_68, %dma_start3A_73] : memref<79x128xi32, #tpu.memory_space<vmem>> -> memref<1x128xi32, #tpu.memory_space<vmem>>
        %dma_start3A_75 = tpu.memref_squeeze %dma_start3A_74 : memref<1x128xi32, #tpu.memory_space<vmem>> -> memref<128xi32, #tpu.memory_space<vmem>>
        %dma_start3A_76 = arith.constant 0 : i32
        %dma_start3A_77 = tpu.memref_slice %arg17[%dma_start3A_76] : memref<327680xi32, #tpu.memory_space<vmem_shared>> -> memref<327680xi32, #tpu.memory_space<vmem_shared>>
        tpu.enqueue_indirect_dma source(%dma_start3A_72 : memref<128xi32, #tpu.memory_space<vmem>>) target(%dma_start3A_77 : memref<327680xi32, #tpu.memory_space<vmem_shared>>) offsets(%dma_start3A_75 : memref<128xi32, #tpu.memory_space<vmem>>) semaphore(%run_scoped3A : memref<!tpu.dma_semaphore, #tpu.memory_space<semaphore_mem>>) {add = true}
        %dma_wait3A = arith.constant 0 : i32
        %dma_wait3A_78 = tpu.memref_slice %arg9[%scan3A_68, %dma_wait3A] : memref<79x128xi32, #tpu.memory_space<vmem>> -> memref<1x128xi32, #tpu.memory_space<vmem>>
        %dma_wait3A_79 = tpu.memref_squeeze %dma_wait3A_78 : memref<1x128xi32, #tpu.memory_space<vmem>> -> memref<128xi32, #tpu.memory_space<vmem>>
        %dma_wait3A_80 = arith.constant 0 : i32
        %dma_wait3A_81 = tpu.memref_slice %arg11[%scan3A_68, %dma_wait3A_80] : memref<79x128xi32, #tpu.memory_space<vmem>> -> memref<1x128xi32, #tpu.memory_space<vmem>>
        %dma_wait3A_82 = tpu.memref_squeeze %dma_wait3A_81 : memref<1x128xi32, #tpu.memory_space<vmem>> -> memref<128xi32, #tpu.memory_space<vmem>>
        %dma_wait3A_83 = arith.constant 0 : i32
        %dma_wait3A_84 = tpu.memref_slice %arg17[%dma_wait3A_83] : memref<327680xi32, #tpu.memory_space<vmem_shared>> -> memref<327680xi32, #tpu.memory_space<vmem_shared>>
        tpu.wait_indirect_dma semaphore(%run_scoped3A : memref<!tpu.dma_semaphore, #tpu.memory_space<semaphore_mem>>) src(%dma_wait3A_79 : memref<128xi32, #tpu.memory_space<vmem>>) dst(%dma_wait3A_84 : memref<327680xi32, #tpu.memory_space<vmem_shared>>)
        tpu.yield
      }) : () -> ()
      "tpu.region"() ({
        %run_scoped3A = tpu.sem_alloc : memref<!tpu.dma_semaphore, #tpu.memory_space<semaphore_mem>>
        %dma_start3A = arith.constant 0 : i32
        %dma_start3A_71 = tpu.memref_slice %arg10[%scan3A_68, %dma_start3A] : memref<79x128xi32, #tpu.memory_space<vmem>> -> memref<1x128xi32, #tpu.memory_space<vmem>>
        %dma_start3A_72 = tpu.memref_squeeze %dma_start3A_71 : memref<1x128xi32, #tpu.memory_space<vmem>> -> memref<128xi32, #tpu.memory_space<vmem>>
        %dma_start3A_73 = arith.constant 0 : i32
        %dma_start3A_74 = tpu.memref_slice %arg11[%scan3A_68, %dma_start3A_73] : memref<79x128xi32, #tpu.memory_space<vmem>> -> memref<1x128xi32, #tpu.memory_space<vmem>>
        %dma_start3A_75 = tpu.memref_squeeze %dma_start3A_74 : memref<1x128xi32, #tpu.memory_space<vmem>> -> memref<128xi32, #tpu.memory_space<vmem>>
        %dma_start3A_76 = arith.constant 0 : i32
        %dma_start3A_77 = tpu.memref_slice %arg18[%dma_start3A_76] : memref<327680xi32, #tpu.memory_space<vmem_shared>> -> memref<327680xi32, #tpu.memory_space<vmem_shared>>
        tpu.enqueue_indirect_dma source(%dma_start3A_72 : memref<128xi32, #tpu.memory_space<vmem>>) target(%dma_start3A_77 : memref<327680xi32, #tpu.memory_space<vmem_shared>>) offsets(%dma_start3A_75 : memref<128xi32, #tpu.memory_space<vmem>>) semaphore(%run_scoped3A : memref<!tpu.dma_semaphore, #tpu.memory_space<semaphore_mem>>) {add = true}
        %dma_wait3A = arith.constant 0 : i32
        %dma_wait3A_78 = tpu.memref_slice %arg10[%scan3A_68, %dma_wait3A] : memref<79x128xi32, #tpu.memory_space<vmem>> -> memref<1x128xi32, #tpu.memory_space<vmem>>
        %dma_wait3A_79 = tpu.memref_squeeze %dma_wait3A_78 : memref<1x128xi32, #tpu.memory_space<vmem>> -> memref<128xi32, #tpu.memory_space<vmem>>
        %dma_wait3A_80 = arith.constant 0 : i32
        %dma_wait3A_81 = tpu.memref_slice %arg11[%scan3A_68, %dma_wait3A_80] : memref<79x128xi32, #tpu.memory_space<vmem>> -> memref<1x128xi32, #tpu.memory_space<vmem>>
        %dma_wait3A_82 = tpu.memref_squeeze %dma_wait3A_81 : memref<1x128xi32, #tpu.memory_space<vmem>> -> memref<128xi32, #tpu.memory_space<vmem>>
        %dma_wait3A_83 = arith.constant 0 : i32
        %dma_wait3A_84 = tpu.memref_slice %arg18[%dma_wait3A_83] : memref<327680xi32, #tpu.memory_space<vmem_shared>> -> memref<327680xi32, #tpu.memory_space<vmem_shared>>
        tpu.wait_indirect_dma semaphore(%run_scoped3A : memref<!tpu.dma_semaphore, #tpu.memory_space<semaphore_mem>>) src(%dma_wait3A_79 : memref<128xi32, #tpu.memory_space<vmem>>) dst(%dma_wait3A_84 : memref<327680xi32, #tpu.memory_space<vmem_shared>>)
        tpu.yield
      }) : () -> ()
      %scan3A_70 = arith.constant 0 : i32
      scf.yield %scan3A_70 : i32
    }
    %scan3A_54 = arith.constant 79 : i32
    %barrier3A_55 = arith.constant 0 : index
    tpu.barrier barrier_id(%barrier3A_55)
    %mul3A_56 = arith.constant 640 : i32
    %mul3A_57 = arith.muli %arg1, %mul3A_56 : i32
    %mul3A_58 = arith.constant 640 : i32
    %mul3A_59 = arith.muli %arg1, %mul3A_58 : i32
    "tpu.region"() ({
      %run_scoped3A = tpu.sem_alloc : memref<!tpu.dma_semaphore, #tpu.memory_space<semaphore_mem>>
      %dma_start3A = tpu.memref_slice %arg6[%arg0, %mul3A_59] : memref<2x10240xf32, #tpu.memory_space<hbm>> -> memref<1x640xf32, #tpu.memory_space<hbm>>
      %dma_start3A_68 = tpu.memref_squeeze %dma_start3A : memref<1x640xf32, #tpu.memory_space<hbm>> -> memref<640xf32, #tpu.memory_space<hbm>>
      %dma_start3A_69 = tpu.memref_slice %arg16[%mul3A_57] : memref<10240xf32, #tpu.memory_space<vmem_shared>> -> memref<640xf32, #tpu.memory_space<vmem_shared>>
      tpu.enqueue_dma source(%dma_start3A_69 : memref<640xf32, #tpu.memory_space<vmem_shared>>) target(%dma_start3A_68 : memref<640xf32, #tpu.memory_space<hbm>>) target_semaphore(%run_scoped3A : memref<!tpu.dma_semaphore, #tpu.memory_space<semaphore_mem>>)
      %dma_wait3A = tpu.memref_slice %arg6[%arg0, %mul3A_59] : memref<2x10240xf32, #tpu.memory_space<hbm>> -> memref<1x640xf32, #tpu.memory_space<hbm>>
      %dma_wait3A_70 = tpu.memref_squeeze %dma_wait3A : memref<1x640xf32, #tpu.memory_space<hbm>> -> memref<640xf32, #tpu.memory_space<hbm>>
      %dma_wait3A_71 = tpu.memref_slice %arg16[%mul3A_57] : memref<10240xf32, #tpu.memory_space<vmem_shared>> -> memref<640xf32, #tpu.memory_space<vmem_shared>>
      tpu.wait_dma2 semaphore(%run_scoped3A : memref<!tpu.dma_semaphore, #tpu.memory_space<semaphore_mem>>) src(%dma_wait3A_71 : memref<640xf32, #tpu.memory_space<vmem_shared>>) dst(%dma_wait3A_70 : memref<640xf32, #tpu.memory_space<hbm>>)
      tpu.yield
    }) : () -> ()
    %mul3A_60 = arith.constant 20480 : i32
    %mul3A_61 = arith.muli %arg1, %mul3A_60 : i32
    %mul3A_62 = arith.constant 20480 : i32
    %mul3A_63 = arith.muli %arg1, %mul3A_62 : i32
    "tpu.region"() ({
      %run_scoped3A = tpu.sem_alloc : memref<!tpu.dma_semaphore, #tpu.memory_space<semaphore_mem>>
      %dma_start3A = tpu.memref_slice %arg7[%arg0, %mul3A_63] : memref<2x327680xi32, #tpu.memory_space<hbm>> -> memref<1x20480xi32, #tpu.memory_space<hbm>>
      %dma_start3A_68 = tpu.memref_squeeze %dma_start3A : memref<1x20480xi32, #tpu.memory_space<hbm>> -> memref<20480xi32, #tpu.memory_space<hbm>>
      %dma_start3A_69 = tpu.memref_slice %arg17[%mul3A_61] : memref<327680xi32, #tpu.memory_space<vmem_shared>> -> memref<20480xi32, #tpu.memory_space<vmem_shared>>
      tpu.enqueue_dma source(%dma_start3A_69 : memref<20480xi32, #tpu.memory_space<vmem_shared>>) target(%dma_start3A_68 : memref<20480xi32, #tpu.memory_space<hbm>>) target_semaphore(%run_scoped3A : memref<!tpu.dma_semaphore, #tpu.memory_space<semaphore_mem>>)
      %dma_wait3A = tpu.memref_slice %arg7[%arg0, %mul3A_63] : memref<2x327680xi32, #tpu.memory_space<hbm>> -> memref<1x20480xi32, #tpu.memory_space<hbm>>
      %dma_wait3A_70 = tpu.memref_squeeze %dma_wait3A : memref<1x20480xi32, #tpu.memory_space<hbm>> -> memref<20480xi32, #tpu.memory_space<hbm>>
      %dma_wait3A_71 = tpu.memref_slice %arg17[%mul3A_61] : memref<327680xi32, #tpu.memory_space<vmem_shared>> -> memref<20480xi32, #tpu.memory_space<vmem_shared>>
      tpu.wait_dma2 semaphore(%run_scoped3A : memref<!tpu.dma_semaphore, #tpu.memory_space<semaphore_mem>>) src(%dma_wait3A_71 : memref<20480xi32, #tpu.memory_space<vmem_shared>>) dst(%dma_wait3A_70 : memref<20480xi32, #tpu.memory_space<hbm>>)
      tpu.yield
    }) : () -> ()
    %mul3A_64 = arith.constant 20480 : i32
    %mul3A_65 = arith.muli %arg1, %mul3A_64 : i32
    %mul3A_66 = arith.constant 20480 : i32
    %mul3A_67 = arith.muli %arg1, %mul3A_66 : i32
    "tpu.region"() ({
      %run_scoped3A = tpu.sem_alloc : memref<!tpu.dma_semaphore, #tpu.memory_space<semaphore_mem>>
      %dma_start3A = tpu.memref_slice %arg8[%arg0, %mul3A_67] : memref<2x327680xi32, #tpu.memory_space<hbm>> -> memref<1x20480xi32, #tpu.memory_space<hbm>>
      %dma_start3A_68 = tpu.memref_squeeze %dma_start3A : memref<1x20480xi32, #tpu.memory_space<hbm>> -> memref<20480xi32, #tpu.memory_space<hbm>>
      %dma_start3A_69 = tpu.memref_slice %arg18[%mul3A_65] : memref<327680xi32, #tpu.memory_space<vmem_shared>> -> memref<20480xi32, #tpu.memory_space<vmem_shared>>
      tpu.enqueue_dma source(%dma_start3A_69 : memref<20480xi32, #tpu.memory_space<vmem_shared>>) target(%dma_start3A_68 : memref<20480xi32, #tpu.memory_space<hbm>>) target_semaphore(%run_scoped3A : memref<!tpu.dma_semaphore, #tpu.memory_space<semaphore_mem>>)
      %dma_wait3A = tpu.memref_slice %arg8[%arg0, %mul3A_67] : memref<2x327680xi32, #tpu.memory_space<hbm>> -> memref<1x20480xi32, #tpu.memory_space<hbm>>
      %dma_wait3A_70 = tpu.memref_squeeze %dma_wait3A : memref<1x20480xi32, #tpu.memory_space<hbm>> -> memref<20480xi32, #tpu.memory_space<hbm>>
      %dma_wait3A_71 = tpu.memref_slice %arg18[%mul3A_65] : memref<327680xi32, #tpu.memory_space<vmem_shared>> -> memref<20480xi32, #tpu.memory_space<vmem_shared>>
      tpu.wait_dma2 semaphore(%run_scoped3A : memref<!tpu.dma_semaphore, #tpu.memory_space<semaphore_mem>>) src(%dma_wait3A_71 : memref<20480xi32, #tpu.memory_space<vmem_shared>>) dst(%dma_wait3A_70 : memref<20480xi32, #tpu.memory_space<hbm>>)
      tpu.yield
    }) : () -> ()
    return
  }
}

#map = affine_map<(d0, d1) -> (0, 0)>
#map1 = affine_map<(d0, d1) -> (0)>
module attributes {stable_mosaic.version = 14 : i64} {
  func.func @k(%arg0: i32, %arg1: i32, %arg2: memref<10000x128xf32, #tpu.memory_space<hbm>>, %arg3: memref<327680xi32, #tpu.memory_space<hbm>>, %arg4: memref<327680xi32, #tpu.memory_space<hbm>>, %arg5: memref<8x128xi32, #tpu.memory_space<hbm>>, %arg6: memref<10240x128xf32, #tpu.memory_space<hbm>>, %arg7: memref<2x128x128xf32, #tpu.memory_space<vmem>>, %arg8: memref<128x128xf32, #tpu.memory_space<vmem>>, %arg9: memref<2x128xi32, #tpu.memory_space<vmem>>, %arg10: memref<2x128xi32, #tpu.memory_space<vmem>>, %arg11: memref<8x128xi32, #tpu.memory_space<vmem>>, %arg12: memref<6144x128xf32, #tpu.memory_space<vmem_shared>>, %arg13: memref<2x!tpu.dma_semaphore, #tpu.memory_space<semaphore_mem>>) attributes {dimension_semantics = [#tpu.dimension_semantics<core_parallel>, #tpu.dimension_semantics<subcore_parallel>], iteration_bounds = array<i64: 2, 16>, scalar_prefetch = 0 : i64, scratch_operands = 7 : i64, tpu.core_type = #tpu.core_type<sc_vector_subcore>, window_params = [{transform_indices = #map}, {transform_indices = #map1}, {transform_indices = #map1}, {transform_indices = #map}, {transform_indices = #map}]} {
    %scan3A = arith.constant 0 : i32
    %scan3A_0 = arith.constant 0 : i32
    %scan3A_1 = arith.constant 128 : i32
    %scan3A_2 = arith.addi %scan3A_0, %scan3A_1 : i32
    %scan3A_3 = arith.constant 1 : i32
    %scan3A_4 = scf.for %scan3A_125 = %scan3A_0 to %scan3A_2 step %scan3A_3 iter_args(%scan3A_126 = %scan3A) -> (i32)  : i32 {
      %scan3A_127 = arith.constant 0 : i32
      %scan3A_128 = arith.constant 0 : i32
      %scan3A_129 = arith.constant 8 : i32
      %scan3A_130 = arith.addi %scan3A_128, %scan3A_129 : i32
      %scan3A_131 = arith.constant 1 : i32
      %scan3A_132 = scf.for %scan3A_135 = %scan3A_128 to %scan3A_130 step %scan3A_131 iter_args(%scan3A_136 = %scan3A_127) -> (i32)  : i32 {
        %broadcast_in_dim3A = arith.constant 0.000000e+00 : f32
        %broadcast_in_dim3A_137 = vector.broadcast %broadcast_in_dim3A : f32 to vector<16xf32>
        %mul3A_138 = arith.constant 16 : i32
        %mul3A_139 = arith.muli %scan3A_135, %mul3A_138 : i32
        %swap3A = arith.index_cast %scan3A_125 : i32 to index
        %swap3A_140 = arith.index_cast %mul3A_139 : i32 to index
        %swap3A_141 = tpu.vector_load %arg8[%swap3A, %swap3A_140] {strides = array<i32>} : memref<128x128xf32, #tpu.memory_space<vmem>>, vector<1x16xf32>,
        %swap3A_142 = vector.shape_cast %swap3A_141 : vector<1x16xf32> to vector<16xf32>
        %swap3A_143 = vector.shape_cast %broadcast_in_dim3A_137 : vector<16xf32> to vector<1x16xf32>
        tpu.vector_store %arg8[%swap3A, %swap3A_140], %swap3A_143 {strides = array<i32>} : memref<128x128xf32, #tpu.memory_space<vmem>>, vector<1x16xf32>,
        %scan3A_144 = arith.constant 0 : i32
        scf.yield %scan3A_144 : i32
      }
      %scan3A_133 = arith.constant 8 : i32
      %scan3A_134 = arith.constant 0 : i32
      scf.yield %scan3A_134 : i32
    }
    %scan3A_5 = arith.constant 128 : i32
    %scan3A_6 = arith.constant 0 : i32
    %scan3A_7 = arith.constant 0 : i32
    %scan3A_8 = arith.constant 3 : i32
    %scan3A_9 = arith.addi %scan3A_7, %scan3A_8 : i32
    %scan3A_10 = arith.constant 1 : i32
    %scan3A_11 = scf.for %scan3A_125 = %scan3A_7 to %scan3A_9 step %scan3A_10 iter_args(%scan3A_126 = %scan3A_6) -> (i32)  : i32 {
      %mul3A_127 = arith.constant 384 : i32
      %mul3A_128 = arith.muli %arg1, %mul3A_127 : i32
      %mul3A_129 = arith.constant 128 : i32
      %mul3A_130 = arith.muli %scan3A_125, %mul3A_129 : i32
      %add3A_131 = arith.addi %mul3A_128, %mul3A_130 : i32
      "tpu.region"() ({
        %run_scoped3A = tpu.sem_alloc : memref<!tpu.dma_semaphore, #tpu.memory_space<semaphore_mem>>
        %dma_start3A = arith.constant 0 : i32
        %dma_start3A_133 = tpu.memref_slice %arg12[%add3A_131, %dma_start3A] : memref<6144x128xf32, #tpu.memory_space<vmem_shared>> -> memref<128x128xf32, #tpu.memory_space<vmem_shared>>
        %dma_start3A_134 = arith.constant 0 : i32
        %dma_start3A_135 = tpu.memref_slice %arg12[%add3A_131, %dma_start3A_134] : memref<6144x128xf32, #tpu.memory_space<vmem_shared>> -> memref<128x128xf32, #tpu.memory_space<vmem_shared>>
        tpu.enqueue_dma source(%arg8 : memref<128x128xf32, #tpu.memory_space<vmem>>) target(%dma_start3A_135 : memref<128x128xf32, #tpu.memory_space<vmem_shared>>) target_semaphore(%run_scoped3A : memref<!tpu.dma_semaphore, #tpu.memory_space<semaphore_mem>>)
        %dma_wait3A = arith.constant 0 : i32
        %dma_wait3A_136 = tpu.memref_slice %arg12[%add3A_131, %dma_wait3A] : memref<6144x128xf32, #tpu.memory_space<vmem_shared>> -> memref<128x128xf32, #tpu.memory_space<vmem_shared>>
        %dma_wait3A_137 = arith.constant 0 : i32
        %dma_wait3A_138 = tpu.memref_slice %arg12[%add3A_131, %dma_wait3A_137] : memref<6144x128xf32, #tpu.memory_space<vmem_shared>> -> memref<128x128xf32, #tpu.memory_space<vmem_shared>>
        tpu.wait_dma2 semaphore(%run_scoped3A : memref<!tpu.dma_semaphore, #tpu.memory_space<semaphore_mem>>) src(%arg8 : memref<128x128xf32, #tpu.memory_space<vmem>>) dst(%dma_wait3A_138 : memref<128x128xf32, #tpu.memory_space<vmem_shared>>)
        tpu.yield
      }) : () -> ()
      %scan3A_132 = arith.constant 0 : i32
      scf.yield %scan3A_132 : i32
    }
    %scan3A_12 = arith.constant 3 : i32
    "tpu.region"() ({
      %run_scoped3A = tpu.sem_alloc : memref<!tpu.dma_semaphore, #tpu.memory_space<semaphore_mem>>
      tpu.enqueue_dma source(%arg5 : memref<8x128xi32, #tpu.memory_space<hbm>>) target(%arg11 : memref<8x128xi32, #tpu.memory_space<vmem>>) target_semaphore(%run_scoped3A : memref<!tpu.dma_semaphore, #tpu.memory_space<semaphore_mem>>)
      tpu.wait_dma2 semaphore(%run_scoped3A : memref<!tpu.dma_semaphore, #tpu.memory_space<semaphore_mem>>) src(%arg5 : memref<8x128xi32, #tpu.memory_space<hbm>>) dst(%arg11 : memref<8x128xi32, #tpu.memory_space<vmem>>)
      tpu.yield
    }) : () -> ()
    %get3A = arith.constant 1 : i32
    %get3A_13 = arith.index_cast %get3A : i32 to index
    %get3A_14 = arith.constant 0 : index
    %get3A_15 = tpu.vector_load %arg11[%get3A_13, %get3A_14] {strides = array<i32>} : memref<8x128xi32, #tpu.memory_space<vmem>>, vector<1x16xi32>,
    %get3A_16 = vector.shape_cast %get3A_15 : vector<1x16xi32> to vector<16xi32>
    %slice3A = vector.extract_strided_slice %get3A_16 {offsets = [0], sizes = [1], strides = [1]} : vector<16xi32> to vector<1xi32>
    %squeeze3A = vector.extract %slice3A[0] : i32 from vector<1xi32>
    %get3A_17 = arith.constant 2 : i32
    %get3A_18 = arith.index_cast %get3A_17 : i32 to index
    %get3A_19 = arith.constant 0 : index
    %get3A_20 = tpu.vector_load %arg11[%get3A_18, %get3A_19] {strides = array<i32>} : memref<8x128xi32, #tpu.memory_space<vmem>>, vector<1x16xi32>,
    %get3A_21 = vector.shape_cast %get3A_20 : vector<1x16xi32> to vector<16xi32>
    %slice3A_22 = vector.extract_strided_slice %get3A_21 {offsets = [0], sizes = [1], strides = [1]} : vector<16xi32> to vector<1xi32>
    %squeeze3A_23 = vector.extract %slice3A_22[0] : i32 from vector<1xi32>
    %get3A_24 = arith.constant 3 : i32
    %get3A_25 = arith.index_cast %get3A_24 : i32 to index
    %get3A_26 = arith.constant 0 : index
    %get3A_27 = tpu.vector_load %arg11[%get3A_25, %get3A_26] {strides = array<i32>} : memref<8x128xi32, #tpu.memory_space<vmem>>, vector<1x16xi32>,
    %get3A_28 = vector.shape_cast %get3A_27 : vector<1x16xi32> to vector<16xi32>
    %slice3A_29 = vector.extract_strided_slice %get3A_28 {offsets = [0], sizes = [1], strides = [1]} : vector<16xi32> to vector<1xi32>
    %squeeze3A_30 = vector.extract %slice3A_29[0] : i32 from vector<1xi32>
    %eq3A = arith.constant 0 : i32
    %eq3A_31 = arith.cmpi eq, %arg0, %eq3A : i32
    %jit3A = arith.constant 0 : i32
    %select_n3A = arith.select %eq3A_31, %jit3A, %squeeze3A : i32
    %eq3A_32 = arith.constant 0 : i32
    %eq3A_33 = arith.cmpi eq, %arg0, %eq3A_32 : i32
    %select_n3A_34 = arith.select %eq3A_33, %squeeze3A_23, %squeeze3A_30 : i32
    %add3A = arith.constant 128 : i32
    %add3A_35 = arith.addi %select_n3A_34, %add3A : i32
    %sub3A = arith.constant 1 : i32
    %sub3A_36 = arith.subi %add3A_35, %sub3A : i32
    %jit3A_37 = arith.constant 128 : i32
    %div3A = arith.divsi %sub3A_36, %jit3A_37 : i32
    %sign3A = arith.constant 0 : i32
    %sign3A_38 = arith.cmpi sgt, %sub3A_36, %sign3A : i32
    %sign3A_39 = arith.extui %sign3A_38 : i1 to i32
    %sign3A_40 = arith.constant 0 : i32
    %sign3A_41 = arith.cmpi slt, %sub3A_36, %sign3A_40 : i32
    %sign3A_42 = arith.extui %sign3A_41 : i1 to i32
    %sign3A_43 = arith.subi %sign3A_39, %sign3A_42 : i32
    %sign3A_44 = arith.constant 0 : i32
    %sign3A_45 = arith.cmpi sgt, %jit3A_37, %sign3A_44 : i32
    %sign3A_46 = arith.extui %sign3A_45 : i1 to i32
    %sign3A_47 = arith.constant 0 : i32
    %sign3A_48 = arith.cmpi slt, %jit3A_37, %sign3A_47 : i32
    %sign3A_49 = arith.extui %sign3A_48 : i1 to i32
    %sign3A_50 = arith.subi %sign3A_46, %sign3A_49 : i32
    %ne3A = arith.cmpi ne, %sign3A_43, %sign3A_50 : i32
    %rem3A = arith.remsi %sub3A_36, %jit3A_37 : i32
    %ne3A_51 = arith.constant 0 : i32
    %ne3A_52 = arith.cmpi ne, %rem3A, %ne3A_51 : i32
    %and3A = arith.andi %ne3A, %ne3A_52 : i1
    %sub3A_53 = arith.constant 1 : i32
    %sub3A_54 = arith.subi %div3A, %sub3A_53 : i32
    %select_n3A_55 = arith.select %and3A, %sub3A_54, %div3A : i32
    %jit3A_56 = arith.constant 16 : i32
    %div3A_57 = arith.divsi %select_n3A_55, %jit3A_56 : i32
    %sign3A_58 = arith.constant 0 : i32
    %sign3A_59 = arith.cmpi sgt, %select_n3A_55, %sign3A_58 : i32
    %sign3A_60 = arith.extui %sign3A_59 : i1 to i32
    %sign3A_61 = arith.constant 0 : i32
    %sign3A_62 = arith.cmpi slt, %select_n3A_55, %sign3A_61 : i32
    %sign3A_63 = arith.extui %sign3A_62 : i1 to i32
    %sign3A_64 = arith.subi %sign3A_60, %sign3A_63 : i32
    %sign3A_65 = arith.constant 0 : i32
    %sign3A_66 = arith.cmpi sgt, %jit3A_56, %sign3A_65 : i32
    %sign3A_67 = arith.extui %sign3A_66 : i1 to i32
    %sign3A_68 = arith.constant 0 : i32
    %sign3A_69 = arith.cmpi slt, %jit3A_56, %sign3A_68 : i32
    %sign3A_70 = arith.extui %sign3A_69 : i1 to i32
    %sign3A_71 = arith.subi %sign3A_67, %sign3A_70 : i32
    %ne3A_72 = arith.cmpi ne, %sign3A_64, %sign3A_71 : i32
    %rem3A_73 = arith.remsi %select_n3A_55, %jit3A_56 : i32
    %ne3A_74 = arith.constant 0 : i32
    %ne3A_75 = arith.cmpi ne, %rem3A_73, %ne3A_74 : i32
    %and3A_76 = arith.andi %ne3A_72, %ne3A_75 : i1
    %sub3A_77 = arith.constant 1 : i32
    %sub3A_78 = arith.subi %div3A_57, %sub3A_77 : i32
    %select_n3A_79 = arith.select %and3A_76, %sub3A_78, %div3A_57 : i32
    %mul3A = arith.constant 16 : i32
    %mul3A_80 = arith.muli %select_n3A_79, %mul3A : i32
    %sub3A_81 = arith.subi %select_n3A_55, %mul3A_80 : i32
    %lt3A = arith.cmpi slt, %arg1, %sub3A_81 : i32
    %jit3A_82 = arith.constant 1 : i32
    %jit3A_83 = arith.constant 0 : i32
    %select_n3A_84 = arith.select %lt3A, %jit3A_82, %jit3A_83 : i32
    %add3A_85 = arith.addi %select_n3A_79, %select_n3A_84 : i32
    %jit3A_86 = arith.constant 128 : i32
    %div3A_87 = arith.divsi %select_n3A, %jit3A_86 : i32
    %sign3A_88 = arith.constant 0 : i32
    %sign3A_89 = arith.cmpi sgt, %select_n3A, %sign3A_88 : i32
    %sign3A_90 = arith.extui %sign3A_89 : i1 to i32
    %sign3A_91 = arith.constant 0 : i32
    %sign3A_92 = arith.cmpi slt, %select_n3A, %sign3A_91 : i32
    %sign3A_93 = arith.extui %sign3A_92 : i1 to i32
    %sign3A_94 = arith.subi %sign3A_90, %sign3A_93 : i32
    %sign3A_95 = arith.constant 0 : i32
    %sign3A_96 = arith.cmpi sgt, %jit3A_86, %sign3A_95 : i32
    %sign3A_97 = arith.extui %sign3A_96 : i1 to i32
    %sign3A_98 = arith.constant 0 : i32
    %sign3A_99 = arith.cmpi slt, %jit3A_86, %sign3A_98 : i32
    %sign3A_100 = arith.extui %sign3A_99 : i1 to i32
    %sign3A_101 = arith.subi %sign3A_97, %sign3A_100 : i32
    %ne3A_102 = arith.cmpi ne, %sign3A_94, %sign3A_101 : i32
    %rem3A_103 = arith.remsi %select_n3A, %jit3A_86 : i32
    %ne3A_104 = arith.constant 0 : i32
    %ne3A_105 = arith.cmpi ne, %rem3A_103, %ne3A_104 : i32
    %and3A_106 = arith.andi %ne3A_102, %ne3A_105 : i1
    %sub3A_107 = arith.constant 1 : i32
    %sub3A_108 = arith.subi %div3A_87, %sub3A_107 : i32
    %select_n3A_109 = arith.select %and3A_106, %sub3A_108, %div3A_87 : i32
    %mul3A_110 = arith.muli %arg1, %select_n3A_79 : i32
    %add3A_111 = arith.addi %select_n3A_109, %mul3A_110 : i32
    %min3A = arith.minsi %arg1, %sub3A_81 : i32
    %add3A_112 = arith.addi %add3A_111, %min3A : i32
    %barrier3A = arith.constant 0 : index
    tpu.barrier barrier_id(%barrier3A)
    %gt3A = arith.constant 0 : i32
    %gt3A_113 = arith.cmpi sgt, %add3A_85, %gt3A : i32
    %convert_element_type3A = arith.extui %gt3A_113 : i1 to i32
    %cond3A = arith.constant 0 : i32
    %cond3A_114 = arith.cmpi ne, %convert_element_type3A, %cond3A : i32
    scf.if %cond3A_114 {
      %mul3A_125 = arith.constant 128 : i32
      %mul3A_126 = arith.muli %add3A_112, %mul3A_125 : i32
      %run_scoped3A = arith.constant 0 : i32
      "tpu.region"() ({
        %run_scoped3A_155 = tpu.sem_alloc : memref<!tpu.dma_semaphore, #tpu.memory_space<semaphore_mem>>
        %dma_start3A_156 = arith.constant 0 : i32
        %dma_start3A_157 = tpu.memref_slice %arg9[%run_scoped3A, %dma_start3A_156] : memref<2x128xi32, #tpu.memory_space<vmem>> -> memref<1x128xi32, #tpu.memory_space<vmem>>
        %dma_start3A_158 = tpu.memref_squeeze %dma_start3A_157 : memref<1x128xi32, #tpu.memory_space<vmem>> -> memref<128xi32, #tpu.memory_space<vmem>>
        %dma_start3A_159 = tpu.memref_slice %arg3[%mul3A_126] : memref<327680xi32, #tpu.memory_space<hbm>> -> memref<128xi32, #tpu.memory_space<hbm>>
        %dma_start3A_160 = arith.constant 0 : i32
        %dma_start3A_161 = tpu.memref_slice %arg9[%run_scoped3A, %dma_start3A_160] : memref<2x128xi32, #tpu.memory_space<vmem>> -> memref<1x128xi32, #tpu.memory_space<vmem>>
        %dma_start3A_162 = tpu.memref_squeeze %dma_start3A_161 : memref<1x128xi32, #tpu.memory_space<vmem>> -> memref<128xi32, #tpu.memory_space<vmem>>
        %dma_start3A_163 = tpu.memref_slice %arg3[%mul3A_126] : memref<327680xi32, #tpu.memory_space<hbm>> -> memref<128xi32, #tpu.memory_space<hbm>>
        tpu.enqueue_dma source(%dma_start3A_163 : memref<128xi32, #tpu.memory_space<hbm>>) target(%dma_start3A_162 : memref<128xi32, #tpu.memory_space<vmem>>) target_semaphore(%run_scoped3A_155 : memref<!tpu.dma_semaphore, #tpu.memory_space<semaphore_mem>>)
        %dma_wait3A = arith.constant 0 : i32
        %dma_wait3A_164 = tpu.memref_slice %arg9[%run_scoped3A, %dma_wait3A] : memref<2x128xi32, #tpu.memory_space<vmem>> -> memref<1x128xi32, #tpu.memory_space<vmem>>
        %dma_wait3A_165 = tpu.memref_squeeze %dma_wait3A_164 : memref<1x128xi32, #tpu.memory_space<vmem>> -> memref<128xi32, #tpu.memory_space<vmem>>
        %dma_wait3A_166 = tpu.memref_slice %arg3[%mul3A_126] : memref<327680xi32, #tpu.memory_space<hbm>> -> memref<128xi32, #tpu.memory_space<hbm>>
        %dma_wait3A_167 = arith.constant 0 : i32
        %dma_wait3A_168 = tpu.memref_slice %arg9[%run_scoped3A, %dma_wait3A_167] : memref<2x128xi32, #tpu.memory_space<vmem>> -> memref<1x128xi32, #tpu.memory_space<vmem>>
        %dma_wait3A_169 = tpu.memref_squeeze %dma_wait3A_168 : memref<1x128xi32, #tpu.memory_space<vmem>> -> memref<128xi32, #tpu.memory_space<vmem>>
        %dma_wait3A_170 = tpu.memref_slice %arg3[%mul3A_126] : memref<327680xi32, #tpu.memory_space<hbm>> -> memref<128xi32, #tpu.memory_space<hbm>>
        tpu.wait_dma2 semaphore(%run_scoped3A_155 : memref<!tpu.dma_semaphore, #tpu.memory_space<semaphore_mem>>) src(%dma_wait3A_170 : memref<128xi32, #tpu.memory_space<hbm>>) dst(%dma_wait3A_169 : memref<128xi32, #tpu.memory_space<vmem>>)
        tpu.yield
      }) : () -> ()
      %mul3A_127 = arith.constant 128 : i32
      %mul3A_128 = arith.muli %add3A_112, %mul3A_127 : i32
      %run_scoped3A_129 = arith.constant 0 : i32
      "tpu.region"() ({
        %run_scoped3A_155 = tpu.sem_alloc : memref<!tpu.dma_semaphore, #tpu.memory_space<semaphore_mem>>
        %dma_start3A_156 = arith.constant 0 : i32
        %dma_start3A_157 = tpu.memref_slice %arg10[%run_scoped3A_129, %dma_start3A_156] : memref<2x128xi32, #tpu.memory_space<vmem>> -> memref<1x128xi32, #tpu.memory_space<vmem>>
        %dma_start3A_158 = tpu.memref_squeeze %dma_start3A_157 : memref<1x128xi32, #tpu.memory_space<vmem>> -> memref<128xi32, #tpu.memory_space<vmem>>
        %dma_start3A_159 = tpu.memref_slice %arg4[%mul3A_128] : memref<327680xi32, #tpu.memory_space<hbm>> -> memref<128xi32, #tpu.memory_space<hbm>>
        %dma_start3A_160 = arith.constant 0 : i32
        %dma_start3A_161 = tpu.memref_slice %arg10[%run_scoped3A_129, %dma_start3A_160] : memref<2x128xi32, #tpu.memory_space<vmem>> -> memref<1x128xi32, #tpu.memory_space<vmem>>
        %dma_start3A_162 = tpu.memref_squeeze %dma_start3A_161 : memref<1x128xi32, #tpu.memory_space<vmem>> -> memref<128xi32, #tpu.memory_space<vmem>>
        %dma_start3A_163 = tpu.memref_slice %arg4[%mul3A_128] : memref<327680xi32, #tpu.memory_space<hbm>> -> memref<128xi32, #tpu.memory_space<hbm>>
        tpu.enqueue_dma source(%dma_start3A_163 : memref<128xi32, #tpu.memory_space<hbm>>) target(%dma_start3A_162 : memref<128xi32, #tpu.memory_space<vmem>>) target_semaphore(%run_scoped3A_155 : memref<!tpu.dma_semaphore, #tpu.memory_space<semaphore_mem>>)
        %dma_wait3A = arith.constant 0 : i32
        %dma_wait3A_164 = tpu.memref_slice %arg10[%run_scoped3A_129, %dma_wait3A] : memref<2x128xi32, #tpu.memory_space<vmem>> -> memref<1x128xi32, #tpu.memory_space<vmem>>
        %dma_wait3A_165 = tpu.memref_squeeze %dma_wait3A_164 : memref<1x128xi32, #tpu.memory_space<vmem>> -> memref<128xi32, #tpu.memory_space<vmem>>
        %dma_wait3A_166 = tpu.memref_slice %arg4[%mul3A_128] : memref<327680xi32, #tpu.memory_space<hbm>> -> memref<128xi32, #tpu.memory_space<hbm>>
        %dma_wait3A_167 = arith.constant 0 : i32
        %dma_wait3A_168 = tpu.memref_slice %arg10[%run_scoped3A_129, %dma_wait3A_167] : memref<2x128xi32, #tpu.memory_space<vmem>> -> memref<1x128xi32, #tpu.memory_space<vmem>>
        %dma_wait3A_169 = tpu.memref_squeeze %dma_wait3A_168 : memref<1x128xi32, #tpu.memory_space<vmem>> -> memref<128xi32, #tpu.memory_space<vmem>>
        %dma_wait3A_170 = tpu.memref_slice %arg4[%mul3A_128] : memref<327680xi32, #tpu.memory_space<hbm>> -> memref<128xi32, #tpu.memory_space<hbm>>
        tpu.wait_dma2 semaphore(%run_scoped3A_155 : memref<!tpu.dma_semaphore, #tpu.memory_space<semaphore_mem>>) src(%dma_wait3A_170 : memref<128xi32, #tpu.memory_space<hbm>>) dst(%dma_wait3A_169 : memref<128xi32, #tpu.memory_space<vmem>>)
        tpu.yield
      }) : () -> ()
      %dma_start3A = arith.constant 0 : i32
      %dma_start3A_130 = arith.constant 0 : i32
      %dma_start3A_131 = arith.constant 0 : i32
      %dma_start3A_132 = arith.constant 0 : i32
      %dma_start3A_133 = arith.constant 0 : i32
      %dma_start3A_134 = tpu.memref_slice %arg7[%dma_start3A_130, %dma_start3A_132, %dma_start3A_133] : memref<2x128x128xf32, #tpu.memory_space<vmem>> -> memref<1x128x128xf32, #tpu.memory_space<vmem>>
      %dma_start3A_135 = tpu.memref_squeeze %dma_start3A_134 : memref<1x128x128xf32, #tpu.memory_space<vmem>> -> memref<128x128xf32, #tpu.memory_space<vmem>>
      %dma_start3A_136 = arith.constant 0 : i32
      %dma_start3A_137 = tpu.memref_slice %arg9[%dma_start3A, %dma_start3A_136] : memref<2x128xi32, #tpu.memory_space<vmem>> -> memref<1x128xi32, #tpu.memory_space<vmem>>
      %dma_start3A_138 = tpu.memref_squeeze %dma_start3A_137 : memref<1x128xi32, #tpu.memory_space<vmem>> -> memref<128xi32, #tpu.memory_space<vmem>>
      %dma_start3A_139 = arith.constant 0 : i32
      %dma_start3A_140 = arith.constant 0 : i32
      %dma_start3A_141 = tpu.memref_slice %arg2[%dma_start3A_139, %dma_start3A_140] : memref<10000x128xf32, #tpu.memory_space<hbm>> -> memref<10000x128xf32, #tpu.memory_space<hbm>>
      %dma_start3A_142 = tpu.memref_slice %arg13[%dma_start3A_131] : memref<2x!tpu.dma_semaphore, #tpu.memory_space<semaphore_mem>> -> memref<1x!tpu.dma_semaphore, #tpu.memory_space<semaphore_mem>>
      %dma_start3A_143 = tpu.memref_squeeze %dma_start3A_142 : memref<1x!tpu.dma_semaphore, #tpu.memory_space<semaphore_mem>> -> memref<!tpu.dma_semaphore, #tpu.memory_space<semaphore_mem>>
      tpu.enqueue_indirect_dma source(%dma_start3A_141 : memref<10000x128xf32, #tpu.memory_space<hbm>>) target(%dma_start3A_135 : memref<128x128xf32, #tpu.memory_space<vmem>>) offsets(%dma_start3A_138 : memref<128xi32, #tpu.memory_space<vmem>>) semaphore(%dma_start3A_143 : memref<!tpu.dma_semaphore, #tpu.memory_space<semaphore_mem>>)
      %while3A = arith.constant 0 : i32
      %while3A_144 = arith.constant 0 : i32
      %while3A_145 = arith.subi %add3A_85, %while3A : i32
      %while3A_146 = arith.addi %while3A, %while3A_145 : i32
      %while3A_147 = arith.constant 1 : i32
      %while3A_148 = arith.divsi %while3A_145, %while3A_147 : i32
      %while3A_149 = arith.muli %while3A_148, %while3A_147 : i32
      %while3A_150 = arith.addi %while3A, %while3A_149 : i32
      %while3A_151 = arith.constant 1 : i32
      %while3A_152 = scf.for %while3A_155 = %while3A to %while3A_150 step %while3A_151 iter_args(%while3A_156 = %while3A_144) -> (i32)  : i32 {
        %rem3A_157 = arith.constant 2 : i32
        %rem3A_158 = arith.remsi %while3A_155, %rem3A_157 : i32
        %add3A_159 = arith.constant 1 : i32
        %add3A_160 = arith.addi %while3A_155, %add3A_159 : i32
        %lt3A_161 = arith.cmpi slt, %add3A_160, %add3A_85 : i32
        %convert_element_type3A_162 = arith.extui %lt3A_161 : i1 to i32
        %cond3A_163 = arith.constant 0 : i32
        %cond3A_164 = arith.cmpi ne, %convert_element_type3A_162, %cond3A_163 : i32
        scf.if %cond3A_164 {
          %add3A_177 = arith.constant 1 : i32
          %add3A_178 = arith.addi %while3A_155, %add3A_177 : i32
          %rem3A_179 = arith.constant 2 : i32
          %rem3A_180 = arith.remsi %add3A_178, %rem3A_179 : i32
          %add3A_181 = arith.addi %add3A_112, %while3A_155 : i32
          %add3A_182 = arith.constant 1 : i32
          %add3A_183 = arith.addi %add3A_181, %add3A_182 : i32
          %mul3A_184 = arith.constant 128 : i32
          %mul3A_185 = arith.muli %add3A_183, %mul3A_184 : i32
          "tpu.region"() ({
            %run_scoped3A_198 = tpu.sem_alloc : memref<!tpu.dma_semaphore, #tpu.memory_space<semaphore_mem>>
            %dma_start3A_199 = arith.constant 0 : i32
            %dma_start3A_200 = tpu.memref_slice %arg9[%rem3A_180, %dma_start3A_199] : memref<2x128xi32, #tpu.memory_space<vmem>> -> memref<1x128xi32, #tpu.memory_space<vmem>>
            %dma_start3A_201 = tpu.memref_squeeze %dma_start3A_200 : memref<1x128xi32, #tpu.memory_space<vmem>> -> memref<128xi32, #tpu.memory_space<vmem>>
            %dma_start3A_202 = tpu.memref_slice %arg3[%mul3A_185] : memref<327680xi32, #tpu.memory_space<hbm>> -> memref<128xi32, #tpu.memory_space<hbm>>
            %dma_start3A_203 = arith.constant 0 : i32
            %dma_start3A_204 = tpu.memref_slice %arg9[%rem3A_180, %dma_start3A_203] : memref<2x128xi32, #tpu.memory_space<vmem>> -> memref<1x128xi32, #tpu.memory_space<vmem>>
            %dma_start3A_205 = tpu.memref_squeeze %dma_start3A_204 : memref<1x128xi32, #tpu.memory_space<vmem>> -> memref<128xi32, #tpu.memory_space<vmem>>
            %dma_start3A_206 = tpu.memref_slice %arg3[%mul3A_185] : memref<327680xi32, #tpu.memory_space<hbm>> -> memref<128xi32, #tpu.memory_space<hbm>>
            tpu.enqueue_dma source(%dma_start3A_206 : memref<128xi32, #tpu.memory_space<hbm>>) target(%dma_start3A_205 : memref<128xi32, #tpu.memory_space<vmem>>) target_semaphore(%run_scoped3A_198 : memref<!tpu.dma_semaphore, #tpu.memory_space<semaphore_mem>>)
            %dma_wait3A_207 = arith.constant 0 : i32
            %dma_wait3A_208 = tpu.memref_slice %arg9[%rem3A_180, %dma_wait3A_207] : memref<2x128xi32, #tpu.memory_space<vmem>> -> memref<1x128xi32, #tpu.memory_space<vmem>>
            %dma_wait3A_209 = tpu.memref_squeeze %dma_wait3A_208 : memref<1x128xi32, #tpu.memory_space<vmem>> -> memref<128xi32, #tpu.memory_space<vmem>>
            %dma_wait3A_210 = tpu.memref_slice %arg3[%mul3A_185] : memref<327680xi32, #tpu.memory_space<hbm>> -> memref<128xi32, #tpu.memory_space<hbm>>
            %dma_wait3A_211 = arith.constant 0 : i32
            %dma_wait3A_212 = tpu.memref_slice %arg9[%rem3A_180, %dma_wait3A_211] : memref<2x128xi32, #tpu.memory_space<vmem>> -> memref<1x128xi32, #tpu.memory_space<vmem>>
            %dma_wait3A_213 = tpu.memref_squeeze %dma_wait3A_212 : memref<1x128xi32, #tpu.memory_space<vmem>> -> memref<128xi32, #tpu.memory_space<vmem>>
            %dma_wait3A_214 = tpu.memref_slice %arg3[%mul3A_185] : memref<327680xi32, #tpu.memory_space<hbm>> -> memref<128xi32, #tpu.memory_space<hbm>>
            tpu.wait_dma2 semaphore(%run_scoped3A_198 : memref<!tpu.dma_semaphore, #tpu.memory_space<semaphore_mem>>) src(%dma_wait3A_214 : memref<128xi32, #tpu.memory_space<hbm>>) dst(%dma_wait3A_213 : memref<128xi32, #tpu.memory_space<vmem>>)
            tpu.yield
          }) : () -> ()
          "tpu.region"() ({
            %run_scoped3A_198 = tpu.sem_alloc : memref<!tpu.dma_semaphore, #tpu.memory_space<semaphore_mem>>
            %dma_start3A_199 = arith.constant 0 : i32
            %dma_start3A_200 = tpu.memref_slice %arg10[%rem3A_180, %dma_start3A_199] : memref<2x128xi32, #tpu.memory_space<vmem>> -> memref<1x128xi32, #tpu.memory_space<vmem>>
            %dma_start3A_201 = tpu.memref_squeeze %dma_start3A_200 : memref<1x128xi32, #tpu.memory_space<vmem>> -> memref<128xi32, #tpu.memory_space<vmem>>
            %dma_start3A_202 = tpu.memref_slice %arg4[%mul3A_185] : memref<327680xi32, #tpu.memory_space<hbm>> -> memref<128xi32, #tpu.memory_space<hbm>>
            %dma_start3A_203 = arith.constant 0 : i32
            %dma_start3A_204 = tpu.memref_slice %arg10[%rem3A_180, %dma_start3A_203] : memref<2x128xi32, #tpu.memory_space<vmem>> -> memref<1x128xi32, #tpu.memory_space<vmem>>
            %dma_start3A_205 = tpu.memref_squeeze %dma_start3A_204 : memref<1x128xi32, #tpu.memory_space<vmem>> -> memref<128xi32, #tpu.memory_space<vmem>>
            %dma_start3A_206 = tpu.memref_slice %arg4[%mul3A_185] : memref<327680xi32, #tpu.memory_space<hbm>> -> memref<128xi32, #tpu.memory_space<hbm>>
            tpu.enqueue_dma source(%dma_start3A_206 : memref<128xi32, #tpu.memory_space<hbm>>) target(%dma_start3A_205 : memref<128xi32, #tpu.memory_space<vmem>>) target_semaphore(%run_scoped3A_198 : memref<!tpu.dma_semaphore, #tpu.memory_space<semaphore_mem>>)
            %dma_wait3A_207 = arith.constant 0 : i32
            %dma_wait3A_208 = tpu.memref_slice %arg10[%rem3A_180, %dma_wait3A_207] : memref<2x128xi32, #tpu.memory_space<vmem>> -> memref<1x128xi32, #tpu.memory_space<vmem>>
            %dma_wait3A_209 = tpu.memref_squeeze %dma_wait3A_208 : memref<1x128xi32, #tpu.memory_space<vmem>> -> memref<128xi32, #tpu.memory_space<vmem>>
            %dma_wait3A_210 = tpu.memref_slice %arg4[%mul3A_185] : memref<327680xi32, #tpu.memory_space<hbm>> -> memref<128xi32, #tpu.memory_space<hbm>>
            %dma_wait3A_211 = arith.constant 0 : i32
            %dma_wait3A_212 = tpu.memref_slice %arg10[%rem3A_180, %dma_wait3A_211] : memref<2x128xi32, #tpu.memory_space<vmem>> -> memref<1x128xi32, #tpu.memory_space<vmem>>
            %dma_wait3A_213 = tpu.memref_squeeze %dma_wait3A_212 : memref<1x128xi32, #tpu.memory_space<vmem>> -> memref<128xi32, #tpu.memory_space<vmem>>
            %dma_wait3A_214 = tpu.memref_slice %arg4[%mul3A_185] : memref<327680xi32, #tpu.memory_space<hbm>> -> memref<128xi32, #tpu.memory_space<hbm>>
            tpu.wait_dma2 semaphore(%run_scoped3A_198 : memref<!tpu.dma_semaphore, #tpu.memory_space<semaphore_mem>>) src(%dma_wait3A_214 : memref<128xi32, #tpu.memory_space<hbm>>) dst(%dma_wait3A_213 : memref<128xi32, #tpu.memory_space<vmem>>)
            tpu.yield
          }) : () -> ()
          %dma_start3A_186 = arith.constant 0 : i32
          %dma_start3A_187 = arith.constant 0 : i32
          %dma_start3A_188 = tpu.memref_slice %arg7[%rem3A_180, %dma_start3A_186, %dma_start3A_187] : memref<2x128x128xf32, #tpu.memory_space<vmem>> -> memref<1x128x128xf32, #tpu.memory_space<vmem>>
          %dma_start3A_189 = tpu.memref_squeeze %dma_start3A_188 : memref<1x128x128xf32, #tpu.memory_space<vmem>> -> memref<128x128xf32, #tpu.memory_space<vmem>>
          %dma_start3A_190 = arith.constant 0 : i32
          %dma_start3A_191 = tpu.memref_slice %arg9[%rem3A_180, %dma_start3A_190] : memref<2x128xi32, #tpu.memory_space<vmem>> -> memref<1x128xi32, #tpu.memory_space<vmem>>
          %dma_start3A_192 = tpu.memref_squeeze %dma_start3A_191 : memref<1x128xi32, #tpu.memory_space<vmem>> -> memref<128xi32, #tpu.memory_space<vmem>>
          %dma_start3A_193 = arith.constant 0 : i32
          %dma_start3A_194 = arith.constant 0 : i32
          %dma_start3A_195 = tpu.memref_slice %arg2[%dma_start3A_193, %dma_start3A_194] : memref<10000x128xf32, #tpu.memory_space<hbm>> -> memref<10000x128xf32, #tpu.memory_space<hbm>>
          %dma_start3A_196 = tpu.memref_slice %arg13[%rem3A_180] : memref<2x!tpu.dma_semaphore, #tpu.memory_space<semaphore_mem>> -> memref<1x!tpu.dma_semaphore, #tpu.memory_space<semaphore_mem>>
          %dma_start3A_197 = tpu.memref_squeeze %dma_start3A_196 : memref<1x!tpu.dma_semaphore, #tpu.memory_space<semaphore_mem>> -> memref<!tpu.dma_semaphore, #tpu.memory_space<semaphore_mem>>
          tpu.enqueue_indirect_dma source(%dma_start3A_195 : memref<10000x128xf32, #tpu.memory_space<hbm>>) target(%dma_start3A_189 : memref<128x128xf32, #tpu.memory_space<vmem>>) offsets(%dma_start3A_192 : memref<128xi32, #tpu.memory_space<vmem>>) semaphore(%dma_start3A_197 : memref<!tpu.dma_semaphore, #tpu.memory_space<semaphore_mem>>)
        } else {
        }
        %dma_wait3A = arith.constant 0 : i32
        %dma_wait3A_165 = arith.constant 0 : i32
        %dma_wait3A_166 = tpu.memref_slice %arg7[%rem3A_158, %dma_wait3A, %dma_wait3A_165] : memref<2x128x128xf32, #tpu.memory_space<vmem>> -> memref<1x128x128xf32, #tpu.memory_space<vmem>>
        %dma_wait3A_167 = tpu.memref_squeeze %dma_wait3A_166 : memref<1x128x128xf32, #tpu.memory_space<vmem>> -> memref<128x128xf32, #tpu.memory_space<vmem>>
        %dma_wait3A_168 = arith.constant 0 : i32
        %dma_wait3A_169 = tpu.memref_slice %arg9[%rem3A_158, %dma_wait3A_168] : memref<2x128xi32, #tpu.memory_space<vmem>> -> memref<1x128xi32, #tpu.memory_space<vmem>>
        %dma_wait3A_170 = tpu.memref_squeeze %dma_wait3A_169 : memref<1x128xi32, #tpu.memory_space<vmem>> -> memref<128xi32, #tpu.memory_space<vmem>>
        %dma_wait3A_171 = arith.constant 0 : i32
        %dma_wait3A_172 = arith.constant 0 : i32
        %dma_wait3A_173 = tpu.memref_slice %arg2[%dma_wait3A_171, %dma_wait3A_172] : memref<10000x128xf32, #tpu.memory_space<hbm>> -> memref<10000x128xf32, #tpu.memory_space<hbm>>
        %dma_wait3A_174 = tpu.memref_slice %arg13[%rem3A_158] : memref<2x!tpu.dma_semaphore, #tpu.memory_space<semaphore_mem>> -> memref<1x!tpu.dma_semaphore, #tpu.memory_space<semaphore_mem>>
        %dma_wait3A_175 = tpu.memref_squeeze %dma_wait3A_174 : memref<1x!tpu.dma_semaphore, #tpu.memory_space<semaphore_mem>> -> memref<!tpu.dma_semaphore, #tpu.memory_space<semaphore_mem>>
        tpu.wait_indirect_dma semaphore(%dma_wait3A_175 : memref<!tpu.dma_semaphore, #tpu.memory_space<semaphore_mem>>) src(%dma_wait3A_173 : memref<10000x128xf32, #tpu.memory_space<hbm>>) dst(%dma_wait3A_167 : memref<128x128xf32, #tpu.memory_space<vmem>>)
        "tpu.region"() ({
          %run_scoped3A_177 = tpu.sem_alloc : memref<!tpu.dma_semaphore, #tpu.memory_space<semaphore_mem>>
          %dma_start3A_178 = arith.constant 0 : i32
          %dma_start3A_179 = arith.constant 0 : i32
          %dma_start3A_180 = tpu.memref_slice %arg7[%rem3A_158, %dma_start3A_178, %dma_start3A_179] : memref<2x128x128xf32, #tpu.memory_space<vmem>> -> memref<1x128x128xf32, #tpu.memory_space<vmem>>
          %dma_start3A_181 = tpu.memref_squeeze %dma_start3A_180 : memref<1x128x128xf32, #tpu.memory_space<vmem>> -> memref<128x128xf32, #tpu.memory_space<vmem>>
          %dma_start3A_182 = arith.constant 0 : i32
          %dma_start3A_183 = tpu.memref_slice %arg10[%rem3A_158, %dma_start3A_182] : memref<2x128xi32, #tpu.memory_space<vmem>> -> memref<1x128xi32, #tpu.memory_space<vmem>>
          %dma_start3A_184 = tpu.memref_squeeze %dma_start3A_183 : memref<1x128xi32, #tpu.memory_space<vmem>> -> memref<128xi32, #tpu.memory_space<vmem>>
          %dma_start3A_185 = arith.constant 0 : i32
          %dma_start3A_186 = arith.constant 0 : i32
          %dma_start3A_187 = tpu.memref_slice %arg12[%dma_start3A_185, %dma_start3A_186] : memref<6144x128xf32, #tpu.memory_space<vmem_shared>> -> memref<6144x128xf32, #tpu.memory_space<vmem_shared>>
          tpu.enqueue_indirect_dma source(%dma_start3A_181 : memref<128x128xf32, #tpu.memory_space<vmem>>) target(%dma_start3A_187 : memref<6144x128xf32, #tpu.memory_space<vmem_shared>>) offsets(%dma_start3A_184 : memref<128xi32, #tpu.memory_space<vmem>>) semaphore(%run_scoped3A_177 : memref<!tpu.dma_semaphore, #tpu.memory_space<semaphore_mem>>) {add = true}
          %dma_wait3A_188 = arith.constant 0 : i32
          %dma_wait3A_189 = arith.constant 0 : i32
          %dma_wait3A_190 = tpu.memref_slice %arg7[%rem3A_158, %dma_wait3A_188, %dma_wait3A_189] : memref<2x128x128xf32, #tpu.memory_space<vmem>> -> memref<1x128x128xf32, #tpu.memory_space<vmem>>
          %dma_wait3A_191 = tpu.memref_squeeze %dma_wait3A_190 : memref<1x128x128xf32, #tpu.memory_space<vmem>> -> memref<128x128xf32, #tpu.memory_space<vmem>>
          %dma_wait3A_192 = arith.constant 0 : i32
          %dma_wait3A_193 = tpu.memref_slice %arg10[%rem3A_158, %dma_wait3A_192] : memref<2x128xi32, #tpu.memory_space<vmem>> -> memref<1x128xi32, #tpu.memory_space<vmem>>
          %dma_wait3A_194 = tpu.memref_squeeze %dma_wait3A_193 : memref<1x128xi32, #tpu.memory_space<vmem>> -> memref<128xi32, #tpu.memory_space<vmem>>
          %dma_wait3A_195 = arith.constant 0 : i32
          %dma_wait3A_196 = arith.constant 0 : i32
          %dma_wait3A_197 = tpu.memref_slice %arg12[%dma_wait3A_195, %dma_wait3A_196] : memref<6144x128xf32, #tpu.memory_space<vmem_shared>> -> memref<6144x128xf32, #tpu.memory_space<vmem_shared>>
          tpu.wait_indirect_dma semaphore(%run_scoped3A_177 : memref<!tpu.dma_semaphore, #tpu.memory_space<semaphore_mem>>) src(%dma_wait3A_191 : memref<128x128xf32, #tpu.memory_space<vmem>>) dst(%dma_wait3A_197 : memref<6144x128xf32, #tpu.memory_space<vmem_shared>>)
          tpu.yield
        }) : () -> ()
        %while3A_176 = arith.constant 0 : i32
        scf.yield %while3A_176 : i32
      }
      %while3A_153 = arith.constant 1 : i32
      %while3A_154 = scf.for %while3A_155 = %while3A_150 to %while3A_146 step %while3A_153 iter_args(%while3A_156 = %while3A_152) -> (i32)  : i32 {
        %rem3A_157 = arith.constant 2 : i32
        %rem3A_158 = arith.remsi %while3A_155, %rem3A_157 : i32
        %add3A_159 = arith.constant 1 : i32
        %add3A_160 = arith.addi %while3A_155, %add3A_159 : i32
        %lt3A_161 = arith.cmpi slt, %add3A_160, %add3A_85 : i32
        %convert_element_type3A_162 = arith.extui %lt3A_161 : i1 to i32
        %cond3A_163 = arith.constant 0 : i32
        %cond3A_164 = arith.cmpi ne, %convert_element_type3A_162, %cond3A_163 : i32
        scf.if %cond3A_164 {
          %add3A_177 = arith.constant 1 : i32
          %add3A_178 = arith.addi %while3A_155, %add3A_177 : i32
          %rem3A_179 = arith.constant 2 : i32
          %rem3A_180 = arith.remsi %add3A_178, %rem3A_179 : i32
          %add3A_181 = arith.addi %add3A_112, %while3A_155 : i32
          %add3A_182 = arith.constant 1 : i32
          %add3A_183 = arith.addi %add3A_181, %add3A_182 : i32
          %mul3A_184 = arith.constant 128 : i32
          %mul3A_185 = arith.muli %add3A_183, %mul3A_184 : i32
          "tpu.region"() ({
            %run_scoped3A_198 = tpu.sem_alloc : memref<!tpu.dma_semaphore, #tpu.memory_space<semaphore_mem>>
            %dma_start3A_199 = arith.constant 0 : i32
            %dma_start3A_200 = tpu.memref_slice %arg9[%rem3A_180, %dma_start3A_199] : memref<2x128xi32, #tpu.memory_space<vmem>> -> memref<1x128xi32, #tpu.memory_space<vmem>>
            %dma_start3A_201 = tpu.memref_squeeze %dma_start3A_200 : memref<1x128xi32, #tpu.memory_space<vmem>> -> memref<128xi32, #tpu.memory_space<vmem>>
            %dma_start3A_202 = tpu.memref_slice %arg3[%mul3A_185] : memref<327680xi32, #tpu.memory_space<hbm>> -> memref<128xi32, #tpu.memory_space<hbm>>
            %dma_start3A_203 = arith.constant 0 : i32
            %dma_start3A_204 = tpu.memref_slice %arg9[%rem3A_180, %dma_start3A_203] : memref<2x128xi32, #tpu.memory_space<vmem>> -> memref<1x128xi32, #tpu.memory_space<vmem>>
            %dma_start3A_205 = tpu.memref_squeeze %dma_start3A_204 : memref<1x128xi32, #tpu.memory_space<vmem>> -> memref<128xi32, #tpu.memory_space<vmem>>
            %dma_start3A_206 = tpu.memref_slice %arg3[%mul3A_185] : memref<327680xi32, #tpu.memory_space<hbm>> -> memref<128xi32, #tpu.memory_space<hbm>>
            tpu.enqueue_dma source(%dma_start3A_206 : memref<128xi32, #tpu.memory_space<hbm>>) target(%dma_start3A_205 : memref<128xi32, #tpu.memory_space<vmem>>) target_semaphore(%run_scoped3A_198 : memref<!tpu.dma_semaphore, #tpu.memory_space<semaphore_mem>>)
            %dma_wait3A_207 = arith.constant 0 : i32
            %dma_wait3A_208 = tpu.memref_slice %arg9[%rem3A_180, %dma_wait3A_207] : memref<2x128xi32, #tpu.memory_space<vmem>> -> memref<1x128xi32, #tpu.memory_space<vmem>>
            %dma_wait3A_209 = tpu.memref_squeeze %dma_wait3A_208 : memref<1x128xi32, #tpu.memory_space<vmem>> -> memref<128xi32, #tpu.memory_space<vmem>>
            %dma_wait3A_210 = tpu.memref_slice %arg3[%mul3A_185] : memref<327680xi32, #tpu.memory_space<hbm>> -> memref<128xi32, #tpu.memory_space<hbm>>
            %dma_wait3A_211 = arith.constant 0 : i32
            %dma_wait3A_212 = tpu.memref_slice %arg9[%rem3A_180, %dma_wait3A_211] : memref<2x128xi32, #tpu.memory_space<vmem>> -> memref<1x128xi32, #tpu.memory_space<vmem>>
            %dma_wait3A_213 = tpu.memref_squeeze %dma_wait3A_212 : memref<1x128xi32, #tpu.memory_space<vmem>> -> memref<128xi32, #tpu.memory_space<vmem>>
            %dma_wait3A_214 = tpu.memref_slice %arg3[%mul3A_185] : memref<327680xi32, #tpu.memory_space<hbm>> -> memref<128xi32, #tpu.memory_space<hbm>>
            tpu.wait_dma2 semaphore(%run_scoped3A_198 : memref<!tpu.dma_semaphore, #tpu.memory_space<semaphore_mem>>) src(%dma_wait3A_214 : memref<128xi32, #tpu.memory_space<hbm>>) dst(%dma_wait3A_213 : memref<128xi32, #tpu.memory_space<vmem>>)
            tpu.yield
          }) : () -> ()
          "tpu.region"() ({
            %run_scoped3A_198 = tpu.sem_alloc : memref<!tpu.dma_semaphore, #tpu.memory_space<semaphore_mem>>
            %dma_start3A_199 = arith.constant 0 : i32
            %dma_start3A_200 = tpu.memref_slice %arg10[%rem3A_180, %dma_start3A_199] : memref<2x128xi32, #tpu.memory_space<vmem>> -> memref<1x128xi32, #tpu.memory_space<vmem>>
            %dma_start3A_201 = tpu.memref_squeeze %dma_start3A_200 : memref<1x128xi32, #tpu.memory_space<vmem>> -> memref<128xi32, #tpu.memory_space<vmem>>
            %dma_start3A_202 = tpu.memref_slice %arg4[%mul3A_185] : memref<327680xi32, #tpu.memory_space<hbm>> -> memref<128xi32, #tpu.memory_space<hbm>>
            %dma_start3A_203 = arith.constant 0 : i32
            %dma_start3A_204 = tpu.memref_slice %arg10[%rem3A_180, %dma_start3A_203] : memref<2x128xi32, #tpu.memory_space<vmem>> -> memref<1x128xi32, #tpu.memory_space<vmem>>
            %dma_start3A_205 = tpu.memref_squeeze %dma_start3A_204 : memref<1x128xi32, #tpu.memory_space<vmem>> -> memref<128xi32, #tpu.memory_space<vmem>>
            %dma_start3A_206 = tpu.memref_slice %arg4[%mul3A_185] : memref<327680xi32, #tpu.memory_space<hbm>> -> memref<128xi32, #tpu.memory_space<hbm>>
            tpu.enqueue_dma source(%dma_start3A_206 : memref<128xi32, #tpu.memory_space<hbm>>) target(%dma_start3A_205 : memref<128xi32, #tpu.memory_space<vmem>>) target_semaphore(%run_scoped3A_198 : memref<!tpu.dma_semaphore, #tpu.memory_space<semaphore_mem>>)
            %dma_wait3A_207 = arith.constant 0 : i32
            %dma_wait3A_208 = tpu.memref_slice %arg10[%rem3A_180, %dma_wait3A_207] : memref<2x128xi32, #tpu.memory_space<vmem>> -> memref<1x128xi32, #tpu.memory_space<vmem>>
            %dma_wait3A_209 = tpu.memref_squeeze %dma_wait3A_208 : memref<1x128xi32, #tpu.memory_space<vmem>> -> memref<128xi32, #tpu.memory_space<vmem>>
            %dma_wait3A_210 = tpu.memref_slice %arg4[%mul3A_185] : memref<327680xi32, #tpu.memory_space<hbm>> -> memref<128xi32, #tpu.memory_space<hbm>>
            %dma_wait3A_211 = arith.constant 0 : i32
            %dma_wait3A_212 = tpu.memref_slice %arg10[%rem3A_180, %dma_wait3A_211] : memref<2x128xi32, #tpu.memory_space<vmem>> -> memref<1x128xi32, #tpu.memory_space<vmem>>
            %dma_wait3A_213 = tpu.memref_squeeze %dma_wait3A_212 : memref<1x128xi32, #tpu.memory_space<vmem>> -> memref<128xi32, #tpu.memory_space<vmem>>
            %dma_wait3A_214 = tpu.memref_slice %arg4[%mul3A_185] : memref<327680xi32, #tpu.memory_space<hbm>> -> memref<128xi32, #tpu.memory_space<hbm>>
            tpu.wait_dma2 semaphore(%run_scoped3A_198 : memref<!tpu.dma_semaphore, #tpu.memory_space<semaphore_mem>>) src(%dma_wait3A_214 : memref<128xi32, #tpu.memory_space<hbm>>) dst(%dma_wait3A_213 : memref<128xi32, #tpu.memory_space<vmem>>)
            tpu.yield
          }) : () -> ()
          %dma_start3A_186 = arith.constant 0 : i32
          %dma_start3A_187 = arith.constant 0 : i32
          %dma_start3A_188 = tpu.memref_slice %arg7[%rem3A_180, %dma_start3A_186, %dma_start3A_187] : memref<2x128x128xf32, #tpu.memory_space<vmem>> -> memref<1x128x128xf32, #tpu.memory_space<vmem>>
          %dma_start3A_189 = tpu.memref_squeeze %dma_start3A_188 : memref<1x128x128xf32, #tpu.memory_space<vmem>> -> memref<128x128xf32, #tpu.memory_space<vmem>>
          %dma_start3A_190 = arith.constant 0 : i32
          %dma_start3A_191 = tpu.memref_slice %arg9[%rem3A_180, %dma_start3A_190] : memref<2x128xi32, #tpu.memory_space<vmem>> -> memref<1x128xi32, #tpu.memory_space<vmem>>
          %dma_start3A_192 = tpu.memref_squeeze %dma_start3A_191 : memref<1x128xi32, #tpu.memory_space<vmem>> -> memref<128xi32, #tpu.memory_space<vmem>>
          %dma_start3A_193 = arith.constant 0 : i32
          %dma_start3A_194 = arith.constant 0 : i32
          %dma_start3A_195 = tpu.memref_slice %arg2[%dma_start3A_193, %dma_start3A_194] : memref<10000x128xf32, #tpu.memory_space<hbm>> -> memref<10000x128xf32, #tpu.memory_space<hbm>>
          %dma_start3A_196 = tpu.memref_slice %arg13[%rem3A_180] : memref<2x!tpu.dma_semaphore, #tpu.memory_space<semaphore_mem>> -> memref<1x!tpu.dma_semaphore, #tpu.memory_space<semaphore_mem>>
          %dma_start3A_197 = tpu.memref_squeeze %dma_start3A_196 : memref<1x!tpu.dma_semaphore, #tpu.memory_space<semaphore_mem>> -> memref<!tpu.dma_semaphore, #tpu.memory_space<semaphore_mem>>
          tpu.enqueue_indirect_dma source(%dma_start3A_195 : memref<10000x128xf32, #tpu.memory_space<hbm>>) target(%dma_start3A_189 : memref<128x128xf32, #tpu.memory_space<vmem>>) offsets(%dma_start3A_192 : memref<128xi32, #tpu.memory_space<vmem>>) semaphore(%dma_start3A_197 : memref<!tpu.dma_semaphore, #tpu.memory_space<semaphore_mem>>)
        } else {
        }
        %dma_wait3A = arith.constant 0 : i32
        %dma_wait3A_165 = arith.constant 0 : i32
        %dma_wait3A_166 = tpu.memref_slice %arg7[%rem3A_158, %dma_wait3A, %dma_wait3A_165] : memref<2x128x128xf32, #tpu.memory_space<vmem>> -> memref<1x128x128xf32, #tpu.memory_space<vmem>>
        %dma_wait3A_167 = tpu.memref_squeeze %dma_wait3A_166 : memref<1x128x128xf32, #tpu.memory_space<vmem>> -> memref<128x128xf32, #tpu.memory_space<vmem>>
        %dma_wait3A_168 = arith.constant 0 : i32
        %dma_wait3A_169 = tpu.memref_slice %arg9[%rem3A_158, %dma_wait3A_168] : memref<2x128xi32, #tpu.memory_space<vmem>> -> memref<1x128xi32, #tpu.memory_space<vmem>>
        %dma_wait3A_170 = tpu.memref_squeeze %dma_wait3A_169 : memref<1x128xi32, #tpu.memory_space<vmem>> -> memref<128xi32, #tpu.memory_space<vmem>>
        %dma_wait3A_171 = arith.constant 0 : i32
        %dma_wait3A_172 = arith.constant 0 : i32
        %dma_wait3A_173 = tpu.memref_slice %arg2[%dma_wait3A_171, %dma_wait3A_172] : memref<10000x128xf32, #tpu.memory_space<hbm>> -> memref<10000x128xf32, #tpu.memory_space<hbm>>
        %dma_wait3A_174 = tpu.memref_slice %arg13[%rem3A_158] : memref<2x!tpu.dma_semaphore, #tpu.memory_space<semaphore_mem>> -> memref<1x!tpu.dma_semaphore, #tpu.memory_space<semaphore_mem>>
        %dma_wait3A_175 = tpu.memref_squeeze %dma_wait3A_174 : memref<1x!tpu.dma_semaphore, #tpu.memory_space<semaphore_mem>> -> memref<!tpu.dma_semaphore, #tpu.memory_space<semaphore_mem>>
        tpu.wait_indirect_dma semaphore(%dma_wait3A_175 : memref<!tpu.dma_semaphore, #tpu.memory_space<semaphore_mem>>) src(%dma_wait3A_173 : memref<10000x128xf32, #tpu.memory_space<hbm>>) dst(%dma_wait3A_167 : memref<128x128xf32, #tpu.memory_space<vmem>>)
        "tpu.region"() ({
          %run_scoped3A_177 = tpu.sem_alloc : memref<!tpu.dma_semaphore, #tpu.memory_space<semaphore_mem>>
          %dma_start3A_178 = arith.constant 0 : i32
          %dma_start3A_179 = arith.constant 0 : i32
          %dma_start3A_180 = tpu.memref_slice %arg7[%rem3A_158, %dma_start3A_178, %dma_start3A_179] : memref<2x128x128xf32, #tpu.memory_space<vmem>> -> memref<1x128x128xf32, #tpu.memory_space<vmem>>
          %dma_start3A_181 = tpu.memref_squeeze %dma_start3A_180 : memref<1x128x128xf32, #tpu.memory_space<vmem>> -> memref<128x128xf32, #tpu.memory_space<vmem>>
          %dma_start3A_182 = arith.constant 0 : i32
          %dma_start3A_183 = tpu.memref_slice %arg10[%rem3A_158, %dma_start3A_182] : memref<2x128xi32, #tpu.memory_space<vmem>> -> memref<1x128xi32, #tpu.memory_space<vmem>>
          %dma_start3A_184 = tpu.memref_squeeze %dma_start3A_183 : memref<1x128xi32, #tpu.memory_space<vmem>> -> memref<128xi32, #tpu.memory_space<vmem>>
          %dma_start3A_185 = arith.constant 0 : i32
          %dma_start3A_186 = arith.constant 0 : i32
          %dma_start3A_187 = tpu.memref_slice %arg12[%dma_start3A_185, %dma_start3A_186] : memref<6144x128xf32, #tpu.memory_space<vmem_shared>> -> memref<6144x128xf32, #tpu.memory_space<vmem_shared>>
          tpu.enqueue_indirect_dma source(%dma_start3A_181 : memref<128x128xf32, #tpu.memory_space<vmem>>) target(%dma_start3A_187 : memref<6144x128xf32, #tpu.memory_space<vmem_shared>>) offsets(%dma_start3A_184 : memref<128xi32, #tpu.memory_space<vmem>>) semaphore(%run_scoped3A_177 : memref<!tpu.dma_semaphore, #tpu.memory_space<semaphore_mem>>) {add = true}
          %dma_wait3A_188 = arith.constant 0 : i32
          %dma_wait3A_189 = arith.constant 0 : i32
          %dma_wait3A_190 = tpu.memref_slice %arg7[%rem3A_158, %dma_wait3A_188, %dma_wait3A_189] : memref<2x128x128xf32, #tpu.memory_space<vmem>> -> memref<1x128x128xf32, #tpu.memory_space<vmem>>
          %dma_wait3A_191 = tpu.memref_squeeze %dma_wait3A_190 : memref<1x128x128xf32, #tpu.memory_space<vmem>> -> memref<128x128xf32, #tpu.memory_space<vmem>>
          %dma_wait3A_192 = arith.constant 0 : i32
          %dma_wait3A_193 = tpu.memref_slice %arg10[%rem3A_158, %dma_wait3A_192] : memref<2x128xi32, #tpu.memory_space<vmem>> -> memref<1x128xi32, #tpu.memory_space<vmem>>
          %dma_wait3A_194 = tpu.memref_squeeze %dma_wait3A_193 : memref<1x128xi32, #tpu.memory_space<vmem>> -> memref<128xi32, #tpu.memory_space<vmem>>
          %dma_wait3A_195 = arith.constant 0 : i32
          %dma_wait3A_196 = arith.constant 0 : i32
          %dma_wait3A_197 = tpu.memref_slice %arg12[%dma_wait3A_195, %dma_wait3A_196] : memref<6144x128xf32, #tpu.memory_space<vmem_shared>> -> memref<6144x128xf32, #tpu.memory_space<vmem_shared>>
          tpu.wait_indirect_dma semaphore(%run_scoped3A_177 : memref<!tpu.dma_semaphore, #tpu.memory_space<semaphore_mem>>) src(%dma_wait3A_191 : memref<128x128xf32, #tpu.memory_space<vmem>>) dst(%dma_wait3A_197 : memref<6144x128xf32, #tpu.memory_space<vmem_shared>>)
          tpu.yield
        }) : () -> ()
        %while3A_176 = arith.constant 0 : i32
        scf.yield %while3A_176 : i32
      }
    } else {
    }
    %barrier3A_115 = arith.constant 0 : index
    tpu.barrier barrier_id(%barrier3A_115)
    %mul3A_116 = arith.constant 320 : i32
    %mul3A_117 = arith.muli %arg1, %mul3A_116 : i32
    %mul3A_118 = arith.constant 640 : i32
    %mul3A_119 = arith.muli %arg0, %mul3A_118 : i32
    %mul3A_120 = arith.constant 40 : i32
    %mul3A_121 = arith.muli %arg1, %mul3A_120 : i32
    %add3A_122 = arith.addi %mul3A_119, %mul3A_121 : i32
    %mul3A_123 = arith.constant 8 : i32
    %mul3A_124 = arith.muli %add3A_122, %mul3A_123 : i32
    "tpu.region"() ({
      %run_scoped3A = tpu.sem_alloc : memref<!tpu.dma_semaphore, #tpu.memory_space<semaphore_mem>>
      %dma_start3A = arith.constant 0 : i32
      %dma_start3A_125 = tpu.memref_slice %arg6[%mul3A_124, %dma_start3A] : memref<10240x128xf32, #tpu.memory_space<hbm>> -> memref<320x128xf32, #tpu.memory_space<hbm>>
      %dma_start3A_126 = arith.constant 0 : i32
      %dma_start3A_127 = tpu.memref_slice %arg12[%mul3A_117, %dma_start3A_126] : memref<6144x128xf32, #tpu.memory_space<vmem_shared>> -> memref<320x128xf32, #tpu.memory_space<vmem_shared>>
      tpu.enqueue_dma source(%dma_start3A_127 : memref<320x128xf32, #tpu.memory_space<vmem_shared>>) target(%dma_start3A_125 : memref<320x128xf32, #tpu.memory_space<hbm>>) target_semaphore(%run_scoped3A : memref<!tpu.dma_semaphore, #tpu.memory_space<semaphore_mem>>)
      %dma_wait3A = arith.constant 0 : i32
      %dma_wait3A_128 = tpu.memref_slice %arg6[%mul3A_124, %dma_wait3A] : memref<10240x128xf32, #tpu.memory_space<hbm>> -> memref<320x128xf32, #tpu.memory_space<hbm>>
      %dma_wait3A_129 = arith.constant 0 : i32
      %dma_wait3A_130 = tpu.memref_slice %arg12[%mul3A_117, %dma_wait3A_129] : memref<6144x128xf32, #tpu.memory_space<vmem_shared>> -> memref<320x128xf32, #tpu.memory_space<vmem_shared>>
      tpu.wait_dma2 semaphore(%run_scoped3A : memref<!tpu.dma_semaphore, #tpu.memory_space<semaphore_mem>>) src(%dma_wait3A_130 : memref<320x128xf32, #tpu.memory_space<vmem_shared>>) dst(%dma_wait3A_128 : memref<320x128xf32, #tpu.memory_space<hbm>>)
      tpu.yield
    }) : () -> ()
    return
  }
}

module attributes {stable_mosaic.version = 14 : i64} {
  func.func @body(%arg0: i32, %arg1: memref<256x128xi32, #tpu.memory_space<vmem>>, %arg2: memref<256x128xi32, #tpu.memory_space<vmem>>, %arg3: memref<8x128xi32, #tpu.memory_space<vmem>>, %arg4: memref<1x1xf32, #tpu.memory_space<vmem>>) attributes {dimension_semantics = [#tpu.dimension_semantics<arbitrary>], iteration_bounds = array<i64: 10>, scalar_prefetch = 0 : i64, scratch_operands = 1 : i64, tpu.core_type = #tpu.core_type<tc>, window_params = [{transform_indices = @transform_0, window_bounds = array<i64: 256, 128>}, {transform_indices = @transform_1, window_bounds = array<i64: 256, 128>}, {pipeline_mode = #tpu.pipeline_mode<synchronous>, transform_indices = @transform_2, window_bounds = array<i64: 8, 128>}]} {
    %eq3A = arith.constant 0 : i32
    %eq3A_0 = arith.cmpi eq, %arg0, %eq3A : i32
    %convert_element_type3A = arith.extui %eq3A_0 : i1 to i32
    %cond3A = arith.constant 0 : i32
    %cond3A_1 = arith.cmpi ne, %convert_element_type3A, %cond3A : i32
    scf.if %cond3A_1 {
      %broadcast_in_dim3A_58 = arith.constant 0.000000e+00 : f32
      %broadcast_in_dim3A_59 = vector.broadcast %broadcast_in_dim3A_58 : f32 to vector<1x1xf32>
      %swap3A_60 = arith.constant 0 : index
      %swap3A_61 = arith.constant 0 : index
      %swap3A_62 = vector.load %arg4[%swap3A_60, %swap3A_61] : memref<1x1xf32, #tpu.memory_space<vmem>>, vector<1x1xf32>
      tpu.vector_store %arg4[%swap3A_60, %swap3A_61], %broadcast_in_dim3A_59 {strides = array<i32>} : memref<1x1xf32, #tpu.memory_space<vmem>>, vector<1x1xf32>,
    } else {
    }
    %get3A = arith.constant 0 : index
    %get3A_2 = arith.constant 0 : index
    %get3A_3 = vector.load %arg1[%get3A, %get3A_2] : memref<256x128xi32, #tpu.memory_space<vmem>>, vector<256x128xi32>
    %ge3A = arith.constant 5120 : i32
    %ge3A_4 = vector.broadcast %ge3A : i32 to vector<256x128xi32>
    %ge3A_5 = arith.cmpi sge, %get3A_3, %ge3A_4 : vector<256x128xi32>
    %jit3A = arith.constant 1.000000e+00 : f32
    %jit3A_6 = arith.constant 0.000000e+00 : f32
    %broadcast_in_dim3A = vector.broadcast %jit3A : f32 to vector<256x128xf32>
    %broadcast_in_dim3A_7 = vector.broadcast %jit3A_6 : f32 to vector<256x128xf32>
    %select_n3A = arith.select %ge3A_5, %broadcast_in_dim3A, %broadcast_in_dim3A_7 : vector<256x128xi1>, vector<256x128xf32>
    %iota3A = tpu.iota {dimensions = array<i32: 0>} : vector<128x128xi32>
    %iota3A_8 = tpu.iota {dimensions = array<i32: 1>} : vector<128x128xi32>
    %le3A = arith.cmpi sle, %iota3A, %iota3A_8 : vector<128x128xi32>
    %jit3A_9 = arith.constant 1.000000e+00 : f32
    %jit3A_10 = arith.constant 0.000000e+00 : f32
    %broadcast_in_dim3A_11 = vector.broadcast %jit3A_9 : f32 to vector<128x128xf32>
    %broadcast_in_dim3A_12 = vector.broadcast %jit3A_10 : f32 to vector<128x128xf32>
    %select_n3A_13 = arith.select %le3A, %broadcast_in_dim3A_11, %broadcast_in_dim3A_12 : vector<128x128xi1>, vector<128x128xf32>
    %dot_general3A = arith.constant dense<0.000000e+00> : vector<256x128xf32>
    %dot_general3A_14 = tpu.matmul %select_n3A, %select_n3A_13, %dot_general3A {dimension_numbers = #tpu.dot_dimension_numbers<[1], [0], [0], [1], [0, 0, 1, 1], [], []>, transpose_lhs_hint = false} : vector<256x128xf32>, vector<128x128xf32>, vector<256x128xf32> -> vector<256x128xf32>
    %slice3A = vector.extract_strided_slice %dot_general3A_14 {offsets = [0, 127], sizes = [256, 1], strides = [1, 1]} : vector<256x128xf32> to vector<256x1xf32>
    %iota3A_15 = tpu.iota {dimensions = array<i32: 0>} : vector<256x256xi32>
    %iota3A_16 = tpu.iota {dimensions = array<i32: 1>} : vector<256x256xi32>
    %lt3A = arith.cmpi slt, %iota3A_16, %iota3A_15 : vector<256x256xi32>
    %jit3A_17 = arith.constant 1.000000e+00 : f32
    %jit3A_18 = arith.constant 0.000000e+00 : f32
    %broadcast_in_dim3A_19 = vector.broadcast %jit3A_17 : f32 to vector<256x256xf32>
    %broadcast_in_dim3A_20 = vector.broadcast %jit3A_18 : f32 to vector<256x256xf32>
    %select_n3A_21 = arith.select %lt3A, %broadcast_in_dim3A_19, %broadcast_in_dim3A_20 : vector<256x256xi1>, vector<256x256xf32>
    %dot_general3A_22 = arith.constant dense<0.000000e+00> : vector<256x1xf32>
    %dot_general3A_23 = tpu.matmul %select_n3A_21, %slice3A, %dot_general3A_22 {dimension_numbers = #tpu.dot_dimension_numbers<[1], [0], [0], [1], [0, 0, 1, 1], [], []>, transpose_lhs_hint = false} : vector<256x256xf32>, vector<256x1xf32>, vector<256x1xf32> -> vector<256x1xf32>
    %get3A_24 = arith.constant 0 : index
    %get3A_25 = arith.constant 0 : index
    %get3A_26 = vector.load %arg4[%get3A_24, %get3A_25] : memref<1x1xf32, #tpu.memory_space<vmem>>, vector<1x1xf32>
    %add3A = vector.broadcast %dot_general3A_23 : vector<256x1xf32> to vector<256x128xf32>
    %add3A_27 = arith.addf %dot_general3A_14, %add3A : vector<256x128xf32>
    %add3A_28 = vector.broadcast %get3A_26 : vector<1x1xf32> to vector<256x128xf32>
    %add3A_29 = arith.addf %add3A_27, %add3A_28 : vector<256x128xf32>
    %sub3A = arith.subf %add3A_29, %select_n3A : vector<256x128xf32>
    %iota3A_30 = tpu.iota {dimensions = array<i32: 0>} : vector<256x128xi32>
    %iota3A_31 = tpu.iota {dimensions = array<i32: 1>} : vector<256x128xi32>
    %mul3A = arith.constant 256 : i32
    %mul3A_32 = arith.muli %arg0, %mul3A : i32
    %add3A_33 = vector.broadcast %mul3A_32 : i32 to vector<256x128xi32>
    %add3A_34 = arith.addi %add3A_33, %iota3A_30 : vector<256x128xi32>
    %mul3A_35 = arith.constant 128 : i32
    %mul3A_36 = vector.broadcast %mul3A_35 : i32 to vector<256x128xi32>
    %mul3A_37 = arith.muli %add3A_34, %mul3A_36 : vector<256x128xi32>
    %add3A_38 = arith.addi %mul3A_37, %iota3A_31 : vector<256x128xi32>
    %convert_element_type3A_39 = arith.sitofp %add3A_38 : vector<256x128xi32> to vector<256x128xf32>
    %gt3A = arith.constant 0.000000e+00 : f32
    %gt3A_40 = vector.broadcast %gt3A : f32 to vector<256x128xf32>
    %gt3A_41 = arith.cmpf ogt, %select_n3A, %gt3A_40 : vector<256x128xf32>
    %sub3A_42 = arith.subf %convert_element_type3A_39, %sub3A : vector<256x128xf32>
    %select_n3A_43 = arith.select %gt3A_41, %sub3A, %sub3A_42 : vector<256x128xi1>, vector<256x128xf32>
    %convert_element_type3A_44 = arith.fptosi %select_n3A_43 : vector<256x128xf32> to vector<256x128xi32>
    %swap3A = arith.constant 0 : index
    %swap3A_45 = arith.constant 0 : index
    %swap3A_46 = vector.load %arg2[%swap3A, %swap3A_45] : memref<256x128xi32, #tpu.memory_space<vmem>>, vector<256x128xi32>
    tpu.vector_store %arg2[%swap3A, %swap3A_45], %convert_element_type3A_44 {strides = array<i32>} : memref<256x128xi32, #tpu.memory_space<vmem>>, vector<256x128xi32>,
    %reduce_sum3A = arith.constant dense<0.000000e+00> : vector<1xf32>
    %reduce_sum3A_47 = vector.multi_reduction <add>, %slice3A, %reduce_sum3A [0] : vector<256x1xf32> to vector<1xf32>
    %broadcast_in_dim3A_48 = vector.shape_cast %reduce_sum3A_47 : vector<1xf32> to vector<1x1xf32>
    %add3A_49 = arith.addf %get3A_26, %broadcast_in_dim3A_48 : vector<1x1xf32>
    %swap3A_50 = arith.constant 0 : index
    %swap3A_51 = arith.constant 0 : index
    %swap3A_52 = vector.load %arg4[%swap3A_50, %swap3A_51] : memref<1x1xf32, #tpu.memory_space<vmem>>, vector<1x1xf32>
    tpu.vector_store %arg4[%swap3A_50, %swap3A_51], %add3A_49 {strides = array<i32>} : memref<1x1xf32, #tpu.memory_space<vmem>>, vector<1x1xf32>,
    %eq3A_53 = arith.constant 9 : i32
    %eq3A_54 = arith.cmpi eq, %arg0, %eq3A_53 : i32
    %convert_element_type3A_55 = arith.extui %eq3A_54 : i1 to i32
    %cond3A_56 = arith.constant 0 : i32
    %cond3A_57 = arith.cmpi ne, %convert_element_type3A_55, %cond3A_56 : i32
    scf.if %cond3A_57 {
      %add3A_58 = arith.addf %get3A_26, %broadcast_in_dim3A_48 : vector<1x1xf32>
      %sub3A_59 = arith.constant 3.200000e+05 : f32
      %sub3A_60 = vector.broadcast %sub3A_59 : f32 to vector<1x1xf32>
      %sub3A_61 = arith.subf %sub3A_60, %add3A_58 : vector<1x1xf32>
      %add3A_62 = arith.constant 1.270000e+02 : f32
      %add3A_63 = vector.broadcast %add3A_62 : f32 to vector<1x1xf32>
      %add3A_64 = arith.addf %sub3A_61, %add3A_63 : vector<1x1xf32>
      %mul3A_65 = arith.constant 7.812500e-03 : f32
      %mul3A_66 = vector.broadcast %mul3A_65 : f32 to vector<1x1xf32>
      %mul3A_67 = arith.mulf %add3A_64, %mul3A_66 : vector<1x1xf32>
      %floor3A = math.floor %mul3A_67 : vector<1x1xf32>
      %mul3A_68 = arith.constant 1.280000e+02 : f32
      %mul3A_69 = vector.broadcast %mul3A_68 : f32 to vector<1x1xf32>
      %mul3A_70 = arith.mulf %floor3A, %mul3A_69 : vector<1x1xf32>
      %broadcast_in_dim3A_71 = arith.constant 0.000000e+00 : f32
      %broadcast_in_dim3A_72 = vector.broadcast %broadcast_in_dim3A_71 : f32 to vector<1x128xf32>
      %convert_element_type3A_73 = arith.fptosi %broadcast_in_dim3A_72 : vector<1x128xf32> to vector<1x128xi32>
      %swap3A_74 = arith.constant 0 : index
      %swap3A_75 = arith.constant 0 : index
      %swap3A_76 = vector.load %arg3[%swap3A_74, %swap3A_75] : memref<8x128xi32, #tpu.memory_space<vmem>>, vector<1x128xi32>
      tpu.vector_store %arg3[%swap3A_74, %swap3A_75], %convert_element_type3A_73 {strides = array<i32>} : memref<8x128xi32, #tpu.memory_space<vmem>>, vector<1x128xi32>,
      %broadcast_in_dim3A_77 = vector.shape_cast %mul3A_70 : vector<1x1xf32> to vector<1x1xf32>
      %broadcast_in_dim3A_78 = vector.broadcast %broadcast_in_dim3A_77 : vector<1x1xf32> to vector<1x128xf32>
      %convert_element_type3A_79 = arith.fptosi %broadcast_in_dim3A_78 : vector<1x128xf32> to vector<1x128xi32>
      %swap3A_80 = arith.constant 1 : index
      %swap3A_81 = arith.constant 0 : index
      %swap3A_82 = vector.load %arg3[%swap3A_80, %swap3A_81] : memref<8x128xi32, #tpu.memory_space<vmem>>, vector<1x128xi32>
      tpu.vector_store %arg3[%swap3A_80, %swap3A_81], %convert_element_type3A_79 {strides = array<i32>} : memref<8x128xi32, #tpu.memory_space<vmem>>, vector<1x128xi32>,
      %broadcast_in_dim3A_83 = vector.shape_cast %sub3A_61 : vector<1x1xf32> to vector<1x1xf32>
      %broadcast_in_dim3A_84 = vector.broadcast %broadcast_in_dim3A_83 : vector<1x1xf32> to vector<1x128xf32>
      %convert_element_type3A_85 = arith.fptosi %broadcast_in_dim3A_84 : vector<1x128xf32> to vector<1x128xi32>
      %swap3A_86 = arith.constant 2 : index
      %swap3A_87 = arith.constant 0 : index
      %swap3A_88 = vector.load %arg3[%swap3A_86, %swap3A_87] : memref<8x128xi32, #tpu.memory_space<vmem>>, vector<1x128xi32>
      tpu.vector_store %arg3[%swap3A_86, %swap3A_87], %convert_element_type3A_85 {strides = array<i32>} : memref<8x128xi32, #tpu.memory_space<vmem>>, vector<1x128xi32>,
      %broadcast_in_dim3A_89 = vector.shape_cast %add3A_58 : vector<1x1xf32> to vector<1x1xf32>
      %broadcast_in_dim3A_90 = vector.broadcast %broadcast_in_dim3A_89 : vector<1x1xf32> to vector<1x128xf32>
      %convert_element_type3A_91 = arith.fptosi %broadcast_in_dim3A_90 : vector<1x128xf32> to vector<1x128xi32>
      %swap3A_92 = arith.constant 3 : index
      %swap3A_93 = arith.constant 0 : index
      %swap3A_94 = vector.load %arg3[%swap3A_92, %swap3A_93] : memref<8x128xi32, #tpu.memory_space<vmem>>, vector<1x128xi32>
      tpu.vector_store %arg3[%swap3A_92, %swap3A_93], %convert_element_type3A_91 {strides = array<i32>} : memref<8x128xi32, #tpu.memory_space<vmem>>, vector<1x128xi32>,
      %broadcast_in_dim3A_95 = arith.constant 0 : i32
      %broadcast_in_dim3A_96 = vector.broadcast %broadcast_in_dim3A_95 : i32 to vector<4x128xi32>
      %swap3A_97 = arith.constant 4 : index
      %swap3A_98 = arith.constant 0 : index
      %swap3A_99 = vector.load %arg3[%swap3A_97, %swap3A_98] : memref<8x128xi32, #tpu.memory_space<vmem>>, vector<4x128xi32>
      tpu.vector_store %arg3[%swap3A_97, %swap3A_98], %broadcast_in_dim3A_96 {strides = array<i32>} : memref<8x128xi32, #tpu.memory_space<vmem>>, vector<4x128xi32>,
    } else {
    }
    return
  }
  func.func @transform_0(%arg0: i32) -> (i32, i32) {
    %c0_i32 = arith.constant 0 : i32
    %c0_i32_0 = arith.constant 0 : i32
    return %arg0, %c0_i32 : i32, i32
  }
  func.func @transform_1(%arg0: i32) -> (i32, i32) {
    %c0_i32 = arith.constant 0 : i32
    %c0_i32_0 = arith.constant 0 : i32
    return %arg0, %c0_i32 : i32, i32
  }
  func.func @transform_2(%arg0: i32) -> (i32, i32) {
    %c0_i32 = arith.constant 0 : i32
    %c0_i32_0 = arith.constant 0 : i32
    %c0_i32_1 = arith.constant 0 : i32
    return %c0_i32, %c0_i32_0 : i32, i32
  }
}

module attributes {stable_mosaic.version = 14 : i64} {
  func.func @body(%arg0: memref<2x10240xf32, #tpu.memory_space<vmem>>, %arg1: memref<1x10240xf32, #tpu.memory_space<vmem>>) attributes {dimension_semantics = [], scalar_prefetch = 0 : i64, scratch_operands = 0 : i64, tpu.core_type = #tpu.core_type<tc>} {
    %get3A = arith.constant 0 : index
    %get3A_0 = arith.constant 0 : index
    %get3A_1 = vector.load %arg0[%get3A, %get3A_0] : memref<2x10240xf32, #tpu.memory_space<vmem>>, vector<1x10240xf32>
    %get3A_2 = arith.constant 1 : index
    %get3A_3 = arith.constant 0 : index
    %get3A_4 = vector.load %arg0[%get3A_2, %get3A_3] : memref<2x10240xf32, #tpu.memory_space<vmem>>, vector<1x10240xf32>
    %add3A = arith.addf %get3A_1, %get3A_4 : vector<1x10240xf32>
    %add3A_5 = arith.constant 1.000000e+00 : f32
    %add3A_6 = vector.broadcast %add3A_5 : f32 to vector<1x10240xf32>
    %add3A_7 = arith.addf %add3A, %add3A_6 : vector<1x10240xf32>
    %rsqrt3A = math.rsqrt %add3A_7 : vector<1x10240xf32>
    %swap3A = arith.constant 0 : index
    %swap3A_8 = arith.constant 0 : index
    %swap3A_9 = vector.load %arg1[%swap3A, %swap3A_8] : memref<1x10240xf32, #tpu.memory_space<vmem>>, vector<1x10240xf32>
    tpu.vector_store %arg1[%swap3A, %swap3A_8], %rsqrt3A {strides = array<i32>} : memref<1x10240xf32, #tpu.memory_space<vmem>>, vector<1x10240xf32>,
    return
  }
}

module attributes {stable_mosaic.version = 14 : i64} {
  func.func @body(%arg0: i32, %arg1: memref<2x256x128xi32, #tpu.memory_space<vmem>>, %arg2: memref<2x256x128xi32, #tpu.memory_space<vmem>>, %arg3: memref<8x128xi32, #tpu.memory_space<vmem>>, %arg4: memref<256x128xi32, #tpu.memory_space<vmem>>, %arg5: memref<256x128xi32, #tpu.memory_space<vmem>>) attributes {dimension_semantics = [#tpu.dimension_semantics<arbitrary>], iteration_bounds = array<i64: 10>, scalar_prefetch = 0 : i64, scratch_operands = 0 : i64, tpu.core_type = #tpu.core_type<tc>, window_params = [{transform_indices = @transform_0, window_bounds = array<i64: 2, 256, 128>}, {transform_indices = @transform_1, window_bounds = array<i64: 2, 256, 128>}, {pipeline_mode = #tpu.pipeline_mode<synchronous>, transform_indices = @transform_2, window_bounds = array<i64: 8, 128>}, {transform_indices = @transform_3, window_bounds = array<i64: 256, 128>}, {transform_indices = @transform_4, window_bounds = array<i64: 256, 128>}]} {
    %get3A = arith.constant 1 : index
    %get3A_0 = arith.constant 0 : index
    %get3A_1 = vector.load %arg3[%get3A, %get3A_0] : memref<8x128xi32, #tpu.memory_space<vmem>>, vector<1x1xi32>
    %get3A_2 = vector.extract %get3A_1[0, 0] : i32 from vector<1x1xi32>
    %get3A_3 = arith.constant 2 : index
    %get3A_4 = arith.constant 0 : index
    %get3A_5 = vector.load %arg3[%get3A_3, %get3A_4] : memref<8x128xi32, #tpu.memory_space<vmem>>, vector<1x1xi32>
    %get3A_6 = vector.extract %get3A_5[0, 0] : i32 from vector<1x1xi32>
    %get3A_7 = arith.constant 3 : index
    %get3A_8 = arith.constant 0 : index
    %get3A_9 = vector.load %arg3[%get3A_7, %get3A_8] : memref<8x128xi32, #tpu.memory_space<vmem>>, vector<1x1xi32>
    %get3A_10 = vector.extract %get3A_9[0, 0] : i32 from vector<1x1xi32>
    %get3A_11 = arith.constant 0 : index
    %get3A_12 = arith.constant 0 : index
    %get3A_13 = arith.constant 0 : index
    %get3A_14 = vector.load %arg1[%get3A_11, %get3A_12, %get3A_13] : memref<2x256x128xi32, #tpu.memory_space<vmem>>, vector<1x256x128xi32>
    %get3A_15 = vector.shape_cast %get3A_14 : vector<1x256x128xi32> to vector<256x128xi32>
    %get3A_16 = arith.constant 1 : index
    %get3A_17 = arith.constant 0 : index
    %get3A_18 = arith.constant 0 : index
    %get3A_19 = vector.load %arg1[%get3A_16, %get3A_17, %get3A_18] : memref<2x256x128xi32, #tpu.memory_space<vmem>>, vector<1x256x128xi32>
    %get3A_20 = vector.shape_cast %get3A_19 : vector<1x256x128xi32> to vector<256x128xi32>
    %max3A = arith.maxsi %get3A_15, %get3A_20 : vector<256x128xi32>
    %get3A_21 = arith.constant 0 : index
    %get3A_22 = arith.constant 0 : index
    %get3A_23 = arith.constant 0 : index
    %get3A_24 = vector.load %arg2[%get3A_21, %get3A_22, %get3A_23] : memref<2x256x128xi32, #tpu.memory_space<vmem>>, vector<1x256x128xi32>
    %get3A_25 = vector.shape_cast %get3A_24 : vector<1x256x128xi32> to vector<256x128xi32>
    %get3A_26 = arith.constant 1 : index
    %get3A_27 = arith.constant 0 : index
    %get3A_28 = arith.constant 0 : index
    %get3A_29 = vector.load %arg2[%get3A_26, %get3A_27, %get3A_28] : memref<2x256x128xi32, #tpu.memory_space<vmem>>, vector<1x256x128xi32>
    %get3A_30 = vector.shape_cast %get3A_29 : vector<1x256x128xi32> to vector<256x128xi32>
    %max3A_31 = arith.maxsi %get3A_25, %get3A_30 : vector<256x128xi32>
    %iota3A = tpu.iota {dimensions = array<i32: 0>} : vector<256x128xi32>
    %iota3A_32 = tpu.iota {dimensions = array<i32: 1>} : vector<256x128xi32>
    %mul3A = arith.constant 256 : i32
    %mul3A_33 = arith.muli %arg0, %mul3A : i32
    %add3A = vector.broadcast %mul3A_33 : i32 to vector<256x128xi32>
    %add3A_34 = arith.addi %add3A, %iota3A : vector<256x128xi32>
    %mul3A_35 = arith.constant 128 : i32
    %mul3A_36 = vector.broadcast %mul3A_35 : i32 to vector<256x128xi32>
    %mul3A_37 = arith.muli %add3A_34, %mul3A_36 : vector<256x128xi32>
    %add3A_38 = arith.addi %mul3A_37, %iota3A_32 : vector<256x128xi32>
    %ge3A = vector.broadcast %get3A_2 : i32 to vector<256x128xi32>
    %ge3A_39 = arith.cmpi sge, %add3A_38, %ge3A : vector<256x128xi32>
    %jit3A = arith.constant 0 : i32
    %broadcast_in_dim3A = vector.broadcast %get3A_2 : i32 to vector<256x128xi32>
    %broadcast_in_dim3A_40 = vector.broadcast %jit3A : i32 to vector<256x128xi32>
    %select_n3A = arith.select %ge3A_39, %broadcast_in_dim3A, %broadcast_in_dim3A_40 : vector<256x128xi1>, vector<256x128xi32>
    %sub3A = arith.subi %add3A_38, %select_n3A : vector<256x128xi32>
    %broadcast_in_dim3A_41 = vector.broadcast %get3A_10 : i32 to vector<256x128xi32>
    %broadcast_in_dim3A_42 = vector.broadcast %get3A_6 : i32 to vector<256x128xi32>
    %select_n3A_43 = arith.select %ge3A_39, %broadcast_in_dim3A_41, %broadcast_in_dim3A_42 : vector<256x128xi1>, vector<256x128xi32>
    %ge3A_44 = arith.cmpi sge, %sub3A, %select_n3A_43 : vector<256x128xi32>
    %jit3A_45 = arith.constant 5120 : i32
    %jit3A_46 = arith.constant 0 : i32
    %broadcast_in_dim3A_47 = vector.broadcast %jit3A_45 : i32 to vector<256x128xi32>
    %broadcast_in_dim3A_48 = vector.broadcast %jit3A_46 : i32 to vector<256x128xi32>
    %select_n3A_49 = arith.select %ge3A_39, %broadcast_in_dim3A_47, %broadcast_in_dim3A_48 : vector<256x128xi1>, vector<256x128xi32>
    %sub3A_50 = arith.subi %max3A_31, %select_n3A_49 : vector<256x128xi32>
    %jit3A_51 = arith.constant 1024 : i32
    %eq3A = arith.constant 0 : i32
    %eq3A_52 = arith.cmpi eq, %jit3A_51, %eq3A : i32
    %jit3A_53 = arith.constant 1 : i32
    %select_n3A_54 = arith.select %eq3A_52, %jit3A_53, %jit3A_51 : i32
    %rem3A = vector.broadcast %select_n3A_54 : i32 to vector<256x128xi32>
    %rem3A_55 = arith.remsi %add3A_38, %rem3A : vector<256x128xi32>
    %ne3A = arith.constant 0 : i32
    %ne3A_56 = vector.broadcast %ne3A : i32 to vector<256x128xi32>
    %ne3A_57 = arith.cmpi ne, %rem3A_55, %ne3A_56 : vector<256x128xi32>
    %lt3A = arith.constant 0 : i32
    %lt3A_58 = vector.broadcast %lt3A : i32 to vector<256x128xi32>
    %lt3A_59 = arith.cmpi slt, %rem3A_55, %lt3A_58 : vector<256x128xi32>
    %lt3A_60 = arith.constant 0 : i32
    %lt3A_61 = arith.cmpi slt, %select_n3A_54, %lt3A_60 : i32
    %ne3A_62 = vector.broadcast %lt3A_61 : i1 to vector<256x128xi1>
    %ne3A_63 = vector.broadcast %ne3A_62 : vector<256x128xi1> to vector<256x128xi1>
    %ne3A_64 = arith.xori %lt3A_59, %ne3A_63 : vector<256x128xi1>
    %and3A = arith.andi %ne3A_64, %ne3A_57 : vector<256x128xi1>
    %add3A_65 = vector.broadcast %select_n3A_54 : i32 to vector<256x128xi32>
    %add3A_66 = arith.addi %rem3A_55, %add3A_65 : vector<256x128xi32>
    %select_n3A_67 = arith.select %and3A, %add3A_66, %rem3A_55 : vector<256x128xi1>, vector<256x128xi32>
    %add3A_68 = arith.constant 5120 : i32
    %add3A_69 = vector.broadcast %add3A_68 : i32 to vector<256x128xi32>
    %add3A_70 = arith.addi %add3A_69, %select_n3A_67 : vector<256x128xi32>
    %select_n3A_71 = arith.select %ge3A_44, %add3A_70, %sub3A_50 : vector<256x128xi1>, vector<256x128xi32>
    %swap3A = arith.constant 0 : index
    %swap3A_72 = arith.constant 0 : index
    %swap3A_73 = vector.load %arg5[%swap3A, %swap3A_72] : memref<256x128xi32, #tpu.memory_space<vmem>>, vector<256x128xi32>
    tpu.vector_store %arg5[%swap3A, %swap3A_72], %select_n3A_71 {strides = array<i32>} : memref<256x128xi32, #tpu.memory_space<vmem>>, vector<256x128xi32>,
    %jit3A_74 = arith.constant 0 : i32
    %broadcast_in_dim3A_75 = vector.broadcast %jit3A_74 : i32 to vector<256x128xi32>
    %select_n3A_76 = arith.select %ge3A_44, %broadcast_in_dim3A_75, %max3A : vector<256x128xi1>, vector<256x128xi32>
    %swap3A_77 = arith.constant 0 : index
    %swap3A_78 = arith.constant 0 : index
    %swap3A_79 = vector.load %arg4[%swap3A_77, %swap3A_78] : memref<256x128xi32, #tpu.memory_space<vmem>>, vector<256x128xi32>
    tpu.vector_store %arg4[%swap3A_77, %swap3A_78], %select_n3A_76 {strides = array<i32>} : memref<256x128xi32, #tpu.memory_space<vmem>>, vector<256x128xi32>,
    return
  }
  func.func @transform_0(%arg0: i32) -> (i32, i32, i32) {
    %c0_i32 = arith.constant 0 : i32
    %c0_i32_0 = arith.constant 0 : i32
    %c0_i32_1 = arith.constant 0 : i32
    return %c0_i32, %arg0, %c0_i32_0 : i32, i32, i32
  }
  func.func @transform_1(%arg0: i32) -> (i32, i32, i32) {
    %c0_i32 = arith.constant 0 : i32
    %c0_i32_0 = arith.constant 0 : i32
    %c0_i32_1 = arith.constant 0 : i32
    return %c0_i32, %arg0, %c0_i32_0 : i32, i32, i32
  }
  func.func @transform_2(%arg0: i32) -> (i32, i32) {
    %c0_i32 = arith.constant 0 : i32
    %c0_i32_0 = arith.constant 0 : i32
    %c0_i32_1 = arith.constant 0 : i32
    return %c0_i32, %c0_i32_0 : i32, i32
  }
  func.func @transform_3(%arg0: i32) -> (i32, i32) {
    %c0_i32 = arith.constant 0 : i32
    %c0_i32_0 = arith.constant 0 : i32
    return %arg0, %c0_i32 : i32, i32
  }
  func.func @transform_4(%arg0: i32) -> (i32, i32) {
    %c0_i32 = arith.constant 0 : i32
    %c0_i32_0 = arith.constant 0 : i32
    return %arg0, %c0_i32 : i32, i32
  }
}

module attributes {stable_mosaic.version = 14 : i64} {
  func.func @body(%arg0: i32, %arg1: memref<2000x128xf32, #tpu.memory_space<vmem>>, %arg2: memref<128x128xf32, #tpu.memory_space<vmem>>, %arg3: memref<2000x1xf32, #tpu.memory_space<vmem>>, %arg4: memref<2000x128xf32, #tpu.memory_space<vmem>>) attributes {dimension_semantics = [#tpu.dimension_semantics<arbitrary>], iteration_bounds = array<i64: 5>, scalar_prefetch = 0 : i64, scratch_operands = 0 : i64, tpu.core_type = #tpu.core_type<tc>, window_params = [{transform_indices = @transform_0, window_bounds = array<i64: 2000, 128>}, {pipeline_mode = #tpu.pipeline_mode<synchronous>, transform_indices = @transform_1, window_bounds = array<i64: 128, 128>}, {transform_indices = @transform_2, window_bounds = array<i64: 2000, 1>}, {transform_indices = @transform_3, window_bounds = array<i64: 2000, 128>}]} {
    %get3A = arith.constant 0 : index
    %get3A_0 = arith.constant 0 : index
    %get3A_1 = vector.load %arg1[%get3A, %get3A_0] : memref<2000x128xf32, #tpu.memory_space<vmem>>, vector<2000x128xf32>
    %get3A_2 = arith.constant 0 : index
    %get3A_3 = arith.constant 0 : index
    %get3A_4 = vector.load %arg2[%get3A_2, %get3A_3] : memref<128x128xf32, #tpu.memory_space<vmem>>, vector<128x128xf32>
    %dot_general3A = arith.constant dense<0.000000e+00> : vector<2000x128xf32>
    %dot_general3A_5 = tpu.matmul %get3A_1, %get3A_4, %dot_general3A {dimension_numbers = #tpu.dot_dimension_numbers<[1], [0], [0], [1], [0, 0, 1, 1], [], []>, transpose_lhs_hint = false} : vector<2000x128xf32>, vector<128x128xf32>, vector<2000x128xf32> -> vector<2000x128xf32>
    %get3A_6 = arith.constant 0 : index
    %get3A_7 = arith.constant 0 : index
    %get3A_8 = vector.load %arg3[%get3A_6, %get3A_7] : memref<2000x1xf32, #tpu.memory_space<vmem>>, vector<2000x1xf32>
    %mul3A = vector.broadcast %get3A_8 : vector<2000x1xf32> to vector<2000x128xf32>
    %mul3A_9 = arith.mulf %dot_general3A_5, %mul3A : vector<2000x128xf32>
    %swap3A = arith.constant 0 : index
    %swap3A_10 = arith.constant 0 : index
    %swap3A_11 = vector.load %arg4[%swap3A, %swap3A_10] : memref<2000x128xf32, #tpu.memory_space<vmem>>, vector<2000x128xf32>
    tpu.vector_store %arg4[%swap3A, %swap3A_10], %mul3A_9 {strides = array<i32>} : memref<2000x128xf32, #tpu.memory_space<vmem>>, vector<2000x128xf32>,
    return
  }
  func.func @transform_0(%arg0: i32) -> (i32, i32) {
    %c0_i32 = arith.constant 0 : i32
    %c0_i32_0 = arith.constant 0 : i32
    return %arg0, %c0_i32 : i32, i32
  }
  func.func @transform_1(%arg0: i32) -> (i32, i32) {
    %c0_i32 = arith.constant 0 : i32
    %c0_i32_0 = arith.constant 0 : i32
    %c0_i32_1 = arith.constant 0 : i32
    return %c0_i32, %c0_i32_0 : i32, i32
  }
  func.func @transform_2(%arg0: i32) -> (i32, i32) {
    %c0_i32 = arith.constant 0 : i32
    %c0_i32_0 = arith.constant 0 : i32
    return %arg0, %c0_i32 : i32, i32
  }
  func.func @transform_3(%arg0: i32) -> (i32, i32) {
    %c0_i32 = arith.constant 0 : i32
    %c0_i32_0 = arith.constant 0 : i32
    return %arg0, %c0_i32 : i32, i32
  }
}

module attributes {stable_mosaic.version = 14 : i64} {
  func.func @body(%arg0: i32, %arg1: memref<2000x128xf32, #tpu.memory_space<vmem>>, %arg2: memref<2000x128xf32, #tpu.memory_space<vmem>>, %arg3: memref<2000x1xf32, #tpu.memory_space<vmem>>, %arg4: memref<1x128xf32, #tpu.memory_space<vmem>>, %arg5: memref<128x128xf32, #tpu.memory_space<vmem>>, %arg6: memref<2000x128xf32, #tpu.memory_space<vmem>>) attributes {dimension_semantics = [#tpu.dimension_semantics<arbitrary>], iteration_bounds = array<i64: 5>, scalar_prefetch = 0 : i64, scratch_operands = 0 : i64, tpu.core_type = #tpu.core_type<tc>, window_params = [{transform_indices = @transform_0, window_bounds = array<i64: 2000, 128>}, {transform_indices = @transform_1, window_bounds = array<i64: 2000, 128>}, {transform_indices = @transform_2, window_bounds = array<i64: 2000, 1>}, {pipeline_mode = #tpu.pipeline_mode<synchronous>, transform_indices = @transform_3, window_bounds = array<i64: 1, 128>}, {pipeline_mode = #tpu.pipeline_mode<synchronous>, transform_indices = @transform_4, window_bounds = array<i64: 128, 128>}, {transform_indices = @transform_5, window_bounds = array<i64: 2000, 128>}]} {
    %get3A = arith.constant 0 : index
    %get3A_0 = arith.constant 0 : index
    %get3A_1 = vector.load %arg1[%get3A, %get3A_0] : memref<2000x128xf32, #tpu.memory_space<vmem>>, vector<2000x128xf32>
    %get3A_2 = arith.constant 0 : index
    %get3A_3 = arith.constant 0 : index
    %get3A_4 = vector.load %arg2[%get3A_2, %get3A_3] : memref<2000x128xf32, #tpu.memory_space<vmem>>, vector<2000x128xf32>
    %add3A = arith.addf %get3A_1, %get3A_4 : vector<2000x128xf32>
    %get3A_5 = arith.constant 0 : index
    %get3A_6 = arith.constant 0 : index
    %get3A_7 = vector.load %arg3[%get3A_5, %get3A_6] : memref<2000x1xf32, #tpu.memory_space<vmem>>, vector<2000x1xf32>
    %mul3A = vector.broadcast %get3A_7 : vector<2000x1xf32> to vector<2000x128xf32>
    %mul3A_8 = arith.mulf %add3A, %mul3A : vector<2000x128xf32>
    %get3A_9 = arith.constant 0 : index
    %get3A_10 = arith.constant 0 : index
    %get3A_11 = vector.load %arg4[%get3A_9, %get3A_10] : memref<1x128xf32, #tpu.memory_space<vmem>>, vector<1x128xf32>
    %add3A_12 = vector.broadcast %get3A_11 : vector<1x128xf32> to vector<2000x128xf32>
    %add3A_13 = arith.addf %mul3A_8, %add3A_12 : vector<2000x128xf32>
    %max3A = arith.constant 0.000000e+00 : f32
    %max3A_14 = vector.broadcast %max3A : f32 to vector<2000x128xf32>
    %max3A_15 = arith.maximumf %add3A_13, %max3A_14 : vector<2000x128xf32>
    %get3A_16 = arith.constant 0 : index
    %get3A_17 = arith.constant 0 : index
    %get3A_18 = vector.load %arg5[%get3A_16, %get3A_17] : memref<128x128xf32, #tpu.memory_space<vmem>>, vector<128x128xf32>
    %dot_general3A = arith.constant dense<0.000000e+00> : vector<2000x128xf32>
    %dot_general3A_19 = tpu.matmul %max3A_15, %get3A_18, %dot_general3A {dimension_numbers = #tpu.dot_dimension_numbers<[1], [0], [0], [1], [0, 0, 1, 1], [], []>, transpose_lhs_hint = false} : vector<2000x128xf32>, vector<128x128xf32>, vector<2000x128xf32> -> vector<2000x128xf32>
    %get3A_20 = arith.constant 0 : index
    %get3A_21 = arith.constant 0 : index
    %get3A_22 = vector.load %arg3[%get3A_20, %get3A_21] : memref<2000x1xf32, #tpu.memory_space<vmem>>, vector<2000x1xf32>
    %mul3A_23 = vector.broadcast %get3A_22 : vector<2000x1xf32> to vector<2000x128xf32>
    %mul3A_24 = arith.mulf %dot_general3A_19, %mul3A_23 : vector<2000x128xf32>
    %swap3A = arith.constant 0 : index
    %swap3A_25 = arith.constant 0 : index
    %swap3A_26 = vector.load %arg6[%swap3A, %swap3A_25] : memref<2000x128xf32, #tpu.memory_space<vmem>>, vector<2000x128xf32>
    tpu.vector_store %arg6[%swap3A, %swap3A_25], %mul3A_24 {strides = array<i32>} : memref<2000x128xf32, #tpu.memory_space<vmem>>, vector<2000x128xf32>,
    return
  }
  func.func @transform_0(%arg0: i32) -> (i32, i32) {
    %c0_i32 = arith.constant 0 : i32
    %c0_i32_0 = arith.constant 0 : i32
    return %arg0, %c0_i32 : i32, i32
  }
  func.func @transform_1(%arg0: i32) -> (i32, i32) {
    %c0_i32 = arith.constant 0 : i32
    %c0_i32_0 = arith.constant 0 : i32
    return %arg0, %c0_i32 : i32, i32
  }
  func.func @transform_2(%arg0: i32) -> (i32, i32) {
    %c0_i32 = arith.constant 0 : i32
    %c0_i32_0 = arith.constant 0 : i32
    return %arg0, %c0_i32 : i32, i32
  }
  func.func @transform_3(%arg0: i32) -> (i32, i32) {
    %c0_i32 = arith.constant 0 : i32
    %c0_i32_0 = arith.constant 0 : i32
    %c0_i32_1 = arith.constant 0 : i32
    return %c0_i32, %c0_i32_0 : i32, i32
  }
  func.func @transform_4(%arg0: i32) -> (i32, i32) {
    %c0_i32 = arith.constant 0 : i32
    %c0_i32_0 = arith.constant 0 : i32
    %c0_i32_1 = arith.constant 0 : i32
    return %c0_i32, %c0_i32_0 : i32, i32
  }
  func.func @transform_5(%arg0: i32) -> (i32, i32) {
    %c0_i32 = arith.constant 0 : i32
    %c0_i32_0 = arith.constant 0 : i32
    return %arg0, %c0_i32 : i32, i32
  }
}

module attributes {stable_mosaic.version = 14 : i64} {
  func.func @body(%arg0: i32, %arg1: memref<2000x128xf32, #tpu.memory_space<vmem>>, %arg2: memref<2000x128xf32, #tpu.memory_space<vmem>>, %arg3: memref<2000x1xf32, #tpu.memory_space<vmem>>, %arg4: memref<1x128xf32, #tpu.memory_space<vmem>>, %arg5: memref<128x128xf32, #tpu.memory_space<vmem>>, %arg6: memref<1x128xf32, #tpu.memory_space<vmem>>, %arg7: memref<128x1xf32, #tpu.memory_space<vmem>>, %arg8: memref<1x1xf32, #tpu.memory_space<vmem>>, %arg9: memref<1x1xf32, #tpu.memory_space<vmem>>, %arg10: memref<1x128xf32, #tpu.memory_space<vmem>>) attributes {dimension_semantics = [#tpu.dimension_semantics<arbitrary>], iteration_bounds = array<i64: 5>, scalar_prefetch = 0 : i64, scratch_operands = 1 : i64, tpu.core_type = #tpu.core_type<tc>, window_params = [{transform_indices = @transform_0, window_bounds = array<i64: 2000, 128>}, {transform_indices = @transform_1, window_bounds = array<i64: 2000, 128>}, {transform_indices = @transform_2, window_bounds = array<i64: 2000, 1>}, {pipeline_mode = #tpu.pipeline_mode<synchronous>, transform_indices = @transform_3, window_bounds = array<i64: 1, 128>}, {pipeline_mode = #tpu.pipeline_mode<synchronous>, transform_indices = @transform_4, window_bounds = array<i64: 128, 128>}, {pipeline_mode = #tpu.pipeline_mode<synchronous>, transform_indices = @transform_5, window_bounds = array<i64: 1, 128>}, {pipeline_mode = #tpu.pipeline_mode<synchronous>, transform_indices = @transform_6, window_bounds = array<i64: 128, 1>}, {pipeline_mode = #tpu.pipeline_mode<synchronous>, transform_indices = @transform_7, window_bounds = array<i64: 1, 1>}, {pipeline_mode = #tpu.pipeline_mode<synchronous>, transform_indices = @transform_8, window_bounds = array<i64: 1, 1>}]} {
    %get3A = arith.constant 0 : index
    %get3A_0 = arith.constant 0 : index
    %get3A_1 = vector.load %arg1[%get3A, %get3A_0] : memref<2000x128xf32, #tpu.memory_space<vmem>>, vector<2000x128xf32>
    %get3A_2 = arith.constant 0 : index
    %get3A_3 = arith.constant 0 : index
    %get3A_4 = vector.load %arg2[%get3A_2, %get3A_3] : memref<2000x128xf32, #tpu.memory_space<vmem>>, vector<2000x128xf32>
    %add3A = arith.addf %get3A_1, %get3A_4 : vector<2000x128xf32>
    %get3A_5 = arith.constant 0 : index
    %get3A_6 = arith.constant 0 : index
    %get3A_7 = vector.load %arg3[%get3A_5, %get3A_6] : memref<2000x1xf32, #tpu.memory_space<vmem>>, vector<2000x1xf32>
    %mul3A = vector.broadcast %get3A_7 : vector<2000x1xf32> to vector<2000x128xf32>
    %mul3A_8 = arith.mulf %add3A, %mul3A : vector<2000x128xf32>
    %get3A_9 = arith.constant 0 : index
    %get3A_10 = arith.constant 0 : index
    %get3A_11 = vector.load %arg4[%get3A_9, %get3A_10] : memref<1x128xf32, #tpu.memory_space<vmem>>, vector<1x128xf32>
    %add3A_12 = vector.broadcast %get3A_11 : vector<1x128xf32> to vector<2000x128xf32>
    %add3A_13 = arith.addf %mul3A_8, %add3A_12 : vector<2000x128xf32>
    %max3A = arith.constant 0.000000e+00 : f32
    %max3A_14 = vector.broadcast %max3A : f32 to vector<2000x128xf32>
    %max3A_15 = arith.maximumf %add3A_13, %max3A_14 : vector<2000x128xf32>
    %reduce_sum3A = arith.constant dense<0.000000e+00> : vector<128xf32>
    %reduce_sum3A_16 = vector.multi_reduction <add>, %max3A_15, %reduce_sum3A [0] : vector<2000x128xf32> to vector<128xf32>
    %broadcast_in_dim3A = vector.shape_cast %reduce_sum3A_16 : vector<128xf32> to vector<1x128xf32>
    %eq3A = arith.constant 0 : i32
    %eq3A_17 = arith.cmpi eq, %arg0, %eq3A : i32
    %convert_element_type3A = arith.extui %eq3A_17 : i1 to i32
    %cond3A = arith.constant 0 : i32
    %cond3A_18 = arith.cmpi ne, %convert_element_type3A, %cond3A : i32
    scf.if %cond3A_18 {
      %swap3A = arith.constant 0 : index
      %swap3A_28 = arith.constant 0 : index
      %swap3A_29 = vector.load %arg10[%swap3A, %swap3A_28] : memref<1x128xf32, #tpu.memory_space<vmem>>, vector<1x128xf32>
      tpu.vector_store %arg10[%swap3A, %swap3A_28], %broadcast_in_dim3A {strides = array<i32>} : memref<1x128xf32, #tpu.memory_space<vmem>>, vector<1x128xf32>,
    } else {
    }
    %gt3A = arith.constant 0 : i32
    %gt3A_19 = arith.cmpi sgt, %arg0, %gt3A : i32
    %convert_element_type3A_20 = arith.extui %gt3A_19 : i1 to i32
    %cond3A_21 = arith.constant 0 : i32
    %cond3A_22 = arith.cmpi ne, %convert_element_type3A_20, %cond3A_21 : i32
    scf.if %cond3A_22 {
      %get3A_28 = arith.constant 0 : index
      %get3A_29 = arith.constant 0 : index
      %get3A_30 = vector.load %arg10[%get3A_28, %get3A_29] : memref<1x128xf32, #tpu.memory_space<vmem>>, vector<1x128xf32>
      %add3A_31 = arith.addf %get3A_30, %broadcast_in_dim3A : vector<1x128xf32>
      %swap3A = arith.constant 0 : index
      %swap3A_32 = arith.constant 0 : index
      %swap3A_33 = vector.load %arg10[%swap3A, %swap3A_32] : memref<1x128xf32, #tpu.memory_space<vmem>>, vector<1x128xf32>
      tpu.vector_store %arg10[%swap3A, %swap3A_32], %add3A_31 {strides = array<i32>} : memref<1x128xf32, #tpu.memory_space<vmem>>, vector<1x128xf32>,
    } else {
    }
    %eq3A_23 = arith.constant 4 : i32
    %eq3A_24 = arith.cmpi eq, %arg0, %eq3A_23 : i32
    %convert_element_type3A_25 = arith.extui %eq3A_24 : i1 to i32
    %cond3A_26 = arith.constant 0 : i32
    %cond3A_27 = arith.cmpi ne, %convert_element_type3A_25, %cond3A_26 : i32
    scf.if %cond3A_27 {
      %get3A_28 = arith.constant 0 : index
      %get3A_29 = arith.constant 0 : index
      %get3A_30 = vector.load %arg10[%get3A_28, %get3A_29] : memref<1x128xf32, #tpu.memory_space<vmem>>, vector<1x128xf32>
      %mul3A_31 = arith.constant 9.99999974E-5 : f32
      %mul3A_32 = vector.broadcast %mul3A_31 : f32 to vector<1x128xf32>
      %mul3A_33 = arith.mulf %get3A_30, %mul3A_32 : vector<1x128xf32>
      %get3A_34 = arith.constant 0 : index
      %get3A_35 = arith.constant 0 : index
      %get3A_36 = vector.load %arg5[%get3A_34, %get3A_35] : memref<128x128xf32, #tpu.memory_space<vmem>>, vector<128x128xf32>
      %dot_general3A = arith.constant dense<0.000000e+00> : vector<1x128xf32>
      %dot_general3A_37 = tpu.matmul %mul3A_33, %get3A_36, %dot_general3A {dimension_numbers = #tpu.dot_dimension_numbers<[1], [0], [0], [1], [0, 0, 1, 1], [], []>, transpose_lhs_hint = false} : vector<1x128xf32>, vector<128x128xf32>, vector<1x128xf32> -> vector<1x128xf32>
      %get3A_38 = arith.constant 0 : index
      %get3A_39 = arith.constant 0 : index
      %get3A_40 = vector.load %arg6[%get3A_38, %get3A_39] : memref<1x128xf32, #tpu.memory_space<vmem>>, vector<1x128xf32>
      %add3A_41 = arith.addf %dot_general3A_37, %get3A_40 : vector<1x128xf32>
      %max3A_42 = arith.constant 0.000000e+00 : f32
      %max3A_43 = vector.broadcast %max3A_42 : f32 to vector<1x128xf32>
      %max3A_44 = arith.maximumf %add3A_41, %max3A_43 : vector<1x128xf32>
      %get3A_45 = arith.constant 0 : index
      %get3A_46 = arith.constant 0 : index
      %get3A_47 = vector.load %arg7[%get3A_45, %get3A_46] : memref<128x1xf32, #tpu.memory_space<vmem>>, vector<128x1xf32>
      %dot_general3A_48 = arith.constant dense<0.000000e+00> : vector<1x1xf32>
      %dot_general3A_49 = tpu.matmul %max3A_44, %get3A_47, %dot_general3A_48 {dimension_numbers = #tpu.dot_dimension_numbers<[1], [0], [0], [1], [0, 0, 1, 1], [], []>, transpose_lhs_hint = false} : vector<1x128xf32>, vector<128x1xf32>, vector<1x1xf32> -> vector<1x1xf32>
      %get3A_50 = arith.constant 0 : index
      %get3A_51 = arith.constant 0 : index
      %get3A_52 = vector.load %arg8[%get3A_50, %get3A_51] : memref<1x1xf32, #tpu.memory_space<vmem>>, vector<1x1xf32>
      %add3A_53 = arith.addf %dot_general3A_49, %get3A_52 : vector<1x1xf32>
      %logistic3A = arith.negf %add3A_53 : vector<1x1xf32>
      %logistic3A_54 = math.exp %logistic3A : vector<1x1xf32>
      %logistic3A_55 = arith.constant 1.000000e+00 : f32
      %logistic3A_56 = vector.broadcast %logistic3A_55 : f32 to vector<1x1xf32>
      %logistic3A_57 = arith.addf %logistic3A_56, %logistic3A_54 : vector<1x1xf32>
      %logistic3A_58 = arith.divf %logistic3A_56, %logistic3A_57 : vector<1x1xf32>
      %swap3A = arith.constant 0 : index
      %swap3A_59 = arith.constant 0 : index
      %swap3A_60 = vector.load %arg9[%swap3A, %swap3A_59] : memref<1x1xf32, #tpu.memory_space<vmem>>, vector<1x1xf32>
      tpu.vector_store %arg9[%swap3A, %swap3A_59], %logistic3A_58 {strides = array<i32>} : memref<1x1xf32, #tpu.memory_space<vmem>>, vector<1x1xf32>,
    } else {
    }
    return
  }
  func.func @transform_0(%arg0: i32) -> (i32, i32) {
    %c0_i32 = arith.constant 0 : i32
    %c0_i32_0 = arith.constant 0 : i32
    return %arg0, %c0_i32 : i32, i32
  }
  func.func @transform_1(%arg0: i32) -> (i32, i32) {
    %c0_i32 = arith.constant 0 : i32
    %c0_i32_0 = arith.constant 0 : i32
    return %arg0, %c0_i32 : i32, i32
  }
  func.func @transform_2(%arg0: i32) -> (i32, i32) {
    %c0_i32 = arith.constant 0 : i32
    %c0_i32_0 = arith.constant 0 : i32
    return %arg0, %c0_i32 : i32, i32
  }
  func.func @transform_3(%arg0: i32) -> (i32, i32) {
    %c0_i32 = arith.constant 0 : i32
    %c0_i32_0 = arith.constant 0 : i32
    %c0_i32_1 = arith.constant 0 : i32
    return %c0_i32, %c0_i32_0 : i32, i32
  }
  func.func @transform_4(%arg0: i32) -> (i32, i32) {
    %c0_i32 = arith.constant 0 : i32
    %c0_i32_0 = arith.constant 0 : i32
    %c0_i32_1 = arith.constant 0 : i32
    return %c0_i32, %c0_i32_0 : i32, i32
  }
  func.func @transform_5(%arg0: i32) -> (i32, i32) {
    %c0_i32 = arith.constant 0 : i32
    %c0_i32_0 = arith.constant 0 : i32
    %c0_i32_1 = arith.constant 0 : i32
    return %c0_i32, %c0_i32_0 : i32, i32
  }
  func.func @transform_6(%arg0: i32) -> (i32, i32) {
    %c0_i32 = arith.constant 0 : i32
    %c0_i32_0 = arith.constant 0 : i32
    %c0_i32_1 = arith.constant 0 : i32
    return %c0_i32, %c0_i32_0 : i32, i32
  }
  func.func @transform_7(%arg0: i32) -> (i32, i32) {
    %c0_i32 = arith.constant 0 : i32
    %c0_i32_0 = arith.constant 0 : i32
    %c0_i32_1 = arith.constant 0 : i32
    return %c0_i32, %c0_i32_0 : i32, i32
  }
  func.func @transform_8(%arg0: i32) -> (i32, i32) {
    %c0_i32 = arith.constant 0 : i32
    %c0_i32_0 = arith.constant 0 : i32
    %c0_i32_1 = arith.constant 0 : i32
    return %c0_i32, %c0_i32_0 : i32, i32
  }
}

</mosaic_0001>

<sc_bundles>
// kernel: kernel.13.cloned.1.call-start
scs
__scs_entry_jumppad:
0x0: {  	(pc) =	sbr.rel $0x88, $3  }
0x1: {  	(tag) =	ssettag $0x0;
	lr =	simm.s32 $0x1  }
0x2: {  	[smem:$0x3F95] =	sst lr;
	_ =	strace $0xD0000000  }
0x3: {  	_ = 	snop  }
0x4: {  	_ = 	snop  }
0x5: {  	_ = 	snop  }
0x6: {  	_ = 	snop  }
0x7: {  	_ = 	snop  }
__scs_overlays_trampoline_lowered:
0x8: {  	[smem:$0x3FA4] =	sst s0  }
0x9: {  	[smem:$0x3FA5] =	sst s1  }
0xa: {  	[smem:$0x3FA6] =	sst s2  }
0xb: {  	[smem:$0x3FA7] =	sst s3  }
0xc: {  	[smem:$0x3FA8] =	sst s4  }
0xd: {  	[smem:$0x3FA9] =	sst s5  }
0xe: {  	[smem:$0x3FAA] =	sst s6  }
0xf: {  	[smem:$0x3FAB] =	sst s7  }
0x10: {  	[smem:$0x3FAC] =	sst s8  }
0x11: {  	[smem:$0x3FAD] =	sst s9;
	s0 =	simm.s32 @!p0 $0x0  }
0x12: {  	s1 =	sld [smem:$0x3F93];
	s0 =	simm.s32 @p0 $0x1  }
0x13: {  	[smem:$0x3FAE] =	sst s0;
	s0 =	simm.s32 @!p1 $0x0  }
0x14: {  	s2 =	sld [smem:$0x3F92];
	s0 =	simm.s32 @p1 $0x1  }
0x15: {  	[smem:$0x3FAF] =	sst s0;
	s0 =	simm.s32 @!p2 $0x0  }
0x16: {  	s3 =	sld [smem:$0x3FDB];
	s0 =	simm.s32 @p2 $0x1  }
0x17: {  	s4 =	simm.s32 $0x1BF5;
	[smem:$0x3FB1] =	sst s0  }
0x18: {  	s0 =	sld [smem:$0x3F94];
	_ =	swait.ge [sflag:s4], $0x0  }
0x19: {  	s7 =	sld [smem:$0x3F95]  }
0x1a: {  	s8 =	sadd.s32 $0xFFFFE003, lr  }
0x1b: {  	s9 =	sadd.s32 $0xFFFFFEF7, lr;
	s5 =	simm.s32 $0xFFFFFFFF;
	p2 =	slt.u32 s8, $0xFFFFF086  }
0x1c: {  	p1 =	slt.u32 s9, $0xF7A;
	s5 =	simm.s32 @!p2 $0x0  }
0x1d: {  	s5 =	simm.s32 @p1 $0x1;
	p0 =	seq.s32 s7, s2  }
0x1e: {  	s7 =	smul.u32 @!p0 $0xF7A, s2;
	p2 =	seq.s32 @!p0 s5, $0x0  }
0x1f: {  	s9 =	smul.u32 $0xF7A, s1;
	s8 =	simm.s32 @!p0 $0x1BF5;
	p2 =	por !p2, p0  }
0x20: {  	[sflag:s8] =	ssyncset.s32 @!p0 $0xFFFFF086;
	s6 =	sadd.s32 @!p0 s3, s7;
	s7 =	simm.s32 @!p0 $0x108  }
0x21: {  	s3 =	sadd.s32 s3, s9;
	s6 =	sadd.s32 @!p0 $0x88, s6;
	s7 =	simm.s32 @p2 $0x1082  }
0x22: {  	[simem:s7], [sflag:s8] =	dma.local @!p0 [hbm:s6], $0xF7A  }
0x23: {  	s9 =	sor.u32 $0xD0000000, s2;
	s6 =	simm.s32 $0x108;
	_ =	swait.ge @!p0 [sflag:s8], $0x0  }
0x24: {  	s3 =	sadd.s32 $0x88, s3;
	s6 =	simm.s32 @!p1 $0x1082;
	[sflag:s4] =	ssyncset.s32 $0xFFFFF086  }
0x25: {  	[simem:s6], [sflag:s4] =	dma.local [hbm:s3], $0xF7A  }
0x26: {  	[smem:$0x3F95] =	sst s1;
	(tag) =	ssettag s2;
	_ =	strace s9  }
0x27: {  	s1 =	sld [smem:$0x3FA5]  }
0x28: {  	s2 =	sld [smem:$0x3FA6]  }
0x29: {  	s4 =	sld [smem:$0x3FA8]  }
0x2a: {  	p0 =	seq.s32 s5, $0x0;
	s5 =	sld [smem:$0x3FA9]  }
0x2b: {  	s6 =	sld [smem:$0x3FAA]  }
0x2c: {  	s7 =	sld [smem:$0x3FAB]  }
0x2d: {  	s3 =	simm.s32 $0x108;
	s8 =	sld [smem:$0x3FAC]  }
0x2e: {  	s3 =	simm.s32 @!p0 $0x1082;
	s9 =	sld [smem:$0x3FAD]  }
0x2f: {  	lr =	sadd.s32 s0, s3;
	s0 =	sld [smem:$0x3FA4]  }
0x30: {  	s3 =	sld [smem:$0x3FA7]  }
0x31: {  	[smem:$0x3FB0] =	sst s10  }
0x32: {  	s10 =	sld [smem:$0x3FAE];
	_ =	sdelay $0x3  }
0x33: {  	p0 =	seq.s32 s10, $0x1;
	s10 =	sld [smem:$0x3FB0];
	_ =	sdelay $0x3  }
0x34: {  	[smem:$0x3FB0] =	sst s10  }
0x35: {  	s10 =	sld [smem:$0x3FAF];
	_ =	sdelay $0x3  }
0x36: {  	p1 =	seq.s32 s10, $0x1;
	s10 =	sld [smem:$0x3FB0];
	_ =	sdelay $0x3  }
0x37: {  	[smem:$0x3FB0] =	sst s10  }
0x38: {  	s10 =	sld [smem:$0x3FB1]  }
0x39: {  	_ = 	snop;
	(pc) =	sbr.ind lr, $3  }
0x3a: {  	_ = 	snop  }
0x3b: {  	_ = 	snop  }
0x3c: {  	p2 =	seq.s32 s10, $0x1;
	s10 =	sld [smem:$0x3FB0]  }
0x3d: {  	_ =	shalt  }
0x3e: {  	_ =	shalt  }
0x3f: {  	_ =	shalt  }
0x40: {  	_ =	shalt  }
0x41: {  	_ =	shalt  }
0x42: {  	_ =	shalt  }
0x43: {  	_ =	shalt  }
0x44: {  	_ =	shalt  }
0x45: {  	_ =	shalt  }
0x46: {  	_ =	shalt  }
0x47: {  	_ =	shalt  }
0x48: {  	_ =	shalt  }
0x49: {  	_ =	shalt  }
0x4a: {  	_ =	shalt  }
0x4b: {  	_ =	shalt  }
0x4c: {  	_ =	shalt  }
0x4d: {  	_ =	shalt  }
0x4e: {  	_ =	shalt  }
0x4f: {  	_ =	shalt  }
0x50: {  	_ =	shalt  }
0x51: {  	_ =	shalt  }
0x52: {  	_ =	shalt  }
0x53: {  	_ =	shalt  }
0x54: {  	_ =	shalt  }
0x55: {  	_ =	shalt  }
0x56: {  	_ =	shalt  }
0x57: {  	_ =	shalt  }
0x58: {  	_ =	shalt  }
0x59: {  	_ =	shalt  }
0x5a: {  	_ =	shalt  }
0x5b: {  	_ =	shalt  }
0x5c: {  	_ =	shalt  }
0x5d: {  	_ =	shalt  }
0x5e: {  	_ =	shalt  }
0x5f: {  	_ =	shalt  }
0x60: {  	_ =	shalt  }
0x61: {  	_ =	shalt  }
0x62: {  	_ =	shalt  }
0x63: {  	_ =	shalt  }
0x64: {  	_ =	shalt  }
0x65: {  	_ =	shalt  }
0x66: {  	_ =	shalt  }
0x67: {  	_ =	shalt  }
0x68: {  	_ =	shalt  }
0x69: {  	_ =	shalt  }
0x6a: {  	_ =	shalt  }
0x6b: {  	_ =	shalt  }
0x6c: {  	_ =	shalt  }
0x6d: {  	_ =	shalt  }
0x6e: {  	_ =	shalt  }
0x6f: {  	_ =	shalt  }
0x70: {  	_ =	shalt  }
0x71: {  	_ =	shalt  }
0x72: {  	_ =	shalt  }
0x73: {  	_ =	shalt  }
0x74: {  	_ =	shalt  }
0x75: {  	_ =	shalt  }
0x76: {  	_ =	shalt  }
0x77: {  	_ =	shalt  }
0x78: {  	_ =	shalt  }
0x79: {  	_ =	shalt  }
0x7a: {  	_ =	shalt  }
0x7b: {  	_ =	shalt  }
0x7c: {  	_ =	shalt  }
0x7d: {  	_ =	shalt  }
0x7e: {  	_ =	shalt  }
0x7f: {  	_ =	shalt  }
0x80: {  	_ =	shalt  }
0x81: {  	_ =	shalt  }
0x82: {  	_ =	shalt  }
0x83: {  	_ =	shalt  }
0x84: {  	_ =	shalt  }
0x85: {  	_ =	shalt  }
0x86: {  	_ =	shalt  }
0x87: {  	_ =	shalt  }
.Lfunc_end0:
.L_simem_size_0:
called_computation_lowered:
.L_overlay_start_0:
0x88: {  	s2 =	sld [smem:$0x3FD9]  }
0x89: {  	s3 =	sld [smem:$0x3FFE];
	_ =	sdelay $0x1  }
0x8a: {  	s1 =	srdreg.scid  }
0x8b: {  	s0 =	sand.u32 $0x1, s1  }
0x8c: {  	s16 =	sshll.u32 s0, $0xA;
	s2 =	sadd.s32 s3, s2  }
0x8d: {  	s2 =	sadd.s32 s2, s16  }
0x8e: {  	[smem:$0x3FBC] =	sst s2  }
0x8f: {  	_ = 	snop  }
0x90: {  	(tm) =	ssettm $0x1  }
0x91: {  	s17 =	sld [smem:$0x3FFB];
	_ =	sdelay $0x3  }
0x92: {  	_ =	strace s17  }
0x93: {  	s2 =	sld [smem:$0x3FFC];
	_ =	sdelay $0x3  }
0x94: {  	_ =	strace s2  }
0x95: {  	s2 =	sld [smem:$0x3FFD];
	_ =	sdelay $0x3  }
0x96: {  	_ =	strace s2  }
0x97: {  	_ =	strace $0x8FFFFFFF  }
0x98: {  	s18 =	sld [smem:$0x3FDB];
	_ =	sdelay $0x1  }
0x99: {  	s19 =	simm.s32 $_scs_section_size  }
0x9a: {  	s4 =	simm.s32 $_size__tile_overlayer_lowered;
	s5 =	simm.s32 $_tile_overlayer_lowered  }
0x9b: {  	s22 =	simm.s32 $0x1BFF;
	s21 =	sshll.u32 s5, $0x1;
	s2 =	sadd.s32 s19, s18  }
0x9c: {  	s6 =	simm.s32 $0x0;
	s20 =	sshll.u32 s4, $0x1;
	s4 =	sadd.s32 s21, s2  }
0x9d: {  	[timem:s6], [sflag:s22] =	dma.local [hbm:s4], s20  }
0x9e: {  	_ =	swait.ge [sflag:s22], s20  }
0x9f: {  	s3 =	ssub.s32 $0x0, s20;
	[sflag:s22] =	ssyncset.done $0x0  }
0xa0: {  	[sflag:s22] =	ssyncadd.s32 s3;
	_ =	sdelay $0x1  }
0xa1: {  	s23 =	simm.s32 $0x1B8B  }
0xa2: {  	_ =	swait.ge [sflag:s23], $0x1  }
0xa3: {  	[sflag:s23] =	ssyncset.done $0x0  }
0xa4: {  	s25 =	simm.s32 $0x1B8E;
	s24 =	sld [smem:$0x3FFE];
	[sflag:s23] =	ssyncadd.s32 $0xFFFFFFFF  }
0xa5: {  	s26 =	simm.s32 $execute0_lowered;
	[smem:$0x3FD2] =	sst s25  }
0xa6: {  	s4 =	sshll.u32 s26, $0x1;
	_ =	strace $0x80000046;
	[dreg:$0x1] =	wrdreg $0xFFFFFFFF  }
0xa7: {  	s28 =	simm.s32 $_size_execute0_lowered;
	s2 =	sadd.s32 s2, s4;
	[dreg:$0x0] =	wrdreg $0x0  }
0xa8: {  	s4 =	sshll.u32 s28, $0x1;
	[dreg:$0x2] =	wrdreg s2  }
0xa9: {  	[dreg:$0x3] =	wrdreg s4  }
0xaa: {  	[dreg:$0x4] =	wrdreg $0xC0  }
0xab: {  	_ =	task [dreg:s6], $0x5FFFF  }
0xac: {  	[dreg:$0x1] =	wrdreg $0xFFFFFFFF  }
0xad: {  	[dreg:$0x0] =	wrdreg $0x60  }
0xae: {  	[dreg:$0x2] =	wrdreg s24  }
0xaf: {  	[dreg:$0x3] =	wrdreg $0x89800  }
0xb0: {  	[dreg:$0x4] =	wrdreg $0xD9800  }
0xb1: {  	[dreg:$0x5] =	wrdreg $0x87000  }
0xb2: {  	[dreg:$0x6] =	wrdreg $0x9  }
0xb3: {  	_ =	task.clear_ibuf [dreg:s6], $0x7FFFF;
	_ =	strace $0x90000046  }
0xb4: {  	s29 =	simm.s32 $0x9;
	_ =	strace $0x80000048  }
0xb5: {  	_ =	swait.ge [sflag:s29], $0x1  }
0xb6: {  	[sflag:s29] =	ssyncadd.s32 $0xFFFFFFFF  }
0xb7: {  	_ =	strace $0x90000048  }
0xb8: {  	_ =	sfence  }
0xb9: {  	s30 =	sld [smem:$0x0];
	_ =	sdelay $0x2  }
0xba: {  	s31 =	sshll.u32 s1, $0xD;
	s1 =	sshrl.u32 s1, $0x2  }
0xbb: {  	s3 =	sand.u32 $0x4000, s31;
	s1 =	sadd.s32 s1, s30  }
0xbc: {  	s0 =	sor.u32 s3, s0;
	s1 =	sshll.u32 s1, $0x11  }
0xbd: {  	s0 =	sor.u32 s1, s0  }
0xbe: {  	s0 =	sadd.s32 $0x8F2B, s0  }
0xbf: {  	[sflag:s0] =	ssyncadd.remote.s32 $0x1  }
0xc0: {  	_ =	sfence.sel $0xFFFF  }
0xc1: {  	[dreg:$0x0] =	wrdreg $0xFFFFFFFF;
	(pc) =	sbr.abs _section_cstart, $3  }
0xc2: {  	[dreg:$0x1] =	wrdreg $0xFFFFFFFF  }
0xc3: {  	_ =	task.clear_ibuf [dreg:s6], $0x2FFFF;
	_ =	strace $0x9FFFFFFF  }
0xc4: {  	(tm) =	ssettm $0x7FFFFFFF  }
0xc5: {  	_ =	shalt  }
tec
execute0_lowered:
.L_overlay_start_1:
0x0: {  	(tag) =	ssettag $0x1  }
0x1: {  	s0 =	rddreg [dreg:$0x0]  }
0x2: {  	s2 =	rddreg [dreg:$0x1]  }
0x3: {  	s3 =	rddreg [dreg:$0x2]  }
0x4: {  	s4 =	rddreg [dreg:$0x3];
	s11 =	stileid.u32  }
0x5: {  	s1 =	srdreg.scid;
	s5 =	simm.s32 $0x0;
	s7 =	smul.u32 $0x500, s11  }
0x6: {  	s1 =	sand.u32 $0x1, s1;
	s6 =	sshll.u32 s11, $0x1;
	s9 =	smul.u32 $0xA000, s11  }
0x7: {  	[smem:$0x7FF] =	sst s5;
	s10 =	sadd.s32 $0x5200, s0;
	s18 =	smul.u32 $0xA00, s11  }
0x8: {  	s6 =	sor.u32 s1, s6;
	s8 =	sshll.u32 s1, $0x7;
	_ =	strace $0x80000047  }
0x9: {  	[dreg:$0x5] =	wrdreg s10;
	s1 =	ssub.s32 $0x2, s1;
	s6 =	smul.u32 $0x500, s6  }
0xa: {  	s7 =	sor.u32 s8, s7;
	s8 =	sor.u32 s8, s9;
	s21 =	sshrl.u32 s1, $0x1  }
0xb: {  	s22 =	sshrl.u32 s18, $0x2;
	s7 =	sshrl.u32 s7, $0x3;
	s20 =	sshrl.u32 s8, $0x3  }
0xc: {  	s1 =	ssub.s32 s1, s21;
	s8 =	smul.u32 $0x5000, s11;
	s6 =	sadd.s32 s6, s0  }
0xd: {  	s19 =	sadd.s32 s7, s0;
	s0 =	sadd.s32 s20, s0;
	s7 =	sadd.s32 s22, s4  }
0xe: {  	s1 =	smax.u32 s1, $0x1;
	s23 =	sadd.s32 $0x19400, s6;
	s24 =	sadd.s32 $0xF400, s6  }
0xf: {  	s6 =	sadd.s32 $0x5400, s6;
	s25 =	sadd.s32 $0x23400, s19;
	[dreg:$0xc] =	wrdreg s1  }
0x10: {  	s26 =	sadd.s32 $0x23E00, s0;
	s0 =	sadd.s32 $0x37E00, s0;
	[dreg:$0x6] =	wrdreg s23  }
0x11: {  	s9 =	sor.u32 $0x800, s8;
	s11 =	sadd.s32 $0x1000, s8;
	[dreg:$0x7] =	wrdreg s24  }
0x12: {  	s13 =	sadd.s32 $0x1800, s8;
	s15 =	sadd.s32 $0x2000, s8;
	[dreg:$0x8] =	wrdreg s6  }
0x13: {  	s16 =	sadd.s32 $0x2800, s8;
	s17 =	sadd.s32 $0x3000, s8;
	[dreg:$0x9] =	wrdreg s25  }
0x14: {  	s18 =	sadd.s32 $0x3800, s8;
	s19 =	sadd.s32 $0x4000, s8;
	[dreg:$0xa] =	wrdreg s26  }
0x15: {  	[dreg:$0xb] =	wrdreg s0;
	s10 =	sadd.s32 s9, s2;
	s0 =	sadd.s32 s9, s3  }
0x16: {  	s12 =	sadd.s32 s11, s2;
	s1 =	sadd.s32 s11, s3;
	s14 =	sadd.s32 s13, s2  }
0x17: {  	s20 =	sadd.s32 s13, s3;
	s21 =	sadd.s32 s15, s2;
	s22 =	sadd.s32 s15, s3  }
0x18: {  	s23 =	sadd.s32 s16, s2;
	s24 =	sadd.s32 s16, s3;
	s25 =	sadd.s32 s17, s2  }
0x19: {  	s26 =	sadd.s32 s17, s3;
	s28 =	sadd.s32 s18, s2;
	[dreg:$0xd] =	wrdreg s10  }
0x1a: {  	s29 =	sadd.s32 s18, s3;
	s30 =	sadd.s32 s19, s2;
	[dreg:$0xe] =	wrdreg s0  }
0x1b: {  	s31 =	sadd.s32 s19, s3;
	s9 =	simm.s32 $0x7880;
	[dreg:$0xf] =	wrdreg s12  }
0x1c: {  	s11 =	simm.s32 $0x80;
	s13 =	simm.s32 $0x20;
	[dreg:$0x10] =	wrdreg s1  }
0x1d: {  	[dreg:$0x11] =	wrdreg s14;
	s0 =	sadd.s32 s8, s2;
	s1 =	sadd.s32 s8, s3  }
0x1e: {  	s8 =	sadd.s32 $0x4800, s8;
	s10 =	simm.s32 $0x1;
	s12 =	simm.s32 $0x7800  }
0x1f: {  	v0 =	vimm.f32 $1.000000000e+00;
	v1 =	vimm.s32 $0x0;
	v2 =	vimm.f32 $0.0e+00;
	s14 =	simm.s32 $0x10;
	s6 =	sadd.s32 s8, s2;
	s8 =	sadd.s32 s8, s3  }
.LBB2_1:
0x20: {  	[tilespmem:$0x7800] =	vst v0  }
0x21: {  	[tilespmem:$0x7810] =	vst v0  }
0x22: {  	[tilespmem:$0x7820] =	vst v0  }
0x23: {  	[tilespmem:$0x7830] =	vst v0  }
0x24: {  	[tilespmem:$0x7840] =	vst v0  }
0x25: {  	[tilespmem:$0x7850] =	vst v0  }
0x26: {  	[tilespmem:$0x7860] =	vst v0  }
0x27: {  	[tilespmem:$0x7870] =	vst v0;
	s15 =	simm.s32 $0x40;
	s16 =	simm.s32 $0x0  }
.LBB2_2:
0x28: {  	p0 =	sne.s32 s15, $0x1FC0;
	[tilespmem:s16+$0x7880] =	vst v1;
	s16 =	smov.u32 s15;
	s15 =	sadd.s32 $0x40, s15  }
.Ltmp0:
0x29: {  	(pc) =	sbr.rel @p0 .LBB2_2-.Ltmp0, $2  }
0x2a: {  	_ =	sdelay $0x2  }
0x2b: {  	s16 =	sshra.s32 s16, $0x2  }
0x2c: {  	[tilespmem:s16+$0x7880] =	vst v1  }
0x2d: {  	[tilespmem:$0x8080] =	vst v2  }
0x2e: {  	[tilespmem:$0x8090] =	vst v2  }
0x2f: {  	[tilespmem:$0x80A0] =	vst v2  }
0x30: {  	[tilespmem:$0x80B0] =	vst v2  }
0x31: {  	[tilespmem:$0x80C0] =	vst v2  }
0x32: {  	[tilespmem:$0x80D0] =	vst v2  }
0x33: {  	[tilespmem:$0x80E0] =	vst v2  }
0x34: {  	[tilespmem:$0x80F0] =	vst v2  }
0x35: {  	[tilespmem:$0x8100] =	vst v2  }
0x36: {  	[tilespmem:$0x8110] =	vst v2  }
0x37: {  	[tilespmem:$0x8120] =	vst v2  }
0x38: {  	[tilespmem:$0x8130] =	vst v2  }
0x39: {  	[tilespmem:$0x8140] =	vst v2  }
0x3a: {  	[tilespmem:$0x8150] =	vst v2  }
0x3b: {  	[tilespmem:$0x8160] =	vst v2  }
0x3c: {  	[tilespmem:$0x8170] =	vst v2  }
0x3d: {  	[tilespmem:$0x8180] =	vst v2  }
0x3e: {  	[tilespmem:$0x8190] =	vst v2  }
0x3f: {  	[tilespmem:$0x81A0] =	vst v2  }
0x40: {  	[tilespmem:$0x81B0] =	vst v2  }
0x41: {  	[tilespmem:$0x81C0] =	vst v2  }
0x42: {  	[tilespmem:$0x81D0] =	vst v2  }
0x43: {  	[tilespmem:$0x81E0] =	vst v2  }
0x44: {  	[tilespmem:$0x81F0] =	vst v2  }
0x45: {  	[tilespmem:$0x8200] =	vst v2  }
0x46: {  	[tilespmem:$0x8210] =	vst v2  }
0x47: {  	[tilespmem:$0x8220] =	vst v2  }
0x48: {  	[tilespmem:$0x8230] =	vst v2  }
0x49: {  	[tilespmem:$0x8240] =	vst v2  }
0x4a: {  	[tilespmem:$0x8250] =	vst v2  }
0x4b: {  	[tilespmem:$0x8260] =	vst v2  }
0x4c: {  	[tilespmem:$0x8270] =	vst v2  }
0x4d: {  	[tilespmem:$0x8280] =	vst v2  }
0x4e: {  	[tilespmem:$0x8290] =	vst v2  }
0x4f: {  	[tilespmem:$0x82A0] =	vst v2  }
0x50: {  	[tilespmem:$0x82B0] =	vst v2  }
0x51: {  	[tilespmem:$0x82C0] =	vst v2  }
0x52: {  	[tilespmem:$0x82D0] =	vst v2  }
0x53: {  	[tilespmem:$0x82E0] =	vst v2  }
0x54: {  	[tilespmem:$0x82F0] =	vst v2  }
0x55: {  	[spmem:s0] =	stream.linear.scatter [tilespmem:s9], [sflag:$0x1], $0x800, $0x38;
	[tilespmem:$0x12980] =	vst v63  }
0x56: {  	_ =	swait.ge [sflag:s10], $0x800  }
0x57: {  	[sflag:s10] =	ssyncset.done $0x0  }
0x58: {  	[sflag:s10] =	ssyncadd.s32 $0xFFFFF800  }
0x59: {  	[spmem:s1] =	stream.linear.scatter [tilespmem:s9], [sflag:$0x1], $0x800, $0x38;
	[tilespmem:$0x12980] =	vst v63  }
0x5a: {  	_ =	swait.ge [sflag:s10], $0x800  }
0x5b: {  	[sflag:s10] =	ssyncset.done $0x0  }
0x5c: {  	s15 =	rddreg [dreg:$0xd];
	[sflag:s10] =	ssyncadd.s32 $0xFFFFF800  }
0x5d: {  	[spmem:s15] =	stream.linear.scatter [tilespmem:s9], [sflag:$0x1], $0x800, $0x38;
	[tilespmem:$0x12980] =	vst v63  }
0x5e: {  	_ =	swait.ge [sflag:s10], $0x800  }
0x5f: {  	[sflag:s10] =	ssyncset.done $0x0  }
0x60: {  	s17 =	rddreg [dreg:$0xe];
	[sflag:s10] =	ssyncadd.s32 $0xFFFFF800  }
0x61: {  	[spmem:s17] =	stream.linear.scatter [tilespmem:s9], [sflag:$0x1], $0x800, $0x38;
	[tilespmem:$0x12980] =	vst v63  }
0x62: {  	_ =	swait.ge [sflag:s10], $0x800  }
0x63: {  	[sflag:s10] =	ssyncset.done $0x0  }
0x64: {  	s18 =	rddreg [dreg:$0xf];
	[sflag:s10] =	ssyncadd.s32 $0xFFFFF800  }
0x65: {  	[spmem:s18] =	stream.linear.scatter [tilespmem:s9], [sflag:$0x1], $0x800, $0x38;
	[tilespmem:$0x12980] =	vst v63  }
0x66: {  	_ =	swait.ge [sflag:s10], $0x800  }
0x67: {  	[sflag:s10] =	ssyncset.done $0x0  }
0x68: {  	s19 =	rddreg [dreg:$0x10];
	[sflag:s10] =	ssyncadd.s32 $0xFFFFF800  }
0x69: {  	[spmem:s19] =	stream.linear.scatter [tilespmem:s9], [sflag:$0x1], $0x800, $0x38;
	[tilespmem:$0x12980] =	vst v63  }
0x6a: {  	_ =	swait.ge [sflag:s10], $0x800  }
0x6b: {  	[sflag:s10] =	ssyncset.done $0x0  }
0x6c: {  	s16 =	rddreg [dreg:$0x11];
	[sflag:s10] =	ssyncadd.s32 $0xFFFFF800  }
0x6d: {  	[spmem:s16] =	stream.linear.scatter [tilespmem:s9], [sflag:$0x1], $0x800, $0x38;
	[tilespmem:$0x12980] =	vst v63  }
0x6e: {  	_ =	swait.ge [sflag:s10], $0x800  }
0x6f: {  	[sflag:s10] =	ssyncset.done $0x0  }
0x70: {  	[sflag:s10] =	ssyncadd.s32 $0xFFFFF800  }
0x71: {  	[spmem:s20] =	stream.linear.scatter [tilespmem:s9], [sflag:$0x1], $0x800, $0x38;
	[tilespmem:$0x12980] =	vst v63  }
0x72: {  	_ =	swait.ge [sflag:s10], $0x800  }
0x73: {  	[sflag:s10] =	ssyncset.done $0x0  }
0x74: {  	[sflag:s10] =	ssyncadd.s32 $0xFFFFF800  }
0x75: {  	[spmem:s21] =	stream.linear.scatter [tilespmem:s9], [sflag:$0x1], $0x800, $0x38;
	[tilespmem:$0x12980] =	vst v63  }
0x76: {  	_ =	swait.ge [sflag:s10], $0x800  }
0x77: {  	[sflag:s10] =	ssyncset.done $0x0  }
0x78: {  	[sflag:s10] =	ssyncadd.s32 $0xFFFFF800  }
0x79: {  	[spmem:s22] =	stream.linear.scatter [tilespmem:s9], [sflag:$0x1], $0x800, $0x38;
	[tilespmem:$0x12980] =	vst v63  }
0x7a: {  	_ =	swait.ge [sflag:s10], $0x800  }
0x7b: {  	[sflag:s10] =	ssyncset.done $0x0  }
0x7c: {  	[sflag:s10] =	ssyncadd.s32 $0xFFFFF800  }
0x7d: {  	[spmem:s23] =	stream.linear.scatter [tilespmem:s9], [sflag:$0x1], $0x800, $0x38;
	[tilespmem:$0x12980] =	vst v63  }
0x7e: {  	_ =	swait.ge [sflag:s10], $0x800  }
0x7f: {  	[sflag:s10] =	ssyncset.done $0x0  }
0x80: {  	[sflag:s10] =	ssyncadd.s32 $0xFFFFF800  }
0x81: {  	[spmem:s24] =	stream.linear.scatter [tilespmem:s9], [sflag:$0x1], $0x800, $0x38;
	[tilespmem:$0x12980] =	vst v63  }
0x82: {  	_ =	swait.ge [sflag:s10], $0x800  }
0x83: {  	[sflag:s10] =	ssyncset.done $0x0  }
0x84: {  	[sflag:s10] =	ssyncadd.s32 $0xFFFFF800  }
0x85: {  	[spmem:s25] =	stream.linear.scatter [tilespmem:s9], [sflag:$0x1], $0x800, $0x38;
	[tilespmem:$0x12980] =	vst v63  }
0x86: {  	_ =	swait.ge [sflag:s10], $0x800  }
0x87: {  	[sflag:s10] =	ssyncset.done $0x0  }
0x88: {  	[sflag:s10] =	ssyncadd.s32 $0xFFFFF800  }
0x89: {  	[spmem:s26] =	stream.linear.scatter [tilespmem:s9], [sflag:$0x1], $0x800, $0x38;
	[tilespmem:$0x12980] =	vst v63  }
0x8a: {  	_ =	swait.ge [sflag:s10], $0x800  }
0x8b: {  	[sflag:s10] =	ssyncset.done $0x0  }
0x8c: {  	[sflag:s10] =	ssyncadd.s32 $0xFFFFF800  }
0x8d: {  	[spmem:s28] =	stream.linear.scatter [tilespmem:s9], [sflag:$0x1], $0x800, $0x38;
	[tilespmem:$0x12980] =	vst v63  }
0x8e: {  	_ =	swait.ge [sflag:s10], $0x800  }
0x8f: {  	[sflag:s10] =	ssyncset.done $0x0  }
0x90: {  	[sflag:s10] =	ssyncadd.s32 $0xFFFFF800  }
0x91: {  	[spmem:s29] =	stream.linear.scatter [tilespmem:s9], [sflag:$0x1], $0x800, $0x38;
	[tilespmem:$0x12980] =	vst v63  }
0x92: {  	_ =	swait.ge [sflag:s10], $0x800  }
0x93: {  	[sflag:s10] =	ssyncset.done $0x0  }
0x94: {  	[sflag:s10] =	ssyncadd.s32 $0xFFFFF800  }
0x95: {  	[spmem:s30] =	stream.linear.scatter [tilespmem:s9], [sflag:$0x1], $0x800, $0x38;
	[tilespmem:$0x12980] =	vst v63  }
0x96: {  	_ =	swait.ge [sflag:s10], $0x800  }
0x97: {  	[sflag:s10] =	ssyncset.done $0x0  }
0x98: {  	[sflag:s10] =	ssyncadd.s32 $0xFFFFF800  }
0x99: {  	[spmem:s31] =	stream.linear.scatter [tilespmem:s9], [sflag:$0x1], $0x800, $0x38;
	[tilespmem:$0x12980] =	vst v63  }
0x9a: {  	_ =	swait.ge [sflag:s10], $0x800  }
0x9b: {  	[sflag:s10] =	ssyncset.done $0x0  }
0x9c: {  	[sflag:s10] =	ssyncadd.s32 $0xFFFFF800  }
0x9d: {  	[spmem:s6] =	stream.linear.scatter [tilespmem:s9], [sflag:$0x1], $0x800, $0x38;
	[tilespmem:$0x12980] =	vst v63  }
0x9e: {  	_ =	swait.ge [sflag:s10], $0x800  }
0x9f: {  	[sflag:s10] =	ssyncset.done $0x0  }
0xa0: {  	[sflag:s10] =	ssyncadd.s32 $0xFFFFF800  }
0xa1: {  	[spmem:s8] =	stream.linear.scatter [tilespmem:s9], [sflag:$0x1], $0x800, $0x38;
	[tilespmem:$0x12980] =	vst v63  }
0xa2: {  	_ =	swait.ge [sflag:s10], $0x800  }
0xa3: {  	[sflag:s10] =	ssyncset.done $0x0  }
0xa4: {  	s17 =	simm.s32 $0x8080;
	[sflag:s10] =	ssyncadd.s32 $0xFFFFF800  }
0xa5: {  	[spmem:s7] =	stream.linear.scatter [tilespmem:s17], [sflag:$0x1], $0x280, $0x38;
	[tilespmem:$0x12980] =	vst v63  }
0xa6: {  	_ =	swait.ge [sflag:s10], $0x280  }
0xa7: {  	[sflag:s10] =	ssyncset.done $0x0  }
0xa8: {  	s15 =	simm.s32 $0x0;
	s18 =	rddreg [dreg:$0x6];
	[sflag:s10] =	ssyncadd.s32 $0xFFFFFD80  }
0xa9: {  	[tilespmem:s15], [sflag:$0x1] =	stream.linear.gather [hbm4b:s18+s15], $0x2780, $0x38;
	[tilespmem:$0x12980] =	vst v63  }
0xaa: {  	_ =	swait.ge [sflag:s10], $0x2780  }
0xab: {  	[sflag:s10] =	ssyncset.done $0x0  }
0xac: {  	s17 =	simm.s32 $0x2800;
	s19 =	rddreg [dreg:$0x7];
	[sflag:s10] =	ssyncadd.s32 $0xFFFFD880  }
0xad: {  	[tilespmem:s17], [sflag:$0x1] =	stream.linear.gather [hbm4b:s19+s15], $0x2780, $0x38;
	[tilespmem:$0x12980] =	vst v63  }
0xae: {  	_ =	swait.ge [sflag:s10], $0x2780  }
0xaf: {  	[sflag:s10] =	ssyncset.done $0x0  }
0xb0: {  	s19 =	simm.s32 $0x5000;
	s18 =	rddreg [dreg:$0x8];
	[sflag:s10] =	ssyncadd.s32 $0xFFFFD880  }
0xb1: {  	[tilespmem:s19], [sflag:$0x1] =	stream.linear.gather [hbm4b:s18+s15], $0x2780, $0x38;
	[tilespmem:$0x12980] =	vst v63  }
0xb2: {  	_ =	swait.ge [sflag:s10], $0x2780  }
0xb3: {  	[sflag:s10] =	ssyncset.done $0x0  }
0xb4: {  	s19 =	simm.s32 $0x8300;
	s18 =	rddreg [dreg:$0x5];
	[sflag:s10] =	ssyncadd.s32 $0xFFFFD880  }
0xb5: {  	[tilespmem:s19], [sflag:$0x1] =	stream.linear.gather [hbm4b:s18+s15], $0x400, $0x38;
	[tilespmem:$0x12980] =	vst v63  }
0xb6: {  	_ =	swait.ge [sflag:s10], $0x400  }
0xb7: {  	[sflag:s10] =	ssyncset.done $0x0  }
0xb8: {  	[sflag:s10] =	ssyncadd.s32 $0xFFFFFC00  }
0xb9: {  	s15 =	simm.s32 $0x0;
	v3 =	vld.msk [tilespmem:$0x8380 ss:$0x0], $0xffff  }
0xba: {  	v5 =	vld [tilespmem:s15+$0x2800]  }
0xbb: {  	v4 =	vld.msk [tilespmem:$0x8480 ss:$0x0], $0xffff  }
0xbc: {  	v6 =	vld [tilespmem:s15+$0x5000];
	_ =	sdelay $0x2  }
0xbd: {  	vm0 =	vgt.s32 v5, $0x270F  }
0xbe: {  	vm1 =	vgt.s32 v5, $0x13FF;
	v7 =	vnsel vm0, $0x0, v4  }
0xbf: {  	s16 =	simm.s32 $0x10;
	s17 =	simm.s32 $0x80;
	v5 =	vnsel vm1, $0x0, v3;
	v6 =	vadd.s32 v6, v7  }
.LBB2_4:
0xc0: {  	p0 =	sne.s32 s17, $0x9DC0;
	v7 =	vld [tilespmem:s16+$0x2800];
	v5 =	vadd.s32 v5, v6  }
0xc1: {  	[tilespmem:s15+$0x5000] =	vst v5;
	s15 =	smov.u32 s16  }
0xc2: {  	v6 =	vld [tilespmem:s15+$0x5000]  }
.Ltmp1:
0xc3: {  	(pc) =	sbr.rel @p0 .LBB2_4-.Ltmp1, $4  }
0xc4: {  	_ = 	snop  }
0xc5: {  	vm0 =	vgt.s32 v7, $0x270F  }
0xc6: {  	vm1 =	vgt.s32 v7, $0x13FF;
	v7 =	vnsel vm0, $0x0, v4  }
0xc7: {  	s16 =	sshra.s32 s17, $0x2;
	s17 =	sadd.s32 $0x40, s17;
	v5 =	vnsel vm1, $0x0, v3;
	v6 =	vadd.s32 v6, v7  }
0xc8: {  	v7 =	vld [tilespmem:s16+$0x2800];
	v5 =	vadd.s32 v5, v6  }
0xc9: {  	[tilespmem:s15+$0x5000] =	vst v5  }
0xca: {  	v5 =	vld [tilespmem:s16+$0x5000];
	_ =	sdelay $0x2  }
0xcb: {  	vm0 =	vgt.s32 v7, $0x270F  }
0xcc: {  	vm1 =	vgt.s32 v7, $0x13FF;
	v4 =	vnsel vm0, $0x0, v4  }
0xcd: {  	v3 =	vnsel vm1, $0x0, v3;
	v4 =	vadd.s32 v5, v4  }
0xce: {  	v3 =	vadd.s32 v3, v4  }
0xcf: {  	[tilespmem:s16+$0x5000] =	vst v3  }
0xd0: {  	s18 =	simm.s32 $0x2800;
	[bflag:$0x0] =	sbarrier.arrive $0xFFFF  }
0xd1: {  	[spmem:s4] =	stream.indirect.scatter.add.f32 [tilespmem:s12], [sflag:$0x1], $0x1, s18, s11, $0xb8;
	[tilespmem:$0x12980] =	vst v63  }
0xd2: {  	_ =	swait.ge [sflag:s10], $0x80  }
0xd3: {  	[sflag:s10] =	ssyncset.done $0x0  }
0xd4: {  	s19 =	simm.s32 $0x0;
	s17 =	simm.s32 $0x5000;
	[sflag:s10] =	ssyncadd.s32 $0xFFFFFF80  }
0xd5: {  	[spmem:s2] =	stream.indirect.scatter.add.s32 [tilespmem:s19], [sflag:$0x1], $0x1, s17, s11, $0xb8;
	[tilespmem:$0x12980] =	vst v63  }
0xd6: {  	_ =	swait.ge [sflag:s10], $0x80  }
0xd7: {  	[sflag:s10] =	ssyncset.done $0x0  }
0xd8: {  	[sflag:s10] =	ssyncadd.s32 $0xFFFFFF80  }
0xd9: {  	[spmem:s3] =	stream.indirect.scatter.add.s32 [tilespmem:s18], [sflag:$0x1], $0x1, s17, s11, $0xb8;
	[tilespmem:$0x12980] =	vst v63  }
0xda: {  	_ =	swait.ge [sflag:s10], $0x80  }
0xdb: {  	s15 =	simm.s32 $0x80;
	s16 =	simm.s32 $0x400;
	[sflag:s10] =	ssyncset.done $0x0  }
.LBB2_6:
0xdc: {  	s17 =	sadd.s32 $0x2800, s15  }
0xdd: {  	[sflag:s10] =	ssyncadd.s32 $0xFFFFFF80;
	s18 =	smov.u32 s16;
	s19 =	sadd.s32 $0x200, s16  }
0xde: {  	[spmem:s4] =	stream.indirect.scatter.add.f32 [tilespmem:s12], [sflag:$0x1], $0x1, s17, s11, $0xb8;
	[tilespmem:$0x12980] =	vst v63  }
0xdf: {  	p0 =	sne.s32 s16, $0x9C00;
	_ =	swait.ge [sflag:s10], $0x80  }
0xe0: {  	[sflag:s10] =	ssyncset.done $0x0  }
0xe1: {  	s16 =	sadd.s32 $0x5000, s15;
	[sflag:s10] =	ssyncadd.s32 $0xFFFFFF80  }
0xe2: {  	[spmem:s2] =	stream.indirect.scatter.add.s32 [tilespmem:s15], [sflag:$0x1], $0x1, s16, s11, $0xb8;
	[tilespmem:$0x12980] =	vst v63  }
0xe3: {  	_ =	swait.ge [sflag:s10], $0x80  }
.Ltmp2:
0xe4: {  	[sflag:s10] =	ssyncset.done $0x0;
	(pc) =	sbr.rel @p0 .LBB2_6-.Ltmp2, $4  }
0xe5: {  	[sflag:s10] =	ssyncadd.s32 $0xFFFFFF80  }
0xe6: {  	[spmem:s3] =	stream.indirect.scatter.add.s32 [tilespmem:s17], [sflag:$0x1], $0x1, s16, s11, $0xb8;
	[tilespmem:$0x12980] =	vst v63  }
0xe7: {  	_ =	swait.ge [sflag:s10], $0x80  }
0xe8: {  	s15 =	sshra.s32 s18, $0x2;
	s16 =	smov.u32 s19;
	[sflag:s10] =	ssyncset.done $0x0  }
0xe9: {  	s16 =	sadd.s32 $0x2800, s15;
	[sflag:s10] =	ssyncadd.s32 $0xFFFFFF80  }
0xea: {  	[spmem:s4] =	stream.indirect.scatter.add.f32 [tilespmem:s12], [sflag:$0x1], $0x1, s16, s11, $0xb8;
	[tilespmem:$0x12980] =	vst v63  }
0xeb: {  	_ =	swait.ge [sflag:s10], $0x80  }
0xec: {  	[sflag:s10] =	ssyncset.done $0x0  }
0xed: {  	s17 =	sadd.s32 $0x5000, s15;
	[sflag:s10] =	ssyncadd.s32 $0xFFFFFF80  }
0xee: {  	[spmem:s2] =	stream.indirect.scatter.add.s32 [tilespmem:s15], [sflag:$0x1], $0x1, s17, s11, $0xb8;
	[tilespmem:$0x12980] =	vst v63  }
0xef: {  	_ =	swait.ge [sflag:s10], $0x80  }
0xf0: {  	[sflag:s10] =	ssyncset.done $0x0  }
0xf1: {  	[sflag:s10] =	ssyncadd.s32 $0xFFFFFF80  }
0xf2: {  	[spmem:s3] =	stream.indirect.scatter.add.s32 [tilespmem:s16], [sflag:$0x1], $0x1, s17, s11, $0xb8;
	[tilespmem:$0x12980] =	vst v63  }
0xf3: {  	_ =	swait.ge [sflag:s10], $0x80  }
0xf4: {  	[sflag:s10] =	ssyncset.done $0x0  }
0xf5: {  	s17 =	stileid.u32;
	[sflag:s10] =	ssyncadd.s32 $0xFFFFFF80  }
0xf6: {  	s15 =	sshll.u32 s17, $0x6;
	[bflag:$0x0] =	sbarrier.arrive $0xFFFF  }
0xf7: {  	s18 =	sshrl.u32 s7, $0x3;
	s15 =	sor.u32 $0x1C01, s15;
	s19 =	rddreg [dreg:$0x9]  }
0xf8: {  	[hbm:s19@s13], [sflag:s15] =	dma.strided [spmem:s18@s14], $0x50, s10, $0x10   }
0xf9: {  	_ =	swait.ge [sflag:s10], $0x50  }
0xfa: {  	[sflag:s10] =	ssyncset.done $0x0  }
0xfb: {  	s18 =	sshrl.u32 s0, $0x3;
	s19 =	rddreg [dreg:$0xa];
	[sflag:s10] =	ssyncadd.s32 $0xFFFFFFB0  }
0xfc: {  	[hbm:s19@s13], [sflag:s15] =	dma.strided [spmem:s18@s14], $0xA00, s10, $0x10   }
0xfd: {  	_ =	swait.ge [sflag:s10], $0xA00  }
0xfe: {  	[sflag:s10] =	ssyncset.done $0x0  }
0xff: {  	s17 =	sshrl.u32 s1, $0x3;
	s18 =	rddreg [dreg:$0xb];
	[sflag:s10] =	ssyncadd.s32 $0xFFFFF600  }
0x100: {  	[hbm:s18@s13], [sflag:s15] =	dma.strided [spmem:s17@s14], $0xA00, s10, $0x10   }
0x101: {  	_ =	swait.ge [sflag:s10], $0xA00  }
0x102: {  	s5 =	sadd.s32 $0x1, s5;
	s19 =	rddreg [dreg:$0xc]  }
0x103: {  	p0 =	sne.s32 s5, s19  }
.Ltmp3:
0x104: {  	_ = 	snop;
	(pc) =	sbr.rel @p0 .LBB2_1-.Ltmp3, $3  }
0x105: {  	_ =	sdelay $0x1  }
0x106: {  	[sflag:s10] =	ssyncset.done $0x0  }
0x107: {  	[sflag:s10] =	ssyncadd.s32 $0xFFFFF600  }
0x108: {  	_ =	sfence.sel $0x180000  }
0x109: {  	[bflag:$0x0] =	sbarrier.arrive $0xFFFF  }
0x10a: {  	_ =	strace $0x90000047  }
0x10b: {  	s0 =	stileid.u32;
	[bflag:$0x2] =	sbarrier.arrive $0xFFFF  }
0x10c: {  	p0 =	sne.s32 s0, $0x0;
	s0 =	rddreg [dreg:$0x4]  }
0x10d: {  	s0 =	sadd.s32 @!p0 $0x100000, s0  }
0x10e: {  	[sflag:s0] =	ssyncadd.tile.s32 @!p0 $0x1;
	_ =	shalt  }
.Lfunc_end2:
_tile_overlayer_lowered:
.L_overlay_start_2:
0x10f: {  	(tag) =	ssettag $0x2  }
0x110: {  	s0 =	rddreg [dreg:$0x0];
	s2 =	stileid.u32  }
0x111: {  	s1 =	rddreg [dreg:$0x1];
	p0 =	sne.s32 s2, $0x0  }
0x112: {  	s3 =	rddreg [dreg:$0x2];
	[bflag:$0x3] =	sbarrier.arrive $0xFFFF;
	s2 =	simm.s32 @!p0 $0x1C01  }
0x113: {  	[timem:s3], [sflag:s2] =	dma.local @!p0 [hbm:s0], s1  }
0x114: {  	s0 =	simm.s32 @!p0 $0x1  }
0x115: {  	_ =	swait.ge @!p0 [sflag:s0], s1  }
0x116: {  	s1 =	ssub.s32 @!p0 $0x0, s1;
	[sflag:s0] =	ssyncset.done @!p0 $0x0  }
0x117: {  	[sflag:s0] =	ssyncadd.s32 @!p0 s1  }
0x118: {  	[bflag:$0x3] =	sbarrier.arrive $0xFFFF  }
0x119: {  	_ =	shalt  }

// kernel: kernel.16.cloned.1.call-start
scs
__scs_entry_jumppad:
0x0: {  	(pc) =	sbr.rel $0x88, $3  }
0x1: {  	(tag) =	ssettag $0x0;
	lr =	simm.s32 $0x1  }
0x2: {  	[smem:$0x3F95] =	sst lr;
	_ =	strace $0xD0000000  }
0x3: {  	_ = 	snop  }
0x4: {  	_ = 	snop  }
0x5: {  	_ = 	snop  }
0x6: {  	_ = 	snop  }
0x7: {  	_ = 	snop  }
__scs_overlays_trampoline_lowered:
0x8: {  	[smem:$0x3FA4] =	sst s0  }
0x9: {  	[smem:$0x3FA5] =	sst s1  }
0xa: {  	[smem:$0x3FA6] =	sst s2  }
0xb: {  	[smem:$0x3FA7] =	sst s3  }
0xc: {  	[smem:$0x3FA8] =	sst s4  }
0xd: {  	[smem:$0x3FA9] =	sst s5  }
0xe: {  	[smem:$0x3FAA] =	sst s6  }
0xf: {  	[smem:$0x3FAB] =	sst s7  }
0x10: {  	[smem:$0x3FAC] =	sst s8  }
0x11: {  	[smem:$0x3FAD] =	sst s9;
	s0 =	simm.s32 @!p0 $0x0  }
0x12: {  	s1 =	sld [smem:$0x3F93];
	s0 =	simm.s32 @p0 $0x1  }
0x13: {  	[smem:$0x3FAE] =	sst s0;
	s0 =	simm.s32 @!p1 $0x0  }
0x14: {  	s2 =	sld [smem:$0x3F92];
	s0 =	simm.s32 @p1 $0x1  }
0x15: {  	[smem:$0x3FAF] =	sst s0;
	s0 =	simm.s32 @!p2 $0x0  }
0x16: {  	s3 =	sld [smem:$0x3FDB];
	s0 =	simm.s32 @p2 $0x1  }
0x17: {  	s4 =	simm.s32 $0x1BF5;
	[smem:$0x3FB1] =	sst s0  }
0x18: {  	s0 =	sld [smem:$0x3F94];
	_ =	swait.ge [sflag:s4], $0x0  }
0x19: {  	s7 =	sld [smem:$0x3F95]  }
0x1a: {  	s8 =	sadd.s32 $0xFFFFE003, lr  }
0x1b: {  	s9 =	sadd.s32 $0xFFFFFEF7, lr;
	s5 =	simm.s32 $0xFFFFFFFF;
	p2 =	slt.u32 s8, $0xFFFFF086  }
0x1c: {  	p1 =	slt.u32 s9, $0xF7A;
	s5 =	simm.s32 @!p2 $0x0  }
0x1d: {  	s5 =	simm.s32 @p1 $0x1;
	p0 =	seq.s32 s7, s2  }
0x1e: {  	s7 =	smul.u32 @!p0 $0xF7A, s2;
	p2 =	seq.s32 @!p0 s5, $0x0  }
0x1f: {  	s9 =	smul.u32 $0xF7A, s1;
	s8 =	simm.s32 @!p0 $0x1BF5;
	p2 =	por !p2, p0  }
0x20: {  	[sflag:s8] =	ssyncset.s32 @!p0 $0xFFFFF086;
	s6 =	sadd.s32 @!p0 s3, s7;
	s7 =	simm.s32 @!p0 $0x108  }
0x21: {  	s3 =	sadd.s32 s3, s9;
	s6 =	sadd.s32 @!p0 $0x88, s6;
	s7 =	simm.s32 @p2 $0x1082  }
0x22: {  	[simem:s7], [sflag:s8] =	dma.local @!p0 [hbm:s6], $0xF7A  }
0x23: {  	s9 =	sor.u32 $0xD0000000, s2;
	s6 =	simm.s32 $0x108;
	_ =	swait.ge @!p0 [sflag:s8], $0x0  }
0x24: {  	s3 =	sadd.s32 $0x88, s3;
	s6 =	simm.s32 @!p1 $0x1082;
	[sflag:s4] =	ssyncset.s32 $0xFFFFF086  }
0x25: {  	[simem:s6], [sflag:s4] =	dma.local [hbm:s3], $0xF7A  }
0x26: {  	[smem:$0x3F95] =	sst s1;
	(tag) =	ssettag s2;
	_ =	strace s9  }
0x27: {  	s1 =	sld [smem:$0x3FA5]  }
0x28: {  	s2 =	sld [smem:$0x3FA6]  }
0x29: {  	s4 =	sld [smem:$0x3FA8]  }
0x2a: {  	p0 =	seq.s32 s5, $0x0;
	s5 =	sld [smem:$0x3FA9]  }
0x2b: {  	s6 =	sld [smem:$0x3FAA]  }
0x2c: {  	s7 =	sld [smem:$0x3FAB]  }
0x2d: {  	s3 =	simm.s32 $0x108;
	s8 =	sld [smem:$0x3FAC]  }
0x2e: {  	s3 =	simm.s32 @!p0 $0x1082;
	s9 =	sld [smem:$0x3FAD]  }
0x2f: {  	lr =	sadd.s32 s0, s3;
	s0 =	sld [smem:$0x3FA4]  }
0x30: {  	s3 =	sld [smem:$0x3FA7]  }
0x31: {  	[smem:$0x3FB0] =	sst s10  }
0x32: {  	s10 =	sld [smem:$0x3FAE];
	_ =	sdelay $0x3  }
0x33: {  	p0 =	seq.s32 s10, $0x1;
	s10 =	sld [smem:$0x3FB0];
	_ =	sdelay $0x3  }
0x34: {  	[smem:$0x3FB0] =	sst s10  }
0x35: {  	s10 =	sld [smem:$0x3FAF];
	_ =	sdelay $0x3  }
0x36: {  	p1 =	seq.s32 s10, $0x1;
	s10 =	sld [smem:$0x3FB0];
	_ =	sdelay $0x3  }
0x37: {  	[smem:$0x3FB0] =	sst s10  }
0x38: {  	s10 =	sld [smem:$0x3FB1]  }
0x39: {  	_ = 	snop;
	(pc) =	sbr.ind lr, $3  }
0x3a: {  	_ = 	snop  }
0x3b: {  	_ = 	snop  }
0x3c: {  	p2 =	seq.s32 s10, $0x1;
	s10 =	sld [smem:$0x3FB0]  }
0x3d: {  	_ =	shalt  }
0x3e: {  	_ =	shalt  }
0x3f: {  	_ =	shalt  }
0x40: {  	_ =	shalt  }
0x41: {  	_ =	shalt  }
0x42: {  	_ =	shalt  }
0x43: {  	_ =	shalt  }
0x44: {  	_ =	shalt  }
0x45: {  	_ =	shalt  }
0x46: {  	_ =	shalt  }
0x47: {  	_ =	shalt  }
0x48: {  	_ =	shalt  }
0x49: {  	_ =	shalt  }
0x4a: {  	_ =	shalt  }
0x4b: {  	_ =	shalt  }
0x4c: {  	_ =	shalt  }
0x4d: {  	_ =	shalt  }
0x4e: {  	_ =	shalt  }
0x4f: {  	_ =	shalt  }
0x50: {  	_ =	shalt  }
0x51: {  	_ =	shalt  }
0x52: {  	_ =	shalt  }
0x53: {  	_ =	shalt  }
0x54: {  	_ =	shalt  }
0x55: {  	_ =	shalt  }
0x56: {  	_ =	shalt  }
0x57: {  	_ =	shalt  }
0x58: {  	_ =	shalt  }
0x59: {  	_ =	shalt  }
0x5a: {  	_ =	shalt  }
0x5b: {  	_ =	shalt  }
0x5c: {  	_ =	shalt  }
0x5d: {  	_ =	shalt  }
0x5e: {  	_ =	shalt  }
0x5f: {  	_ =	shalt  }
0x60: {  	_ =	shalt  }
0x61: {  	_ =	shalt  }
0x62: {  	_ =	shalt  }
0x63: {  	_ =	shalt  }
0x64: {  	_ =	shalt  }
0x65: {  	_ =	shalt  }
0x66: {  	_ =	shalt  }
0x67: {  	_ =	shalt  }
0x68: {  	_ =	shalt  }
0x69: {  	_ =	shalt  }
0x6a: {  	_ =	shalt  }
0x6b: {  	_ =	shalt  }
0x6c: {  	_ =	shalt  }
0x6d: {  	_ =	shalt  }
0x6e: {  	_ =	shalt  }
0x6f: {  	_ =	shalt  }
0x70: {  	_ =	shalt  }
0x71: {  	_ =	shalt  }
0x72: {  	_ =	shalt  }
0x73: {  	_ =	shalt  }
0x74: {  	_ =	shalt  }
0x75: {  	_ =	shalt  }
0x76: {  	_ =	shalt  }
0x77: {  	_ =	shalt  }
0x78: {  	_ =	shalt  }
0x79: {  	_ =	shalt  }
0x7a: {  	_ =	shalt  }
0x7b: {  	_ =	shalt  }
0x7c: {  	_ =	shalt  }
0x7d: {  	_ =	shalt  }
0x7e: {  	_ =	shalt  }
0x7f: {  	_ =	shalt  }
0x80: {  	_ =	shalt  }
0x81: {  	_ =	shalt  }
0x82: {  	_ =	shalt  }
0x83: {  	_ =	shalt  }
0x84: {  	_ =	shalt  }
0x85: {  	_ =	shalt  }
0x86: {  	_ =	shalt  }
0x87: {  	_ =	shalt  }
.Lfunc_end0:
.L_simem_size_0:
called_computation.1_lowered:
.L_overlay_start_0:
0x88: {  	s2 =	sld [smem:$0x3FD9]  }
0x89: {  	s3 =	sld [smem:$0x3FFE];
	_ =	sdelay $0x1  }
0x8a: {  	s1 =	srdreg.scid  }
0x8b: {  	s0 =	sand.u32 $0x1, s1  }
0x8c: {  	s16 =	sshll.u32 s0, $0xA;
	s2 =	sadd.s32 s3, s2  }
0x8d: {  	s2 =	sadd.s32 s2, s16  }
0x8e: {  	[smem:$0x3FBC] =	sst s2  }
0x8f: {  	_ = 	snop  }
0x90: {  	(tm) =	ssettm $0x1  }
0x91: {  	s17 =	sld [smem:$0x3FFB];
	_ =	sdelay $0x3  }
0x92: {  	_ =	strace s17  }
0x93: {  	s2 =	sld [smem:$0x3FFC];
	_ =	sdelay $0x3  }
0x94: {  	_ =	strace s2  }
0x95: {  	s2 =	sld [smem:$0x3FFD];
	_ =	sdelay $0x3  }
0x96: {  	_ =	strace s2  }
0x97: {  	_ =	strace $0x8FFFFFFF  }
0x98: {  	s18 =	sld [smem:$0x3FDB];
	_ =	sdelay $0x1  }
0x99: {  	s19 =	simm.s32 $_scs_section_size  }
0x9a: {  	s4 =	simm.s32 $_size__tile_overlayer_lowered;
	s5 =	simm.s32 $_tile_overlayer_lowered  }
0x9b: {  	s22 =	simm.s32 $0x1BFF;
	s21 =	sshll.u32 s5, $0x1;
	s2 =	sadd.s32 s19, s18  }
0x9c: {  	s6 =	simm.s32 $0x0;
	s20 =	sshll.u32 s4, $0x1;
	s4 =	sadd.s32 s21, s2  }
0x9d: {  	[timem:s6], [sflag:s22] =	dma.local [hbm:s4], s20  }
0x9e: {  	_ =	swait.ge [sflag:s22], s20  }
0x9f: {  	s3 =	ssub.s32 $0x0, s20;
	[sflag:s22] =	ssyncset.done $0x0  }
0xa0: {  	[sflag:s22] =	ssyncadd.s32 s3;
	_ =	sdelay $0x1  }
0xa1: {  	s23 =	simm.s32 $0x1B8B  }
0xa2: {  	_ =	swait.ge [sflag:s23], $0x1  }
0xa3: {  	[sflag:s23] =	ssyncset.done $0x0  }
0xa4: {  	s25 =	simm.s32 $0x1B8E;
	s24 =	sld [smem:$0x3FFE];
	[sflag:s23] =	ssyncadd.s32 $0xFFFFFFFF  }
0xa5: {  	s26 =	simm.s32 $execute0_lowered;
	[smem:$0x3FD2] =	sst s25  }
0xa6: {  	s4 =	sshll.u32 s26, $0x1;
	_ =	strace $0x80000049;
	[dreg:$0x1] =	wrdreg $0xFFFFFFFF  }
0xa7: {  	s28 =	simm.s32 $_size_execute0_lowered;
	s2 =	sadd.s32 s2, s4;
	[dreg:$0x0] =	wrdreg $0x0  }
0xa8: {  	s4 =	sshll.u32 s28, $0x1;
	[dreg:$0x2] =	wrdreg s2  }
0xa9: {  	[dreg:$0x3] =	wrdreg s4  }
0xaa: {  	[dreg:$0x4] =	wrdreg $0xC0  }
0xab: {  	_ =	task [dreg:s6], $0x5FFFF  }
0xac: {  	[dreg:$0x1] =	wrdreg $0xFFFFFFFF  }
0xad: {  	[dreg:$0x0] =	wrdreg $0x60  }
0xae: {  	[dreg:$0x2] =	wrdreg s24  }
0xaf: {  	[dreg:$0x3] =	wrdreg $0xC6000  }
0xb0: {  	[dreg:$0x4] =	wrdreg $0x9  }
0xb1: {  	_ =	task.clear_ibuf [dreg:s6], $0x5FFFF;
	_ =	strace $0x90000049  }
0xb2: {  	s29 =	simm.s32 $0x9;
	_ =	strace $0x8000004B  }
0xb3: {  	_ =	swait.ge [sflag:s29], $0x1  }
0xb4: {  	[sflag:s29] =	ssyncadd.s32 $0xFFFFFFFF  }
0xb5: {  	_ =	strace $0x9000004B  }
0xb6: {  	_ =	sfence  }
0xb7: {  	s30 =	sld [smem:$0x0];
	_ =	sdelay $0x2  }
0xb8: {  	s31 =	sshll.u32 s1, $0xD;
	s1 =	sshrl.u32 s1, $0x2  }
0xb9: {  	s3 =	sand.u32 $0x4000, s31;
	s1 =	sadd.s32 s1, s30  }
0xba: {  	s0 =	sor.u32 s3, s0;
	s1 =	sshll.u32 s1, $0x11  }
0xbb: {  	s0 =	sor.u32 s1, s0  }
0xbc: {  	s0 =	sadd.s32 $0x8F2B, s0  }
0xbd: {  	[sflag:s0] =	ssyncadd.remote.s32 $0x1  }
0xbe: {  	_ =	sfence.sel $0xFFFF  }
0xbf: {  	[dreg:$0x0] =	wrdreg $0xFFFFFFFF;
	(pc) =	sbr.abs _section_cstart, $3  }
0xc0: {  	[dreg:$0x1] =	wrdreg $0xFFFFFFFF  }
0xc1: {  	_ =	task.clear_ibuf [dreg:s6], $0x2FFFF;
	_ =	strace $0x9FFFFFFF  }
0xc2: {  	(tm) =	ssettm $0x7FFFFFFF  }
0xc3: {  	_ =	shalt  }
tec
execute0_lowered:
.L_overlay_start_1:
0x0: {  	(tag) =	ssettag $0x1  }
0x1: {  	s0 =	rddreg [dreg:$0x0]  }
0x2: {  	s1 =	rddreg [dreg:$0x1];
	s3 =	simm.s32 $0x0;
	s2 =	srdreg.scid  }
0x3: {  	s14 =	simm.s32 $0x3;
	s16 =	simm.s32 $0xC000;
	s18 =	simm.s32 $0x80  }
0x4: {  	s20 =	simm.s32 $0x0;
	[smem:$0x7FF] =	sst s3;
	s13 =	sand.u32 $0x1, s2  }
0x5: {  	s2 =	stileid.u32;
	s4 =	sadd.s32 $0x19400, s0;
	s7 =	smul.u32 $0x14000, s13  }
0x6: {  	s5 =	sadd.s32 $0x5400, s0;
	s6 =	sadd.s32 $0xF400, s0;
	s8 =	smul.u32 $0x1400, s2  }
0x7: {  	_ =	strace $0x8000004A;
	s9 =	smul.u32 $0x30000, s2;
	s10 =	ssub.s32 $0x2, s13  }
0x8: {  	s11 =	smul.u32 $0x28000, s2;
	p0 =	seq.s32 s13, $0x0;
	s13 =	simm.s32 $0x8000  }
.Ltmp0:
0x9: {  	s29 =	sshrl.u32 s10, $0x1;
	s8 =	sadd.s32 s8, s7;
	(pc) =	sbr.rel .LBB2_1-.Ltmp0, $4  }
0xa: {  	s7 =	sadd.s32 $0x5200, s0;
	s10 =	ssub.s32 s10, s29;
	s30 =	sshrl.u32 s9, $0x2  }
0xb: {  	s31 =	sshrl.u32 s11, $0x2;
	s0 =	sadd.s32 s8, s0;
	s8 =	sadd.s32 s30, s1  }
0xc: {  	s19 =	sadd.s32 s31, s1;
	s10 =	smax.u32 s10, $0x1;
	s9 =	sadd.s32 $0x40600, s0  }
0xd: {  	v0 =	vimm.f32 $0.0e+00;
	s11 =	sadd.s32 $0x4000, s8;
	s12 =	sadd.s32 $0x8000, s8;
	s19 =	sshrl.u32 s19, $0x3  }
.LBB2_6:
0xe: {  	[sflag:s24] =	ssyncadd.s32 @!p1 $0xFFFFFF80  }
0xf: {  	[tilespmem:s26], [sflag:s28] =	stream.indirect.gather @!p1 [hbm4b:s4+s29], $0x80, s25, s29, $0xb8;
	[tilespmem:$0x18600] =	vst v63  }
0x10: {  	_ =	swait.ge [sflag:s30], $0x4000  }
0x11: {  	[sflag:s30] =	ssyncset.done $0x0  }
0x12: {  	[sflag:s30] =	ssyncadd.s32 $0xFFFFC000  }
0x13: {  	[spmem:s1] =	stream.indirect.scatter.add.f32 [tilespmem:s31], [sflag:$0x3], $0x80, s0, s18, $0xb8;
	[tilespmem:$0x18600] =	vst v63  }
0x14: {  	_ =	swait.ge [sflag:s14], $0x4000  }
0x15: {  	[sflag:s14] =	ssyncset.done $0x0  }
0x16: {  	[sflag:s14] =	ssyncadd.s32 $0xFFFFC000  }
.LBB2_7:
0x17: {  	s20 =	sadd.s32 $0x1, s20  }
0x18: {  	s0 =	sshll.u32 s2, $0x6;
	p1 =	sne.s32 s20, s10  }
.Ltmp1:
0x19: {  	[bflag:$0x0] =	sbarrier.arrive $0xFFFF;
	s0 =	sor.u32 $0x1C03, s0;
	(pc) =	sbr.rel @!p1 .LBB2_8-.Ltmp1, $4  }
0x1a: {  	[hbm:s9], [sflag:s0] =	dma.local [spmem:s19], $0x1400  }
0x1b: {  	_ =	swait.ge [sflag:s14], $0x1400  }
0x1c: {  	[sflag:s14] =	ssyncset.done $0x0  }
0x1d: {  	[sflag:s14] =	ssyncadd.s32 $0xFFFFEC00  }
.LBB2_1:
0x1e: {  	s0 =	simm.s32 $0x0;
	s21 =	simm.s32 $0x200  }
.LBB2_2:
0x1f: {  	p1 =	sne.s32 s21, $0xFE00;
	[tilespmem:s0+$0x8070] =	vst v0  }
0x20: {  	[tilespmem:s0+$0x8000] =	vst v0  }
0x21: {  	[tilespmem:s0+$0x8010] =	vst v0  }
.Ltmp2:
0x22: {  	[tilespmem:s0+$0x8020] =	vst v0;
	(pc) =	sbr.rel @p1 .LBB2_2-.Ltmp2, $4  }
0x23: {  	[tilespmem:s0+$0x8030] =	vst v0  }
0x24: {  	[tilespmem:s0+$0x8040] =	vst v0  }
0x25: {  	[tilespmem:s0+$0x8050] =	vst v0  }
0x26: {  	[tilespmem:s0+$0x8060] =	vst v0;
	s0 =	sshra.s32 s21, $0x2;
	s21 =	sadd.s32 $0x200, s21  }
0x27: {  	[tilespmem:s0+$0x8070] =	vst v0  }
0x28: {  	[tilespmem:s0+$0x8000] =	vst v0  }
0x29: {  	[tilespmem:s0+$0x8010] =	vst v0  }
0x2a: {  	[tilespmem:s0+$0x8020] =	vst v0  }
0x2b: {  	[tilespmem:s0+$0x8030] =	vst v0  }
0x2c: {  	[tilespmem:s0+$0x8040] =	vst v0  }
0x2d: {  	[tilespmem:s0+$0x8050] =	vst v0  }
0x2e: {  	[tilespmem:s0+$0x8060] =	vst v0  }
0x2f: {  	[spmem:s8] =	stream.linear.scatter [tilespmem:s13], [sflag:$0x3], $0x4000, $0x38;
	[tilespmem:$0x18600] =	vst v63  }
0x30: {  	_ =	swait.ge [sflag:s14], $0x4000  }
0x31: {  	[sflag:s14] =	ssyncset.done $0x0  }
0x32: {  	[sflag:s14] =	ssyncadd.s32 $0xFFFFC000  }
0x33: {  	[spmem:s11] =	stream.linear.scatter [tilespmem:s13], [sflag:$0x3], $0x4000, $0x38;
	[tilespmem:$0x18600] =	vst v63  }
0x34: {  	_ =	swait.ge [sflag:s14], $0x4000  }
0x35: {  	[sflag:s14] =	ssyncset.done $0x0  }
0x36: {  	[sflag:s14] =	ssyncadd.s32 $0xFFFFC000  }
0x37: {  	[spmem:s12] =	stream.linear.scatter [tilespmem:s13], [sflag:$0x3], $0x4000, $0x38;
	[tilespmem:$0x18600] =	vst v63  }
0x38: {  	_ =	swait.ge [sflag:s14], $0x4000  }
0x39: {  	[sflag:s14] =	ssyncset.done $0x0  }
0x3a: {  	s29 =	simm.s32 $0x0;
	s3 =	simm.s32 $0xC200;
	[sflag:s14] =	ssyncadd.s32 $0xFFFFC000  }
0x3b: {  	[tilespmem:s3], [sflag:$0x3] =	stream.linear.gather [hbm4b:s7+s29], $0x400, $0x38;
	[tilespmem:$0x18600] =	vst v63  }
0x3c: {  	_ =	swait.ge [sflag:s14], $0x400  }
0x3d: {  	[sflag:s14] =	ssyncset.done $0x0  }
0x3e: {  	[sflag:s14] =	ssyncadd.s32 $0xFFFFFC00  }
0x3f: {  	v1 =	vld [tilespmem:$0xC280]  }
0x40: {  	v2 =	vld [tilespmem:$0xC300]  }
0x41: {  	v3 =	vld [tilespmem:$0xC380];
	_ =	sdelay $0x2  }
0x42: {  	(v2sf) =	vpush v1, $0x0  }
0x43: {  	(v2sf) =	vpush v2, $0x0  }
0x44: {  	(v2sf) =	vpush v3, $0x0;
	_ =	sdelay $0xc  }
0x45: {  	s22 =	spop (v2sf)  }
0x46: {  	s0 =	spop (v2sf)  }
0x47: {  	s21 =	spop (v2sf)  }
0x48: {  	s21 =	smov.u32 @p0 s0  }
0x49: {  	s0 =	sadd.s32 $0x7F, s21  }
0x4a: {  	s21 =	sand.u32 $0x7F, s0  }
0x4b: {  	s23 =	sshra.s32 s0, $0x1F;
	p1 =	slt.s32 s0, $0x1;
	p2 =	sne.s32 s21, $0x0  }
0x4c: {  	s30 =	sshrl.u32 s23, $0x19;
	p1 =	por !p1, !p2  }
0x4d: {  	s21 =	simm.s32 $0x1;
	s0 =	sadd.s32 s30, s0;
	p1 =	por !p1, !p1  }
0x4e: {  	s0 =	sshra.s32 s0, $0x7;
	s21 =	simm.s32 @!p1 $0x0  }
0x4f: {  	s21 =	ssub.s32 s0, s21  }
0x50: {  	s0 =	sand.u32 $0xF, s21  }
0x51: {  	p5 =	slt.s32 s21, $0x1;
	p6 =	sne.s32 s0, $0x0  }
0x52: {  	s31 =	sshrl.u32 s21, $0x1C;
	p1 =	por !p5, !p6  }
0x53: {  	s23 =	simm.s32 $0x1;
	s0 =	sadd.s32 s31, s21;
	p1 =	por !p1, !p1  }
0x54: {  	s0 =	sshra.s32 s0, $0x4;
	s23 =	simm.s32 @!p1 $0x0  }
0x55: {  	s0 =	ssub.s32 s0, s23  }
0x56: {  	s23 =	sshll.u32 s0, $0x4  }
0x57: {  	s23 =	ssub.s32 s21, s23  }
0x58: {  	s21 =	simm.s32 $0x1;
	p2 =	slt.s32 s2, s23  }
0x59: {  	s21 =	simm.s32 @!p2 $0x0  }
0x5a: {  	s21 =	sadd.s32 s21, s0  }
0x5b: {  	p1 =	slt.s32 s21, $0x1  }
.Ltmp3:
0x5c: {  	_ = 	snop;
	(pc) =	sbr.rel @p1 .LBB2_7-.Ltmp3, $2  }
0x5d: {  	_ =	sdelay $0x1  }
0x5e: {  	[bflag:$0x0] =	sbarrier.arrive $0xFFFF;
	_ =	sdelay $0x1  }
0x5f: {  	s22 =	simm.s32 @p0 $0x0  }
0x60: {  	s24 =	sand.u32 $0x7F, s22  }
0x61: {  	s25 =	sshra.s32 s22, $0x1F;
	p1 =	slt.s32 s22, $0x1;
	p3 =	sne.s32 s24, $0x0  }
0x62: {  	s15 =	sshrl.u32 s25, $0x19;
	p1 =	por !p1, !p3  }
0x63: {  	s24 =	simm.s32 $0x1;
	s22 =	sadd.s32 s15, s22;
	p1 =	por !p1, !p1  }
0x64: {  	s0 =	smul.u32 s2, s0;
	s22 =	sshra.s32 s22, $0x7;
	s24 =	simm.s32 @!p1 $0x0  }
0x65: {  	s24 =	ssub.s32 s22, s24  }
0x66: {  	s23 =	smov.u32 @p2 s2;
	s24 =	sadd.s32 s0, s24  }
0x67: {  	s24 =	sadd.s32 s23, s24  }
0x68: {  	s24 =	sshll.u32 s24, $0x4  }
0x69: {  	s24 =	sand.u32 $0x1FFFFFF0, s24  }
0x6a: {  	s26 =	simm.s32 $0x0;
	s17 =	sadd.s32 s5, s24  }
0x6b: {  	[tilespmem:s16], [sflag:$0x3] =	stream.linear.gather [hbm4b:s17+s26], $0x80, $0x38;
	[tilespmem:$0x18600] =	vst v63  }
0x6c: {  	_ =	swait.ge [sflag:s14], $0x80  }
0x6d: {  	s3 =	simm.s32 $0xC100;
	[sflag:s14] =	ssyncset.done $0x0  }
0x6e: {  	p2 =	sne.s32 s21, $0x1;
	s24 =	sadd.s32 s6, s24;
	[sflag:s14] =	ssyncadd.s32 $0xFFFFFF80  }
0x6f: {  	[tilespmem:s3], [sflag:$0x3] =	stream.linear.gather [hbm4b:s24+s26], $0x80, $0x38;
	[tilespmem:$0x18600] =	vst v63  }
0x70: {  	s31 =	sand.u32 $0x1, s26;
	s22 =	sadd.s32 s23, s22;
	s24 =	simm.s32 $0xFFFFFFFF  }
0x71: {  	s0 =	sadd.s32 s0, s22;
	_ =	swait.ge [sflag:s14], $0x80;
	s24 =	simm.s32 @!p1 $0x0  }
0x72: {  	s22 =	simm.s32 $0x1;
	[sflag:s14] =	ssyncset.done $0x0;
	s0 =	sadd.s32 s24, s0  }
0x73: {  	p1 =	sle.s32 s21, $0x1;
	[sflag:s14] =	ssyncadd.s32 $0xFFFFFF80;
	s0 =	sshll.u32 s0, $0x7  }
0x74: {  	[tilespmem:s26], [sflag:$0x1] =	stream.indirect.gather [hbm4b:s4+s18], $0x80, s16, s18, $0xb8;
	[tilespmem:$0x18600] =	vst v63  }
0x75: {  	s17 =	sshll.u32 s31, $0x7;
	s23 =	sand.u32 @!p1 $0x1, s22;
	s0 =	sadd.s32 $0x80, s0  }
0x76: {  	s24 =	simm.s32 @!p1 $0x3;
	s28 =	sshll.u32 @!p1 s23, $0x7;
	s26 =	sshrl.u32 @!p1 s0, $0x3  }
0x77: {  	s30 =	simm.s32 @!p1 $0x0;
	s25 =	sor.u32 @!p1 $0xC000, s28;
	s29 =	sadd.s32 @!p1 s5, s26  }
0x78: {  	[tilespmem:s25], [sflag:$0x3] =	stream.linear.gather @!p1 [hbm4b:s29+s30], $0x80, $0x38;
	[tilespmem:$0x18600] =	vst v63  }
0x79: {  	s3 =	sor.u32 @!p1 $0xC100, s28;
	s28 =	sadd.s32 @!p1 $0x1, s23;
	_ =	swait.ge @!p1 [sflag:s24], $0x80  }
.Ltmp4:
0x7a: {  	s15 =	sadd.s32 @!p1 s6, s26;
	[sflag:s24] =	ssyncset.done @!p1 $0x0;
	(pc) =	sbr.rel @!p2 .LBB2_6-.Ltmp4, $4  }
0x7b: {  	s26 =	sshll.u32 @!p1 s23, $0xE;
	s23 =	sadd.s32 $0x80, s0;
	[sflag:s24] =	ssyncadd.s32 @!p1 $0xFFFFFF80  }
0x7c: {  	[tilespmem:s3], [sflag:$0x3] =	stream.linear.gather @!p1 [hbm4b:s15+s30], $0x80, $0x38;
	[tilespmem:$0x18600] =	vst v63  }
0x7d: {  	s0 =	sor.u32 $0xC100, s17;
	s29 =	simm.s32 @!p1 $0x80;
	_ =	swait.ge @!p1 [sflag:s24], $0x80  }
0x7e: {  	s30 =	sadd.s32 $0x1, s31;
	s31 =	sshll.u32 s31, $0xE;
	[sflag:s24] =	ssyncset.done @!p1 $0x0  }
.LBB2_5:
0x7f: {  	s3 =	sand.u32 $0x1, s22;
	s22 =	sadd.s32 $0x1, s22;
	[sflag:s24] =	ssyncadd.s32 @!p1 $0xFFFFFF80  }
0x80: {  	[tilespmem:s26], [sflag:s28] =	stream.indirect.gather @!p1 [hbm4b:s4+s29], $0x80, s25, s29, $0xb8;
	[tilespmem:$0x18600] =	vst v63  }
0x81: {  	p1 =	sge.s32 s22, s21  }
0x82: {  	s15 =	sshll.u32 s3, $0x7;
	p2 =	sne.s32 s21, s22;
	_ =	swait.ge [sflag:s30], $0x4000  }
0x83: {  	s17 =	sand.u32 @!p1 $0x1, s22;
	s24 =	sshrl.u32 @!p1 s23, $0x3;
	[sflag:s30] =	ssyncset.done $0x0  }
0x84: {  	s25 =	sshll.u32 @!p1 s17, $0x7;
	s28 =	sadd.s32 @!p1 s5, s24;
	[sflag:s30] =	ssyncadd.s32 $0xFFFFC000  }
0x85: {  	[spmem:s1] =	stream.indirect.scatter.add.f32 [tilespmem:s31], [sflag:$0x3], $0x80, s0, s18, $0xb8;
	[tilespmem:$0x18600] =	vst v63  }
0x86: {  	s30 =	sadd.s32 @!p1 s6, s24;
	s0 =	sor.u32 @!p1 $0xC100, s25;
	_ =	swait.ge [sflag:s14], $0x4000  }
0x87: {  	s26 =	sshll.u32 @!p1 s17, $0xE;
	s24 =	simm.s32 @!p1 $0x3;
	[sflag:s14] =	ssyncset.done $0x0  }
0x88: {  	s25 =	sor.u32 @!p1 $0xC000, s25;
	s31 =	simm.s32 @!p1 $0x0;
	[sflag:s14] =	ssyncadd.s32 $0xFFFFC000  }
0x89: {  	[tilespmem:s25], [sflag:$0x3] =	stream.linear.gather @!p1 [hbm4b:s28+s31], $0x80, $0x38;
	[tilespmem:$0x18600] =	vst v63  }
0x8a: {  	s29 =	simm.s32 @!p1 $0x80;
	s28 =	sadd.s32 @!p1 $0x1, s17;
	_ =	swait.ge @!p1 [sflag:s24], $0x80  }
.Ltmp5:
0x8b: {  	[sflag:s24] =	ssyncset.done @!p1 $0x0;
	(pc) =	sbr.rel @p2 .LBB2_5-.Ltmp5, $4  }
0x8c: {  	[sflag:s24] =	ssyncadd.s32 @!p1 $0xFFFFFF80  }
0x8d: {  	[tilespmem:s0], [sflag:$0x3] =	stream.linear.gather @!p1 [hbm4b:s30+s31], $0x80, $0x38;
	[tilespmem:$0x18600] =	vst v63  }
0x8e: {  	s23 =	sadd.s32 $0x80, s23;
	s30 =	sadd.s32 $0x1, s3;
	_ =	swait.ge @!p1 [sflag:s24], $0x80  }
0x8f: {  	s31 =	sshll.u32 s3, $0xE;
	s0 =	sor.u32 $0xC100, s15;
	[sflag:s24] =	ssyncset.done @!p1 $0x0  }
.Ltmp6:
0x90: {  	_ = 	snop;
	(pc) =	sbr.rel .LBB2_6-.Ltmp6, $1  }
0x91: {  	_ =	sdelay $0x3  }
.LBB2_8:
0x92: {  	_ =	sfence.sel $0x180000  }
0x93: {  	[bflag:$0x0] =	sbarrier.arrive $0xFFFF  }
0x94: {  	_ =	strace $0x9000004A  }
0x95: {  	[bflag:$0x2] =	sbarrier.arrive $0xFFFF  }
0x96: {  	p0 =	sne.s32 s2, $0x0;
	s0 =	rddreg [dreg:$0x2]  }
0x97: {  	s0 =	sadd.s32 @!p0 $0x100000, s0  }
0x98: {  	[sflag:s0] =	ssyncadd.tile.s32 @!p0 $0x1;
	_ =	shalt  }
.Lfunc_end2:
_tile_overlayer_lowered:
.L_overlay_start_2:
0x99: {  	(tag) =	ssettag $0x2  }
0x9a: {  	s0 =	rddreg [dreg:$0x0];
	s2 =	stileid.u32  }
0x9b: {  	s1 =	rddreg [dreg:$0x1];
	p0 =	sne.s32 s2, $0x0  }
0x9c: {  	s3 =	rddreg [dreg:$0x2];
	[bflag:$0x3] =	sbarrier.arrive $0xFFFF;
	s2 =	simm.s32 @!p0 $0x1C03  }
0x9d: {  	[timem:s3], [sflag:s2] =	dma.local @!p0 [hbm:s0], s1  }
0x9e: {  	s0 =	simm.s32 @!p0 $0x3  }
0x9f: {  	_ =	swait.ge @!p0 [sflag:s0], s1  }
0xa0: {  	s1 =	ssub.s32 @!p0 $0x0, s1;
	[sflag:s0] =	ssyncset.done @!p0 $0x0  }
0xa1: {  	[sflag:s0] =	ssyncadd.s32 @!p0 s1  }
0xa2: {  	[bflag:$0x3] =	sbarrier.arrive $0xFFFF  }
0xa3: {  	_ =	shalt  }

// kernel: kernel.19.cloned.1.call-start
scs
__scs_entry_jumppad:
0x0: {  	(pc) =	sbr.rel $0x88, $3  }
0x1: {  	(tag) =	ssettag $0x0;
	lr =	simm.s32 $0x1  }
0x2: {  	[smem:$0x3F95] =	sst lr;
	_ =	strace $0xD0000000  }
0x3: {  	_ = 	snop  }
0x4: {  	_ = 	snop  }
0x5: {  	_ = 	snop  }
0x6: {  	_ = 	snop  }
0x7: {  	_ = 	snop  }
__scs_overlays_trampoline_lowered:
0x8: {  	[smem:$0x3FA4] =	sst s0  }
0x9: {  	[smem:$0x3FA5] =	sst s1  }
0xa: {  	[smem:$0x3FA6] =	sst s2  }
0xb: {  	[smem:$0x3FA7] =	sst s3  }
0xc: {  	[smem:$0x3FA8] =	sst s4  }
0xd: {  	[smem:$0x3FA9] =	sst s5  }
0xe: {  	[smem:$0x3FAA] =	sst s6  }
0xf: {  	[smem:$0x3FAB] =	sst s7  }
0x10: {  	[smem:$0x3FAC] =	sst s8  }
0x11: {  	[smem:$0x3FAD] =	sst s9;
	s0 =	simm.s32 @!p0 $0x0  }
0x12: {  	s1 =	sld [smem:$0x3F93];
	s0 =	simm.s32 @p0 $0x1  }
0x13: {  	[smem:$0x3FAE] =	sst s0;
	s0 =	simm.s32 @!p1 $0x0  }
0x14: {  	s2 =	sld [smem:$0x3F92];
	s0 =	simm.s32 @p1 $0x1  }
0x15: {  	[smem:$0x3FAF] =	sst s0;
	s0 =	simm.s32 @!p2 $0x0  }
0x16: {  	s3 =	sld [smem:$0x3FDB];
	s0 =	simm.s32 @p2 $0x1  }
0x17: {  	s4 =	simm.s32 $0x1BF5;
	[smem:$0x3FB1] =	sst s0  }
0x18: {  	s0 =	sld [smem:$0x3F94];
	_ =	swait.ge [sflag:s4], $0x0  }
0x19: {  	s7 =	sld [smem:$0x3F95]  }
0x1a: {  	s8 =	sadd.s32 $0xFFFFE003, lr  }
0x1b: {  	s9 =	sadd.s32 $0xFFFFFEF7, lr;
	s5 =	simm.s32 $0xFFFFFFFF;
	p2 =	slt.u32 s8, $0xFFFFF086  }
0x1c: {  	p1 =	slt.u32 s9, $0xF7A;
	s5 =	simm.s32 @!p2 $0x0  }
0x1d: {  	s5 =	simm.s32 @p1 $0x1;
	p0 =	seq.s32 s7, s2  }
0x1e: {  	s7 =	smul.u32 @!p0 $0xF7A, s2;
	p2 =	seq.s32 @!p0 s5, $0x0  }
0x1f: {  	s9 =	smul.u32 $0xF7A, s1;
	s8 =	simm.s32 @!p0 $0x1BF5;
	p2 =	por !p2, p0  }
0x20: {  	[sflag:s8] =	ssyncset.s32 @!p0 $0xFFFFF086;
	s6 =	sadd.s32 @!p0 s3, s7;
	s7 =	simm.s32 @!p0 $0x108  }
0x21: {  	s3 =	sadd.s32 s3, s9;
	s6 =	sadd.s32 @!p0 $0x88, s6;
	s7 =	simm.s32 @p2 $0x1082  }
0x22: {  	[simem:s7], [sflag:s8] =	dma.local @!p0 [hbm:s6], $0xF7A  }
0x23: {  	s9 =	sor.u32 $0xD0000000, s2;
	s6 =	simm.s32 $0x108;
	_ =	swait.ge @!p0 [sflag:s8], $0x0  }
0x24: {  	s3 =	sadd.s32 $0x88, s3;
	s6 =	simm.s32 @!p1 $0x1082;
	[sflag:s4] =	ssyncset.s32 $0xFFFFF086  }
0x25: {  	[simem:s6], [sflag:s4] =	dma.local [hbm:s3], $0xF7A  }
0x26: {  	[smem:$0x3F95] =	sst s1;
	(tag) =	ssettag s2;
	_ =	strace s9  }
0x27: {  	s1 =	sld [smem:$0x3FA5]  }
0x28: {  	s2 =	sld [smem:$0x3FA6]  }
0x29: {  	s4 =	sld [smem:$0x3FA8]  }
0x2a: {  	p0 =	seq.s32 s5, $0x0;
	s5 =	sld [smem:$0x3FA9]  }
0x2b: {  	s6 =	sld [smem:$0x3FAA]  }
0x2c: {  	s7 =	sld [smem:$0x3FAB]  }
0x2d: {  	s3 =	simm.s32 $0x108;
	s8 =	sld [smem:$0x3FAC]  }
0x2e: {  	s3 =	simm.s32 @!p0 $0x1082;
	s9 =	sld [smem:$0x3FAD]  }
0x2f: {  	lr =	sadd.s32 s0, s3;
	s0 =	sld [smem:$0x3FA4]  }
0x30: {  	s3 =	sld [smem:$0x3FA7]  }
0x31: {  	[smem:$0x3FB0] =	sst s10  }
0x32: {  	s10 =	sld [smem:$0x3FAE];
	_ =	sdelay $0x3  }
0x33: {  	p0 =	seq.s32 s10, $0x1;
	s10 =	sld [smem:$0x3FB0];
	_ =	sdelay $0x3  }
0x34: {  	[smem:$0x3FB0] =	sst s10  }
0x35: {  	s10 =	sld [smem:$0x3FAF];
	_ =	sdelay $0x3  }
0x36: {  	p1 =	seq.s32 s10, $0x1;
	s10 =	sld [smem:$0x3FB0];
	_ =	sdelay $0x3  }
0x37: {  	[smem:$0x3FB0] =	sst s10  }
0x38: {  	s10 =	sld [smem:$0x3FB1]  }
0x39: {  	_ = 	snop;
	(pc) =	sbr.ind lr, $3  }
0x3a: {  	_ = 	snop  }
0x3b: {  	_ = 	snop  }
0x3c: {  	p2 =	seq.s32 s10, $0x1;
	s10 =	sld [smem:$0x3FB0]  }
0x3d: {  	_ =	shalt  }
0x3e: {  	_ =	shalt  }
0x3f: {  	_ =	shalt  }
0x40: {  	_ =	shalt  }
0x41: {  	_ =	shalt  }
0x42: {  	_ =	shalt  }
0x43: {  	_ =	shalt  }
0x44: {  	_ =	shalt  }
0x45: {  	_ =	shalt  }
0x46: {  	_ =	shalt  }
0x47: {  	_ =	shalt  }
0x48: {  	_ =	shalt  }
0x49: {  	_ =	shalt  }
0x4a: {  	_ =	shalt  }
0x4b: {  	_ =	shalt  }
0x4c: {  	_ =	shalt  }
0x4d: {  	_ =	shalt  }
0x4e: {  	_ =	shalt  }
0x4f: {  	_ =	shalt  }
0x50: {  	_ =	shalt  }
0x51: {  	_ =	shalt  }
0x52: {  	_ =	shalt  }
0x53: {  	_ =	shalt  }
0x54: {  	_ =	shalt  }
0x55: {  	_ =	shalt  }
0x56: {  	_ =	shalt  }
0x57: {  	_ =	shalt  }
0x58: {  	_ =	shalt  }
0x59: {  	_ =	shalt  }
0x5a: {  	_ =	shalt  }
0x5b: {  	_ =	shalt  }
0x5c: {  	_ =	shalt  }
0x5d: {  	_ =	shalt  }
0x5e: {  	_ =	shalt  }
0x5f: {  	_ =	shalt  }
0x60: {  	_ =	shalt  }
0x61: {  	_ =	shalt  }
0x62: {  	_ =	shalt  }
0x63: {  	_ =	shalt  }
0x64: {  	_ =	shalt  }
0x65: {  	_ =	shalt  }
0x66: {  	_ =	shalt  }
0x67: {  	_ =	shalt  }
0x68: {  	_ =	shalt  }
0x69: {  	_ =	shalt  }
0x6a: {  	_ =	shalt  }
0x6b: {  	_ =	shalt  }
0x6c: {  	_ =	shalt  }
0x6d: {  	_ =	shalt  }
0x6e: {  	_ =	shalt  }
0x6f: {  	_ =	shalt  }
0x70: {  	_ =	shalt  }
0x71: {  	_ =	shalt  }
0x72: {  	_ =	shalt  }
0x73: {  	_ =	shalt  }
0x74: {  	_ =	shalt  }
0x75: {  	_ =	shalt  }
0x76: {  	_ =	shalt  }
0x77: {  	_ =	shalt  }
0x78: {  	_ =	shalt  }
0x79: {  	_ =	shalt  }
0x7a: {  	_ =	shalt  }
0x7b: {  	_ =	shalt  }
0x7c: {  	_ =	shalt  }
0x7d: {  	_ =	shalt  }
0x7e: {  	_ =	shalt  }
0x7f: {  	_ =	shalt  }
0x80: {  	_ =	shalt  }
0x81: {  	_ =	shalt  }
0x82: {  	_ =	shalt  }
0x83: {  	_ =	shalt  }
0x84: {  	_ =	shalt  }
0x85: {  	_ =	shalt  }
0x86: {  	_ =	shalt  }
0x87: {  	_ =	shalt  }
.Lfunc_end0:
.L_simem_size_0:
called_computation.2_lowered:
.L_overlay_start_0:
0x88: {  	s2 =	sld [smem:$0x3FD9]  }
0x89: {  	s3 =	sld [smem:$0x3FFE];
	_ =	sdelay $0x1  }
0x8a: {  	s1 =	srdreg.scid  }
0x8b: {  	s0 =	sand.u32 $0x1, s1  }
0x8c: {  	s16 =	sshll.u32 s0, $0xA;
	s2 =	sadd.s32 s3, s2  }
0x8d: {  	s2 =	sadd.s32 s2, s16  }
0x8e: {  	[smem:$0x3FBC] =	sst s2  }
0x8f: {  	_ = 	snop  }
0x90: {  	(tm) =	ssettm $0x1  }
0x91: {  	s17 =	sld [smem:$0x3FFB];
	_ =	sdelay $0x3  }
0x92: {  	_ =	strace s17  }
0x93: {  	s2 =	sld [smem:$0x3FFC];
	_ =	sdelay $0x3  }
0x94: {  	_ =	strace s2  }
0x95: {  	s2 =	sld [smem:$0x3FFD];
	_ =	sdelay $0x3  }
0x96: {  	_ =	strace s2  }
0x97: {  	_ =	strace $0x8FFFFFFF  }
0x98: {  	s18 =	sld [smem:$0x3FDB];
	_ =	sdelay $0x1  }
0x99: {  	s19 =	simm.s32 $_scs_section_size  }
0x9a: {  	s4 =	simm.s32 $_size__tile_overlayer_lowered;
	s5 =	simm.s32 $_tile_overlayer_lowered  }
0x9b: {  	s22 =	simm.s32 $0x1BFF;
	s21 =	sshll.u32 s5, $0x1;
	s2 =	sadd.s32 s19, s18  }
0x9c: {  	s6 =	simm.s32 $0x0;
	s20 =	sshll.u32 s4, $0x1;
	s4 =	sadd.s32 s21, s2  }
0x9d: {  	[timem:s6], [sflag:s22] =	dma.local [hbm:s4], s20  }
0x9e: {  	_ =	swait.ge [sflag:s22], s20  }
0x9f: {  	s3 =	ssub.s32 $0x0, s20;
	[sflag:s22] =	ssyncset.done $0x0  }
0xa0: {  	[sflag:s22] =	ssyncadd.s32 s3;
	_ =	sdelay $0x1  }
0xa1: {  	s23 =	simm.s32 $0x1B8B  }
0xa2: {  	_ =	swait.ge [sflag:s23], $0x1  }
0xa3: {  	[sflag:s23] =	ssyncset.done $0x0  }
0xa4: {  	s25 =	simm.s32 $0x1B8E;
	s24 =	sld [smem:$0x3FFE];
	[sflag:s23] =	ssyncadd.s32 $0xFFFFFFFF  }
0xa5: {  	s26 =	simm.s32 $execute0_lowered;
	[smem:$0x3FD2] =	sst s25  }
0xa6: {  	s4 =	sshll.u32 s26, $0x1;
	_ =	strace $0x8000004C;
	[dreg:$0x1] =	wrdreg $0xFFFFFFFF  }
0xa7: {  	s28 =	simm.s32 $_size_execute0_lowered;
	s2 =	sadd.s32 s2, s4;
	[dreg:$0x0] =	wrdreg $0x0  }
0xa8: {  	s4 =	sshll.u32 s28, $0x1;
	[dreg:$0x2] =	wrdreg s2  }
0xa9: {  	[dreg:$0x3] =	wrdreg s4  }
0xaa: {  	[dreg:$0x4] =	wrdreg $0xC0  }
0xab: {  	_ =	task [dreg:s6], $0x5FFFF  }
0xac: {  	[dreg:$0x1] =	wrdreg $0xFFFFFFFF  }
0xad: {  	[dreg:$0x0] =	wrdreg $0x60  }
0xae: {  	[dreg:$0x2] =	wrdreg s24  }
0xaf: {  	[dreg:$0x3] =	wrdreg $0xC6000  }
0xb0: {  	[dreg:$0x4] =	wrdreg $0x9  }
0xb1: {  	_ =	task.clear_ibuf [dreg:s6], $0x5FFFF;
	_ =	strace $0x9000004C  }
0xb2: {  	s29 =	simm.s32 $0x9;
	_ =	strace $0x8000004E  }
0xb3: {  	_ =	swait.ge [sflag:s29], $0x1  }
0xb4: {  	[sflag:s29] =	ssyncadd.s32 $0xFFFFFFFF  }
0xb5: {  	_ =	strace $0x9000004E  }
0xb6: {  	_ =	sfence  }
0xb7: {  	s30 =	sld [smem:$0x0];
	_ =	sdelay $0x2  }
0xb8: {  	s31 =	sshll.u32 s1, $0xD;
	s1 =	sshrl.u32 s1, $0x2  }
0xb9: {  	s3 =	sand.u32 $0x4000, s31;
	s1 =	sadd.s32 s1, s30  }
0xba: {  	s0 =	sor.u32 s3, s0;
	s1 =	sshll.u32 s1, $0x11  }
0xbb: {  	s0 =	sor.u32 s1, s0  }
0xbc: {  	s0 =	sadd.s32 $0x8F2B, s0  }
0xbd: {  	[sflag:s0] =	ssyncadd.remote.s32 $0x1  }
0xbe: {  	_ =	sfence.sel $0xFFFF  }
0xbf: {  	[dreg:$0x0] =	wrdreg $0xFFFFFFFF;
	(pc) =	sbr.abs _section_cstart, $3  }
0xc0: {  	[dreg:$0x1] =	wrdreg $0xFFFFFFFF  }
0xc1: {  	_ =	task.clear_ibuf [dreg:s6], $0x2FFFF;
	_ =	strace $0x9FFFFFFF  }
0xc2: {  	(tm) =	ssettm $0x7FFFFFFF  }
0xc3: {  	_ =	shalt  }
tec
execute0_lowered:
.L_overlay_start_1:
0x0: {  	(tag) =	ssettag $0x1  }
0x1: {  	s0 =	rddreg [dreg:$0x0]  }
0x2: {  	s1 =	rddreg [dreg:$0x1];
	s3 =	simm.s32 $0x0;
	s2 =	srdreg.scid  }
0x3: {  	s14 =	simm.s32 $0x3;
	s16 =	simm.s32 $0xC000;
	s18 =	simm.s32 $0x80  }
0x4: {  	s20 =	simm.s32 $0x0;
	[smem:$0x7FF] =	sst s3;
	s13 =	sand.u32 $0x1, s2  }
0x5: {  	s2 =	stileid.u32;
	s4 =	sadd.s32 $0x19400, s0;
	s7 =	smul.u32 $0x14000, s13  }
0x6: {  	s5 =	sadd.s32 $0x5400, s0;
	s6 =	sadd.s32 $0xF400, s0;
	s8 =	smul.u32 $0x1400, s2  }
0x7: {  	_ =	strace $0x8000004D;
	s9 =	smul.u32 $0x30000, s2;
	s10 =	ssub.s32 $0x2, s13  }
0x8: {  	s11 =	smul.u32 $0x28000, s2;
	p0 =	seq.s32 s13, $0x0;
	s13 =	simm.s32 $0x8000  }
.Ltmp0:
0x9: {  	s29 =	sshrl.u32 s10, $0x1;
	s8 =	sadd.s32 s8, s7;
	(pc) =	sbr.rel .LBB2_1-.Ltmp0, $4  }
0xa: {  	s7 =	sadd.s32 $0x5200, s0;
	s10 =	ssub.s32 s10, s29;
	s30 =	sshrl.u32 s9, $0x2  }
0xb: {  	s31 =	sshrl.u32 s11, $0x2;
	s0 =	sadd.s32 s8, s0;
	s8 =	sadd.s32 s30, s1  }
0xc: {  	s19 =	sadd.s32 s31, s1;
	s10 =	smax.u32 s10, $0x1;
	s9 =	sadd.s32 $0x40600, s0  }
0xd: {  	v0 =	vimm.f32 $0.0e+00;
	s11 =	sadd.s32 $0x4000, s8;
	s12 =	sadd.s32 $0x8000, s8;
	s19 =	sshrl.u32 s19, $0x3  }
.LBB2_6:
0xe: {  	[sflag:s24] =	ssyncadd.s32 @!p1 $0xFFFFFF80  }
0xf: {  	[tilespmem:s26], [sflag:s28] =	stream.indirect.gather @!p1 [hbm4b:s4+s29], $0x80, s25, s29, $0xb8;
	[tilespmem:$0x18600] =	vst v63  }
0x10: {  	_ =	swait.ge [sflag:s30], $0x4000  }
0x11: {  	[sflag:s30] =	ssyncset.done $0x0  }
0x12: {  	[sflag:s30] =	ssyncadd.s32 $0xFFFFC000  }
0x13: {  	[spmem:s1] =	stream.indirect.scatter.add.f32 [tilespmem:s31], [sflag:$0x3], $0x80, s0, s18, $0xb8;
	[tilespmem:$0x18600] =	vst v63  }
0x14: {  	_ =	swait.ge [sflag:s14], $0x4000  }
0x15: {  	[sflag:s14] =	ssyncset.done $0x0  }
0x16: {  	[sflag:s14] =	ssyncadd.s32 $0xFFFFC000  }
.LBB2_7:
0x17: {  	s20 =	sadd.s32 $0x1, s20  }
0x18: {  	s0 =	sshll.u32 s2, $0x6;
	p1 =	sne.s32 s20, s10  }
.Ltmp1:
0x19: {  	[bflag:$0x0] =	sbarrier.arrive $0xFFFF;
	s0 =	sor.u32 $0x1C03, s0;
	(pc) =	sbr.rel @!p1 .LBB2_8-.Ltmp1, $4  }
0x1a: {  	[hbm:s9], [sflag:s0] =	dma.local [spmem:s19], $0x1400  }
0x1b: {  	_ =	swait.ge [sflag:s14], $0x1400  }
0x1c: {  	[sflag:s14] =	ssyncset.done $0x0  }
0x1d: {  	[sflag:s14] =	ssyncadd.s32 $0xFFFFEC00  }
.LBB2_1:
0x1e: {  	s0 =	simm.s32 $0x0;
	s21 =	simm.s32 $0x200  }
.LBB2_2:
0x1f: {  	p1 =	sne.s32 s21, $0xFE00;
	[tilespmem:s0+$0x8070] =	vst v0  }
0x20: {  	[tilespmem:s0+$0x8000] =	vst v0  }
0x21: {  	[tilespmem:s0+$0x8010] =	vst v0  }
.Ltmp2:
0x22: {  	[tilespmem:s0+$0x8020] =	vst v0;
	(pc) =	sbr.rel @p1 .LBB2_2-.Ltmp2, $4  }
0x23: {  	[tilespmem:s0+$0x8030] =	vst v0  }
0x24: {  	[tilespmem:s0+$0x8040] =	vst v0  }
0x25: {  	[tilespmem:s0+$0x8050] =	vst v0  }
0x26: {  	[tilespmem:s0+$0x8060] =	vst v0;
	s0 =	sshra.s32 s21, $0x2;
	s21 =	sadd.s32 $0x200, s21  }
0x27: {  	[tilespmem:s0+$0x8070] =	vst v0  }
0x28: {  	[tilespmem:s0+$0x8000] =	vst v0  }
0x29: {  	[tilespmem:s0+$0x8010] =	vst v0  }
0x2a: {  	[tilespmem:s0+$0x8020] =	vst v0  }
0x2b: {  	[tilespmem:s0+$0x8030] =	vst v0  }
0x2c: {  	[tilespmem:s0+$0x8040] =	vst v0  }
0x2d: {  	[tilespmem:s0+$0x8050] =	vst v0  }
0x2e: {  	[tilespmem:s0+$0x8060] =	vst v0  }
0x2f: {  	[spmem:s8] =	stream.linear.scatter [tilespmem:s13], [sflag:$0x3], $0x4000, $0x38;
	[tilespmem:$0x18600] =	vst v63  }
0x30: {  	_ =	swait.ge [sflag:s14], $0x4000  }
0x31: {  	[sflag:s14] =	ssyncset.done $0x0  }
0x32: {  	[sflag:s14] =	ssyncadd.s32 $0xFFFFC000  }
0x33: {  	[spmem:s11] =	stream.linear.scatter [tilespmem:s13], [sflag:$0x3], $0x4000, $0x38;
	[tilespmem:$0x18600] =	vst v63  }
0x34: {  	_ =	swait.ge [sflag:s14], $0x4000  }
0x35: {  	[sflag:s14] =	ssyncset.done $0x0  }
0x36: {  	[sflag:s14] =	ssyncadd.s32 $0xFFFFC000  }
0x37: {  	[spmem:s12] =	stream.linear.scatter [tilespmem:s13], [sflag:$0x3], $0x4000, $0x38;
	[tilespmem:$0x18600] =	vst v63  }
0x38: {  	_ =	swait.ge [sflag:s14], $0x4000  }
0x39: {  	[sflag:s14] =	ssyncset.done $0x0  }
0x3a: {  	s29 =	simm.s32 $0x0;
	s3 =	simm.s32 $0xC200;
	[sflag:s14] =	ssyncadd.s32 $0xFFFFC000  }
0x3b: {  	[tilespmem:s3], [sflag:$0x3] =	stream.linear.gather [hbm4b:s7+s29], $0x400, $0x38;
	[tilespmem:$0x18600] =	vst v63  }
0x3c: {  	_ =	swait.ge [sflag:s14], $0x400  }
0x3d: {  	[sflag:s14] =	ssyncset.done $0x0  }
0x3e: {  	[sflag:s14] =	ssyncadd.s32 $0xFFFFFC00  }
0x3f: {  	v1 =	vld [tilespmem:$0xC280]  }
0x40: {  	v2 =	vld [tilespmem:$0xC300]  }
0x41: {  	v3 =	vld [tilespmem:$0xC380];
	_ =	sdelay $0x2  }
0x42: {  	(v2sf) =	vpush v1, $0x0  }
0x43: {  	(v2sf) =	vpush v2, $0x0  }
0x44: {  	(v2sf) =	vpush v3, $0x0;
	_ =	sdelay $0xc  }
0x45: {  	s22 =	spop (v2sf)  }
0x46: {  	s0 =	spop (v2sf)  }
0x47: {  	s21 =	spop (v2sf)  }
0x48: {  	s21 =	smov.u32 @p0 s0  }
0x49: {  	s0 =	sadd.s32 $0x7F, s21  }
0x4a: {  	s21 =	sand.u32 $0x7F, s0  }
0x4b: {  	s23 =	sshra.s32 s0, $0x1F;
	p1 =	slt.s32 s0, $0x1;
	p2 =	sne.s32 s21, $0x0  }
0x4c: {  	s30 =	sshrl.u32 s23, $0x19;
	p1 =	por !p1, !p2  }
0x4d: {  	s21 =	simm.s32 $0x1;
	s0 =	sadd.s32 s30, s0;
	p1 =	por !p1, !p1  }
0x4e: {  	s0 =	sshra.s32 s0, $0x7;
	s21 =	simm.s32 @!p1 $0x0  }
0x4f: {  	s21 =	ssub.s32 s0, s21  }
0x50: {  	s0 =	sand.u32 $0xF, s21  }
0x51: {  	p5 =	slt.s32 s21, $0x1;
	p6 =	sne.s32 s0, $0x0  }
0x52: {  	s31 =	sshrl.u32 s21, $0x1C;
	p1 =	por !p5, !p6  }
0x53: {  	s23 =	simm.s32 $0x1;
	s0 =	sadd.s32 s31, s21;
	p1 =	por !p1, !p1  }
0x54: {  	s0 =	sshra.s32 s0, $0x4;
	s23 =	simm.s32 @!p1 $0x0  }
0x55: {  	s0 =	ssub.s32 s0, s23  }
0x56: {  	s23 =	sshll.u32 s0, $0x4  }
0x57: {  	s23 =	ssub.s32 s21, s23  }
0x58: {  	s21 =	simm.s32 $0x1;
	p2 =	slt.s32 s2, s23  }
0x59: {  	s21 =	simm.s32 @!p2 $0x0  }
0x5a: {  	s21 =	sadd.s32 s21, s0  }
0x5b: {  	p1 =	slt.s32 s21, $0x1  }
.Ltmp3:
0x5c: {  	_ = 	snop;
	(pc) =	sbr.rel @p1 .LBB2_7-.Ltmp3, $2  }
0x5d: {  	_ =	sdelay $0x1  }
0x5e: {  	[bflag:$0x0] =	sbarrier.arrive $0xFFFF;
	_ =	sdelay $0x1  }
0x5f: {  	s22 =	simm.s32 @p0 $0x0  }
0x60: {  	s24 =	sand.u32 $0x7F, s22  }
0x61: {  	s25 =	sshra.s32 s22, $0x1F;
	p1 =	slt.s32 s22, $0x1;
	p3 =	sne.s32 s24, $0x0  }
0x62: {  	s15 =	sshrl.u32 s25, $0x19;
	p1 =	por !p1, !p3  }
0x63: {  	s24 =	simm.s32 $0x1;
	s22 =	sadd.s32 s15, s22;
	p1 =	por !p1, !p1  }
0x64: {  	s0 =	smul.u32 s2, s0;
	s22 =	sshra.s32 s22, $0x7;
	s24 =	simm.s32 @!p1 $0x0  }
0x65: {  	s24 =	ssub.s32 s22, s24  }
0x66: {  	s23 =	smov.u32 @p2 s2;
	s24 =	sadd.s32 s0, s24  }
0x67: {  	s24 =	sadd.s32 s23, s24  }
0x68: {  	s24 =	sshll.u32 s24, $0x4  }
0x69: {  	s24 =	sand.u32 $0x1FFFFFF0, s24  }
0x6a: {  	s26 =	simm.s32 $0x0;
	s17 =	sadd.s32 s5, s24  }
0x6b: {  	[tilespmem:s16], [sflag:$0x3] =	stream.linear.gather [hbm4b:s17+s26], $0x80, $0x38;
	[tilespmem:$0x18600] =	vst v63  }
0x6c: {  	_ =	swait.ge [sflag:s14], $0x80  }
0x6d: {  	s3 =	simm.s32 $0xC100;
	[sflag:s14] =	ssyncset.done $0x0  }
0x6e: {  	p2 =	sne.s32 s21, $0x1;
	s24 =	sadd.s32 s6, s24;
	[sflag:s14] =	ssyncadd.s32 $0xFFFFFF80  }
0x6f: {  	[tilespmem:s3], [sflag:$0x3] =	stream.linear.gather [hbm4b:s24+s26], $0x80, $0x38;
	[tilespmem:$0x18600] =	vst v63  }
0x70: {  	s31 =	sand.u32 $0x1, s26;
	s22 =	sadd.s32 s23, s22;
	s24 =	simm.s32 $0xFFFFFFFF  }
0x71: {  	s0 =	sadd.s32 s0, s22;
	_ =	swait.ge [sflag:s14], $0x80;
	s24 =	simm.s32 @!p1 $0x0  }
0x72: {  	s22 =	simm.s32 $0x1;
	[sflag:s14] =	ssyncset.done $0x0;
	s0 =	sadd.s32 s24, s0  }
0x73: {  	p1 =	sle.s32 s21, $0x1;
	[sflag:s14] =	ssyncadd.s32 $0xFFFFFF80;
	s0 =	sshll.u32 s0, $0x7  }
0x74: {  	[tilespmem:s26], [sflag:$0x1] =	stream.indirect.gather [hbm4b:s4+s18], $0x80, s16, s18, $0xb8;
	[tilespmem:$0x18600] =	vst v63  }
0x75: {  	s17 =	sshll.u32 s31, $0x7;
	s23 =	sand.u32 @!p1 $0x1, s22;
	s0 =	sadd.s32 $0x80, s0  }
0x76: {  	s24 =	simm.s32 @!p1 $0x3;
	s28 =	sshll.u32 @!p1 s23, $0x7;
	s26 =	sshrl.u32 @!p1 s0, $0x3  }
0x77: {  	s30 =	simm.s32 @!p1 $0x0;
	s25 =	sor.u32 @!p1 $0xC000, s28;
	s29 =	sadd.s32 @!p1 s5, s26  }
0x78: {  	[tilespmem:s25], [sflag:$0x3] =	stream.linear.gather @!p1 [hbm4b:s29+s30], $0x80, $0x38;
	[tilespmem:$0x18600] =	vst v63  }
0x79: {  	s3 =	sor.u32 @!p1 $0xC100, s28;
	s28 =	sadd.s32 @!p1 $0x1, s23;
	_ =	swait.ge @!p1 [sflag:s24], $0x80  }
.Ltmp4:
0x7a: {  	s15 =	sadd.s32 @!p1 s6, s26;
	[sflag:s24] =	ssyncset.done @!p1 $0x0;
	(pc) =	sbr.rel @!p2 .LBB2_6-.Ltmp4, $4  }
0x7b: {  	s26 =	sshll.u32 @!p1 s23, $0xE;
	s23 =	sadd.s32 $0x80, s0;
	[sflag:s24] =	ssyncadd.s32 @!p1 $0xFFFFFF80  }
0x7c: {  	[tilespmem:s3], [sflag:$0x3] =	stream.linear.gather @!p1 [hbm4b:s15+s30], $0x80, $0x38;
	[tilespmem:$0x18600] =	vst v63  }
0x7d: {  	s0 =	sor.u32 $0xC100, s17;
	s29 =	simm.s32 @!p1 $0x80;
	_ =	swait.ge @!p1 [sflag:s24], $0x80  }
0x7e: {  	s30 =	sadd.s32 $0x1, s31;
	s31 =	sshll.u32 s31, $0xE;
	[sflag:s24] =	ssyncset.done @!p1 $0x0  }
.LBB2_5:
0x7f: {  	s3 =	sand.u32 $0x1, s22;
	s22 =	sadd.s32 $0x1, s22;
	[sflag:s24] =	ssyncadd.s32 @!p1 $0xFFFFFF80  }
0x80: {  	[tilespmem:s26], [sflag:s28] =	stream.indirect.gather @!p1 [hbm4b:s4+s29], $0x80, s25, s29, $0xb8;
	[tilespmem:$0x18600] =	vst v63  }
0x81: {  	p1 =	sge.s32 s22, s21  }
0x82: {  	s15 =	sshll.u32 s3, $0x7;
	p2 =	sne.s32 s21, s22;
	_ =	swait.ge [sflag:s30], $0x4000  }
0x83: {  	s17 =	sand.u32 @!p1 $0x1, s22;
	s24 =	sshrl.u32 @!p1 s23, $0x3;
	[sflag:s30] =	ssyncset.done $0x0  }
0x84: {  	s25 =	sshll.u32 @!p1 s17, $0x7;
	s28 =	sadd.s32 @!p1 s5, s24;
	[sflag:s30] =	ssyncadd.s32 $0xFFFFC000  }
0x85: {  	[spmem:s1] =	stream.indirect.scatter.add.f32 [tilespmem:s31], [sflag:$0x3], $0x80, s0, s18, $0xb8;
	[tilespmem:$0x18600] =	vst v63  }
0x86: {  	s30 =	sadd.s32 @!p1 s6, s24;
	s0 =	sor.u32 @!p1 $0xC100, s25;
	_ =	swait.ge [sflag:s14], $0x4000  }
0x87: {  	s26 =	sshll.u32 @!p1 s17, $0xE;
	s24 =	simm.s32 @!p1 $0x3;
	[sflag:s14] =	ssyncset.done $0x0  }
0x88: {  	s25 =	sor.u32 @!p1 $0xC000, s25;
	s31 =	simm.s32 @!p1 $0x0;
	[sflag:s14] =	ssyncadd.s32 $0xFFFFC000  }
0x89: {  	[tilespmem:s25], [sflag:$0x3] =	stream.linear.gather @!p1 [hbm4b:s28+s31], $0x80, $0x38;
	[tilespmem:$0x18600] =	vst v63  }
0x8a: {  	s29 =	simm.s32 @!p1 $0x80;
	s28 =	sadd.s32 @!p1 $0x1, s17;
	_ =	swait.ge @!p1 [sflag:s24], $0x80  }
.Ltmp5:
0x8b: {  	[sflag:s24] =	ssyncset.done @!p1 $0x0;
	(pc) =	sbr.rel @p2 .LBB2_5-.Ltmp5, $4  }
0x8c: {  	[sflag:s24] =	ssyncadd.s32 @!p1 $0xFFFFFF80  }
0x8d: {  	[tilespmem:s0], [sflag:$0x3] =	stream.linear.gather @!p1 [hbm4b:s30+s31], $0x80, $0x38;
	[tilespmem:$0x18600] =	vst v63  }
0x8e: {  	s23 =	sadd.s32 $0x80, s23;
	s30 =	sadd.s32 $0x1, s3;
	_ =	swait.ge @!p1 [sflag:s24], $0x80  }
0x8f: {  	s31 =	sshll.u32 s3, $0xE;
	s0 =	sor.u32 $0xC100, s15;
	[sflag:s24] =	ssyncset.done @!p1 $0x0  }
.Ltmp6:
0x90: {  	_ = 	snop;
	(pc) =	sbr.rel .LBB2_6-.Ltmp6, $1  }
0x91: {  	_ =	sdelay $0x3  }
.LBB2_8:
0x92: {  	_ =	sfence.sel $0x180000  }
0x93: {  	[bflag:$0x0] =	sbarrier.arrive $0xFFFF  }
0x94: {  	_ =	strace $0x9000004D  }
0x95: {  	[bflag:$0x2] =	sbarrier.arrive $0xFFFF  }
0x96: {  	p0 =	sne.s32 s2, $0x0;
	s0 =	rddreg [dreg:$0x2]  }
0x97: {  	s0 =	sadd.s32 @!p0 $0x100000, s0  }
0x98: {  	[sflag:s0] =	ssyncadd.tile.s32 @!p0 $0x1;
	_ =	shalt  }
.Lfunc_end2:
_tile_overlayer_lowered:
.L_overlay_start_2:
0x99: {  	(tag) =	ssettag $0x2  }
0x9a: {  	s0 =	rddreg [dreg:$0x0];
	s2 =	stileid.u32  }
0x9b: {  	s1 =	rddreg [dreg:$0x1];
	p0 =	sne.s32 s2, $0x0  }
0x9c: {  	s3 =	rddreg [dreg:$0x2];
	[bflag:$0x3] =	sbarrier.arrive $0xFFFF;
	s2 =	simm.s32 @!p0 $0x1C03  }
0x9d: {  	[timem:s3], [sflag:s2] =	dma.local @!p0 [hbm:s0], s1  }
0x9e: {  	s0 =	simm.s32 @!p0 $0x3  }
0x9f: {  	_ =	swait.ge @!p0 [sflag:s0], s1  }
0xa0: {  	s1 =	ssub.s32 @!p0 $0x0, s1;
	[sflag:s0] =	ssyncset.done @!p0 $0x0  }
0xa1: {  	[sflag:s0] =	ssyncadd.s32 @!p0 s1  }
0xa2: {  	[bflag:$0x3] =	sbarrier.arrive $0xFFFF  }
0xa3: {  	_ =	shalt  }

// kernel: kernel.22.cloned.1.call-start
scs
__scs_entry_jumppad:
0x0: {  	(pc) =	sbr.rel $0x88, $3  }
0x1: {  	(tag) =	ssettag $0x0;
	lr =	simm.s32 $0x1  }
0x2: {  	[smem:$0x3F95] =	sst lr;
	_ =	strace $0xD0000000  }
0x3: {  	_ = 	snop  }
0x4: {  	_ = 	snop  }
0x5: {  	_ = 	snop  }
0x6: {  	_ = 	snop  }
0x7: {  	_ = 	snop  }
__scs_overlays_trampoline_lowered:
0x8: {  	[smem:$0x3FA4] =	sst s0  }
0x9: {  	[smem:$0x3FA5] =	sst s1  }
0xa: {  	[smem:$0x3FA6] =	sst s2  }
0xb: {  	[smem:$0x3FA7] =	sst s3  }
0xc: {  	[smem:$0x3FA8] =	sst s4  }
0xd: {  	[smem:$0x3FA9] =	sst s5  }
0xe: {  	[smem:$0x3FAA] =	sst s6  }
0xf: {  	[smem:$0x3FAB] =	sst s7  }
0x10: {  	[smem:$0x3FAC] =	sst s8  }
0x11: {  	[smem:$0x3FAD] =	sst s9;
	s0 =	simm.s32 @!p0 $0x0  }
0x12: {  	s1 =	sld [smem:$0x3F93];
	s0 =	simm.s32 @p0 $0x1  }
0x13: {  	[smem:$0x3FAE] =	sst s0;
	s0 =	simm.s32 @!p1 $0x0  }
0x14: {  	s2 =	sld [smem:$0x3F92];
	s0 =	simm.s32 @p1 $0x1  }
0x15: {  	[smem:$0x3FAF] =	sst s0;
	s0 =	simm.s32 @!p2 $0x0  }
0x16: {  	s3 =	sld [smem:$0x3FDB];
	s0 =	simm.s32 @p2 $0x1  }
0x17: {  	s4 =	simm.s32 $0x1BF5;
	[smem:$0x3FB1] =	sst s0  }
0x18: {  	s0 =	sld [smem:$0x3F94];
	_ =	swait.ge [sflag:s4], $0x0  }
0x19: {  	s7 =	sld [smem:$0x3F95]  }
0x1a: {  	s8 =	sadd.s32 $0xFFFFE003, lr  }
0x1b: {  	s9 =	sadd.s32 $0xFFFFFEF7, lr;
	s5 =	simm.s32 $0xFFFFFFFF;
	p2 =	slt.u32 s8, $0xFFFFF086  }
0x1c: {  	p1 =	slt.u32 s9, $0xF7A;
	s5 =	simm.s32 @!p2 $0x0  }
0x1d: {  	s5 =	simm.s32 @p1 $0x1;
	p0 =	seq.s32 s7, s2  }
0x1e: {  	s7 =	smul.u32 @!p0 $0xF7A, s2;
	p2 =	seq.s32 @!p0 s5, $0x0  }
0x1f: {  	s9 =	smul.u32 $0xF7A, s1;
	s8 =	simm.s32 @!p0 $0x1BF5;
	p2 =	por !p2, p0  }
0x20: {  	[sflag:s8] =	ssyncset.s32 @!p0 $0xFFFFF086;
	s6 =	sadd.s32 @!p0 s3, s7;
	s7 =	simm.s32 @!p0 $0x108  }
0x21: {  	s3 =	sadd.s32 s3, s9;
	s6 =	sadd.s32 @!p0 $0x88, s6;
	s7 =	simm.s32 @p2 $0x1082  }
0x22: {  	[simem:s7], [sflag:s8] =	dma.local @!p0 [hbm:s6], $0xF7A  }
0x23: {  	s9 =	sor.u32 $0xD0000000, s2;
	s6 =	simm.s32 $0x108;
	_ =	swait.ge @!p0 [sflag:s8], $0x0  }
0x24: {  	s3 =	sadd.s32 $0x88, s3;
	s6 =	simm.s32 @!p1 $0x1082;
	[sflag:s4] =	ssyncset.s32 $0xFFFFF086  }
0x25: {  	[simem:s6], [sflag:s4] =	dma.local [hbm:s3], $0xF7A  }
0x26: {  	[smem:$0x3F95] =	sst s1;
	(tag) =	ssettag s2;
	_ =	strace s9  }
0x27: {  	s1 =	sld [smem:$0x3FA5]  }
0x28: {  	s2 =	sld [smem:$0x3FA6]  }
0x29: {  	s4 =	sld [smem:$0x3FA8]  }
0x2a: {  	p0 =	seq.s32 s5, $0x0;
	s5 =	sld [smem:$0x3FA9]  }
0x2b: {  	s6 =	sld [smem:$0x3FAA]  }
0x2c: {  	s7 =	sld [smem:$0x3FAB]  }
0x2d: {  	s3 =	simm.s32 $0x108;
	s8 =	sld [smem:$0x3FAC]  }
0x2e: {  	s3 =	simm.s32 @!p0 $0x1082;
	s9 =	sld [smem:$0x3FAD]  }
0x2f: {  	lr =	sadd.s32 s0, s3;
	s0 =	sld [smem:$0x3FA4]  }
0x30: {  	s3 =	sld [smem:$0x3FA7]  }
0x31: {  	[smem:$0x3FB0] =	sst s10  }
0x32: {  	s10 =	sld [smem:$0x3FAE];
	_ =	sdelay $0x3  }
0x33: {  	p0 =	seq.s32 s10, $0x1;
	s10 =	sld [smem:$0x3FB0];
	_ =	sdelay $0x3  }
0x34: {  	[smem:$0x3FB0] =	sst s10  }
0x35: {  	s10 =	sld [smem:$0x3FAF];
	_ =	sdelay $0x3  }
0x36: {  	p1 =	seq.s32 s10, $0x1;
	s10 =	sld [smem:$0x3FB0];
	_ =	sdelay $0x3  }
0x37: {  	[smem:$0x3FB0] =	sst s10  }
0x38: {  	s10 =	sld [smem:$0x3FB1]  }
0x39: {  	_ = 	snop;
	(pc) =	sbr.ind lr, $3  }
0x3a: {  	_ = 	snop  }
0x3b: {  	_ = 	snop  }
0x3c: {  	p2 =	seq.s32 s10, $0x1;
	s10 =	sld [smem:$0x3FB0]  }
0x3d: {  	_ =	shalt  }
0x3e: {  	_ =	shalt  }
0x3f: {  	_ =	shalt  }
0x40: {  	_ =	shalt  }
0x41: {  	_ =	shalt  }
0x42: {  	_ =	shalt  }
0x43: {  	_ =	shalt  }
0x44: {  	_ =	shalt  }
0x45: {  	_ =	shalt  }
0x46: {  	_ =	shalt  }
0x47: {  	_ =	shalt  }
0x48: {  	_ =	shalt  }
0x49: {  	_ =	shalt  }
0x4a: {  	_ =	shalt  }
0x4b: {  	_ =	shalt  }
0x4c: {  	_ =	shalt  }
0x4d: {  	_ =	shalt  }
0x4e: {  	_ =	shalt  }
0x4f: {  	_ =	shalt  }
0x50: {  	_ =	shalt  }
0x51: {  	_ =	shalt  }
0x52: {  	_ =	shalt  }
0x53: {  	_ =	shalt  }
0x54: {  	_ =	shalt  }
0x55: {  	_ =	shalt  }
0x56: {  	_ =	shalt  }
0x57: {  	_ =	shalt  }
0x58: {  	_ =	shalt  }
0x59: {  	_ =	shalt  }
0x5a: {  	_ =	shalt  }
0x5b: {  	_ =	shalt  }
0x5c: {  	_ =	shalt  }
0x5d: {  	_ =	shalt  }
0x5e: {  	_ =	shalt  }
0x5f: {  	_ =	shalt  }
0x60: {  	_ =	shalt  }
0x61: {  	_ =	shalt  }
0x62: {  	_ =	shalt  }
0x63: {  	_ =	shalt  }
0x64: {  	_ =	shalt  }
0x65: {  	_ =	shalt  }
0x66: {  	_ =	shalt  }
0x67: {  	_ =	shalt  }
0x68: {  	_ =	shalt  }
0x69: {  	_ =	shalt  }
0x6a: {  	_ =	shalt  }
0x6b: {  	_ =	shalt  }
0x6c: {  	_ =	shalt  }
0x6d: {  	_ =	shalt  }
0x6e: {  	_ =	shalt  }
0x6f: {  	_ =	shalt  }
0x70: {  	_ =	shalt  }
0x71: {  	_ =	shalt  }
0x72: {  	_ =	shalt  }
0x73: {  	_ =	shalt  }
0x74: {  	_ =	shalt  }
0x75: {  	_ =	shalt  }
0x76: {  	_ =	shalt  }
0x77: {  	_ =	shalt  }
0x78: {  	_ =	shalt  }
0x79: {  	_ =	shalt  }
0x7a: {  	_ =	shalt  }
0x7b: {  	_ =	shalt  }
0x7c: {  	_ =	shalt  }
0x7d: {  	_ =	shalt  }
0x7e: {  	_ =	shalt  }
0x7f: {  	_ =	shalt  }
0x80: {  	_ =	shalt  }
0x81: {  	_ =	shalt  }
0x82: {  	_ =	shalt  }
0x83: {  	_ =	shalt  }
0x84: {  	_ =	shalt  }
0x85: {  	_ =	shalt  }
0x86: {  	_ =	shalt  }
0x87: {  	_ =	shalt  }
.Lfunc_end0:
.L_simem_size_0:
called_computation.3_lowered:
.L_overlay_start_0:
0x88: {  	s2 =	sld [smem:$0x3FD9]  }
0x89: {  	s3 =	sld [smem:$0x3FFE];
	_ =	sdelay $0x1  }
0x8a: {  	s1 =	srdreg.scid  }
0x8b: {  	s0 =	sand.u32 $0x1, s1  }
0x8c: {  	s16 =	sshll.u32 s0, $0xA;
	s2 =	sadd.s32 s3, s2  }
0x8d: {  	s2 =	sadd.s32 s2, s16  }
0x8e: {  	[smem:$0x3FBC] =	sst s2  }
0x8f: {  	_ = 	snop  }
0x90: {  	(tm) =	ssettm $0x1  }
0x91: {  	s17 =	sld [smem:$0x3FFB];
	_ =	sdelay $0x3  }
0x92: {  	_ =	strace s17  }
0x93: {  	s2 =	sld [smem:$0x3FFC];
	_ =	sdelay $0x3  }
0x94: {  	_ =	strace s2  }
0x95: {  	s2 =	sld [smem:$0x3FFD];
	_ =	sdelay $0x3  }
0x96: {  	_ =	strace s2  }
0x97: {  	_ =	strace $0x8FFFFFFF  }
0x98: {  	s18 =	sld [smem:$0x3FDB];
	_ =	sdelay $0x1  }
0x99: {  	s19 =	simm.s32 $_scs_section_size  }
0x9a: {  	s4 =	simm.s32 $_size__tile_overlayer_lowered;
	s5 =	simm.s32 $_tile_overlayer_lowered  }
0x9b: {  	s22 =	simm.s32 $0x1BFF;
	s21 =	sshll.u32 s5, $0x1;
	s2 =	sadd.s32 s19, s18  }
0x9c: {  	s6 =	simm.s32 $0x0;
	s20 =	sshll.u32 s4, $0x1;
	s4 =	sadd.s32 s21, s2  }
0x9d: {  	[timem:s6], [sflag:s22] =	dma.local [hbm:s4], s20  }
0x9e: {  	_ =	swait.ge [sflag:s22], s20  }
0x9f: {  	s3 =	ssub.s32 $0x0, s20;
	[sflag:s22] =	ssyncset.done $0x0  }
0xa0: {  	[sflag:s22] =	ssyncadd.s32 s3;
	_ =	sdelay $0x1  }
0xa1: {  	s23 =	simm.s32 $0x1B8B  }
0xa2: {  	_ =	swait.ge [sflag:s23], $0x1  }
0xa3: {  	[sflag:s23] =	ssyncset.done $0x0  }
0xa4: {  	s25 =	simm.s32 $0x1B8E;
	s24 =	sld [smem:$0x3FFE];
	[sflag:s23] =	ssyncadd.s32 $0xFFFFFFFF  }
0xa5: {  	s26 =	simm.s32 $execute0_lowered;
	[smem:$0x3FD2] =	sst s25  }
0xa6: {  	s4 =	sshll.u32 s26, $0x1;
	_ =	strace $0x8000004F;
	[dreg:$0x1] =	wrdreg $0xFFFFFFFF  }
0xa7: {  	s28 =	simm.s32 $_size_execute0_lowered;
	s2 =	sadd.s32 s2, s4;
	[dreg:$0x0] =	wrdreg $0x0  }
0xa8: {  	s4 =	sshll.u32 s28, $0x1;
	[dreg:$0x2] =	wrdreg s2  }
0xa9: {  	[dreg:$0x3] =	wrdreg s4  }
0xaa: {  	[dreg:$0x4] =	wrdreg $0xC0  }
0xab: {  	_ =	task [dreg:s6], $0x5FFFF  }
0xac: {  	[dreg:$0x1] =	wrdreg $0xFFFFFFFF  }
0xad: {  	[dreg:$0x0] =	wrdreg $0x60  }
0xae: {  	[dreg:$0x2] =	wrdreg s24  }
0xaf: {  	[dreg:$0x3] =	wrdreg $0xC6000  }
0xb0: {  	[dreg:$0x4] =	wrdreg $0x9  }
0xb1: {  	_ =	task.clear_ibuf [dreg:s6], $0x5FFFF;
	_ =	strace $0x9000004F  }
0xb2: {  	s29 =	simm.s32 $0x9;
	_ =	strace $0x80000051  }
0xb3: {  	_ =	swait.ge [sflag:s29], $0x1  }
0xb4: {  	[sflag:s29] =	ssyncadd.s32 $0xFFFFFFFF  }
0xb5: {  	_ =	strace $0x90000051  }
0xb6: {  	_ =	sfence  }
0xb7: {  	s30 =	sld [smem:$0x0];
	_ =	sdelay $0x2  }
0xb8: {  	s31 =	sshll.u32 s1, $0xD;
	s1 =	sshrl.u32 s1, $0x2  }
0xb9: {  	s3 =	sand.u32 $0x4000, s31;
	s1 =	sadd.s32 s1, s30  }
0xba: {  	s0 =	sor.u32 s3, s0;
	s1 =	sshll.u32 s1, $0x11  }
0xbb: {  	s0 =	sor.u32 s1, s0  }
0xbc: {  	s0 =	sadd.s32 $0x8F2B, s0  }
0xbd: {  	[sflag:s0] =	ssyncadd.remote.s32 $0x1  }
0xbe: {  	_ =	sfence.sel $0xFFFF  }
0xbf: {  	[dreg:$0x0] =	wrdreg $0xFFFFFFFF;
	(pc) =	sbr.abs _section_cstart, $3  }
0xc0: {  	[dreg:$0x1] =	wrdreg $0xFFFFFFFF  }
0xc1: {  	_ =	task.clear_ibuf [dreg:s6], $0x2FFFF;
	_ =	strace $0x9FFFFFFF  }
0xc2: {  	(tm) =	ssettm $0x7FFFFFFF  }
0xc3: {  	_ =	shalt  }
tec
execute0_lowered:
.L_overlay_start_1:
0x0: {  	(tag) =	ssettag $0x1  }
0x1: {  	s0 =	rddreg [dreg:$0x0]  }
0x2: {  	s1 =	rddreg [dreg:$0x1];
	s3 =	simm.s32 $0x0;
	s2 =	srdreg.scid  }
0x3: {  	s14 =	simm.s32 $0x3;
	s16 =	simm.s32 $0xC000;
	s18 =	simm.s32 $0x80  }
0x4: {  	s20 =	simm.s32 $0x0;
	[smem:$0x7FF] =	sst s3;
	s13 =	sand.u32 $0x1, s2  }
0x5: {  	s2 =	stileid.u32;
	s4 =	sadd.s32 $0x19400, s0;
	s7 =	smul.u32 $0x14000, s13  }
0x6: {  	s5 =	sadd.s32 $0x5400, s0;
	s6 =	sadd.s32 $0xF400, s0;
	s8 =	smul.u32 $0x1400, s2  }
0x7: {  	_ =	strace $0x80000050;
	s9 =	smul.u32 $0x30000, s2;
	s10 =	ssub.s32 $0x2, s13  }
0x8: {  	s11 =	smul.u32 $0x28000, s2;
	p0 =	seq.s32 s13, $0x0;
	s13 =	simm.s32 $0x8000  }
.Ltmp0:
0x9: {  	s29 =	sshrl.u32 s10, $0x1;
	s8 =	sadd.s32 s8, s7;
	(pc) =	sbr.rel .LBB2_1-.Ltmp0, $4  }
0xa: {  	s7 =	sadd.s32 $0x5200, s0;
	s10 =	ssub.s32 s10, s29;
	s30 =	sshrl.u32 s9, $0x2  }
0xb: {  	s31 =	sshrl.u32 s11, $0x2;
	s0 =	sadd.s32 s8, s0;
	s8 =	sadd.s32 s30, s1  }
0xc: {  	s19 =	sadd.s32 s31, s1;
	s10 =	smax.u32 s10, $0x1;
	s9 =	sadd.s32 $0x40600, s0  }
0xd: {  	v0 =	vimm.f32 $0.0e+00;
	s11 =	sadd.s32 $0x4000, s8;
	s12 =	sadd.s32 $0x8000, s8;
	s19 =	sshrl.u32 s19, $0x3  }
.LBB2_6:
0xe: {  	[sflag:s24] =	ssyncadd.s32 @!p1 $0xFFFFFF80  }
0xf: {  	[tilespmem:s26], [sflag:s28] =	stream.indirect.gather @!p1 [hbm4b:s4+s29], $0x80, s25, s29, $0xb8;
	[tilespmem:$0x18600] =	vst v63  }
0x10: {  	_ =	swait.ge [sflag:s30], $0x4000  }
0x11: {  	[sflag:s30] =	ssyncset.done $0x0  }
0x12: {  	[sflag:s30] =	ssyncadd.s32 $0xFFFFC000  }
0x13: {  	[spmem:s1] =	stream.indirect.scatter.add.f32 [tilespmem:s31], [sflag:$0x3], $0x80, s0, s18, $0xb8;
	[tilespmem:$0x18600] =	vst v63  }
0x14: {  	_ =	swait.ge [sflag:s14], $0x4000  }
0x15: {  	[sflag:s14] =	ssyncset.done $0x0  }
0x16: {  	[sflag:s14] =	ssyncadd.s32 $0xFFFFC000  }
.LBB2_7:
0x17: {  	s20 =	sadd.s32 $0x1, s20  }
0x18: {  	s0 =	sshll.u32 s2, $0x6;
	p1 =	sne.s32 s20, s10  }
.Ltmp1:
0x19: {  	[bflag:$0x0] =	sbarrier.arrive $0xFFFF;
	s0 =	sor.u32 $0x1C03, s0;
	(pc) =	sbr.rel @!p1 .LBB2_8-.Ltmp1, $4  }
0x1a: {  	[hbm:s9], [sflag:s0] =	dma.local [spmem:s19], $0x1400  }
0x1b: {  	_ =	swait.ge [sflag:s14], $0x1400  }
0x1c: {  	[sflag:s14] =	ssyncset.done $0x0  }
0x1d: {  	[sflag:s14] =	ssyncadd.s32 $0xFFFFEC00  }
.LBB2_1:
0x1e: {  	s0 =	simm.s32 $0x0;
	s21 =	simm.s32 $0x200  }
.LBB2_2:
0x1f: {  	p1 =	sne.s32 s21, $0xFE00;
	[tilespmem:s0+$0x8070] =	vst v0  }
0x20: {  	[tilespmem:s0+$0x8000] =	vst v0  }
0x21: {  	[tilespmem:s0+$0x8010] =	vst v0  }
.Ltmp2:
0x22: {  	[tilespmem:s0+$0x8020] =	vst v0;
	(pc) =	sbr.rel @p1 .LBB2_2-.Ltmp2, $4  }
0x23: {  	[tilespmem:s0+$0x8030] =	vst v0  }
0x24: {  	[tilespmem:s0+$0x8040] =	vst v0  }
0x25: {  	[tilespmem:s0+$0x8050] =	vst v0  }
0x26: {  	[tilespmem:s0+$0x8060] =	vst v0;
	s0 =	sshra.s32 s21, $0x2;
	s21 =	sadd.s32 $0x200, s21  }
0x27: {  	[tilespmem:s0+$0x8070] =	vst v0  }
0x28: {  	[tilespmem:s0+$0x8000] =	vst v0  }
0x29: {  	[tilespmem:s0+$0x8010] =	vst v0  }
0x2a: {  	[tilespmem:s0+$0x8020] =	vst v0  }
0x2b: {  	[tilespmem:s0+$0x8030] =	vst v0  }
0x2c: {  	[tilespmem:s0+$0x8040] =	vst v0  }
0x2d: {  	[tilespmem:s0+$0x8050] =	vst v0  }
0x2e: {  	[tilespmem:s0+$0x8060] =	vst v0  }
0x2f: {  	[spmem:s8] =	stream.linear.scatter [tilespmem:s13], [sflag:$0x3], $0x4000, $0x38;
	[tilespmem:$0x18600] =	vst v63  }
0x30: {  	_ =	swait.ge [sflag:s14], $0x4000  }
0x31: {  	[sflag:s14] =	ssyncset.done $0x0  }
0x32: {  	[sflag:s14] =	ssyncadd.s32 $0xFFFFC000  }
0x33: {  	[spmem:s11] =	stream.linear.scatter [tilespmem:s13], [sflag:$0x3], $0x4000, $0x38;
	[tilespmem:$0x18600] =	vst v63  }
0x34: {  	_ =	swait.ge [sflag:s14], $0x4000  }
0x35: {  	[sflag:s14] =	ssyncset.done $0x0  }
0x36: {  	[sflag:s14] =	ssyncadd.s32 $0xFFFFC000  }
0x37: {  	[spmem:s12] =	stream.linear.scatter [tilespmem:s13], [sflag:$0x3], $0x4000, $0x38;
	[tilespmem:$0x18600] =	vst v63  }
0x38: {  	_ =	swait.ge [sflag:s14], $0x4000  }
0x39: {  	[sflag:s14] =	ssyncset.done $0x0  }
0x3a: {  	s29 =	simm.s32 $0x0;
	s3 =	simm.s32 $0xC200;
	[sflag:s14] =	ssyncadd.s32 $0xFFFFC000  }
0x3b: {  	[tilespmem:s3], [sflag:$0x3] =	stream.linear.gather [hbm4b:s7+s29], $0x400, $0x38;
	[tilespmem:$0x18600] =	vst v63  }
0x3c: {  	_ =	swait.ge [sflag:s14], $0x400  }
0x3d: {  	[sflag:s14] =	ssyncset.done $0x0  }
0x3e: {  	[sflag:s14] =	ssyncadd.s32 $0xFFFFFC00  }
0x3f: {  	v1 =	vld [tilespmem:$0xC280]  }
0x40: {  	v2 =	vld [tilespmem:$0xC300]  }
0x41: {  	v3 =	vld [tilespmem:$0xC380];
	_ =	sdelay $0x2  }
0x42: {  	(v2sf) =	vpush v1, $0x0  }
0x43: {  	(v2sf) =	vpush v2, $0x0  }
0x44: {  	(v2sf) =	vpush v3, $0x0;
	_ =	sdelay $0xc  }
0x45: {  	s22 =	spop (v2sf)  }
0x46: {  	s0 =	spop (v2sf)  }
0x47: {  	s21 =	spop (v2sf)  }
0x48: {  	s21 =	smov.u32 @p0 s0  }
0x49: {  	s0 =	sadd.s32 $0x7F, s21  }
0x4a: {  	s21 =	sand.u32 $0x7F, s0  }
0x4b: {  	s23 =	sshra.s32 s0, $0x1F;
	p1 =	slt.s32 s0, $0x1;
	p2 =	sne.s32 s21, $0x0  }
0x4c: {  	s30 =	sshrl.u32 s23, $0x19;
	p1 =	por !p1, !p2  }
0x4d: {  	s21 =	simm.s32 $0x1;
	s0 =	sadd.s32 s30, s0;
	p1 =	por !p1, !p1  }
0x4e: {  	s0 =	sshra.s32 s0, $0x7;
	s21 =	simm.s32 @!p1 $0x0  }
0x4f: {  	s21 =	ssub.s32 s0, s21  }
0x50: {  	s0 =	sand.u32 $0xF, s21  }
0x51: {  	p5 =	slt.s32 s21, $0x1;
	p6 =	sne.s32 s0, $0x0  }
0x52: {  	s31 =	sshrl.u32 s21, $0x1C;
	p1 =	por !p5, !p6  }
0x53: {  	s23 =	simm.s32 $0x1;
	s0 =	sadd.s32 s31, s21;
	p1 =	por !p1, !p1  }
0x54: {  	s0 =	sshra.s32 s0, $0x4;
	s23 =	simm.s32 @!p1 $0x0  }
0x55: {  	s0 =	ssub.s32 s0, s23  }
0x56: {  	s23 =	sshll.u32 s0, $0x4  }
0x57: {  	s23 =	ssub.s32 s21, s23  }
0x58: {  	s21 =	simm.s32 $0x1;
	p2 =	slt.s32 s2, s23  }
0x59: {  	s21 =	simm.s32 @!p2 $0x0  }
0x5a: {  	s21 =	sadd.s32 s21, s0  }
0x5b: {  	p1 =	slt.s32 s21, $0x1  }
.Ltmp3:
0x5c: {  	_ = 	snop;
	(pc) =	sbr.rel @p1 .LBB2_7-.Ltmp3, $2  }
0x5d: {  	_ =	sdelay $0x1  }
0x5e: {  	[bflag:$0x0] =	sbarrier.arrive $0xFFFF;
	_ =	sdelay $0x1  }
0x5f: {  	s22 =	simm.s32 @p0 $0x0  }
0x60: {  	s24 =	sand.u32 $0x7F, s22  }
0x61: {  	s25 =	sshra.s32 s22, $0x1F;
	p1 =	slt.s32 s22, $0x1;
	p3 =	sne.s32 s24, $0x0  }
0x62: {  	s15 =	sshrl.u32 s25, $0x19;
	p1 =	por !p1, !p3  }
0x63: {  	s24 =	simm.s32 $0x1;
	s22 =	sadd.s32 s15, s22;
	p1 =	por !p1, !p1  }
0x64: {  	s0 =	smul.u32 s2, s0;
	s22 =	sshra.s32 s22, $0x7;
	s24 =	simm.s32 @!p1 $0x0  }
0x65: {  	s24 =	ssub.s32 s22, s24  }
0x66: {  	s23 =	smov.u32 @p2 s2;
	s24 =	sadd.s32 s0, s24  }
0x67: {  	s24 =	sadd.s32 s23, s24  }
0x68: {  	s24 =	sshll.u32 s24, $0x4  }
0x69: {  	s24 =	sand.u32 $0x1FFFFFF0, s24  }
0x6a: {  	s26 =	simm.s32 $0x0;
	s17 =	sadd.s32 s5, s24  }
0x6b: {  	[tilespmem:s16], [sflag:$0x3] =	stream.linear.gather [hbm4b:s17+s26], $0x80, $0x38;
	[tilespmem:$0x18600] =	vst v63  }
0x6c: {  	_ =	swait.ge [sflag:s14], $0x80  }
0x6d: {  	s3 =	simm.s32 $0xC100;
	[sflag:s14] =	ssyncset.done $0x0  }
0x6e: {  	p2 =	sne.s32 s21, $0x1;
	s24 =	sadd.s32 s6, s24;
	[sflag:s14] =	ssyncadd.s32 $0xFFFFFF80  }
0x6f: {  	[tilespmem:s3], [sflag:$0x3] =	stream.linear.gather [hbm4b:s24+s26], $0x80, $0x38;
	[tilespmem:$0x18600] =	vst v63  }
0x70: {  	s31 =	sand.u32 $0x1, s26;
	s22 =	sadd.s32 s23, s22;
	s24 =	simm.s32 $0xFFFFFFFF  }
0x71: {  	s0 =	sadd.s32 s0, s22;
	_ =	swait.ge [sflag:s14], $0x80;
	s24 =	simm.s32 @!p1 $0x0  }
0x72: {  	s22 =	simm.s32 $0x1;
	[sflag:s14] =	ssyncset.done $0x0;
	s0 =	sadd.s32 s24, s0  }
0x73: {  	p1 =	sle.s32 s21, $0x1;
	[sflag:s14] =	ssyncadd.s32 $0xFFFFFF80;
	s0 =	sshll.u32 s0, $0x7  }
0x74: {  	[tilespmem:s26], [sflag:$0x1] =	stream.indirect.gather [hbm4b:s4+s18], $0x80, s16, s18, $0xb8;
	[tilespmem:$0x18600] =	vst v63  }
0x75: {  	s17 =	sshll.u32 s31, $0x7;
	s23 =	sand.u32 @!p1 $0x1, s22;
	s0 =	sadd.s32 $0x80, s0  }
0x76: {  	s24 =	simm.s32 @!p1 $0x3;
	s28 =	sshll.u32 @!p1 s23, $0x7;
	s26 =	sshrl.u32 @!p1 s0, $0x3  }
0x77: {  	s30 =	simm.s32 @!p1 $0x0;
	s25 =	sor.u32 @!p1 $0xC000, s28;
	s29 =	sadd.s32 @!p1 s5, s26  }
0x78: {  	[tilespmem:s25], [sflag:$0x3] =	stream.linear.gather @!p1 [hbm4b:s29+s30], $0x80, $0x38;
	[tilespmem:$0x18600] =	vst v63  }
0x79: {  	s3 =	sor.u32 @!p1 $0xC100, s28;
	s28 =	sadd.s32 @!p1 $0x1, s23;
	_ =	swait.ge @!p1 [sflag:s24], $0x80  }
.Ltmp4:
0x7a: {  	s15 =	sadd.s32 @!p1 s6, s26;
	[sflag:s24] =	ssyncset.done @!p1 $0x0;
	(pc) =	sbr.rel @!p2 .LBB2_6-.Ltmp4, $4  }
0x7b: {  	s26 =	sshll.u32 @!p1 s23, $0xE;
	s23 =	sadd.s32 $0x80, s0;
	[sflag:s24] =	ssyncadd.s32 @!p1 $0xFFFFFF80  }
0x7c: {  	[tilespmem:s3], [sflag:$0x3] =	stream.linear.gather @!p1 [hbm4b:s15+s30], $0x80, $0x38;
	[tilespmem:$0x18600] =	vst v63  }
0x7d: {  	s0 =	sor.u32 $0xC100, s17;
	s29 =	simm.s32 @!p1 $0x80;
	_ =	swait.ge @!p1 [sflag:s24], $0x80  }
0x7e: {  	s30 =	sadd.s32 $0x1, s31;
	s31 =	sshll.u32 s31, $0xE;
	[sflag:s24] =	ssyncset.done @!p1 $0x0  }
.LBB2_5:
0x7f: {  	s3 =	sand.u32 $0x1, s22;
	s22 =	sadd.s32 $0x1, s22;
	[sflag:s24] =	ssyncadd.s32 @!p1 $0xFFFFFF80  }
0x80: {  	[tilespmem:s26], [sflag:s28] =	stream.indirect.gather @!p1 [hbm4b:s4+s29], $0x80, s25, s29, $0xb8;
	[tilespmem:$0x18600] =	vst v63  }
0x81: {  	p1 =	sge.s32 s22, s21  }
0x82: {  	s15 =	sshll.u32 s3, $0x7;
	p2 =	sne.s32 s21, s22;
	_ =	swait.ge [sflag:s30], $0x4000  }
0x83: {  	s17 =	sand.u32 @!p1 $0x1, s22;
	s24 =	sshrl.u32 @!p1 s23, $0x3;
	[sflag:s30] =	ssyncset.done $0x0  }
0x84: {  	s25 =	sshll.u32 @!p1 s17, $0x7;
	s28 =	sadd.s32 @!p1 s5, s24;
	[sflag:s30] =	ssyncadd.s32 $0xFFFFC000  }
0x85: {  	[spmem:s1] =	stream.indirect.scatter.add.f32 [tilespmem:s31], [sflag:$0x3], $0x80, s0, s18, $0xb8;
	[tilespmem:$0x18600] =	vst v63  }
0x86: {  	s30 =	sadd.s32 @!p1 s6, s24;
	s0 =	sor.u32 @!p1 $0xC100, s25;
	_ =	swait.ge [sflag:s14], $0x4000  }
0x87: {  	s26 =	sshll.u32 @!p1 s17, $0xE;
	s24 =	simm.s32 @!p1 $0x3;
	[sflag:s14] =	ssyncset.done $0x0  }
0x88: {  	s25 =	sor.u32 @!p1 $0xC000, s25;
	s31 =	simm.s32 @!p1 $0x0;
	[sflag:s14] =	ssyncadd.s32 $0xFFFFC000  }
0x89: {  	[tilespmem:s25], [sflag:$0x3] =	stream.linear.gather @!p1 [hbm4b:s28+s31], $0x80, $0x38;
	[tilespmem:$0x18600] =	vst v63  }
0x8a: {  	s29 =	simm.s32 @!p1 $0x80;
	s28 =	sadd.s32 @!p1 $0x1, s17;
	_ =	swait.ge @!p1 [sflag:s24], $0x80  }
.Ltmp5:
0x8b: {  	[sflag:s24] =	ssyncset.done @!p1 $0x0;
	(pc) =	sbr.rel @p2 .LBB2_5-.Ltmp5, $4  }
0x8c: {  	[sflag:s24] =	ssyncadd.s32 @!p1 $0xFFFFFF80  }
0x8d: {  	[tilespmem:s0], [sflag:$0x3] =	stream.linear.gather @!p1 [hbm4b:s30+s31], $0x80, $0x38;
	[tilespmem:$0x18600] =	vst v63  }
0x8e: {  	s23 =	sadd.s32 $0x80, s23;
	s30 =	sadd.s32 $0x1, s3;
	_ =	swait.ge @!p1 [sflag:s24], $0x80  }
0x8f: {  	s31 =	sshll.u32 s3, $0xE;
	s0 =	sor.u32 $0xC100, s15;
	[sflag:s24] =	ssyncset.done @!p1 $0x0  }
.Ltmp6:
0x90: {  	_ = 	snop;
	(pc) =	sbr.rel .LBB2_6-.Ltmp6, $1  }
0x91: {  	_ =	sdelay $0x3  }
.LBB2_8:
0x92: {  	_ =	sfence.sel $0x180000  }
0x93: {  	[bflag:$0x0] =	sbarrier.arrive $0xFFFF  }
0x94: {  	_ =	strace $0x90000050  }
0x95: {  	[bflag:$0x2] =	sbarrier.arrive $0xFFFF  }
0x96: {  	p0 =	sne.s32 s2, $0x0;
	s0 =	rddreg [dreg:$0x2]  }
0x97: {  	s0 =	sadd.s32 @!p0 $0x100000, s0  }
0x98: {  	[sflag:s0] =	ssyncadd.tile.s32 @!p0 $0x1;
	_ =	shalt  }
.Lfunc_end2:
_tile_overlayer_lowered:
.L_overlay_start_2:
0x99: {  	(tag) =	ssettag $0x2  }
0x9a: {  	s0 =	rddreg [dreg:$0x0];
	s2 =	stileid.u32  }
0x9b: {  	s1 =	rddreg [dreg:$0x1];
	p0 =	sne.s32 s2, $0x0  }
0x9c: {  	s3 =	rddreg [dreg:$0x2];
	[bflag:$0x3] =	sbarrier.arrive $0xFFFF;
	s2 =	simm.s32 @!p0 $0x1C03  }
0x9d: {  	[timem:s3], [sflag:s2] =	dma.local @!p0 [hbm:s0], s1  }
0x9e: {  	s0 =	simm.s32 @!p0 $0x3  }
0x9f: {  	_ =	swait.ge @!p0 [sflag:s0], s1  }
0xa0: {  	s1 =	ssub.s32 @!p0 $0x0, s1;
	[sflag:s0] =	ssyncset.done @!p0 $0x0  }
0xa1: {  	[sflag:s0] =	ssyncadd.s32 @!p0 s1  }
0xa2: {  	[bflag:$0x3] =	sbarrier.arrive $0xFFFF  }
0xa3: {  	_ =	shalt  }

</sc_bundles>
